<compile_context>
chip_gen: v7x
topology: tpu7x:2x2x1
jax: 0.10.2.dev20260603
libtpu: 0.0.44.dev20260713+nightly
codegen_flags: <defaults>
</compile_context>

<pallas_src>
import functools

import jax
import jax.numpy as jnp
from jax import lax
from jax.experimental import pallas as pl
from jax.experimental.pallas import tpu as pltpu
from jax.experimental.pallas import tpu_sc as plsc

V = 8
N = 16384
D = 32
K = 512

N_BLK = 2048
NB = N // N_BLK
VH = V // 2

NW = 32
ROWS_PER_W = (VH * N) // NW
CH = 128
NCH = ROWS_PER_W // CH


CH_K = 8


def _make_dist_argmin(base_v):
    def _dist_argmin_kernel(xt_ref, wtn_ref, w2_ref, idx_ref, part_ref):
        v = pl.program_id(0)
        nb = pl.program_id(1)
        xt = xt_ref[0]
        wtn = wtn_ref[0]
        w2 = w2_ref[0]
        mmt = jnp.dot(wtn, xt, preferred_element_type=jnp.float32)
        val = jnp.full((CH_K, N_BLK), jnp.inf, jnp.float32)
        ich = jnp.zeros((CH_K, N_BLK), jnp.int32)
        for i in range(K // CH_K):
            sl = slice(i * CH_K, (i + 1) * CH_K)
            d = mmt[sl, :] + w2[sl, :]
            c = d < val
            val = jnp.where(c, d, val)
            ich = jnp.where(c, i, ich)
        sub = jax.lax.broadcasted_iota(jnp.int32, (CH_K, N_BLK), 0)
        kidx = ich * CH_K + sub
        m = jnp.min(val, axis=0, keepdims=True)
        kbest = jnp.min(jnp.where(val == m, kidx, K), axis=0)
        idx_ref[...] = kbest + (v + base_v) * K
        part_ref[v, nb] = jnp.sum(m) + jnp.sum(xt * xt)

    return pl.pallas_call(
        _dist_argmin_kernel,
        grid=(VH, NB),
        in_specs=[
            pl.BlockSpec((1, D, N_BLK), lambda v, nb: (v, 0, nb)),
            pl.BlockSpec((1, K, D), lambda v, nb: (v, 0, 0)),
            pl.BlockSpec((1, K, 1), lambda v, nb: (v, 0, 0)),
        ],
        out_specs=[
            pl.BlockSpec((N_BLK,), lambda v, nb: (v * NB + nb,)),
            pl.BlockSpec((VH, NB), lambda v, nb: (0, 0), memory_space=pltpu.SMEM),
        ],
        out_shape=[
            jax.ShapeDtypeStruct((VH * N,), jnp.int32),
            jax.ShapeDtypeStruct((VH, NB), jnp.float32),
        ],
    )


_dist_argmin_h = [_make_dist_argmin(h * VH) for h in range(V // VH)]


@functools.partial(
    pl.kernel,
    out_type=jax.ShapeDtypeStruct((VH, N, D), jnp.float32),
    mesh=plsc.VectorSubcoreMesh(core_axis_name="c", subcore_axis_name="s"),
    scratch_types=[
        pltpu.VMEM((ROWS_PER_W,), jnp.int32),
        pltpu.VMEM((CH, D), jnp.float32),
        pltpu.VMEM((CH, D), jnp.float32),
        pltpu.SemaphoreType.DMA,
        pltpu.SemaphoreType.DMA,
        pltpu.SemaphoreType.DMA,
        pltpu.SemaphoreType.DMA,
    ],
    compiler_params=pltpu.CompilerParams(use_tc_tiling_on_sc=False),
)
def _sc_gather(table_hbm, idx_hbm, out_hbm, idx_v, rows0, rows1, g0, g1, o0, o1):
    wid = lax.axis_index("s") * 2 + lax.axis_index("c")
    base = wid * ROWS_PER_W
    pltpu.sync_copy(idx_hbm.at[pl.ds(base, ROWS_PER_W)], idx_v)

    rows = (rows0, rows1)
    gsem = (g0, g1)
    osem = (o0, o1)
    g_prev = pltpu.async_copy(table_hbm.at[idx_v.at[pl.ds(0, CH)]], rows[0], gsem[0])
    o_pend = [None, None]
    for i in range(NCH):
        b = i & 1
        nb_ = 1 - b
        if i + 1 < NCH:
            if o_pend[nb_] is not None:
                o_pend[nb_].wait()
                o_pend[nb_] = None
            g_next = pltpu.async_copy(
                table_hbm.at[idx_v.at[pl.ds((i + 1) * CH, CH)]], rows[nb_], gsem[nb_])
        g_prev.wait()
        o_pend[b] = pltpu.async_copy(
            rows[b],
            out_hbm.at[wid // (N // ROWS_PER_W),
                       pl.ds((wid % (N // ROWS_PER_W)) * ROWS_PER_W + i * CH, CH)],
            osem[b])
        if i + 1 < NCH:
            g_prev = g_next
    for p in o_pend:
        if p is not None:
            p.wait()


def kernel(inputs, embeddings):
    xt = jnp.transpose(inputs, (0, 2, 1))
    wt = jnp.transpose(embeddings, (0, 2, 1))
    w2 = jnp.sum(embeddings ** 2, axis=1)[:, :, None]
    wtn = -2.0 * wt
    table = wt.reshape(V * K, D)
    outs, parts = [], []
    for h in range(V // VH):
        sl = slice(h * VH, (h + 1) * VH)
        idx_h, parts_h = _dist_argmin_h[h](xt[sl], wtn[sl], w2[sl])
        outs.append(_sc_gather(table, idx_h))
        parts.append(jnp.sum(parts_h))
    output = jnp.concatenate(outs, axis=0)
    loss = 1.25 * (sum(parts) / float(V * N * D))
    return output, loss

# --- scband reference (transcript-rebuilt; emitter-appended) ---
"""Pipeline reference for scband-vector-quantizer-17592186045165 (READ-ONLY COPY).

The authoritative reference and input builder live on the scoring server;
editing this copy changes nothing except your own understanding.
"""

import jax, jax.numpy as jnp
import numpy as np

NUM_VAR = 8
N_TOK = 16384
EMBED_DIM = 32
NUM_EMB = 512
COMMITMENT_COST = 0.25


def setup_inputs(seed: int = 0) -> dict:
    key = jax.random.key(seed)
    k1, k2 = jax.random.split(key)
    inputs = jax.random.normal(k1, (NUM_VAR, N_TOK, EMBED_DIM), dtype=jnp.float32)
    # VarianceScaling(distribution='uniform'), fan_in ~ embedding_dim
    limit = float(np.sqrt(3.0 / EMBED_DIM))
    embeddings = jax.random.uniform(
        k2, (NUM_VAR, EMBED_DIM, NUM_EMB), dtype=jnp.float32,
        minval=-limit, maxval=limit)
    return {"inputs": inputs, "embeddings": embeddings}


def reference(inputs, embeddings):
    w = embeddings  # [V, D, K]
    # distances: [V, N, K]
    distances = (
        jnp.sum(inputs ** 2, axis=2, keepdims=True)
        - 2.0 * jnp.einsum('vnd,vdk->vnk', inputs, w)
        + jnp.sum(w ** 2, axis=1, keepdims=True)
    )
    encoding_indices = jnp.argmin(distances, axis=2)  # [V, N]
    wt = jnp.transpose(w, (0, 2, 1))  # [V, K, D]
    quantized = jnp.take_along_axis(wt, encoding_indices[:, :, None], axis=1)  # [V, N, D]
    e_latent_loss = jnp.mean((jax.lax.stop_gradient(quantized) - inputs) ** 2)
    q_latent_loss = jnp.mean((quantized - jax.lax.stop_gradient(inputs)) ** 2)
    loss = q_latent_loss + COMMITMENT_COST * e_latent_loss
    output = inputs + jax.lax.stop_gradient(quantized - inputs)
    return output, loss

if __name__ == "__main__":
    import jax
    _d = setup_inputs()
    print(jax.jit(kernel)(*tuple(_d.values())))

</pallas_src>

<mosaic_0001>
#map = affine_map<(d0, d1) -> (0, 0)>
#map1 = affine_map<(d0, d1) -> (0)>
#map2 = affine_map<(d0, d1) -> (0, 0, 0)>
module attributes {stable_mosaic.version = 14 : i64} {
  func.func @_sc_gather(%arg0: i32, %arg1: i32, %arg2: memref<4096x32xf32, #tpu.memory_space<hbm>>, %arg3: memref<65536xi32, #tpu.memory_space<hbm>>, %arg4: memref<4x16384x32xf32, #tpu.memory_space<hbm>>, %arg5: memref<2048xi32, #tpu.memory_space<vmem>>, %arg6: memref<128x32xf32, #tpu.memory_space<vmem>>, %arg7: memref<128x32xf32, #tpu.memory_space<vmem>>, %arg8: memref<!tpu.dma_semaphore, #tpu.memory_space<semaphore_mem>>, %arg9: memref<!tpu.dma_semaphore, #tpu.memory_space<semaphore_mem>>, %arg10: memref<!tpu.dma_semaphore, #tpu.memory_space<semaphore_mem>>, %arg11: memref<!tpu.dma_semaphore, #tpu.memory_space<semaphore_mem>>) attributes {dimension_semantics = [#tpu.dimension_semantics<core_parallel>, #tpu.dimension_semantics<subcore_parallel>], iteration_bounds = array<i64: 2, 16>, scalar_prefetch = 0 : i64, scratch_operands = 7 : i64, tpu.core_type = #tpu.core_type<sc_vector_subcore>, window_params = [{transform_indices = #map}, {transform_indices = #map1}, {transform_indices = #map2}]} {
    %mul3A = arith.constant 2 : i32
    %mul3A_0 = arith.muli %arg1, %mul3A : i32
    %add3A = arith.addi %mul3A_0, %arg0 : i32
    %mul3A_1 = arith.constant 2048 : i32
    %mul3A_2 = arith.muli %add3A, %mul3A_1 : i32
    "tpu.region"() ({
      %run_scoped3A = tpu.sem_alloc : memref<!tpu.dma_semaphore, #tpu.memory_space<semaphore_mem>>
      %dma_start3A_1047 = tpu.memref_slice %arg3[%mul3A_2] : memref<65536xi32, #tpu.memory_space<hbm>> -> memref<2048xi32, #tpu.memory_space<hbm>>
      %dma_start3A_1048 = tpu.memref_slice %arg3[%mul3A_2] : memref<65536xi32, #tpu.memory_space<hbm>> -> memref<2048xi32, #tpu.memory_space<hbm>>
      tpu.enqueue_dma source(%dma_start3A_1048 : memref<2048xi32, #tpu.memory_space<hbm>>) target(%arg5 : memref<2048xi32, #tpu.memory_space<vmem>>) target_semaphore(%run_scoped3A : memref<!tpu.dma_semaphore, #tpu.memory_space<semaphore_mem>>)
      %dma_wait3A_1049 = tpu.memref_slice %arg3[%mul3A_2] : memref<65536xi32, #tpu.memory_space<hbm>> -> memref<2048xi32, #tpu.memory_space<hbm>>
      %dma_wait3A_1050 = tpu.memref_slice %arg3[%mul3A_2] : memref<65536xi32, #tpu.memory_space<hbm>> -> memref<2048xi32, #tpu.memory_space<hbm>>
      tpu.wait_dma2 semaphore(%run_scoped3A : memref<!tpu.dma_semaphore, #tpu.memory_space<semaphore_mem>>) src(%dma_wait3A_1050 : memref<2048xi32, #tpu.memory_space<hbm>>) dst(%arg5 : memref<2048xi32, #tpu.memory_space<vmem>>)
      tpu.yield
    }) : () -> ()
    %dma_start3A = arith.constant 0 : i32
    %dma_start3A_3 = tpu.memref_slice %arg5[%dma_start3A] : memref<2048xi32, #tpu.memory_space<vmem>> -> memref<128xi32, #tpu.memory_space<vmem>>
    %dma_start3A_4 = arith.constant 0 : i32
    %dma_start3A_5 = arith.constant 0 : i32
    %dma_start3A_6 = tpu.memref_slice %arg2[%dma_start3A_4, %dma_start3A_5] : memref<4096x32xf32, #tpu.memory_space<hbm>> -> memref<4096x32xf32, #tpu.memory_space<hbm>>
    tpu.enqueue_indirect_dma source(%dma_start3A_6 : memref<4096x32xf32, #tpu.memory_space<hbm>>) target(%arg6 : memref<128x32xf32, #tpu.memory_space<vmem>>) offsets(%dma_start3A_3 : memref<128xi32, #tpu.memory_space<vmem>>) semaphore(%arg8 : memref<!tpu.dma_semaphore, #tpu.memory_space<semaphore_mem>>)
    %dma_start3A_7 = arith.constant 128 : i32
    %dma_start3A_8 = tpu.memref_slice %arg5[%dma_start3A_7] : memref<2048xi32, #tpu.memory_space<vmem>> -> memref<128xi32, #tpu.memory_space<vmem>>
    %dma_start3A_9 = arith.constant 0 : i32
    %dma_start3A_10 = arith.constant 0 : i32
    %dma_start3A_11 = tpu.memref_slice %arg2[%dma_start3A_9, %dma_start3A_10] : memref<4096x32xf32, #tpu.memory_space<hbm>> -> memref<4096x32xf32, #tpu.memory_space<hbm>>
    tpu.enqueue_indirect_dma source(%dma_start3A_11 : memref<4096x32xf32, #tpu.memory_space<hbm>>) target(%arg7 : memref<128x32xf32, #tpu.memory_space<vmem>>) offsets(%dma_start3A_8 : memref<128xi32, #tpu.memory_space<vmem>>) semaphore(%arg9 : memref<!tpu.dma_semaphore, #tpu.memory_space<semaphore_mem>>)
    %dma_wait3A = arith.constant 0 : i32
    %dma_wait3A_12 = tpu.memref_slice %arg5[%dma_wait3A] : memref<2048xi32, #tpu.memory_space<vmem>> -> memref<128xi32, #tpu.memory_space<vmem>>
    %dma_wait3A_13 = arith.constant 0 : i32
    %dma_wait3A_14 = arith.constant 0 : i32
    %dma_wait3A_15 = tpu.memref_slice %arg2[%dma_wait3A_13, %dma_wait3A_14] : memref<4096x32xf32, #tpu.memory_space<hbm>> -> memref<4096x32xf32, #tpu.memory_space<hbm>>
    tpu.wait_indirect_dma semaphore(%arg8 : memref<!tpu.dma_semaphore, #tpu.memory_space<semaphore_mem>>) src(%dma_wait3A_15 : memref<4096x32xf32, #tpu.memory_space<hbm>>) dst(%arg6 : memref<128x32xf32, #tpu.memory_space<vmem>>)
    %jit3A = arith.constant 8 : i32
    %div3A = arith.divsi %add3A, %jit3A : i32
    %sign3A = arith.constant 0 : i32
    %sign3A_16 = arith.cmpi sgt, %add3A, %sign3A : i32
    %sign3A_17 = arith.extui %sign3A_16 : i1 to i32
    %sign3A_18 = arith.constant 0 : i32
    %sign3A_19 = arith.cmpi slt, %add3A, %sign3A_18 : i32
    %sign3A_20 = arith.extui %sign3A_19 : i1 to i32
    %sign3A_21 = arith.subi %sign3A_17, %sign3A_20 : i32
    %sign3A_22 = arith.constant 0 : i32
    %sign3A_23 = arith.cmpi sgt, %jit3A, %sign3A_22 : i32
    %sign3A_24 = arith.extui %sign3A_23 : i1 to i32
    %sign3A_25 = arith.constant 0 : i32
    %sign3A_26 = arith.cmpi slt, %jit3A, %sign3A_25 : i32
    %sign3A_27 = arith.extui %sign3A_26 : i1 to i32
    %sign3A_28 = arith.subi %sign3A_24, %sign3A_27 : i32
    %ne3A = arith.cmpi ne, %sign3A_21, %sign3A_28 : i32
    %rem3A = arith.remsi %add3A, %jit3A : i32
    %ne3A_29 = arith.constant 0 : i32
    %ne3A_30 = arith.cmpi ne, %rem3A, %ne3A_29 : i32
    %and3A = arith.andi %ne3A, %ne3A_30 : i1
    %sub3A = arith.constant 1 : i32
    %sub3A_31 = arith.subi %div3A, %sub3A : i32
    %select_n3A = arith.select %and3A, %sub3A_31, %div3A : i32
    %jit3A_32 = arith.constant 8 : i32
    %eq3A = arith.constant 0 : i32
    %eq3A_33 = arith.cmpi eq, %jit3A_32, %eq3A : i32
    %jit3A_34 = arith.constant 1 : i32
    %select_n3A_35 = arith.select %eq3A_33, %jit3A_34, %jit3A_32 : i32
    %rem3A_36 = arith.remsi %add3A, %select_n3A_35 : i32
    %ne3A_37 = arith.constant 0 : i32
    %ne3A_38 = arith.cmpi ne, %rem3A_36, %ne3A_37 : i32
    %lt3A = arith.constant 0 : i32
    %lt3A_39 = arith.cmpi slt, %rem3A_36, %lt3A : i32
    %lt3A_40 = arith.constant 0 : i32
    %lt3A_41 = arith.cmpi slt, %select_n3A_35, %lt3A_40 : i32
    %ne3A_42 = arith.xori %lt3A_39, %lt3A_41 : i1
    %and3A_43 = arith.andi %ne3A_42, %ne3A_38 : i1
    %add3A_44 = arith.addi %rem3A_36, %select_n3A_35 : i32
    %select_n3A_45 = arith.select %and3A_43, %add3A_44, %rem3A_36 : i32
    %mul3A_46 = arith.constant 2048 : i32
    %mul3A_47 = arith.muli %select_n3A_45, %mul3A_46 : i32
    %add3A_48 = arith.constant 0 : i32
    %add3A_49 = arith.addi %mul3A_47, %add3A_48 : i32
    %dma_start3A_50 = arith.constant 0 : i32
    %dma_start3A_51 = tpu.memref_slice %arg4[%select_n3A, %add3A_49, %dma_start3A_50] : memref<4x16384x32xf32, #tpu.memory_space<hbm>> -> memref<1x128x32xf32, #tpu.memory_space<hbm>>
    %dma_start3A_52 = tpu.memref_squeeze %dma_start3A_51 : memref<1x128x32xf32, #tpu.memory_space<hbm>> -> memref<128x32xf32, #tpu.memory_space<hbm>>
    %dma_start3A_53 = arith.constant 0 : i32
    %dma_start3A_54 = tpu.memref_slice %arg4[%select_n3A, %add3A_49, %dma_start3A_53] : memref<4x16384x32xf32, #tpu.memory_space<hbm>> -> memref<1x128x32xf32, #tpu.memory_space<hbm>>
    %dma_start3A_55 = tpu.memref_squeeze %dma_start3A_54 : memref<1x128x32xf32, #tpu.memory_space<hbm>> -> memref<128x32xf32, #tpu.memory_space<hbm>>
    tpu.enqueue_dma source(%arg6 : memref<128x32xf32, #tpu.memory_space<vmem>>) target(%dma_start3A_55 : memref<128x32xf32, #tpu.memory_space<hbm>>) target_semaphore(%arg10 : memref<!tpu.dma_semaphore, #tpu.memory_space<semaphore_mem>>)
    %dma_wait3A_56 = arith.constant 0 : i32
    %dma_wait3A_57 = tpu.memref_slice %arg4[%select_n3A, %add3A_49, %dma_wait3A_56] : memref<4x16384x32xf32, #tpu.memory_space<hbm>> -> memref<1x128x32xf32, #tpu.memory_space<hbm>>
    %dma_wait3A_58 = tpu.memref_squeeze %dma_wait3A_57 : memref<1x128x32xf32, #tpu.memory_space<hbm>> -> memref<128x32xf32, #tpu.memory_space<hbm>>
    %dma_wait3A_59 = arith.constant 0 : i32
    %dma_wait3A_60 = tpu.memref_slice %arg4[%select_n3A, %add3A_49, %dma_wait3A_59] : memref<4x16384x32xf32, #tpu.memory_space<hbm>> -> memref<1x128x32xf32, #tpu.memory_space<hbm>>
    %dma_wait3A_61 = tpu.memref_squeeze %dma_wait3A_60 : memref<1x128x32xf32, #tpu.memory_space<hbm>> -> memref<128x32xf32, #tpu.memory_space<hbm>>
    tpu.wait_dma2 semaphore(%arg10 : memref<!tpu.dma_semaphore, #tpu.memory_space<semaphore_mem>>) src(%arg6 : memref<128x32xf32, #tpu.memory_space<vmem>>) dst(%dma_wait3A_61 : memref<128x32xf32, #tpu.memory_space<hbm>>)
    %dma_start3A_62 = arith.constant 256 : i32
    %dma_start3A_63 = tpu.memref_slice %arg5[%dma_start3A_62] : memref<2048xi32, #tpu.memory_space<vmem>> -> memref<128xi32, #tpu.memory_space<vmem>>
    %dma_start3A_64 = arith.constant 0 : i32
    %dma_start3A_65 = arith.constant 0 : i32
    %dma_start3A_66 = tpu.memref_slice %arg2[%dma_start3A_64, %dma_start3A_65] : memref<4096x32xf32, #tpu.memory_space<hbm>> -> memref<4096x32xf32, #tpu.memory_space<hbm>>
    tpu.enqueue_indirect_dma source(%dma_start3A_66 : memref<4096x32xf32, #tpu.memory_space<hbm>>) target(%arg6 : memref<128x32xf32, #tpu.memory_space<vmem>>) offsets(%dma_start3A_63 : memref<128xi32, #tpu.memory_space<vmem>>) semaphore(%arg8 : memref<!tpu.dma_semaphore, #tpu.memory_space<semaphore_mem>>)
    %dma_wait3A_67 = arith.constant 128 : i32
    %dma_wait3A_68 = tpu.memref_slice %arg5[%dma_wait3A_67] : memref<2048xi32, #tpu.memory_space<vmem>> -> memref<128xi32, #tpu.memory_space<vmem>>
    %dma_wait3A_69 = arith.constant 0 : i32
    %dma_wait3A_70 = arith.constant 0 : i32
    %dma_wait3A_71 = tpu.memref_slice %arg2[%dma_wait3A_69, %dma_wait3A_70] : memref<4096x32xf32, #tpu.memory_space<hbm>> -> memref<4096x32xf32, #tpu.memory_space<hbm>>
    tpu.wait_indirect_dma semaphore(%arg9 : memref<!tpu.dma_semaphore, #tpu.memory_space<semaphore_mem>>) src(%dma_wait3A_71 : memref<4096x32xf32, #tpu.memory_space<hbm>>) dst(%arg7 : memref<128x32xf32, #tpu.memory_space<vmem>>)
    %jit3A_72 = arith.constant 8 : i32
    %div3A_73 = arith.divsi %add3A, %jit3A_72 : i32
    %sign3A_74 = arith.constant 0 : i32
    %sign3A_75 = arith.cmpi sgt, %add3A, %sign3A_74 : i32
    %sign3A_76 = arith.extui %sign3A_75 : i1 to i32
    %sign3A_77 = arith.constant 0 : i32
    %sign3A_78 = arith.cmpi slt, %add3A, %sign3A_77 : i32
    %sign3A_79 = arith.extui %sign3A_78 : i1 to i32
    %sign3A_80 = arith.subi %sign3A_76, %sign3A_79 : i32
    %sign3A_81 = arith.constant 0 : i32
    %sign3A_82 = arith.cmpi sgt, %jit3A_72, %sign3A_81 : i32
    %sign3A_83 = arith.extui %sign3A_82 : i1 to i32
    %sign3A_84 = arith.constant 0 : i32
    %sign3A_85 = arith.cmpi slt, %jit3A_72, %sign3A_84 : i32
    %sign3A_86 = arith.extui %sign3A_85 : i1 to i32
    %sign3A_87 = arith.subi %sign3A_83, %sign3A_86 : i32
    %ne3A_88 = arith.cmpi ne, %sign3A_80, %sign3A_87 : i32
    %rem3A_89 = arith.remsi %add3A, %jit3A_72 : i32
    %ne3A_90 = arith.constant 0 : i32
    %ne3A_91 = arith.cmpi ne, %rem3A_89, %ne3A_90 : i32
    %and3A_92 = arith.andi %ne3A_88, %ne3A_91 : i1
    %sub3A_93 = arith.constant 1 : i32
    %sub3A_94 = arith.subi %div3A_73, %sub3A_93 : i32
    %select_n3A_95 = arith.select %and3A_92, %sub3A_94, %div3A_73 : i32
    %jit3A_96 = arith.constant 8 : i32
    %eq3A_97 = arith.constant 0 : i32
    %eq3A_98 = arith.cmpi eq, %jit3A_96, %eq3A_97 : i32
    %jit3A_99 = arith.constant 1 : i32
    %select_n3A_100 = arith.select %eq3A_98, %jit3A_99, %jit3A_96 : i32
    %rem3A_101 = arith.remsi %add3A, %select_n3A_100 : i32
    %ne3A_102 = arith.constant 0 : i32
    %ne3A_103 = arith.cmpi ne, %rem3A_101, %ne3A_102 : i32
    %lt3A_104 = arith.constant 0 : i32
    %lt3A_105 = arith.cmpi slt, %rem3A_101, %lt3A_104 : i32
    %lt3A_106 = arith.constant 0 : i32
    %lt3A_107 = arith.cmpi slt, %select_n3A_100, %lt3A_106 : i32
    %ne3A_108 = arith.xori %lt3A_105, %lt3A_107 : i1
    %and3A_109 = arith.andi %ne3A_108, %ne3A_103 : i1
    %add3A_110 = arith.addi %rem3A_101, %select_n3A_100 : i32
    %select_n3A_111 = arith.select %and3A_109, %add3A_110, %rem3A_101 : i32
    %mul3A_112 = arith.constant 2048 : i32
    %mul3A_113 = arith.muli %select_n3A_111, %mul3A_112 : i32
    %add3A_114 = arith.constant 128 : i32
    %add3A_115 = arith.addi %mul3A_113, %add3A_114 : i32
    %dma_start3A_116 = arith.constant 0 : i32
    %dma_start3A_117 = tpu.memref_slice %arg4[%select_n3A_95, %add3A_115, %dma_start3A_116] : memref<4x16384x32xf32, #tpu.memory_space<hbm>> -> memref<1x128x32xf32, #tpu.memory_space<hbm>>
    %dma_start3A_118 = tpu.memref_squeeze %dma_start3A_117 : memref<1x128x32xf32, #tpu.memory_space<hbm>> -> memref<128x32xf32, #tpu.memory_space<hbm>>
    %dma_start3A_119 = arith.constant 0 : i32
    %dma_start3A_120 = tpu.memref_slice %arg4[%select_n3A_95, %add3A_115, %dma_start3A_119] : memref<4x16384x32xf32, #tpu.memory_space<hbm>> -> memref<1x128x32xf32, #tpu.memory_space<hbm>>
    %dma_start3A_121 = tpu.memref_squeeze %dma_start3A_120 : memref<1x128x32xf32, #tpu.memory_space<hbm>> -> memref<128x32xf32, #tpu.memory_space<hbm>>
    tpu.enqueue_dma source(%arg7 : memref<128x32xf32, #tpu.memory_space<vmem>>) target(%dma_start3A_121 : memref<128x32xf32, #tpu.memory_space<hbm>>) target_semaphore(%arg11 : memref<!tpu.dma_semaphore, #tpu.memory_space<semaphore_mem>>)
    %dma_wait3A_122 = arith.constant 0 : i32
    %dma_wait3A_123 = tpu.memref_slice %arg4[%select_n3A_95, %add3A_115, %dma_wait3A_122] : memref<4x16384x32xf32, #tpu.memory_space<hbm>> -> memref<1x128x32xf32, #tpu.memory_space<hbm>>
    %dma_wait3A_124 = tpu.memref_squeeze %dma_wait3A_123 : memref<1x128x32xf32, #tpu.memory_space<hbm>> -> memref<128x32xf32, #tpu.memory_space<hbm>>
    %dma_wait3A_125 = arith.constant 0 : i32
    %dma_wait3A_126 = tpu.memref_slice %arg4[%select_n3A_95, %add3A_115, %dma_wait3A_125] : memref<4x16384x32xf32, #tpu.memory_space<hbm>> -> memref<1x128x32xf32, #tpu.memory_space<hbm>>
    %dma_wait3A_127 = tpu.memref_squeeze %dma_wait3A_126 : memref<1x128x32xf32, #tpu.memory_space<hbm>> -> memref<128x32xf32, #tpu.memory_space<hbm>>
    tpu.wait_dma2 semaphore(%arg11 : memref<!tpu.dma_semaphore, #tpu.memory_space<semaphore_mem>>) src(%arg7 : memref<128x32xf32, #tpu.memory_space<vmem>>) dst(%dma_wait3A_127 : memref<128x32xf32, #tpu.memory_space<hbm>>)
    %dma_start3A_128 = arith.constant 384 : i32
    %dma_start3A_129 = tpu.memref_slice %arg5[%dma_start3A_128] : memref<2048xi32, #tpu.memory_space<vmem>> -> memref<128xi32, #tpu.memory_space<vmem>>
    %dma_start3A_130 = arith.constant 0 : i32
    %dma_start3A_131 = arith.constant 0 : i32
    %dma_start3A_132 = tpu.memref_slice %arg2[%dma_start3A_130, %dma_start3A_131] : memref<4096x32xf32, #tpu.memory_space<hbm>> -> memref<4096x32xf32, #tpu.memory_space<hbm>>
    tpu.enqueue_indirect_dma source(%dma_start3A_132 : memref<4096x32xf32, #tpu.memory_space<hbm>>) target(%arg7 : memref<128x32xf32, #tpu.memory_space<vmem>>) offsets(%dma_start3A_129 : memref<128xi32, #tpu.memory_space<vmem>>) semaphore(%arg9 : memref<!tpu.dma_semaphore, #tpu.memory_space<semaphore_mem>>)
    %dma_wait3A_133 = arith.constant 256 : i32
    %dma_wait3A_134 = tpu.memref_slice %arg5[%dma_wait3A_133] : memref<2048xi32, #tpu.memory_space<vmem>> -> memref<128xi32, #tpu.memory_space<vmem>>
    %dma_wait3A_135 = arith.constant 0 : i32
    %dma_wait3A_136 = arith.constant 0 : i32
    %dma_wait3A_137 = tpu.memref_slice %arg2[%dma_wait3A_135, %dma_wait3A_136] : memref<4096x32xf32, #tpu.memory_space<hbm>> -> memref<4096x32xf32, #tpu.memory_space<hbm>>
    tpu.wait_indirect_dma semaphore(%arg8 : memref<!tpu.dma_semaphore, #tpu.memory_space<semaphore_mem>>) src(%dma_wait3A_137 : memref<4096x32xf32, #tpu.memory_space<hbm>>) dst(%arg6 : memref<128x32xf32, #tpu.memory_space<vmem>>)
    %jit3A_138 = arith.constant 8 : i32
    %div3A_139 = arith.divsi %add3A, %jit3A_138 : i32
    %sign3A_140 = arith.constant 0 : i32
    %sign3A_141 = arith.cmpi sgt, %add3A, %sign3A_140 : i32
    %sign3A_142 = arith.extui %sign3A_141 : i1 to i32
    %sign3A_143 = arith.constant 0 : i32
    %sign3A_144 = arith.cmpi slt, %add3A, %sign3A_143 : i32
    %sign3A_145 = arith.extui %sign3A_144 : i1 to i32
    %sign3A_146 = arith.subi %sign3A_142, %sign3A_145 : i32
    %sign3A_147 = arith.constant 0 : i32
    %sign3A_148 = arith.cmpi sgt, %jit3A_138, %sign3A_147 : i32
    %sign3A_149 = arith.extui %sign3A_148 : i1 to i32
    %sign3A_150 = arith.constant 0 : i32
    %sign3A_151 = arith.cmpi slt, %jit3A_138, %sign3A_150 : i32
    %sign3A_152 = arith.extui %sign3A_151 : i1 to i32
    %sign3A_153 = arith.subi %sign3A_149, %sign3A_152 : i32
    %ne3A_154 = arith.cmpi ne, %sign3A_146, %sign3A_153 : i32
    %rem3A_155 = arith.remsi %add3A, %jit3A_138 : i32
    %ne3A_156 = arith.constant 0 : i32
    %ne3A_157 = arith.cmpi ne, %rem3A_155, %ne3A_156 : i32
    %and3A_158 = arith.andi %ne3A_154, %ne3A_157 : i1
    %sub3A_159 = arith.constant 1 : i32
    %sub3A_160 = arith.subi %div3A_139, %sub3A_159 : i32
    %select_n3A_161 = arith.select %and3A_158, %sub3A_160, %div3A_139 : i32
    %jit3A_162 = arith.constant 8 : i32
    %eq3A_163 = arith.constant 0 : i32
    %eq3A_164 = arith.cmpi eq, %jit3A_162, %eq3A_163 : i32
    %jit3A_165 = arith.constant 1 : i32
    %select_n3A_166 = arith.select %eq3A_164, %jit3A_165, %jit3A_162 : i32
    %rem3A_167 = arith.remsi %add3A, %select_n3A_166 : i32
    %ne3A_168 = arith.constant 0 : i32
    %ne3A_169 = arith.cmpi ne, %rem3A_167, %ne3A_168 : i32
    %lt3A_170 = arith.constant 0 : i32
    %lt3A_171 = arith.cmpi slt, %rem3A_167, %lt3A_170 : i32
    %lt3A_172 = arith.constant 0 : i32
    %lt3A_173 = arith.cmpi slt, %select_n3A_166, %lt3A_172 : i32
    %ne3A_174 = arith.xori %lt3A_171, %lt3A_173 : i1
    %and3A_175 = arith.andi %ne3A_174, %ne3A_169 : i1
    %add3A_176 = arith.addi %rem3A_167, %select_n3A_166 : i32
    %select_n3A_177 = arith.select %and3A_175, %add3A_176, %rem3A_167 : i32
    %mul3A_178 = arith.constant 2048 : i32
    %mul3A_179 = arith.muli %select_n3A_177, %mul3A_178 : i32
    %add3A_180 = arith.constant 256 : i32
    %add3A_181 = arith.addi %mul3A_179, %add3A_180 : i32
    %dma_start3A_182 = arith.constant 0 : i32
    %dma_start3A_183 = tpu.memref_slice %arg4[%select_n3A_161, %add3A_181, %dma_start3A_182] : memref<4x16384x32xf32, #tpu.memory_space<hbm>> -> memref<1x128x32xf32, #tpu.memory_space<hbm>>
    %dma_start3A_184 = tpu.memref_squeeze %dma_start3A_183 : memref<1x128x32xf32, #tpu.memory_space<hbm>> -> memref<128x32xf32, #tpu.memory_space<hbm>>
    %dma_start3A_185 = arith.constant 0 : i32
    %dma_start3A_186 = tpu.memref_slice %arg4[%select_n3A_161, %add3A_181, %dma_start3A_185] : memref<4x16384x32xf32, #tpu.memory_space<hbm>> -> memref<1x128x32xf32, #tpu.memory_space<hbm>>
    %dma_start3A_187 = tpu.memref_squeeze %dma_start3A_186 : memref<1x128x32xf32, #tpu.memory_space<hbm>> -> memref<128x32xf32, #tpu.memory_space<hbm>>
    tpu.enqueue_dma source(%arg6 : memref<128x32xf32, #tpu.memory_space<vmem>>) target(%dma_start3A_187 : memref<128x32xf32, #tpu.memory_space<hbm>>) target_semaphore(%arg10 : memref<!tpu.dma_semaphore, #tpu.memory_space<semaphore_mem>>)
    %dma_wait3A_188 = arith.constant 0 : i32
    %dma_wait3A_189 = tpu.memref_slice %arg4[%select_n3A_161, %add3A_181, %dma_wait3A_188] : memref<4x16384x32xf32, #tpu.memory_space<hbm>> -> memref<1x128x32xf32, #tpu.memory_space<hbm>>
    %dma_wait3A_190 = tpu.memref_squeeze %dma_wait3A_189 : memref<1x128x32xf32, #tpu.memory_space<hbm>> -> memref<128x32xf32, #tpu.memory_space<hbm>>
    %dma_wait3A_191 = arith.constant 0 : i32
    %dma_wait3A_192 = tpu.memref_slice %arg4[%select_n3A_161, %add3A_181, %dma_wait3A_191] : memref<4x16384x32xf32, #tpu.memory_space<hbm>> -> memref<1x128x32xf32, #tpu.memory_space<hbm>>
    %dma_wait3A_193 = tpu.memref_squeeze %dma_wait3A_192 : memref<1x128x32xf32, #tpu.memory_space<hbm>> -> memref<128x32xf32, #tpu.memory_space<hbm>>
    tpu.wait_dma2 semaphore(%arg10 : memref<!tpu.dma_semaphore, #tpu.memory_space<semaphore_mem>>) src(%arg6 : memref<128x32xf32, #tpu.memory_space<vmem>>) dst(%dma_wait3A_193 : memref<128x32xf32, #tpu.memory_space<hbm>>)
    %dma_start3A_194 = arith.constant 512 : i32
    %dma_start3A_195 = tpu.memref_slice %arg5[%dma_start3A_194] : memref<2048xi32, #tpu.memory_space<vmem>> -> memref<128xi32, #tpu.memory_space<vmem>>
    %dma_start3A_196 = arith.constant 0 : i32
    %dma_start3A_197 = arith.constant 0 : i32
    %dma_start3A_198 = tpu.memref_slice %arg2[%dma_start3A_196, %dma_start3A_197] : memref<4096x32xf32, #tpu.memory_space<hbm>> -> memref<4096x32xf32, #tpu.memory_space<hbm>>
    tpu.enqueue_indirect_dma source(%dma_start3A_198 : memref<4096x32xf32, #tpu.memory_space<hbm>>) target(%arg6 : memref<128x32xf32, #tpu.memory_space<vmem>>) offsets(%dma_start3A_195 : memref<128xi32, #tpu.memory_space<vmem>>) semaphore(%arg8 : memref<!tpu.dma_semaphore, #tpu.memory_space<semaphore_mem>>)
    %dma_wait3A_199 = arith.constant 384 : i32
    %dma_wait3A_200 = tpu.memref_slice %arg5[%dma_wait3A_199] : memref<2048xi32, #tpu.memory_space<vmem>> -> memref<128xi32, #tpu.memory_space<vmem>>
    %dma_wait3A_201 = arith.constant 0 : i32
    %dma_wait3A_202 = arith.constant 0 : i32
    %dma_wait3A_203 = tpu.memref_slice %arg2[%dma_wait3A_201, %dma_wait3A_202] : memref<4096x32xf32, #tpu.memory_space<hbm>> -> memref<4096x32xf32, #tpu.memory_space<hbm>>
    tpu.wait_indirect_dma semaphore(%arg9 : memref<!tpu.dma_semaphore, #tpu.memory_space<semaphore_mem>>) src(%dma_wait3A_203 : memref<4096x32xf32, #tpu.memory_space<hbm>>) dst(%arg7 : memref<128x32xf32, #tpu.memory_space<vmem>>)
    %jit3A_204 = arith.constant 8 : i32
    %div3A_205 = arith.divsi %add3A, %jit3A_204 : i32
    %sign3A_206 = arith.constant 0 : i32
    %sign3A_207 = arith.cmpi sgt, %add3A, %sign3A_206 : i32
    %sign3A_208 = arith.extui %sign3A_207 : i1 to i32
    %sign3A_209 = arith.constant 0 : i32
    %sign3A_210 = arith.cmpi slt, %add3A, %sign3A_209 : i32
    %sign3A_211 = arith.extui %sign3A_210 : i1 to i32
    %sign3A_212 = arith.subi %sign3A_208, %sign3A_211 : i32
    %sign3A_213 = arith.constant 0 : i32
    %sign3A_214 = arith.cmpi sgt, %jit3A_204, %sign3A_213 : i32
    %sign3A_215 = arith.extui %sign3A_214 : i1 to i32
    %sign3A_216 = arith.constant 0 : i32
    %sign3A_217 = arith.cmpi slt, %jit3A_204, %sign3A_216 : i32
    %sign3A_218 = arith.extui %sign3A_217 : i1 to i32
    %sign3A_219 = arith.subi %sign3A_215, %sign3A_218 : i32
    %ne3A_220 = arith.cmpi ne, %sign3A_212, %sign3A_219 : i32
    %rem3A_221 = arith.remsi %add3A, %jit3A_204 : i32
    %ne3A_222 = arith.constant 0 : i32
    %ne3A_223 = arith.cmpi ne, %rem3A_221, %ne3A_222 : i32
    %and3A_224 = arith.andi %ne3A_220, %ne3A_223 : i1
    %sub3A_225 = arith.constant 1 : i32
    %sub3A_226 = arith.subi %div3A_205, %sub3A_225 : i32
    %select_n3A_227 = arith.select %and3A_224, %sub3A_226, %div3A_205 : i32
    %jit3A_228 = arith.constant 8 : i32
    %eq3A_229 = arith.constant 0 : i32
    %eq3A_230 = arith.cmpi eq, %jit3A_228, %eq3A_229 : i32
    %jit3A_231 = arith.constant 1 : i32
    %select_n3A_232 = arith.select %eq3A_230, %jit3A_231, %jit3A_228 : i32
    %rem3A_233 = arith.remsi %add3A, %select_n3A_232 : i32
    %ne3A_234 = arith.constant 0 : i32
    %ne3A_235 = arith.cmpi ne, %rem3A_233, %ne3A_234 : i32
    %lt3A_236 = arith.constant 0 : i32
    %lt3A_237 = arith.cmpi slt, %rem3A_233, %lt3A_236 : i32
    %lt3A_238 = arith.constant 0 : i32
    %lt3A_239 = arith.cmpi slt, %select_n3A_232, %lt3A_238 : i32
    %ne3A_240 = arith.xori %lt3A_237, %lt3A_239 : i1
    %and3A_241 = arith.andi %ne3A_240, %ne3A_235 : i1
    %add3A_242 = arith.addi %rem3A_233, %select_n3A_232 : i32
    %select_n3A_243 = arith.select %and3A_241, %add3A_242, %rem3A_233 : i32
    %mul3A_244 = arith.constant 2048 : i32
    %mul3A_245 = arith.muli %select_n3A_243, %mul3A_244 : i32
    %add3A_246 = arith.constant 384 : i32
    %add3A_247 = arith.addi %mul3A_245, %add3A_246 : i32
    %dma_start3A_248 = arith.constant 0 : i32
    %dma_start3A_249 = tpu.memref_slice %arg4[%select_n3A_227, %add3A_247, %dma_start3A_248] : memref<4x16384x32xf32, #tpu.memory_space<hbm>> -> memref<1x128x32xf32, #tpu.memory_space<hbm>>
    %dma_start3A_250 = tpu.memref_squeeze %dma_start3A_249 : memref<1x128x32xf32, #tpu.memory_space<hbm>> -> memref<128x32xf32, #tpu.memory_space<hbm>>
    %dma_start3A_251 = arith.constant 0 : i32
    %dma_start3A_252 = tpu.memref_slice %arg4[%select_n3A_227, %add3A_247, %dma_start3A_251] : memref<4x16384x32xf32, #tpu.memory_space<hbm>> -> memref<1x128x32xf32, #tpu.memory_space<hbm>>
    %dma_start3A_253 = tpu.memref_squeeze %dma_start3A_252 : memref<1x128x32xf32, #tpu.memory_space<hbm>> -> memref<128x32xf32, #tpu.memory_space<hbm>>
    tpu.enqueue_dma source(%arg7 : memref<128x32xf32, #tpu.memory_space<vmem>>) target(%dma_start3A_253 : memref<128x32xf32, #tpu.memory_space<hbm>>) target_semaphore(%arg11 : memref<!tpu.dma_semaphore, #tpu.memory_space<semaphore_mem>>)
    %dma_wait3A_254 = arith.constant 0 : i32
    %dma_wait3A_255 = tpu.memref_slice %arg4[%select_n3A_227, %add3A_247, %dma_wait3A_254] : memref<4x16384x32xf32, #tpu.memory_space<hbm>> -> memref<1x128x32xf32, #tpu.memory_space<hbm>>
    %dma_wait3A_256 = tpu.memref_squeeze %dma_wait3A_255 : memref<1x128x32xf32, #tpu.memory_space<hbm>> -> memref<128x32xf32, #tpu.memory_space<hbm>>
    %dma_wait3A_257 = arith.constant 0 : i32
    %dma_wait3A_258 = tpu.memref_slice %arg4[%select_n3A_227, %add3A_247, %dma_wait3A_257] : memref<4x16384x32xf32, #tpu.memory_space<hbm>> -> memref<1x128x32xf32, #tpu.memory_space<hbm>>
    %dma_wait3A_259 = tpu.memref_squeeze %dma_wait3A_258 : memref<1x128x32xf32, #tpu.memory_space<hbm>> -> memref<128x32xf32, #tpu.memory_space<hbm>>
    tpu.wait_dma2 semaphore(%arg11 : memref<!tpu.dma_semaphore, #tpu.memory_space<semaphore_mem>>) src(%arg7 : memref<128x32xf32, #tpu.memory_space<vmem>>) dst(%dma_wait3A_259 : memref<128x32xf32, #tpu.memory_space<hbm>>)
    %dma_start3A_260 = arith.constant 640 : i32
    %dma_start3A_261 = tpu.memref_slice %arg5[%dma_start3A_260] : memref<2048xi32, #tpu.memory_space<vmem>> -> memref<128xi32, #tpu.memory_space<vmem>>
    %dma_start3A_262 = arith.constant 0 : i32
    %dma_start3A_263 = arith.constant 0 : i32
    %dma_start3A_264 = tpu.memref_slice %arg2[%dma_start3A_262, %dma_start3A_263] : memref<4096x32xf32, #tpu.memory_space<hbm>> -> memref<4096x32xf32, #tpu.memory_space<hbm>>
    tpu.enqueue_indirect_dma source(%dma_start3A_264 : memref<4096x32xf32, #tpu.memory_space<hbm>>) target(%arg7 : memref<128x32xf32, #tpu.memory_space<vmem>>) offsets(%dma_start3A_261 : memref<128xi32, #tpu.memory_space<vmem>>) semaphore(%arg9 : memref<!tpu.dma_semaphore, #tpu.memory_space<semaphore_mem>>)
    %dma_wait3A_265 = arith.constant 512 : i32
    %dma_wait3A_266 = tpu.memref_slice %arg5[%dma_wait3A_265] : memref<2048xi32, #tpu.memory_space<vmem>> -> memref<128xi32, #tpu.memory_space<vmem>>
    %dma_wait3A_267 = arith.constant 0 : i32
    %dma_wait3A_268 = arith.constant 0 : i32
    %dma_wait3A_269 = tpu.memref_slice %arg2[%dma_wait3A_267, %dma_wait3A_268] : memref<4096x32xf32, #tpu.memory_space<hbm>> -> memref<4096x32xf32, #tpu.memory_space<hbm>>
    tpu.wait_indirect_dma semaphore(%arg8 : memref<!tpu.dma_semaphore, #tpu.memory_space<semaphore_mem>>) src(%dma_wait3A_269 : memref<4096x32xf32, #tpu.memory_space<hbm>>) dst(%arg6 : memref<128x32xf32, #tpu.memory_space<vmem>>)
    %jit3A_270 = arith.constant 8 : i32
    %div3A_271 = arith.divsi %add3A, %jit3A_270 : i32
    %sign3A_272 = arith.constant 0 : i32
    %sign3A_273 = arith.cmpi sgt, %add3A, %sign3A_272 : i32
    %sign3A_274 = arith.extui %sign3A_273 : i1 to i32
    %sign3A_275 = arith.constant 0 : i32
    %sign3A_276 = arith.cmpi slt, %add3A, %sign3A_275 : i32
    %sign3A_277 = arith.extui %sign3A_276 : i1 to i32
    %sign3A_278 = arith.subi %sign3A_274, %sign3A_277 : i32
    %sign3A_279 = arith.constant 0 : i32
    %sign3A_280 = arith.cmpi sgt, %jit3A_270, %sign3A_279 : i32
    %sign3A_281 = arith.extui %sign3A_280 : i1 to i32
    %sign3A_282 = arith.constant 0 : i32
    %sign3A_283 = arith.cmpi slt, %jit3A_270, %sign3A_282 : i32
    %sign3A_284 = arith.extui %sign3A_283 : i1 to i32
    %sign3A_285 = arith.subi %sign3A_281, %sign3A_284 : i32
    %ne3A_286 = arith.cmpi ne, %sign3A_278, %sign3A_285 : i32
    %rem3A_287 = arith.remsi %add3A, %jit3A_270 : i32
    %ne3A_288 = arith.constant 0 : i32
    %ne3A_289 = arith.cmpi ne, %rem3A_287, %ne3A_288 : i32
    %and3A_290 = arith.andi %ne3A_286, %ne3A_289 : i1
    %sub3A_291 = arith.constant 1 : i32
    %sub3A_292 = arith.subi %div3A_271, %sub3A_291 : i32
    %select_n3A_293 = arith.select %and3A_290, %sub3A_292, %div3A_271 : i32
    %jit3A_294 = arith.constant 8 : i32
    %eq3A_295 = arith.constant 0 : i32
    %eq3A_296 = arith.cmpi eq, %jit3A_294, %eq3A_295 : i32
    %jit3A_297 = arith.constant 1 : i32
    %select_n3A_298 = arith.select %eq3A_296, %jit3A_297, %jit3A_294 : i32
    %rem3A_299 = arith.remsi %add3A, %select_n3A_298 : i32
    %ne3A_300 = arith.constant 0 : i32
    %ne3A_301 = arith.cmpi ne, %rem3A_299, %ne3A_300 : i32
    %lt3A_302 = arith.constant 0 : i32
    %lt3A_303 = arith.cmpi slt, %rem3A_299, %lt3A_302 : i32
    %lt3A_304 = arith.constant 0 : i32
    %lt3A_305 = arith.cmpi slt, %select_n3A_298, %lt3A_304 : i32
    %ne3A_306 = arith.xori %lt3A_303, %lt3A_305 : i1
    %and3A_307 = arith.andi %ne3A_306, %ne3A_301 : i1
    %add3A_308 = arith.addi %rem3A_299, %select_n3A_298 : i32
    %select_n3A_309 = arith.select %and3A_307, %add3A_308, %rem3A_299 : i32
    %mul3A_310 = arith.constant 2048 : i32
    %mul3A_311 = arith.muli %select_n3A_309, %mul3A_310 : i32
    %add3A_312 = arith.constant 512 : i32
    %add3A_313 = arith.addi %mul3A_311, %add3A_312 : i32
    %dma_start3A_314 = arith.constant 0 : i32
    %dma_start3A_315 = tpu.memref_slice %arg4[%select_n3A_293, %add3A_313, %dma_start3A_314] : memref<4x16384x32xf32, #tpu.memory_space<hbm>> -> memref<1x128x32xf32, #tpu.memory_space<hbm>>
    %dma_start3A_316 = tpu.memref_squeeze %dma_start3A_315 : memref<1x128x32xf32, #tpu.memory_space<hbm>> -> memref<128x32xf32, #tpu.memory_space<hbm>>
    %dma_start3A_317 = arith.constant 0 : i32
    %dma_start3A_318 = tpu.memref_slice %arg4[%select_n3A_293, %add3A_313, %dma_start3A_317] : memref<4x16384x32xf32, #tpu.memory_space<hbm>> -> memref<1x128x32xf32, #tpu.memory_space<hbm>>
    %dma_start3A_319 = tpu.memref_squeeze %dma_start3A_318 : memref<1x128x32xf32, #tpu.memory_space<hbm>> -> memref<128x32xf32, #tpu.memory_space<hbm>>
    tpu.enqueue_dma source(%arg6 : memref<128x32xf32, #tpu.memory_space<vmem>>) target(%dma_start3A_319 : memref<128x32xf32, #tpu.memory_space<hbm>>) target_semaphore(%arg10 : memref<!tpu.dma_semaphore, #tpu.memory_space<semaphore_mem>>)
    %dma_wait3A_320 = arith.constant 0 : i32
    %dma_wait3A_321 = tpu.memref_slice %arg4[%select_n3A_293, %add3A_313, %dma_wait3A_320] : memref<4x16384x32xf32, #tpu.memory_space<hbm>> -> memref<1x128x32xf32, #tpu.memory_space<hbm>>
    %dma_wait3A_322 = tpu.memref_squeeze %dma_wait3A_321 : memref<1x128x32xf32, #tpu.memory_space<hbm>> -> memref<128x32xf32, #tpu.memory_space<hbm>>
    %dma_wait3A_323 = arith.constant 0 : i32
    %dma_wait3A_324 = tpu.memref_slice %arg4[%select_n3A_293, %add3A_313, %dma_wait3A_323] : memref<4x16384x32xf32, #tpu.memory_space<hbm>> -> memref<1x128x32xf32, #tpu.memory_space<hbm>>
    %dma_wait3A_325 = tpu.memref_squeeze %dma_wait3A_324 : memref<1x128x32xf32, #tpu.memory_space<hbm>> -> memref<128x32xf32, #tpu.memory_space<hbm>>
    tpu.wait_dma2 semaphore(%arg10 : memref<!tpu.dma_semaphore, #tpu.memory_space<semaphore_mem>>) src(%arg6 : memref<128x32xf32, #tpu.memory_space<vmem>>) dst(%dma_wait3A_325 : memref<128x32xf32, #tpu.memory_space<hbm>>)
    %dma_start3A_326 = arith.constant 768 : i32
    %dma_start3A_327 = tpu.memref_slice %arg5[%dma_start3A_326] : memref<2048xi32, #tpu.memory_space<vmem>> -> memref<128xi32, #tpu.memory_space<vmem>>
    %dma_start3A_328 = arith.constant 0 : i32
    %dma_start3A_329 = arith.constant 0 : i32
    %dma_start3A_330 = tpu.memref_slice %arg2[%dma_start3A_328, %dma_start3A_329] : memref<4096x32xf32, #tpu.memory_space<hbm>> -> memref<4096x32xf32, #tpu.memory_space<hbm>>
    tpu.enqueue_indirect_dma source(%dma_start3A_330 : memref<4096x32xf32, #tpu.memory_space<hbm>>) target(%arg6 : memref<128x32xf32, #tpu.memory_space<vmem>>) offsets(%dma_start3A_327 : memref<128xi32, #tpu.memory_space<vmem>>) semaphore(%arg8 : memref<!tpu.dma_semaphore, #tpu.memory_space<semaphore_mem>>)
    %dma_wait3A_331 = arith.constant 640 : i32
    %dma_wait3A_332 = tpu.memref_slice %arg5[%dma_wait3A_331] : memref<2048xi32, #tpu.memory_space<vmem>> -> memref<128xi32, #tpu.memory_space<vmem>>
    %dma_wait3A_333 = arith.constant 0 : i32
    %dma_wait3A_334 = arith.constant 0 : i32
    %dma_wait3A_335 = tpu.memref_slice %arg2[%dma_wait3A_333, %dma_wait3A_334] : memref<4096x32xf32, #tpu.memory_space<hbm>> -> memref<4096x32xf32, #tpu.memory_space<hbm>>
    tpu.wait_indirect_dma semaphore(%arg9 : memref<!tpu.dma_semaphore, #tpu.memory_space<semaphore_mem>>) src(%dma_wait3A_335 : memref<4096x32xf32, #tpu.memory_space<hbm>>) dst(%arg7 : memref<128x32xf32, #tpu.memory_space<vmem>>)
    %jit3A_336 = arith.constant 8 : i32
    %div3A_337 = arith.divsi %add3A, %jit3A_336 : i32
    %sign3A_338 = arith.constant 0 : i32
    %sign3A_339 = arith.cmpi sgt, %add3A, %sign3A_338 : i32
    %sign3A_340 = arith.extui %sign3A_339 : i1 to i32
    %sign3A_341 = arith.constant 0 : i32
    %sign3A_342 = arith.cmpi slt, %add3A, %sign3A_341 : i32
    %sign3A_343 = arith.extui %sign3A_342 : i1 to i32
    %sign3A_344 = arith.subi %sign3A_340, %sign3A_343 : i32
    %sign3A_345 = arith.constant 0 : i32
    %sign3A_346 = arith.cmpi sgt, %jit3A_336, %sign3A_345 : i32
    %sign3A_347 = arith.extui %sign3A_346 : i1 to i32
    %sign3A_348 = arith.constant 0 : i32
    %sign3A_349 = arith.cmpi slt, %jit3A_336, %sign3A_348 : i32
    %sign3A_350 = arith.extui %sign3A_349 : i1 to i32
    %sign3A_351 = arith.subi %sign3A_347, %sign3A_350 : i32
    %ne3A_352 = arith.cmpi ne, %sign3A_344, %sign3A_351 : i32
    %rem3A_353 = arith.remsi %add3A, %jit3A_336 : i32
    %ne3A_354 = arith.constant 0 : i32
    %ne3A_355 = arith.cmpi ne, %rem3A_353, %ne3A_354 : i32
    %and3A_356 = arith.andi %ne3A_352, %ne3A_355 : i1
    %sub3A_357 = arith.constant 1 : i32
    %sub3A_358 = arith.subi %div3A_337, %sub3A_357 : i32
    %select_n3A_359 = arith.select %and3A_356, %sub3A_358, %div3A_337 : i32
    %jit3A_360 = arith.constant 8 : i32
    %eq3A_361 = arith.constant 0 : i32
    %eq3A_362 = arith.cmpi eq, %jit3A_360, %eq3A_361 : i32
    %jit3A_363 = arith.constant 1 : i32
    %select_n3A_364 = arith.select %eq3A_362, %jit3A_363, %jit3A_360 : i32
    %rem3A_365 = arith.remsi %add3A, %select_n3A_364 : i32
    %ne3A_366 = arith.constant 0 : i32
    %ne3A_367 = arith.cmpi ne, %rem3A_365, %ne3A_366 : i32
    %lt3A_368 = arith.constant 0 : i32
    %lt3A_369 = arith.cmpi slt, %rem3A_365, %lt3A_368 : i32
    %lt3A_370 = arith.constant 0 : i32
    %lt3A_371 = arith.cmpi slt, %select_n3A_364, %lt3A_370 : i32
    %ne3A_372 = arith.xori %lt3A_369, %lt3A_371 : i1
    %and3A_373 = arith.andi %ne3A_372, %ne3A_367 : i1
    %add3A_374 = arith.addi %rem3A_365, %select_n3A_364 : i32
    %select_n3A_375 = arith.select %and3A_373, %add3A_374, %rem3A_365 : i32
    %mul3A_376 = arith.constant 2048 : i32
    %mul3A_377 = arith.muli %select_n3A_375, %mul3A_376 : i32
    %add3A_378 = arith.constant 640 : i32
    %add3A_379 = arith.addi %mul3A_377, %add3A_378 : i32
    %dma_start3A_380 = arith.constant 0 : i32
    %dma_start3A_381 = tpu.memref_slice %arg4[%select_n3A_359, %add3A_379, %dma_start3A_380] : memref<4x16384x32xf32, #tpu.memory_space<hbm>> -> memref<1x128x32xf32, #tpu.memory_space<hbm>>
    %dma_start3A_382 = tpu.memref_squeeze %dma_start3A_381 : memref<1x128x32xf32, #tpu.memory_space<hbm>> -> memref<128x32xf32, #tpu.memory_space<hbm>>
    %dma_start3A_383 = arith.constant 0 : i32
    %dma_start3A_384 = tpu.memref_slice %arg4[%select_n3A_359, %add3A_379, %dma_start3A_383] : memref<4x16384x32xf32, #tpu.memory_space<hbm>> -> memref<1x128x32xf32, #tpu.memory_space<hbm>>
    %dma_start3A_385 = tpu.memref_squeeze %dma_start3A_384 : memref<1x128x32xf32, #tpu.memory_space<hbm>> -> memref<128x32xf32, #tpu.memory_space<hbm>>
    tpu.enqueue_dma source(%arg7 : memref<128x32xf32, #tpu.memory_space<vmem>>) target(%dma_start3A_385 : memref<128x32xf32, #tpu.memory_space<hbm>>) target_semaphore(%arg11 : memref<!tpu.dma_semaphore, #tpu.memory_space<semaphore_mem>>)
    %dma_wait3A_386 = arith.constant 0 : i32
    %dma_wait3A_387 = tpu.memref_slice %arg4[%select_n3A_359, %add3A_379, %dma_wait3A_386] : memref<4x16384x32xf32, #tpu.memory_space<hbm>> -> memref<1x128x32xf32, #tpu.memory_space<hbm>>
    %dma_wait3A_388 = tpu.memref_squeeze %dma_wait3A_387 : memref<1x128x32xf32, #tpu.memory_space<hbm>> -> memref<128x32xf32, #tpu.memory_space<hbm>>
    %dma_wait3A_389 = arith.constant 0 : i32
    %dma_wait3A_390 = tpu.memref_slice %arg4[%select_n3A_359, %add3A_379, %dma_wait3A_389] : memref<4x16384x32xf32, #tpu.memory_space<hbm>> -> memref<1x128x32xf32, #tpu.memory_space<hbm>>
    %dma_wait3A_391 = tpu.memref_squeeze %dma_wait3A_390 : memref<1x128x32xf32, #tpu.memory_space<hbm>> -> memref<128x32xf32, #tpu.memory_space<hbm>>
    tpu.wait_dma2 semaphore(%arg11 : memref<!tpu.dma_semaphore, #tpu.memory_space<semaphore_mem>>) src(%arg7 : memref<128x32xf32, #tpu.memory_space<vmem>>) dst(%dma_wait3A_391 : memref<128x32xf32, #tpu.memory_space<hbm>>)
    %dma_start3A_392 = arith.constant 896 : i32
    %dma_start3A_393 = tpu.memref_slice %arg5[%dma_start3A_392] : memref<2048xi32, #tpu.memory_space<vmem>> -> memref<128xi32, #tpu.memory_space<vmem>>
    %dma_start3A_394 = arith.constant 0 : i32
    %dma_start3A_395 = arith.constant 0 : i32
    %dma_start3A_396 = tpu.memref_slice %arg2[%dma_start3A_394, %dma_start3A_395] : memref<4096x32xf32, #tpu.memory_space<hbm>> -> memref<4096x32xf32, #tpu.memory_space<hbm>>
    tpu.enqueue_indirect_dma source(%dma_start3A_396 : memref<4096x32xf32, #tpu.memory_space<hbm>>) target(%arg7 : memref<128x32xf32, #tpu.memory_space<vmem>>) offsets(%dma_start3A_393 : memref<128xi32, #tpu.memory_space<vmem>>) semaphore(%arg9 : memref<!tpu.dma_semaphore, #tpu.memory_space<semaphore_mem>>)
    %dma_wait3A_397 = arith.constant 768 : i32
    %dma_wait3A_398 = tpu.memref_slice %arg5[%dma_wait3A_397] : memref<2048xi32, #tpu.memory_space<vmem>> -> memref<128xi32, #tpu.memory_space<vmem>>
    %dma_wait3A_399 = arith.constant 0 : i32
    %dma_wait3A_400 = arith.constant 0 : i32
    %dma_wait3A_401 = tpu.memref_slice %arg2[%dma_wait3A_399, %dma_wait3A_400] : memref<4096x32xf32, #tpu.memory_space<hbm>> -> memref<4096x32xf32, #tpu.memory_space<hbm>>
    tpu.wait_indirect_dma semaphore(%arg8 : memref<!tpu.dma_semaphore, #tpu.memory_space<semaphore_mem>>) src(%dma_wait3A_401 : memref<4096x32xf32, #tpu.memory_space<hbm>>) dst(%arg6 : memref<128x32xf32, #tpu.memory_space<vmem>>)
    %jit3A_402 = arith.constant 8 : i32
    %div3A_403 = arith.divsi %add3A, %jit3A_402 : i32
    %sign3A_404 = arith.constant 0 : i32
    %sign3A_405 = arith.cmpi sgt, %add3A, %sign3A_404 : i32
    %sign3A_406 = arith.extui %sign3A_405 : i1 to i32
    %sign3A_407 = arith.constant 0 : i32
    %sign3A_408 = arith.cmpi slt, %add3A, %sign3A_407 : i32
    %sign3A_409 = arith.extui %sign3A_408 : i1 to i32
    %sign3A_410 = arith.subi %sign3A_406, %sign3A_409 : i32
    %sign3A_411 = arith.constant 0 : i32
    %sign3A_412 = arith.cmpi sgt, %jit3A_402, %sign3A_411 : i32
    %sign3A_413 = arith.extui %sign3A_412 : i1 to i32
    %sign3A_414 = arith.constant 0 : i32
    %sign3A_415 = arith.cmpi slt, %jit3A_402, %sign3A_414 : i32
    %sign3A_416 = arith.extui %sign3A_415 : i1 to i32
    %sign3A_417 = arith.subi %sign3A_413, %sign3A_416 : i32
    %ne3A_418 = arith.cmpi ne, %sign3A_410, %sign3A_417 : i32
    %rem3A_419 = arith.remsi %add3A, %jit3A_402 : i32
    %ne3A_420 = arith.constant 0 : i32
    %ne3A_421 = arith.cmpi ne, %rem3A_419, %ne3A_420 : i32
    %and3A_422 = arith.andi %ne3A_418, %ne3A_421 : i1
    %sub3A_423 = arith.constant 1 : i32
    %sub3A_424 = arith.subi %div3A_403, %sub3A_423 : i32
    %select_n3A_425 = arith.select %and3A_422, %sub3A_424, %div3A_403 : i32
    %jit3A_426 = arith.constant 8 : i32
    %eq3A_427 = arith.constant 0 : i32
    %eq3A_428 = arith.cmpi eq, %jit3A_426, %eq3A_427 : i32
    %jit3A_429 = arith.constant 1 : i32
    %select_n3A_430 = arith.select %eq3A_428, %jit3A_429, %jit3A_426 : i32
    %rem3A_431 = arith.remsi %add3A, %select_n3A_430 : i32
    %ne3A_432 = arith.constant 0 : i32
    %ne3A_433 = arith.cmpi ne, %rem3A_431, %ne3A_432 : i32
    %lt3A_434 = arith.constant 0 : i32
    %lt3A_435 = arith.cmpi slt, %rem3A_431, %lt3A_434 : i32
    %lt3A_436 = arith.constant 0 : i32
    %lt3A_437 = arith.cmpi slt, %select_n3A_430, %lt3A_436 : i32
    %ne3A_438 = arith.xori %lt3A_435, %lt3A_437 : i1
    %and3A_439 = arith.andi %ne3A_438, %ne3A_433 : i1
    %add3A_440 = arith.addi %rem3A_431, %select_n3A_430 : i32
    %select_n3A_441 = arith.select %and3A_439, %add3A_440, %rem3A_431 : i32
    %mul3A_442 = arith.constant 2048 : i32
    %mul3A_443 = arith.muli %select_n3A_441, %mul3A_442 : i32
    %add3A_444 = arith.constant 768 : i32
    %add3A_445 = arith.addi %mul3A_443, %add3A_444 : i32
    %dma_start3A_446 = arith.constant 0 : i32
    %dma_start3A_447 = tpu.memref_slice %arg4[%select_n3A_425, %add3A_445, %dma_start3A_446] : memref<4x16384x32xf32, #tpu.memory_space<hbm>> -> memref<1x128x32xf32, #tpu.memory_space<hbm>>
    %dma_start3A_448 = tpu.memref_squeeze %dma_start3A_447 : memref<1x128x32xf32, #tpu.memory_space<hbm>> -> memref<128x32xf32, #tpu.memory_space<hbm>>
    %dma_start3A_449 = arith.constant 0 : i32
    %dma_start3A_450 = tpu.memref_slice %arg4[%select_n3A_425, %add3A_445, %dma_start3A_449] : memref<4x16384x32xf32, #tpu.memory_space<hbm>> -> memref<1x128x32xf32, #tpu.memory_space<hbm>>
    %dma_start3A_451 = tpu.memref_squeeze %dma_start3A_450 : memref<1x128x32xf32, #tpu.memory_space<hbm>> -> memref<128x32xf32, #tpu.memory_space<hbm>>
    tpu.enqueue_dma source(%arg6 : memref<128x32xf32, #tpu.memory_space<vmem>>) target(%dma_start3A_451 : memref<128x32xf32, #tpu.memory_space<hbm>>) target_semaphore(%arg10 : memref<!tpu.dma_semaphore, #tpu.memory_space<semaphore_mem>>)
    %dma_wait3A_452 = arith.constant 0 : i32
    %dma_wait3A_453 = tpu.memref_slice %arg4[%select_n3A_425, %add3A_445, %dma_wait3A_452] : memref<4x16384x32xf32, #tpu.memory_space<hbm>> -> memref<1x128x32xf32, #tpu.memory_space<hbm>>
    %dma_wait3A_454 = tpu.memref_squeeze %dma_wait3A_453 : memref<1x128x32xf32, #tpu.memory_space<hbm>> -> memref<128x32xf32, #tpu.memory_space<hbm>>
    %dma_wait3A_455 = arith.constant 0 : i32
    %dma_wait3A_456 = tpu.memref_slice %arg4[%select_n3A_425, %add3A_445, %dma_wait3A_455] : memref<4x16384x32xf32, #tpu.memory_space<hbm>> -> memref<1x128x32xf32, #tpu.memory_space<hbm>>
    %dma_wait3A_457 = tpu.memref_squeeze %dma_wait3A_456 : memref<1x128x32xf32, #tpu.memory_space<hbm>> -> memref<128x32xf32, #tpu.memory_space<hbm>>
    tpu.wait_dma2 semaphore(%arg10 : memref<!tpu.dma_semaphore, #tpu.memory_space<semaphore_mem>>) src(%arg6 : memref<128x32xf32, #tpu.memory_space<vmem>>) dst(%dma_wait3A_457 : memref<128x32xf32, #tpu.memory_space<hbm>>)
    %dma_start3A_458 = arith.constant 1024 : i32
    %dma_start3A_459 = tpu.memref_slice %arg5[%dma_start3A_458] : memref<2048xi32, #tpu.memory_space<vmem>> -> memref<128xi32, #tpu.memory_space<vmem>>
    %dma_start3A_460 = arith.constant 0 : i32
    %dma_start3A_461 = arith.constant 0 : i32
    %dma_start3A_462 = tpu.memref_slice %arg2[%dma_start3A_460, %dma_start3A_461] : memref<4096x32xf32, #tpu.memory_space<hbm>> -> memref<4096x32xf32, #tpu.memory_space<hbm>>
    tpu.enqueue_indirect_dma source(%dma_start3A_462 : memref<4096x32xf32, #tpu.memory_space<hbm>>) target(%arg6 : memref<128x32xf32, #tpu.memory_space<vmem>>) offsets(%dma_start3A_459 : memref<128xi32, #tpu.memory_space<vmem>>) semaphore(%arg8 : memref<!tpu.dma_semaphore, #tpu.memory_space<semaphore_mem>>)
    %dma_wait3A_463 = arith.constant 896 : i32
    %dma_wait3A_464 = tpu.memref_slice %arg5[%dma_wait3A_463] : memref<2048xi32, #tpu.memory_space<vmem>> -> memref<128xi32, #tpu.memory_space<vmem>>
    %dma_wait3A_465 = arith.constant 0 : i32
    %dma_wait3A_466 = arith.constant 0 : i32
    %dma_wait3A_467 = tpu.memref_slice %arg2[%dma_wait3A_465, %dma_wait3A_466] : memref<4096x32xf32, #tpu.memory_space<hbm>> -> memref<4096x32xf32, #tpu.memory_space<hbm>>
    tpu.wait_indirect_dma semaphore(%arg9 : memref<!tpu.dma_semaphore, #tpu.memory_space<semaphore_mem>>) src(%dma_wait3A_467 : memref<4096x32xf32, #tpu.memory_space<hbm>>) dst(%arg7 : memref<128x32xf32, #tpu.memory_space<vmem>>)
    %jit3A_468 = arith.constant 8 : i32
    %div3A_469 = arith.divsi %add3A, %jit3A_468 : i32
    %sign3A_470 = arith.constant 0 : i32
    %sign3A_471 = arith.cmpi sgt, %add3A, %sign3A_470 : i32
    %sign3A_472 = arith.extui %sign3A_471 : i1 to i32
    %sign3A_473 = arith.constant 0 : i32
    %sign3A_474 = arith.cmpi slt, %add3A, %sign3A_473 : i32
    %sign3A_475 = arith.extui %sign3A_474 : i1 to i32
    %sign3A_476 = arith.subi %sign3A_472, %sign3A_475 : i32
    %sign3A_477 = arith.constant 0 : i32
    %sign3A_478 = arith.cmpi sgt, %jit3A_468, %sign3A_477 : i32
    %sign3A_479 = arith.extui %sign3A_478 : i1 to i32
    %sign3A_480 = arith.constant 0 : i32
    %sign3A_481 = arith.cmpi slt, %jit3A_468, %sign3A_480 : i32
    %sign3A_482 = arith.extui %sign3A_481 : i1 to i32
    %sign3A_483 = arith.subi %sign3A_479, %sign3A_482 : i32
    %ne3A_484 = arith.cmpi ne, %sign3A_476, %sign3A_483 : i32
    %rem3A_485 = arith.remsi %add3A, %jit3A_468 : i32
    %ne3A_486 = arith.constant 0 : i32
    %ne3A_487 = arith.cmpi ne, %rem3A_485, %ne3A_486 : i32
    %and3A_488 = arith.andi %ne3A_484, %ne3A_487 : i1
    %sub3A_489 = arith.constant 1 : i32
    %sub3A_490 = arith.subi %div3A_469, %sub3A_489 : i32
    %select_n3A_491 = arith.select %and3A_488, %sub3A_490, %div3A_469 : i32
    %jit3A_492 = arith.constant 8 : i32
    %eq3A_493 = arith.constant 0 : i32
    %eq3A_494 = arith.cmpi eq, %jit3A_492, %eq3A_493 : i32
    %jit3A_495 = arith.constant 1 : i32
    %select_n3A_496 = arith.select %eq3A_494, %jit3A_495, %jit3A_492 : i32
    %rem3A_497 = arith.remsi %add3A, %select_n3A_496 : i32
    %ne3A_498 = arith.constant 0 : i32
    %ne3A_499 = arith.cmpi ne, %rem3A_497, %ne3A_498 : i32
    %lt3A_500 = arith.constant 0 : i32
    %lt3A_501 = arith.cmpi slt, %rem3A_497, %lt3A_500 : i32
    %lt3A_502 = arith.constant 0 : i32
    %lt3A_503 = arith.cmpi slt, %select_n3A_496, %lt3A_502 : i32
    %ne3A_504 = arith.xori %lt3A_501, %lt3A_503 : i1
    %and3A_505 = arith.andi %ne3A_504, %ne3A_499 : i1
    %add3A_506 = arith.addi %rem3A_497, %select_n3A_496 : i32
    %select_n3A_507 = arith.select %and3A_505, %add3A_506, %rem3A_497 : i32
    %mul3A_508 = arith.constant 2048 : i32
    %mul3A_509 = arith.muli %select_n3A_507, %mul3A_508 : i32
    %add3A_510 = arith.constant 896 : i32
    %add3A_511 = arith.addi %mul3A_509, %add3A_510 : i32
    %dma_start3A_512 = arith.constant 0 : i32
    %dma_start3A_513 = tpu.memref_slice %arg4[%select_n3A_491, %add3A_511, %dma_start3A_512] : memref<4x16384x32xf32, #tpu.memory_space<hbm>> -> memref<1x128x32xf32, #tpu.memory_space<hbm>>
    %dma_start3A_514 = tpu.memref_squeeze %dma_start3A_513 : memref<1x128x32xf32, #tpu.memory_space<hbm>> -> memref<128x32xf32, #tpu.memory_space<hbm>>
    %dma_start3A_515 = arith.constant 0 : i32
    %dma_start3A_516 = tpu.memref_slice %arg4[%select_n3A_491, %add3A_511, %dma_start3A_515] : memref<4x16384x32xf32, #tpu.memory_space<hbm>> -> memref<1x128x32xf32, #tpu.memory_space<hbm>>
    %dma_start3A_517 = tpu.memref_squeeze %dma_start3A_516 : memref<1x128x32xf32, #tpu.memory_space<hbm>> -> memref<128x32xf32, #tpu.memory_space<hbm>>
    tpu.enqueue_dma source(%arg7 : memref<128x32xf32, #tpu.memory_space<vmem>>) target(%dma_start3A_517 : memref<128x32xf32, #tpu.memory_space<hbm>>) target_semaphore(%arg11 : memref<!tpu.dma_semaphore, #tpu.memory_space<semaphore_mem>>)
    %dma_wait3A_518 = arith.constant 0 : i32
    %dma_wait3A_519 = tpu.memref_slice %arg4[%select_n3A_491, %add3A_511, %dma_wait3A_518] : memref<4x16384x32xf32, #tpu.memory_space<hbm>> -> memref<1x128x32xf32, #tpu.memory_space<hbm>>
    %dma_wait3A_520 = tpu.memref_squeeze %dma_wait3A_519 : memref<1x128x32xf32, #tpu.memory_space<hbm>> -> memref<128x32xf32, #tpu.memory_space<hbm>>
    %dma_wait3A_521 = arith.constant 0 : i32
    %dma_wait3A_522 = tpu.memref_slice %arg4[%select_n3A_491, %add3A_511, %dma_wait3A_521] : memref<4x16384x32xf32, #tpu.memory_space<hbm>> -> memref<1x128x32xf32, #tpu.memory_space<hbm>>
    %dma_wait3A_523 = tpu.memref_squeeze %dma_wait3A_522 : memref<1x128x32xf32, #tpu.memory_space<hbm>> -> memref<128x32xf32, #tpu.memory_space<hbm>>
    tpu.wait_dma2 semaphore(%arg11 : memref<!tpu.dma_semaphore, #tpu.memory_space<semaphore_mem>>) src(%arg7 : memref<128x32xf32, #tpu.memory_space<vmem>>) dst(%dma_wait3A_523 : memref<128x32xf32, #tpu.memory_space<hbm>>)
    %dma_start3A_524 = arith.constant 1152 : i32
    %dma_start3A_525 = tpu.memref_slice %arg5[%dma_start3A_524] : memref<2048xi32, #tpu.memory_space<vmem>> -> memref<128xi32, #tpu.memory_space<vmem>>
    %dma_start3A_526 = arith.constant 0 : i32
    %dma_start3A_527 = arith.constant 0 : i32
    %dma_start3A_528 = tpu.memref_slice %arg2[%dma_start3A_526, %dma_start3A_527] : memref<4096x32xf32, #tpu.memory_space<hbm>> -> memref<4096x32xf32, #tpu.memory_space<hbm>>
    tpu.enqueue_indirect_dma source(%dma_start3A_528 : memref<4096x32xf32, #tpu.memory_space<hbm>>) target(%arg7 : memref<128x32xf32, #tpu.memory_space<vmem>>) offsets(%dma_start3A_525 : memref<128xi32, #tpu.memory_space<vmem>>) semaphore(%arg9 : memref<!tpu.dma_semaphore, #tpu.memory_space<semaphore_mem>>)
    %dma_wait3A_529 = arith.constant 1024 : i32
    %dma_wait3A_530 = tpu.memref_slice %arg5[%dma_wait3A_529] : memref<2048xi32, #tpu.memory_space<vmem>> -> memref<128xi32, #tpu.memory_space<vmem>>
    %dma_wait3A_531 = arith.constant 0 : i32
    %dma_wait3A_532 = arith.constant 0 : i32
    %dma_wait3A_533 = tpu.memref_slice %arg2[%dma_wait3A_531, %dma_wait3A_532] : memref<4096x32xf32, #tpu.memory_space<hbm>> -> memref<4096x32xf32, #tpu.memory_space<hbm>>
    tpu.wait_indirect_dma semaphore(%arg8 : memref<!tpu.dma_semaphore, #tpu.memory_space<semaphore_mem>>) src(%dma_wait3A_533 : memref<4096x32xf32, #tpu.memory_space<hbm>>) dst(%arg6 : memref<128x32xf32, #tpu.memory_space<vmem>>)
    %jit3A_534 = arith.constant 8 : i32
    %div3A_535 = arith.divsi %add3A, %jit3A_534 : i32
    %sign3A_536 = arith.constant 0 : i32
    %sign3A_537 = arith.cmpi sgt, %add3A, %sign3A_536 : i32
    %sign3A_538 = arith.extui %sign3A_537 : i1 to i32
    %sign3A_539 = arith.constant 0 : i32
    %sign3A_540 = arith.cmpi slt, %add3A, %sign3A_539 : i32
    %sign3A_541 = arith.extui %sign3A_540 : i1 to i32
    %sign3A_542 = arith.subi %sign3A_538, %sign3A_541 : i32
    %sign3A_543 = arith.constant 0 : i32
    %sign3A_544 = arith.cmpi sgt, %jit3A_534, %sign3A_543 : i32
    %sign3A_545 = arith.extui %sign3A_544 : i1 to i32
    %sign3A_546 = arith.constant 0 : i32
    %sign3A_547 = arith.cmpi slt, %jit3A_534, %sign3A_546 : i32
    %sign3A_548 = arith.extui %sign3A_547 : i1 to i32
    %sign3A_549 = arith.subi %sign3A_545, %sign3A_548 : i32
    %ne3A_550 = arith.cmpi ne, %sign3A_542, %sign3A_549 : i32
    %rem3A_551 = arith.remsi %add3A, %jit3A_534 : i32
    %ne3A_552 = arith.constant 0 : i32
    %ne3A_553 = arith.cmpi ne, %rem3A_551, %ne3A_552 : i32
    %and3A_554 = arith.andi %ne3A_550, %ne3A_553 : i1
    %sub3A_555 = arith.constant 1 : i32
    %sub3A_556 = arith.subi %div3A_535, %sub3A_555 : i32
    %select_n3A_557 = arith.select %and3A_554, %sub3A_556, %div3A_535 : i32
    %jit3A_558 = arith.constant 8 : i32
    %eq3A_559 = arith.constant 0 : i32
    %eq3A_560 = arith.cmpi eq, %jit3A_558, %eq3A_559 : i32
    %jit3A_561 = arith.constant 1 : i32
    %select_n3A_562 = arith.select %eq3A_560, %jit3A_561, %jit3A_558 : i32
    %rem3A_563 = arith.remsi %add3A, %select_n3A_562 : i32
    %ne3A_564 = arith.constant 0 : i32
    %ne3A_565 = arith.cmpi ne, %rem3A_563, %ne3A_564 : i32
    %lt3A_566 = arith.constant 0 : i32
    %lt3A_567 = arith.cmpi slt, %rem3A_563, %lt3A_566 : i32
    %lt3A_568 = arith.constant 0 : i32
    %lt3A_569 = arith.cmpi slt, %select_n3A_562, %lt3A_568 : i32
    %ne3A_570 = arith.xori %lt3A_567, %lt3A_569 : i1
    %and3A_571 = arith.andi %ne3A_570, %ne3A_565 : i1
    %add3A_572 = arith.addi %rem3A_563, %select_n3A_562 : i32
    %select_n3A_573 = arith.select %and3A_571, %add3A_572, %rem3A_563 : i32
    %mul3A_574 = arith.constant 2048 : i32
    %mul3A_575 = arith.muli %select_n3A_573, %mul3A_574 : i32
    %add3A_576 = arith.constant 1024 : i32
    %add3A_577 = arith.addi %mul3A_575, %add3A_576 : i32
    %dma_start3A_578 = arith.constant 0 : i32
    %dma_start3A_579 = tpu.memref_slice %arg4[%select_n3A_557, %add3A_577, %dma_start3A_578] : memref<4x16384x32xf32, #tpu.memory_space<hbm>> -> memref<1x128x32xf32, #tpu.memory_space<hbm>>
    %dma_start3A_580 = tpu.memref_squeeze %dma_start3A_579 : memref<1x128x32xf32, #tpu.memory_space<hbm>> -> memref<128x32xf32, #tpu.memory_space<hbm>>
    %dma_start3A_581 = arith.constant 0 : i32
    %dma_start3A_582 = tpu.memref_slice %arg4[%select_n3A_557, %add3A_577, %dma_start3A_581] : memref<4x16384x32xf32, #tpu.memory_space<hbm>> -> memref<1x128x32xf32, #tpu.memory_space<hbm>>
    %dma_start3A_583 = tpu.memref_squeeze %dma_start3A_582 : memref<1x128x32xf32, #tpu.memory_space<hbm>> -> memref<128x32xf32, #tpu.memory_space<hbm>>
    tpu.enqueue_dma source(%arg6 : memref<128x32xf32, #tpu.memory_space<vmem>>) target(%dma_start3A_583 : memref<128x32xf32, #tpu.memory_space<hbm>>) target_semaphore(%arg10 : memref<!tpu.dma_semaphore, #tpu.memory_space<semaphore_mem>>)
    %dma_wait3A_584 = arith.constant 0 : i32
    %dma_wait3A_585 = tpu.memref_slice %arg4[%select_n3A_557, %add3A_577, %dma_wait3A_584] : memref<4x16384x32xf32, #tpu.memory_space<hbm>> -> memref<1x128x32xf32, #tpu.memory_space<hbm>>
    %dma_wait3A_586 = tpu.memref_squeeze %dma_wait3A_585 : memref<1x128x32xf32, #tpu.memory_space<hbm>> -> memref<128x32xf32, #tpu.memory_space<hbm>>
    %dma_wait3A_587 = arith.constant 0 : i32
    %dma_wait3A_588 = tpu.memref_slice %arg4[%select_n3A_557, %add3A_577, %dma_wait3A_587] : memref<4x16384x32xf32, #tpu.memory_space<hbm>> -> memref<1x128x32xf32, #tpu.memory_space<hbm>>
    %dma_wait3A_589 = tpu.memref_squeeze %dma_wait3A_588 : memref<1x128x32xf32, #tpu.memory_space<hbm>> -> memref<128x32xf32, #tpu.memory_space<hbm>>
    tpu.wait_dma2 semaphore(%arg10 : memref<!tpu.dma_semaphore, #tpu.memory_space<semaphore_mem>>) src(%arg6 : memref<128x32xf32, #tpu.memory_space<vmem>>) dst(%dma_wait3A_589 : memref<128x32xf32, #tpu.memory_space<hbm>>)
    %dma_start3A_590 = arith.constant 1280 : i32
    %dma_start3A_591 = tpu.memref_slice %arg5[%dma_start3A_590] : memref<2048xi32, #tpu.memory_space<vmem>> -> memref<128xi32, #tpu.memory_space<vmem>>
    %dma_start3A_592 = arith.constant 0 : i32
    %dma_start3A_593 = arith.constant 0 : i32
    %dma_start3A_594 = tpu.memref_slice %arg2[%dma_start3A_592, %dma_start3A_593] : memref<4096x32xf32, #tpu.memory_space<hbm>> -> memref<4096x32xf32, #tpu.memory_space<hbm>>
    tpu.enqueue_indirect_dma source(%dma_start3A_594 : memref<4096x32xf32, #tpu.memory_space<hbm>>) target(%arg6 : memref<128x32xf32, #tpu.memory_space<vmem>>) offsets(%dma_start3A_591 : memref<128xi32, #tpu.memory_space<vmem>>) semaphore(%arg8 : memref<!tpu.dma_semaphore, #tpu.memory_space<semaphore_mem>>)
    %dma_wait3A_595 = arith.constant 1152 : i32
    %dma_wait3A_596 = tpu.memref_slice %arg5[%dma_wait3A_595] : memref<2048xi32, #tpu.memory_space<vmem>> -> memref<128xi32, #tpu.memory_space<vmem>>
    %dma_wait3A_597 = arith.constant 0 : i32
    %dma_wait3A_598 = arith.constant 0 : i32
    %dma_wait3A_599 = tpu.memref_slice %arg2[%dma_wait3A_597, %dma_wait3A_598] : memref<4096x32xf32, #tpu.memory_space<hbm>> -> memref<4096x32xf32, #tpu.memory_space<hbm>>
    tpu.wait_indirect_dma semaphore(%arg9 : memref<!tpu.dma_semaphore, #tpu.memory_space<semaphore_mem>>) src(%dma_wait3A_599 : memref<4096x32xf32, #tpu.memory_space<hbm>>) dst(%arg7 : memref<128x32xf32, #tpu.memory_space<vmem>>)
    %jit3A_600 = arith.constant 8 : i32
    %div3A_601 = arith.divsi %add3A, %jit3A_600 : i32
    %sign3A_602 = arith.constant 0 : i32
    %sign3A_603 = arith.cmpi sgt, %add3A, %sign3A_602 : i32
    %sign3A_604 = arith.extui %sign3A_603 : i1 to i32
    %sign3A_605 = arith.constant 0 : i32
    %sign3A_606 = arith.cmpi slt, %add3A, %sign3A_605 : i32
    %sign3A_607 = arith.extui %sign3A_606 : i1 to i32
    %sign3A_608 = arith.subi %sign3A_604, %sign3A_607 : i32
    %sign3A_609 = arith.constant 0 : i32
    %sign3A_610 = arith.cmpi sgt, %jit3A_600, %sign3A_609 : i32
    %sign3A_611 = arith.extui %sign3A_610 : i1 to i32
    %sign3A_612 = arith.constant 0 : i32
    %sign3A_613 = arith.cmpi slt, %jit3A_600, %sign3A_612 : i32
    %sign3A_614 = arith.extui %sign3A_613 : i1 to i32
    %sign3A_615 = arith.subi %sign3A_611, %sign3A_614 : i32
    %ne3A_616 = arith.cmpi ne, %sign3A_608, %sign3A_615 : i32
    %rem3A_617 = arith.remsi %add3A, %jit3A_600 : i32
    %ne3A_618 = arith.constant 0 : i32
    %ne3A_619 = arith.cmpi ne, %rem3A_617, %ne3A_618 : i32
    %and3A_620 = arith.andi %ne3A_616, %ne3A_619 : i1
    %sub3A_621 = arith.constant 1 : i32
    %sub3A_622 = arith.subi %div3A_601, %sub3A_621 : i32
    %select_n3A_623 = arith.select %and3A_620, %sub3A_622, %div3A_601 : i32
    %jit3A_624 = arith.constant 8 : i32
    %eq3A_625 = arith.constant 0 : i32
    %eq3A_626 = arith.cmpi eq, %jit3A_624, %eq3A_625 : i32
    %jit3A_627 = arith.constant 1 : i32
    %select_n3A_628 = arith.select %eq3A_626, %jit3A_627, %jit3A_624 : i32
    %rem3A_629 = arith.remsi %add3A, %select_n3A_628 : i32
    %ne3A_630 = arith.constant 0 : i32
    %ne3A_631 = arith.cmpi ne, %rem3A_629, %ne3A_630 : i32
    %lt3A_632 = arith.constant 0 : i32
    %lt3A_633 = arith.cmpi slt, %rem3A_629, %lt3A_632 : i32
    %lt3A_634 = arith.constant 0 : i32
    %lt3A_635 = arith.cmpi slt, %select_n3A_628, %lt3A_634 : i32
    %ne3A_636 = arith.xori %lt3A_633, %lt3A_635 : i1
    %and3A_637 = arith.andi %ne3A_636, %ne3A_631 : i1
    %add3A_638 = arith.addi %rem3A_629, %select_n3A_628 : i32
    %select_n3A_639 = arith.select %and3A_637, %add3A_638, %rem3A_629 : i32
    %mul3A_640 = arith.constant 2048 : i32
    %mul3A_641 = arith.muli %select_n3A_639, %mul3A_640 : i32
    %add3A_642 = arith.constant 1152 : i32
    %add3A_643 = arith.addi %mul3A_641, %add3A_642 : i32
    %dma_start3A_644 = arith.constant 0 : i32
    %dma_start3A_645 = tpu.memref_slice %arg4[%select_n3A_623, %add3A_643, %dma_start3A_644] : memref<4x16384x32xf32, #tpu.memory_space<hbm>> -> memref<1x128x32xf32, #tpu.memory_space<hbm>>
    %dma_start3A_646 = tpu.memref_squeeze %dma_start3A_645 : memref<1x128x32xf32, #tpu.memory_space<hbm>> -> memref<128x32xf32, #tpu.memory_space<hbm>>
    %dma_start3A_647 = arith.constant 0 : i32
    %dma_start3A_648 = tpu.memref_slice %arg4[%select_n3A_623, %add3A_643, %dma_start3A_647] : memref<4x16384x32xf32, #tpu.memory_space<hbm>> -> memref<1x128x32xf32, #tpu.memory_space<hbm>>
    %dma_start3A_649 = tpu.memref_squeeze %dma_start3A_648 : memref<1x128x32xf32, #tpu.memory_space<hbm>> -> memref<128x32xf32, #tpu.memory_space<hbm>>
    tpu.enqueue_dma source(%arg7 : memref<128x32xf32, #tpu.memory_space<vmem>>) target(%dma_start3A_649 : memref<128x32xf32, #tpu.memory_space<hbm>>) target_semaphore(%arg11 : memref<!tpu.dma_semaphore, #tpu.memory_space<semaphore_mem>>)
    %dma_wait3A_650 = arith.constant 0 : i32
    %dma_wait3A_651 = tpu.memref_slice %arg4[%select_n3A_623, %add3A_643, %dma_wait3A_650] : memref<4x16384x32xf32, #tpu.memory_space<hbm>> -> memref<1x128x32xf32, #tpu.memory_space<hbm>>
    %dma_wait3A_652 = tpu.memref_squeeze %dma_wait3A_651 : memref<1x128x32xf32, #tpu.memory_space<hbm>> -> memref<128x32xf32, #tpu.memory_space<hbm>>
    %dma_wait3A_653 = arith.constant 0 : i32
    %dma_wait3A_654 = tpu.memref_slice %arg4[%select_n3A_623, %add3A_643, %dma_wait3A_653] : memref<4x16384x32xf32, #tpu.memory_space<hbm>> -> memref<1x128x32xf32, #tpu.memory_space<hbm>>
    %dma_wait3A_655 = tpu.memref_squeeze %dma_wait3A_654 : memref<1x128x32xf32, #tpu.memory_space<hbm>> -> memref<128x32xf32, #tpu.memory_space<hbm>>
    tpu.wait_dma2 semaphore(%arg11 : memref<!tpu.dma_semaphore, #tpu.memory_space<semaphore_mem>>) src(%arg7 : memref<128x32xf32, #tpu.memory_space<vmem>>) dst(%dma_wait3A_655 : memref<128x32xf32, #tpu.memory_space<hbm>>)
    %dma_start3A_656 = arith.constant 1408 : i32
    %dma_start3A_657 = tpu.memref_slice %arg5[%dma_start3A_656] : memref<2048xi32, #tpu.memory_space<vmem>> -> memref<128xi32, #tpu.memory_space<vmem>>
    %dma_start3A_658 = arith.constant 0 : i32
    %dma_start3A_659 = arith.constant 0 : i32
    %dma_start3A_660 = tpu.memref_slice %arg2[%dma_start3A_658, %dma_start3A_659] : memref<4096x32xf32, #tpu.memory_space<hbm>> -> memref<4096x32xf32, #tpu.memory_space<hbm>>
    tpu.enqueue_indirect_dma source(%dma_start3A_660 : memref<4096x32xf32, #tpu.memory_space<hbm>>) target(%arg7 : memref<128x32xf32, #tpu.memory_space<vmem>>) offsets(%dma_start3A_657 : memref<128xi32, #tpu.memory_space<vmem>>) semaphore(%arg9 : memref<!tpu.dma_semaphore, #tpu.memory_space<semaphore_mem>>)
    %dma_wait3A_661 = arith.constant 1280 : i32
    %dma_wait3A_662 = tpu.memref_slice %arg5[%dma_wait3A_661] : memref<2048xi32, #tpu.memory_space<vmem>> -> memref<128xi32, #tpu.memory_space<vmem>>
    %dma_wait3A_663 = arith.constant 0 : i32
    %dma_wait3A_664 = arith.constant 0 : i32
    %dma_wait3A_665 = tpu.memref_slice %arg2[%dma_wait3A_663, %dma_wait3A_664] : memref<4096x32xf32, #tpu.memory_space<hbm>> -> memref<4096x32xf32, #tpu.memory_space<hbm>>
    tpu.wait_indirect_dma semaphore(%arg8 : memref<!tpu.dma_semaphore, #tpu.memory_space<semaphore_mem>>) src(%dma_wait3A_665 : memref<4096x32xf32, #tpu.memory_space<hbm>>) dst(%arg6 : memref<128x32xf32, #tpu.memory_space<vmem>>)
    %jit3A_666 = arith.constant 8 : i32
    %div3A_667 = arith.divsi %add3A, %jit3A_666 : i32
    %sign3A_668 = arith.constant 0 : i32
    %sign3A_669 = arith.cmpi sgt, %add3A, %sign3A_668 : i32
    %sign3A_670 = arith.extui %sign3A_669 : i1 to i32
    %sign3A_671 = arith.constant 0 : i32
    %sign3A_672 = arith.cmpi slt, %add3A, %sign3A_671 : i32
    %sign3A_673 = arith.extui %sign3A_672 : i1 to i32
    %sign3A_674 = arith.subi %sign3A_670, %sign3A_673 : i32
    %sign3A_675 = arith.constant 0 : i32
    %sign3A_676 = arith.cmpi sgt, %jit3A_666, %sign3A_675 : i32
    %sign3A_677 = arith.extui %sign3A_676 : i1 to i32
    %sign3A_678 = arith.constant 0 : i32
    %sign3A_679 = arith.cmpi slt, %jit3A_666, %sign3A_678 : i32
    %sign3A_680 = arith.extui %sign3A_679 : i1 to i32
    %sign3A_681 = arith.subi %sign3A_677, %sign3A_680 : i32
    %ne3A_682 = arith.cmpi ne, %sign3A_674, %sign3A_681 : i32
    %rem3A_683 = arith.remsi %add3A, %jit3A_666 : i32
    %ne3A_684 = arith.constant 0 : i32
    %ne3A_685 = arith.cmpi ne, %rem3A_683, %ne3A_684 : i32
    %and3A_686 = arith.andi %ne3A_682, %ne3A_685 : i1
    %sub3A_687 = arith.constant 1 : i32
    %sub3A_688 = arith.subi %div3A_667, %sub3A_687 : i32
    %select_n3A_689 = arith.select %and3A_686, %sub3A_688, %div3A_667 : i32
    %jit3A_690 = arith.constant 8 : i32
    %eq3A_691 = arith.constant 0 : i32
    %eq3A_692 = arith.cmpi eq, %jit3A_690, %eq3A_691 : i32
    %jit3A_693 = arith.constant 1 : i32
    %select_n3A_694 = arith.select %eq3A_692, %jit3A_693, %jit3A_690 : i32
    %rem3A_695 = arith.remsi %add3A, %select_n3A_694 : i32
    %ne3A_696 = arith.constant 0 : i32
    %ne3A_697 = arith.cmpi ne, %rem3A_695, %ne3A_696 : i32
    %lt3A_698 = arith.constant 0 : i32
    %lt3A_699 = arith.cmpi slt, %rem3A_695, %lt3A_698 : i32
    %lt3A_700 = arith.constant 0 : i32
    %lt3A_701 = arith.cmpi slt, %select_n3A_694, %lt3A_700 : i32
    %ne3A_702 = arith.xori %lt3A_699, %lt3A_701 : i1
    %and3A_703 = arith.andi %ne3A_702, %ne3A_697 : i1
    %add3A_704 = arith.addi %rem3A_695, %select_n3A_694 : i32
    %select_n3A_705 = arith.select %and3A_703, %add3A_704, %rem3A_695 : i32
    %mul3A_706 = arith.constant 2048 : i32
    %mul3A_707 = arith.muli %select_n3A_705, %mul3A_706 : i32
    %add3A_708 = arith.constant 1280 : i32
    %add3A_709 = arith.addi %mul3A_707, %add3A_708 : i32
    %dma_start3A_710 = arith.constant 0 : i32
    %dma_start3A_711 = tpu.memref_slice %arg4[%select_n3A_689, %add3A_709, %dma_start3A_710] : memref<4x16384x32xf32, #tpu.memory_space<hbm>> -> memref<1x128x32xf32, #tpu.memory_space<hbm>>
    %dma_start3A_712 = tpu.memref_squeeze %dma_start3A_711 : memref<1x128x32xf32, #tpu.memory_space<hbm>> -> memref<128x32xf32, #tpu.memory_space<hbm>>
    %dma_start3A_713 = arith.constant 0 : i32
    %dma_start3A_714 = tpu.memref_slice %arg4[%select_n3A_689, %add3A_709, %dma_start3A_713] : memref<4x16384x32xf32, #tpu.memory_space<hbm>> -> memref<1x128x32xf32, #tpu.memory_space<hbm>>
    %dma_start3A_715 = tpu.memref_squeeze %dma_start3A_714 : memref<1x128x32xf32, #tpu.memory_space<hbm>> -> memref<128x32xf32, #tpu.memory_space<hbm>>
    tpu.enqueue_dma source(%arg6 : memref<128x32xf32, #tpu.memory_space<vmem>>) target(%dma_start3A_715 : memref<128x32xf32, #tpu.memory_space<hbm>>) target_semaphore(%arg10 : memref<!tpu.dma_semaphore, #tpu.memory_space<semaphore_mem>>)
    %dma_wait3A_716 = arith.constant 0 : i32
    %dma_wait3A_717 = tpu.memref_slice %arg4[%select_n3A_689, %add3A_709, %dma_wait3A_716] : memref<4x16384x32xf32, #tpu.memory_space<hbm>> -> memref<1x128x32xf32, #tpu.memory_space<hbm>>
    %dma_wait3A_718 = tpu.memref_squeeze %dma_wait3A_717 : memref<1x128x32xf32, #tpu.memory_space<hbm>> -> memref<128x32xf32, #tpu.memory_space<hbm>>
    %dma_wait3A_719 = arith.constant 0 : i32
    %dma_wait3A_720 = tpu.memref_slice %arg4[%select_n3A_689, %add3A_709, %dma_wait3A_719] : memref<4x16384x32xf32, #tpu.memory_space<hbm>> -> memref<1x128x32xf32, #tpu.memory_space<hbm>>
    %dma_wait3A_721 = tpu.memref_squeeze %dma_wait3A_720 : memref<1x128x32xf32, #tpu.memory_space<hbm>> -> memref<128x32xf32, #tpu.memory_space<hbm>>
    tpu.wait_dma2 semaphore(%arg10 : memref<!tpu.dma_semaphore, #tpu.memory_space<semaphore_mem>>) src(%arg6 : memref<128x32xf32, #tpu.memory_space<vmem>>) dst(%dma_wait3A_721 : memref<128x32xf32, #tpu.memory_space<hbm>>)
    %dma_start3A_722 = arith.constant 1536 : i32
    %dma_start3A_723 = tpu.memref_slice %arg5[%dma_start3A_722] : memref<2048xi32, #tpu.memory_space<vmem>> -> memref<128xi32, #tpu.memory_space<vmem>>
    %dma_start3A_724 = arith.constant 0 : i32
    %dma_start3A_725 = arith.constant 0 : i32
    %dma_start3A_726 = tpu.memref_slice %arg2[%dma_start3A_724, %dma_start3A_725] : memref<4096x32xf32, #tpu.memory_space<hbm>> -> memref<4096x32xf32, #tpu.memory_space<hbm>>
    tpu.enqueue_indirect_dma source(%dma_start3A_726 : memref<4096x32xf32, #tpu.memory_space<hbm>>) target(%arg6 : memref<128x32xf32, #tpu.memory_space<vmem>>) offsets(%dma_start3A_723 : memref<128xi32, #tpu.memory_space<vmem>>) semaphore(%arg8 : memref<!tpu.dma_semaphore, #tpu.memory_space<semaphore_mem>>)
    %dma_wait3A_727 = arith.constant 1408 : i32
    %dma_wait3A_728 = tpu.memref_slice %arg5[%dma_wait3A_727] : memref<2048xi32, #tpu.memory_space<vmem>> -> memref<128xi32, #tpu.memory_space<vmem>>
    %dma_wait3A_729 = arith.constant 0 : i32
    %dma_wait3A_730 = arith.constant 0 : i32
    %dma_wait3A_731 = tpu.memref_slice %arg2[%dma_wait3A_729, %dma_wait3A_730] : memref<4096x32xf32, #tpu.memory_space<hbm>> -> memref<4096x32xf32, #tpu.memory_space<hbm>>
    tpu.wait_indirect_dma semaphore(%arg9 : memref<!tpu.dma_semaphore, #tpu.memory_space<semaphore_mem>>) src(%dma_wait3A_731 : memref<4096x32xf32, #tpu.memory_space<hbm>>) dst(%arg7 : memref<128x32xf32, #tpu.memory_space<vmem>>)
    %jit3A_732 = arith.constant 8 : i32
    %div3A_733 = arith.divsi %add3A, %jit3A_732 : i32
    %sign3A_734 = arith.constant 0 : i32
    %sign3A_735 = arith.cmpi sgt, %add3A, %sign3A_734 : i32
    %sign3A_736 = arith.extui %sign3A_735 : i1 to i32
    %sign3A_737 = arith.constant 0 : i32
    %sign3A_738 = arith.cmpi slt, %add3A, %sign3A_737 : i32
    %sign3A_739 = arith.extui %sign3A_738 : i1 to i32
    %sign3A_740 = arith.subi %sign3A_736, %sign3A_739 : i32
    %sign3A_741 = arith.constant 0 : i32
    %sign3A_742 = arith.cmpi sgt, %jit3A_732, %sign3A_741 : i32
    %sign3A_743 = arith.extui %sign3A_742 : i1 to i32
    %sign3A_744 = arith.constant 0 : i32
    %sign3A_745 = arith.cmpi slt, %jit3A_732, %sign3A_744 : i32
    %sign3A_746 = arith.extui %sign3A_745 : i1 to i32
    %sign3A_747 = arith.subi %sign3A_743, %sign3A_746 : i32
    %ne3A_748 = arith.cmpi ne, %sign3A_740, %sign3A_747 : i32
    %rem3A_749 = arith.remsi %add3A, %jit3A_732 : i32
    %ne3A_750 = arith.constant 0 : i32
    %ne3A_751 = arith.cmpi ne, %rem3A_749, %ne3A_750 : i32
    %and3A_752 = arith.andi %ne3A_748, %ne3A_751 : i1
    %sub3A_753 = arith.constant 1 : i32
    %sub3A_754 = arith.subi %div3A_733, %sub3A_753 : i32
    %select_n3A_755 = arith.select %and3A_752, %sub3A_754, %div3A_733 : i32
    %jit3A_756 = arith.constant 8 : i32
    %eq3A_757 = arith.constant 0 : i32
    %eq3A_758 = arith.cmpi eq, %jit3A_756, %eq3A_757 : i32
    %jit3A_759 = arith.constant 1 : i32
    %select_n3A_760 = arith.select %eq3A_758, %jit3A_759, %jit3A_756 : i32
    %rem3A_761 = arith.remsi %add3A, %select_n3A_760 : i32
    %ne3A_762 = arith.constant 0 : i32
    %ne3A_763 = arith.cmpi ne, %rem3A_761, %ne3A_762 : i32
    %lt3A_764 = arith.constant 0 : i32
    %lt3A_765 = arith.cmpi slt, %rem3A_761, %lt3A_764 : i32
    %lt3A_766 = arith.constant 0 : i32
    %lt3A_767 = arith.cmpi slt, %select_n3A_760, %lt3A_766 : i32
    %ne3A_768 = arith.xori %lt3A_765, %lt3A_767 : i1
    %and3A_769 = arith.andi %ne3A_768, %ne3A_763 : i1
    %add3A_770 = arith.addi %rem3A_761, %select_n3A_760 : i32
    %select_n3A_771 = arith.select %and3A_769, %add3A_770, %rem3A_761 : i32
    %mul3A_772 = arith.constant 2048 : i32
    %mul3A_773 = arith.muli %select_n3A_771, %mul3A_772 : i32
    %add3A_774 = arith.constant 1408 : i32
    %add3A_775 = arith.addi %mul3A_773, %add3A_774 : i32
    %dma_start3A_776 = arith.constant 0 : i32
    %dma_start3A_777 = tpu.memref_slice %arg4[%select_n3A_755, %add3A_775, %dma_start3A_776] : memref<4x16384x32xf32, #tpu.memory_space<hbm>> -> memref<1x128x32xf32, #tpu.memory_space<hbm>>
    %dma_start3A_778 = tpu.memref_squeeze %dma_start3A_777 : memref<1x128x32xf32, #tpu.memory_space<hbm>> -> memref<128x32xf32, #tpu.memory_space<hbm>>
    %dma_start3A_779 = arith.constant 0 : i32
    %dma_start3A_780 = tpu.memref_slice %arg4[%select_n3A_755, %add3A_775, %dma_start3A_779] : memref<4x16384x32xf32, #tpu.memory_space<hbm>> -> memref<1x128x32xf32, #tpu.memory_space<hbm>>
    %dma_start3A_781 = tpu.memref_squeeze %dma_start3A_780 : memref<1x128x32xf32, #tpu.memory_space<hbm>> -> memref<128x32xf32, #tpu.memory_space<hbm>>
    tpu.enqueue_dma source(%arg7 : memref<128x32xf32, #tpu.memory_space<vmem>>) target(%dma_start3A_781 : memref<128x32xf32, #tpu.memory_space<hbm>>) target_semaphore(%arg11 : memref<!tpu.dma_semaphore, #tpu.memory_space<semaphore_mem>>)
    %dma_wait3A_782 = arith.constant 0 : i32
    %dma_wait3A_783 = tpu.memref_slice %arg4[%select_n3A_755, %add3A_775, %dma_wait3A_782] : memref<4x16384x32xf32, #tpu.memory_space<hbm>> -> memref<1x128x32xf32, #tpu.memory_space<hbm>>
    %dma_wait3A_784 = tpu.memref_squeeze %dma_wait3A_783 : memref<1x128x32xf32, #tpu.memory_space<hbm>> -> memref<128x32xf32, #tpu.memory_space<hbm>>
    %dma_wait3A_785 = arith.constant 0 : i32
    %dma_wait3A_786 = tpu.memref_slice %arg4[%select_n3A_755, %add3A_775, %dma_wait3A_785] : memref<4x16384x32xf32, #tpu.memory_space<hbm>> -> memref<1x128x32xf32, #tpu.memory_space<hbm>>
    %dma_wait3A_787 = tpu.memref_squeeze %dma_wait3A_786 : memref<1x128x32xf32, #tpu.memory_space<hbm>> -> memref<128x32xf32, #tpu.memory_space<hbm>>
    tpu.wait_dma2 semaphore(%arg11 : memref<!tpu.dma_semaphore, #tpu.memory_space<semaphore_mem>>) src(%arg7 : memref<128x32xf32, #tpu.memory_space<vmem>>) dst(%dma_wait3A_787 : memref<128x32xf32, #tpu.memory_space<hbm>>)
    %dma_start3A_788 = arith.constant 1664 : i32
    %dma_start3A_789 = tpu.memref_slice %arg5[%dma_start3A_788] : memref<2048xi32, #tpu.memory_space<vmem>> -> memref<128xi32, #tpu.memory_space<vmem>>
    %dma_start3A_790 = arith.constant 0 : i32
    %dma_start3A_791 = arith.constant 0 : i32
    %dma_start3A_792 = tpu.memref_slice %arg2[%dma_start3A_790, %dma_start3A_791] : memref<4096x32xf32, #tpu.memory_space<hbm>> -> memref<4096x32xf32, #tpu.memory_space<hbm>>
    tpu.enqueue_indirect_dma source(%dma_start3A_792 : memref<4096x32xf32, #tpu.memory_space<hbm>>) target(%arg7 : memref<128x32xf32, #tpu.memory_space<vmem>>) offsets(%dma_start3A_789 : memref<128xi32, #tpu.memory_space<vmem>>) semaphore(%arg9 : memref<!tpu.dma_semaphore, #tpu.memory_space<semaphore_mem>>)
    %dma_wait3A_793 = arith.constant 1536 : i32
    %dma_wait3A_794 = tpu.memref_slice %arg5[%dma_wait3A_793] : memref<2048xi32, #tpu.memory_space<vmem>> -> memref<128xi32, #tpu.memory_space<vmem>>
    %dma_wait3A_795 = arith.constant 0 : i32
    %dma_wait3A_796 = arith.constant 0 : i32
    %dma_wait3A_797 = tpu.memref_slice %arg2[%dma_wait3A_795, %dma_wait3A_796] : memref<4096x32xf32, #tpu.memory_space<hbm>> -> memref<4096x32xf32, #tpu.memory_space<hbm>>
    tpu.wait_indirect_dma semaphore(%arg8 : memref<!tpu.dma_semaphore, #tpu.memory_space<semaphore_mem>>) src(%dma_wait3A_797 : memref<4096x32xf32, #tpu.memory_space<hbm>>) dst(%arg6 : memref<128x32xf32, #tpu.memory_space<vmem>>)
    %jit3A_798 = arith.constant 8 : i32
    %div3A_799 = arith.divsi %add3A, %jit3A_798 : i32
    %sign3A_800 = arith.constant 0 : i32
    %sign3A_801 = arith.cmpi sgt, %add3A, %sign3A_800 : i32
    %sign3A_802 = arith.extui %sign3A_801 : i1 to i32
    %sign3A_803 = arith.constant 0 : i32
    %sign3A_804 = arith.cmpi slt, %add3A, %sign3A_803 : i32
    %sign3A_805 = arith.extui %sign3A_804 : i1 to i32
    %sign3A_806 = arith.subi %sign3A_802, %sign3A_805 : i32
    %sign3A_807 = arith.constant 0 : i32
    %sign3A_808 = arith.cmpi sgt, %jit3A_798, %sign3A_807 : i32
    %sign3A_809 = arith.extui %sign3A_808 : i1 to i32
    %sign3A_810 = arith.constant 0 : i32
    %sign3A_811 = arith.cmpi slt, %jit3A_798, %sign3A_810 : i32
    %sign3A_812 = arith.extui %sign3A_811 : i1 to i32
    %sign3A_813 = arith.subi %sign3A_809, %sign3A_812 : i32
    %ne3A_814 = arith.cmpi ne, %sign3A_806, %sign3A_813 : i32
    %rem3A_815 = arith.remsi %add3A, %jit3A_798 : i32
    %ne3A_816 = arith.constant 0 : i32
    %ne3A_817 = arith.cmpi ne, %rem3A_815, %ne3A_816 : i32
    %and3A_818 = arith.andi %ne3A_814, %ne3A_817 : i1
    %sub3A_819 = arith.constant 1 : i32
    %sub3A_820 = arith.subi %div3A_799, %sub3A_819 : i32
    %select_n3A_821 = arith.select %and3A_818, %sub3A_820, %div3A_799 : i32
    %jit3A_822 = arith.constant 8 : i32
    %eq3A_823 = arith.constant 0 : i32
    %eq3A_824 = arith.cmpi eq, %jit3A_822, %eq3A_823 : i32
    %jit3A_825 = arith.constant 1 : i32
    %select_n3A_826 = arith.select %eq3A_824, %jit3A_825, %jit3A_822 : i32
    %rem3A_827 = arith.remsi %add3A, %select_n3A_826 : i32
    %ne3A_828 = arith.constant 0 : i32
    %ne3A_829 = arith.cmpi ne, %rem3A_827, %ne3A_828 : i32
    %lt3A_830 = arith.constant 0 : i32
    %lt3A_831 = arith.cmpi slt, %rem3A_827, %lt3A_830 : i32
    %lt3A_832 = arith.constant 0 : i32
    %lt3A_833 = arith.cmpi slt, %select_n3A_826, %lt3A_832 : i32
    %ne3A_834 = arith.xori %lt3A_831, %lt3A_833 : i1
    %and3A_835 = arith.andi %ne3A_834, %ne3A_829 : i1
    %add3A_836 = arith.addi %rem3A_827, %select_n3A_826 : i32
    %select_n3A_837 = arith.select %and3A_835, %add3A_836, %rem3A_827 : i32
    %mul3A_838 = arith.constant 2048 : i32
    %mul3A_839 = arith.muli %select_n3A_837, %mul3A_838 : i32
    %add3A_840 = arith.constant 1536 : i32
    %add3A_841 = arith.addi %mul3A_839, %add3A_840 : i32
    %dma_start3A_842 = arith.constant 0 : i32
    %dma_start3A_843 = tpu.memref_slice %arg4[%select_n3A_821, %add3A_841, %dma_start3A_842] : memref<4x16384x32xf32, #tpu.memory_space<hbm>> -> memref<1x128x32xf32, #tpu.memory_space<hbm>>
    %dma_start3A_844 = tpu.memref_squeeze %dma_start3A_843 : memref<1x128x32xf32, #tpu.memory_space<hbm>> -> memref<128x32xf32, #tpu.memory_space<hbm>>
    %dma_start3A_845 = arith.constant 0 : i32
    %dma_start3A_846 = tpu.memref_slice %arg4[%select_n3A_821, %add3A_841, %dma_start3A_845] : memref<4x16384x32xf32, #tpu.memory_space<hbm>> -> memref<1x128x32xf32, #tpu.memory_space<hbm>>
    %dma_start3A_847 = tpu.memref_squeeze %dma_start3A_846 : memref<1x128x32xf32, #tpu.memory_space<hbm>> -> memref<128x32xf32, #tpu.memory_space<hbm>>
    tpu.enqueue_dma source(%arg6 : memref<128x32xf32, #tpu.memory_space<vmem>>) target(%dma_start3A_847 : memref<128x32xf32, #tpu.memory_space<hbm>>) target_semaphore(%arg10 : memref<!tpu.dma_semaphore, #tpu.memory_space<semaphore_mem>>)
    %dma_wait3A_848 = arith.constant 0 : i32
    %dma_wait3A_849 = tpu.memref_slice %arg4[%select_n3A_821, %add3A_841, %dma_wait3A_848] : memref<4x16384x32xf32, #tpu.memory_space<hbm>> -> memref<1x128x32xf32, #tpu.memory_space<hbm>>
    %dma_wait3A_850 = tpu.memref_squeeze %dma_wait3A_849 : memref<1x128x32xf32, #tpu.memory_space<hbm>> -> memref<128x32xf32, #tpu.memory_space<hbm>>
    %dma_wait3A_851 = arith.constant 0 : i32
    %dma_wait3A_852 = tpu.memref_slice %arg4[%select_n3A_821, %add3A_841, %dma_wait3A_851] : memref<4x16384x32xf32, #tpu.memory_space<hbm>> -> memref<1x128x32xf32, #tpu.memory_space<hbm>>
    %dma_wait3A_853 = tpu.memref_squeeze %dma_wait3A_852 : memref<1x128x32xf32, #tpu.memory_space<hbm>> -> memref<128x32xf32, #tpu.memory_space<hbm>>
    tpu.wait_dma2 semaphore(%arg10 : memref<!tpu.dma_semaphore, #tpu.memory_space<semaphore_mem>>) src(%arg6 : memref<128x32xf32, #tpu.memory_space<vmem>>) dst(%dma_wait3A_853 : memref<128x32xf32, #tpu.memory_space<hbm>>)
    %dma_start3A_854 = arith.constant 1792 : i32
    %dma_start3A_855 = tpu.memref_slice %arg5[%dma_start3A_854] : memref<2048xi32, #tpu.memory_space<vmem>> -> memref<128xi32, #tpu.memory_space<vmem>>
    %dma_start3A_856 = arith.constant 0 : i32
    %dma_start3A_857 = arith.constant 0 : i32
    %dma_start3A_858 = tpu.memref_slice %arg2[%dma_start3A_856, %dma_start3A_857] : memref<4096x32xf32, #tpu.memory_space<hbm>> -> memref<4096x32xf32, #tpu.memory_space<hbm>>
    tpu.enqueue_indirect_dma source(%dma_start3A_858 : memref<4096x32xf32, #tpu.memory_space<hbm>>) target(%arg6 : memref<128x32xf32, #tpu.memory_space<vmem>>) offsets(%dma_start3A_855 : memref<128xi32, #tpu.memory_space<vmem>>) semaphore(%arg8 : memref<!tpu.dma_semaphore, #tpu.memory_space<semaphore_mem>>)
    %dma_wait3A_859 = arith.constant 1664 : i32
    %dma_wait3A_860 = tpu.memref_slice %arg5[%dma_wait3A_859] : memref<2048xi32, #tpu.memory_space<vmem>> -> memref<128xi32, #tpu.memory_space<vmem>>
    %dma_wait3A_861 = arith.constant 0 : i32
    %dma_wait3A_862 = arith.constant 0 : i32
    %dma_wait3A_863 = tpu.memref_slice %arg2[%dma_wait3A_861, %dma_wait3A_862] : memref<4096x32xf32, #tpu.memory_space<hbm>> -> memref<4096x32xf32, #tpu.memory_space<hbm>>
    tpu.wait_indirect_dma semaphore(%arg9 : memref<!tpu.dma_semaphore, #tpu.memory_space<semaphore_mem>>) src(%dma_wait3A_863 : memref<4096x32xf32, #tpu.memory_space<hbm>>) dst(%arg7 : memref<128x32xf32, #tpu.memory_space<vmem>>)
    %jit3A_864 = arith.constant 8 : i32
    %div3A_865 = arith.divsi %add3A, %jit3A_864 : i32
    %sign3A_866 = arith.constant 0 : i32
    %sign3A_867 = arith.cmpi sgt, %add3A, %sign3A_866 : i32
    %sign3A_868 = arith.extui %sign3A_867 : i1 to i32
    %sign3A_869 = arith.constant 0 : i32
    %sign3A_870 = arith.cmpi slt, %add3A, %sign3A_869 : i32
    %sign3A_871 = arith.extui %sign3A_870 : i1 to i32
    %sign3A_872 = arith.subi %sign3A_868, %sign3A_871 : i32
    %sign3A_873 = arith.constant 0 : i32
    %sign3A_874 = arith.cmpi sgt, %jit3A_864, %sign3A_873 : i32
    %sign3A_875 = arith.extui %sign3A_874 : i1 to i32
    %sign3A_876 = arith.constant 0 : i32
    %sign3A_877 = arith.cmpi slt, %jit3A_864, %sign3A_876 : i32
    %sign3A_878 = arith.extui %sign3A_877 : i1 to i32
    %sign3A_879 = arith.subi %sign3A_875, %sign3A_878 : i32
    %ne3A_880 = arith.cmpi ne, %sign3A_872, %sign3A_879 : i32
    %rem3A_881 = arith.remsi %add3A, %jit3A_864 : i32
    %ne3A_882 = arith.constant 0 : i32
    %ne3A_883 = arith.cmpi ne, %rem3A_881, %ne3A_882 : i32
    %and3A_884 = arith.andi %ne3A_880, %ne3A_883 : i1
    %sub3A_885 = arith.constant 1 : i32
    %sub3A_886 = arith.subi %div3A_865, %sub3A_885 : i32
    %select_n3A_887 = arith.select %and3A_884, %sub3A_886, %div3A_865 : i32
    %jit3A_888 = arith.constant 8 : i32
    %eq3A_889 = arith.constant 0 : i32
    %eq3A_890 = arith.cmpi eq, %jit3A_888, %eq3A_889 : i32
    %jit3A_891 = arith.constant 1 : i32
    %select_n3A_892 = arith.select %eq3A_890, %jit3A_891, %jit3A_888 : i32
    %rem3A_893 = arith.remsi %add3A, %select_n3A_892 : i32
    %ne3A_894 = arith.constant 0 : i32
    %ne3A_895 = arith.cmpi ne, %rem3A_893, %ne3A_894 : i32
    %lt3A_896 = arith.constant 0 : i32
    %lt3A_897 = arith.cmpi slt, %rem3A_893, %lt3A_896 : i32
    %lt3A_898 = arith.constant 0 : i32
    %lt3A_899 = arith.cmpi slt, %select_n3A_892, %lt3A_898 : i32
    %ne3A_900 = arith.xori %lt3A_897, %lt3A_899 : i1
    %and3A_901 = arith.andi %ne3A_900, %ne3A_895 : i1
    %add3A_902 = arith.addi %rem3A_893, %select_n3A_892 : i32
    %select_n3A_903 = arith.select %and3A_901, %add3A_902, %rem3A_893 : i32
    %mul3A_904 = arith.constant 2048 : i32
    %mul3A_905 = arith.muli %select_n3A_903, %mul3A_904 : i32
    %add3A_906 = arith.constant 1664 : i32
    %add3A_907 = arith.addi %mul3A_905, %add3A_906 : i32
    %dma_start3A_908 = arith.constant 0 : i32
    %dma_start3A_909 = tpu.memref_slice %arg4[%select_n3A_887, %add3A_907, %dma_start3A_908] : memref<4x16384x32xf32, #tpu.memory_space<hbm>> -> memref<1x128x32xf32, #tpu.memory_space<hbm>>
    %dma_start3A_910 = tpu.memref_squeeze %dma_start3A_909 : memref<1x128x32xf32, #tpu.memory_space<hbm>> -> memref<128x32xf32, #tpu.memory_space<hbm>>
    %dma_start3A_911 = arith.constant 0 : i32
    %dma_start3A_912 = tpu.memref_slice %arg4[%select_n3A_887, %add3A_907, %dma_start3A_911] : memref<4x16384x32xf32, #tpu.memory_space<hbm>> -> memref<1x128x32xf32, #tpu.memory_space<hbm>>
    %dma_start3A_913 = tpu.memref_squeeze %dma_start3A_912 : memref<1x128x32xf32, #tpu.memory_space<hbm>> -> memref<128x32xf32, #tpu.memory_space<hbm>>
    tpu.enqueue_dma source(%arg7 : memref<128x32xf32, #tpu.memory_space<vmem>>) target(%dma_start3A_913 : memref<128x32xf32, #tpu.memory_space<hbm>>) target_semaphore(%arg11 : memref<!tpu.dma_semaphore, #tpu.memory_space<semaphore_mem>>)
    %dma_wait3A_914 = arith.constant 0 : i32
    %dma_wait3A_915 = tpu.memref_slice %arg4[%select_n3A_887, %add3A_907, %dma_wait3A_914] : memref<4x16384x32xf32, #tpu.memory_space<hbm>> -> memref<1x128x32xf32, #tpu.memory_space<hbm>>
    %dma_wait3A_916 = tpu.memref_squeeze %dma_wait3A_915 : memref<1x128x32xf32, #tpu.memory_space<hbm>> -> memref<128x32xf32, #tpu.memory_space<hbm>>
    %dma_wait3A_917 = arith.constant 0 : i32
    %dma_wait3A_918 = tpu.memref_slice %arg4[%select_n3A_887, %add3A_907, %dma_wait3A_917] : memref<4x16384x32xf32, #tpu.memory_space<hbm>> -> memref<1x128x32xf32, #tpu.memory_space<hbm>>
    %dma_wait3A_919 = tpu.memref_squeeze %dma_wait3A_918 : memref<1x128x32xf32, #tpu.memory_space<hbm>> -> memref<128x32xf32, #tpu.memory_space<hbm>>
    tpu.wait_dma2 semaphore(%arg11 : memref<!tpu.dma_semaphore, #tpu.memory_space<semaphore_mem>>) src(%arg7 : memref<128x32xf32, #tpu.memory_space<vmem>>) dst(%dma_wait3A_919 : memref<128x32xf32, #tpu.memory_space<hbm>>)
    %dma_start3A_920 = arith.constant 1920 : i32
    %dma_start3A_921 = tpu.memref_slice %arg5[%dma_start3A_920] : memref<2048xi32, #tpu.memory_space<vmem>> -> memref<128xi32, #tpu.memory_space<vmem>>
    %dma_start3A_922 = arith.constant 0 : i32
    %dma_start3A_923 = arith.constant 0 : i32
    %dma_start3A_924 = tpu.memref_slice %arg2[%dma_start3A_922, %dma_start3A_923] : memref<4096x32xf32, #tpu.memory_space<hbm>> -> memref<4096x32xf32, #tpu.memory_space<hbm>>
    tpu.enqueue_indirect_dma source(%dma_start3A_924 : memref<4096x32xf32, #tpu.memory_space<hbm>>) target(%arg7 : memref<128x32xf32, #tpu.memory_space<vmem>>) offsets(%dma_start3A_921 : memref<128xi32, #tpu.memory_space<vmem>>) semaphore(%arg9 : memref<!tpu.dma_semaphore, #tpu.memory_space<semaphore_mem>>)
    %dma_wait3A_925 = arith.constant 1792 : i32
    %dma_wait3A_926 = tpu.memref_slice %arg5[%dma_wait3A_925] : memref<2048xi32, #tpu.memory_space<vmem>> -> memref<128xi32, #tpu.memory_space<vmem>>
    %dma_wait3A_927 = arith.constant 0 : i32
    %dma_wait3A_928 = arith.constant 0 : i32
    %dma_wait3A_929 = tpu.memref_slice %arg2[%dma_wait3A_927, %dma_wait3A_928] : memref<4096x32xf32, #tpu.memory_space<hbm>> -> memref<4096x32xf32, #tpu.memory_space<hbm>>
    tpu.wait_indirect_dma semaphore(%arg8 : memref<!tpu.dma_semaphore, #tpu.memory_space<semaphore_mem>>) src(%dma_wait3A_929 : memref<4096x32xf32, #tpu.memory_space<hbm>>) dst(%arg6 : memref<128x32xf32, #tpu.memory_space<vmem>>)
    %jit3A_930 = arith.constant 8 : i32
    %div3A_931 = arith.divsi %add3A, %jit3A_930 : i32
    %sign3A_932 = arith.constant 0 : i32
    %sign3A_933 = arith.cmpi sgt, %add3A, %sign3A_932 : i32
    %sign3A_934 = arith.extui %sign3A_933 : i1 to i32
    %sign3A_935 = arith.constant 0 : i32
    %sign3A_936 = arith.cmpi slt, %add3A, %sign3A_935 : i32
    %sign3A_937 = arith.extui %sign3A_936 : i1 to i32
    %sign3A_938 = arith.subi %sign3A_934, %sign3A_937 : i32
    %sign3A_939 = arith.constant 0 : i32
    %sign3A_940 = arith.cmpi sgt, %jit3A_930, %sign3A_939 : i32
    %sign3A_941 = arith.extui %sign3A_940 : i1 to i32
    %sign3A_942 = arith.constant 0 : i32
    %sign3A_943 = arith.cmpi slt, %jit3A_930, %sign3A_942 : i32
    %sign3A_944 = arith.extui %sign3A_943 : i1 to i32
    %sign3A_945 = arith.subi %sign3A_941, %sign3A_944 : i32
    %ne3A_946 = arith.cmpi ne, %sign3A_938, %sign3A_945 : i32
    %rem3A_947 = arith.remsi %add3A, %jit3A_930 : i32
    %ne3A_948 = arith.constant 0 : i32
    %ne3A_949 = arith.cmpi ne, %rem3A_947, %ne3A_948 : i32
    %and3A_950 = arith.andi %ne3A_946, %ne3A_949 : i1
    %sub3A_951 = arith.constant 1 : i32
    %sub3A_952 = arith.subi %div3A_931, %sub3A_951 : i32
    %select_n3A_953 = arith.select %and3A_950, %sub3A_952, %div3A_931 : i32
    %jit3A_954 = arith.constant 8 : i32
    %eq3A_955 = arith.constant 0 : i32
    %eq3A_956 = arith.cmpi eq, %jit3A_954, %eq3A_955 : i32
    %jit3A_957 = arith.constant 1 : i32
    %select_n3A_958 = arith.select %eq3A_956, %jit3A_957, %jit3A_954 : i32
    %rem3A_959 = arith.remsi %add3A, %select_n3A_958 : i32
    %ne3A_960 = arith.constant 0 : i32
    %ne3A_961 = arith.cmpi ne, %rem3A_959, %ne3A_960 : i32
    %lt3A_962 = arith.constant 0 : i32
    %lt3A_963 = arith.cmpi slt, %rem3A_959, %lt3A_962 : i32
    %lt3A_964 = arith.constant 0 : i32
    %lt3A_965 = arith.cmpi slt, %select_n3A_958, %lt3A_964 : i32
    %ne3A_966 = arith.xori %lt3A_963, %lt3A_965 : i1
    %and3A_967 = arith.andi %ne3A_966, %ne3A_961 : i1
    %add3A_968 = arith.addi %rem3A_959, %select_n3A_958 : i32
    %select_n3A_969 = arith.select %and3A_967, %add3A_968, %rem3A_959 : i32
    %mul3A_970 = arith.constant 2048 : i32
    %mul3A_971 = arith.muli %select_n3A_969, %mul3A_970 : i32
    %add3A_972 = arith.constant 1792 : i32
    %add3A_973 = arith.addi %mul3A_971, %add3A_972 : i32
    %dma_start3A_974 = arith.constant 0 : i32
    %dma_start3A_975 = tpu.memref_slice %arg4[%select_n3A_953, %add3A_973, %dma_start3A_974] : memref<4x16384x32xf32, #tpu.memory_space<hbm>> -> memref<1x128x32xf32, #tpu.memory_space<hbm>>
    %dma_start3A_976 = tpu.memref_squeeze %dma_start3A_975 : memref<1x128x32xf32, #tpu.memory_space<hbm>> -> memref<128x32xf32, #tpu.memory_space<hbm>>
    %dma_start3A_977 = arith.constant 0 : i32
    %dma_start3A_978 = tpu.memref_slice %arg4[%select_n3A_953, %add3A_973, %dma_start3A_977] : memref<4x16384x32xf32, #tpu.memory_space<hbm>> -> memref<1x128x32xf32, #tpu.memory_space<hbm>>
    %dma_start3A_979 = tpu.memref_squeeze %dma_start3A_978 : memref<1x128x32xf32, #tpu.memory_space<hbm>> -> memref<128x32xf32, #tpu.memory_space<hbm>>
    tpu.enqueue_dma source(%arg6 : memref<128x32xf32, #tpu.memory_space<vmem>>) target(%dma_start3A_979 : memref<128x32xf32, #tpu.memory_space<hbm>>) target_semaphore(%arg10 : memref<!tpu.dma_semaphore, #tpu.memory_space<semaphore_mem>>)
    %dma_wait3A_980 = arith.constant 1920 : i32
    %dma_wait3A_981 = tpu.memref_slice %arg5[%dma_wait3A_980] : memref<2048xi32, #tpu.memory_space<vmem>> -> memref<128xi32, #tpu.memory_space<vmem>>
    %dma_wait3A_982 = arith.constant 0 : i32
    %dma_wait3A_983 = arith.constant 0 : i32
    %dma_wait3A_984 = tpu.memref_slice %arg2[%dma_wait3A_982, %dma_wait3A_983] : memref<4096x32xf32, #tpu.memory_space<hbm>> -> memref<4096x32xf32, #tpu.memory_space<hbm>>
    tpu.wait_indirect_dma semaphore(%arg9 : memref<!tpu.dma_semaphore, #tpu.memory_space<semaphore_mem>>) src(%dma_wait3A_984 : memref<4096x32xf32, #tpu.memory_space<hbm>>) dst(%arg7 : memref<128x32xf32, #tpu.memory_space<vmem>>)
    %jit3A_985 = arith.constant 8 : i32
    %div3A_986 = arith.divsi %add3A, %jit3A_985 : i32
    %sign3A_987 = arith.constant 0 : i32
    %sign3A_988 = arith.cmpi sgt, %add3A, %sign3A_987 : i32
    %sign3A_989 = arith.extui %sign3A_988 : i1 to i32
    %sign3A_990 = arith.constant 0 : i32
    %sign3A_991 = arith.cmpi slt, %add3A, %sign3A_990 : i32
    %sign3A_992 = arith.extui %sign3A_991 : i1 to i32
    %sign3A_993 = arith.subi %sign3A_989, %sign3A_992 : i32
    %sign3A_994 = arith.constant 0 : i32
    %sign3A_995 = arith.cmpi sgt, %jit3A_985, %sign3A_994 : i32
    %sign3A_996 = arith.extui %sign3A_995 : i1 to i32
    %sign3A_997 = arith.constant 0 : i32
    %sign3A_998 = arith.cmpi slt, %jit3A_985, %sign3A_997 : i32
    %sign3A_999 = arith.extui %sign3A_998 : i1 to i32
    %sign3A_1000 = arith.subi %sign3A_996, %sign3A_999 : i32
    %ne3A_1001 = arith.cmpi ne, %sign3A_993, %sign3A_1000 : i32
    %rem3A_1002 = arith.remsi %add3A, %jit3A_985 : i32
    %ne3A_1003 = arith.constant 0 : i32
    %ne3A_1004 = arith.cmpi ne, %rem3A_1002, %ne3A_1003 : i32
    %and3A_1005 = arith.andi %ne3A_1001, %ne3A_1004 : i1
    %sub3A_1006 = arith.constant 1 : i32
    %sub3A_1007 = arith.subi %div3A_986, %sub3A_1006 : i32
    %select_n3A_1008 = arith.select %and3A_1005, %sub3A_1007, %div3A_986 : i32
    %jit3A_1009 = arith.constant 8 : i32
    %eq3A_1010 = arith.constant 0 : i32
    %eq3A_1011 = arith.cmpi eq, %jit3A_1009, %eq3A_1010 : i32
    %jit3A_1012 = arith.constant 1 : i32
    %select_n3A_1013 = arith.select %eq3A_1011, %jit3A_1012, %jit3A_1009 : i32
    %rem3A_1014 = arith.remsi %add3A, %select_n3A_1013 : i32
    %ne3A_1015 = arith.constant 0 : i32
    %ne3A_1016 = arith.cmpi ne, %rem3A_1014, %ne3A_1015 : i32
    %lt3A_1017 = arith.constant 0 : i32
    %lt3A_1018 = arith.cmpi slt, %rem3A_1014, %lt3A_1017 : i32
    %lt3A_1019 = arith.constant 0 : i32
    %lt3A_1020 = arith.cmpi slt, %select_n3A_1013, %lt3A_1019 : i32
    %ne3A_1021 = arith.xori %lt3A_1018, %lt3A_1020 : i1
    %and3A_1022 = arith.andi %ne3A_1021, %ne3A_1016 : i1
    %add3A_1023 = arith.addi %rem3A_1014, %select_n3A_1013 : i32
    %select_n3A_1024 = arith.select %and3A_1022, %add3A_1023, %rem3A_1014 : i32
    %mul3A_1025 = arith.constant 2048 : i32
    %mul3A_1026 = arith.muli %select_n3A_1024, %mul3A_1025 : i32
    %add3A_1027 = arith.constant 1920 : i32
    %add3A_1028 = arith.addi %mul3A_1026, %add3A_1027 : i32
    %dma_start3A_1029 = arith.constant 0 : i32
    %dma_start3A_1030 = tpu.memref_slice %arg4[%select_n3A_1008, %add3A_1028, %dma_start3A_1029] : memref<4x16384x32xf32, #tpu.memory_space<hbm>> -> memref<1x128x32xf32, #tpu.memory_space<hbm>>
    %dma_start3A_1031 = tpu.memref_squeeze %dma_start3A_1030 : memref<1x128x32xf32, #tpu.memory_space<hbm>> -> memref<128x32xf32, #tpu.memory_space<hbm>>
    %dma_start3A_1032 = arith.constant 0 : i32
    %dma_start3A_1033 = tpu.memref_slice %arg4[%select_n3A_1008, %add3A_1028, %dma_start3A_1032] : memref<4x16384x32xf32, #tpu.memory_space<hbm>> -> memref<1x128x32xf32, #tpu.memory_space<hbm>>
    %dma_start3A_1034 = tpu.memref_squeeze %dma_start3A_1033 : memref<1x128x32xf32, #tpu.memory_space<hbm>> -> memref<128x32xf32, #tpu.memory_space<hbm>>
    tpu.enqueue_dma source(%arg7 : memref<128x32xf32, #tpu.memory_space<vmem>>) target(%dma_start3A_1034 : memref<128x32xf32, #tpu.memory_space<hbm>>) target_semaphore(%arg11 : memref<!tpu.dma_semaphore, #tpu.memory_space<semaphore_mem>>)
    %dma_wait3A_1035 = arith.constant 0 : i32
    %dma_wait3A_1036 = tpu.memref_slice %arg4[%select_n3A_953, %add3A_973, %dma_wait3A_1035] : memref<4x16384x32xf32, #tpu.memory_space<hbm>> -> memref<1x128x32xf32, #tpu.memory_space<hbm>>
    %dma_wait3A_1037 = tpu.memref_squeeze %dma_wait3A_1036 : memref<1x128x32xf32, #tpu.memory_space<hbm>> -> memref<128x32xf32, #tpu.memory_space<hbm>>
    %dma_wait3A_1038 = arith.constant 0 : i32
    %dma_wait3A_1039 = tpu.memref_slice %arg4[%select_n3A_953, %add3A_973, %dma_wait3A_1038] : memref<4x16384x32xf32, #tpu.memory_space<hbm>> -> memref<1x128x32xf32, #tpu.memory_space<hbm>>
    %dma_wait3A_1040 = tpu.memref_squeeze %dma_wait3A_1039 : memref<1x128x32xf32, #tpu.memory_space<hbm>> -> memref<128x32xf32, #tpu.memory_space<hbm>>
    tpu.wait_dma2 semaphore(%arg10 : memref<!tpu.dma_semaphore, #tpu.memory_space<semaphore_mem>>) src(%arg6 : memref<128x32xf32, #tpu.memory_space<vmem>>) dst(%dma_wait3A_1040 : memref<128x32xf32, #tpu.memory_space<hbm>>)
    %dma_wait3A_1041 = arith.constant 0 : i32
    %dma_wait3A_1042 = tpu.memref_slice %arg4[%select_n3A_1008, %add3A_1028, %dma_wait3A_1041] : memref<4x16384x32xf32, #tpu.memory_space<hbm>> -> memref<1x128x32xf32, #tpu.memory_space<hbm>>
    %dma_wait3A_1043 = tpu.memref_squeeze %dma_wait3A_1042 : memref<1x128x32xf32, #tpu.memory_space<hbm>> -> memref<128x32xf32, #tpu.memory_space<hbm>>
    %dma_wait3A_1044 = arith.constant 0 : i32
    %dma_wait3A_1045 = tpu.memref_slice %arg4[%select_n3A_1008, %add3A_1028, %dma_wait3A_1044] : memref<4x16384x32xf32, #tpu.memory_space<hbm>> -> memref<1x128x32xf32, #tpu.memory_space<hbm>>
    %dma_wait3A_1046 = tpu.memref_squeeze %dma_wait3A_1045 : memref<1x128x32xf32, #tpu.memory_space<hbm>> -> memref<128x32xf32, #tpu.memory_space<hbm>>
    tpu.wait_dma2 semaphore(%arg11 : memref<!tpu.dma_semaphore, #tpu.memory_space<semaphore_mem>>) src(%arg7 : memref<128x32xf32, #tpu.memory_space<vmem>>) dst(%dma_wait3A_1046 : memref<128x32xf32, #tpu.memory_space<hbm>>)
    return
  }
}

#map = affine_map<(d0, d1) -> (0, 0)>
#map1 = affine_map<(d0, d1) -> (0)>
#map2 = affine_map<(d0, d1) -> (0, 0, 0)>
module attributes {stable_mosaic.version = 14 : i64} {
  func.func @_sc_gather(%arg0: i32, %arg1: i32, %arg2: memref<4096x32xf32, #tpu.memory_space<hbm>>, %arg3: memref<65536xi32, #tpu.memory_space<hbm>>, %arg4: memref<4x16384x32xf32, #tpu.memory_space<hbm>>, %arg5: memref<2048xi32, #tpu.memory_space<vmem>>, %arg6: memref<128x32xf32, #tpu.memory_space<vmem>>, %arg7: memref<128x32xf32, #tpu.memory_space<vmem>>, %arg8: memref<!tpu.dma_semaphore, #tpu.memory_space<semaphore_mem>>, %arg9: memref<!tpu.dma_semaphore, #tpu.memory_space<semaphore_mem>>, %arg10: memref<!tpu.dma_semaphore, #tpu.memory_space<semaphore_mem>>, %arg11: memref<!tpu.dma_semaphore, #tpu.memory_space<semaphore_mem>>) attributes {dimension_semantics = [#tpu.dimension_semantics<core_parallel>, #tpu.dimension_semantics<subcore_parallel>], iteration_bounds = array<i64: 2, 16>, scalar_prefetch = 0 : i64, scratch_operands = 7 : i64, tpu.core_type = #tpu.core_type<sc_vector_subcore>, window_params = [{transform_indices = #map}, {transform_indices = #map1}, {transform_indices = #map2}]} {
    %mul3A = arith.constant 2 : i32
    %mul3A_0 = arith.muli %arg1, %mul3A : i32
    %add3A = arith.addi %mul3A_0, %arg0 : i32
    %mul3A_1 = arith.constant 2048 : i32
    %mul3A_2 = arith.muli %add3A, %mul3A_1 : i32
    "tpu.region"() ({
      %run_scoped3A = tpu.sem_alloc : memref<!tpu.dma_semaphore, #tpu.memory_space<semaphore_mem>>
      %dma_start3A_1047 = tpu.memref_slice %arg3[%mul3A_2] : memref<65536xi32, #tpu.memory_space<hbm>> -> memref<2048xi32, #tpu.memory_space<hbm>>
      %dma_start3A_1048 = tpu.memref_slice %arg3[%mul3A_2] : memref<65536xi32, #tpu.memory_space<hbm>> -> memref<2048xi32, #tpu.memory_space<hbm>>
      tpu.enqueue_dma source(%dma_start3A_1048 : memref<2048xi32, #tpu.memory_space<hbm>>) target(%arg5 : memref<2048xi32, #tpu.memory_space<vmem>>) target_semaphore(%run_scoped3A : memref<!tpu.dma_semaphore, #tpu.memory_space<semaphore_mem>>)
      %dma_wait3A_1049 = tpu.memref_slice %arg3[%mul3A_2] : memref<65536xi32, #tpu.memory_space<hbm>> -> memref<2048xi32, #tpu.memory_space<hbm>>
      %dma_wait3A_1050 = tpu.memref_slice %arg3[%mul3A_2] : memref<65536xi32, #tpu.memory_space<hbm>> -> memref<2048xi32, #tpu.memory_space<hbm>>
      tpu.wait_dma2 semaphore(%run_scoped3A : memref<!tpu.dma_semaphore, #tpu.memory_space<semaphore_mem>>) src(%dma_wait3A_1050 : memref<2048xi32, #tpu.memory_space<hbm>>) dst(%arg5 : memref<2048xi32, #tpu.memory_space<vmem>>)
      tpu.yield
    }) : () -> ()
    %dma_start3A = arith.constant 0 : i32
    %dma_start3A_3 = tpu.memref_slice %arg5[%dma_start3A] : memref<2048xi32, #tpu.memory_space<vmem>> -> memref<128xi32, #tpu.memory_space<vmem>>
    %dma_start3A_4 = arith.constant 0 : i32
    %dma_start3A_5 = arith.constant 0 : i32
    %dma_start3A_6 = tpu.memref_slice %arg2[%dma_start3A_4, %dma_start3A_5] : memref<4096x32xf32, #tpu.memory_space<hbm>> -> memref<4096x32xf32, #tpu.memory_space<hbm>>
    tpu.enqueue_indirect_dma source(%dma_start3A_6 : memref<4096x32xf32, #tpu.memory_space<hbm>>) target(%arg6 : memref<128x32xf32, #tpu.memory_space<vmem>>) offsets(%dma_start3A_3 : memref<128xi32, #tpu.memory_space<vmem>>) semaphore(%arg8 : memref<!tpu.dma_semaphore, #tpu.memory_space<semaphore_mem>>)
    %dma_start3A_7 = arith.constant 128 : i32
    %dma_start3A_8 = tpu.memref_slice %arg5[%dma_start3A_7] : memref<2048xi32, #tpu.memory_space<vmem>> -> memref<128xi32, #tpu.memory_space<vmem>>
    %dma_start3A_9 = arith.constant 0 : i32
    %dma_start3A_10 = arith.constant 0 : i32
    %dma_start3A_11 = tpu.memref_slice %arg2[%dma_start3A_9, %dma_start3A_10] : memref<4096x32xf32, #tpu.memory_space<hbm>> -> memref<4096x32xf32, #tpu.memory_space<hbm>>
    tpu.enqueue_indirect_dma source(%dma_start3A_11 : memref<4096x32xf32, #tpu.memory_space<hbm>>) target(%arg7 : memref<128x32xf32, #tpu.memory_space<vmem>>) offsets(%dma_start3A_8 : memref<128xi32, #tpu.memory_space<vmem>>) semaphore(%arg9 : memref<!tpu.dma_semaphore, #tpu.memory_space<semaphore_mem>>)
    %dma_wait3A = arith.constant 0 : i32
    %dma_wait3A_12 = tpu.memref_slice %arg5[%dma_wait3A] : memref<2048xi32, #tpu.memory_space<vmem>> -> memref<128xi32, #tpu.memory_space<vmem>>
    %dma_wait3A_13 = arith.constant 0 : i32
    %dma_wait3A_14 = arith.constant 0 : i32
    %dma_wait3A_15 = tpu.memref_slice %arg2[%dma_wait3A_13, %dma_wait3A_14] : memref<4096x32xf32, #tpu.memory_space<hbm>> -> memref<4096x32xf32, #tpu.memory_space<hbm>>
    tpu.wait_indirect_dma semaphore(%arg8 : memref<!tpu.dma_semaphore, #tpu.memory_space<semaphore_mem>>) src(%dma_wait3A_15 : memref<4096x32xf32, #tpu.memory_space<hbm>>) dst(%arg6 : memref<128x32xf32, #tpu.memory_space<vmem>>)
    %jit3A = arith.constant 8 : i32
    %div3A = arith.divsi %add3A, %jit3A : i32
    %sign3A = arith.constant 0 : i32
    %sign3A_16 = arith.cmpi sgt, %add3A, %sign3A : i32
    %sign3A_17 = arith.extui %sign3A_16 : i1 to i32
    %sign3A_18 = arith.constant 0 : i32
    %sign3A_19 = arith.cmpi slt, %add3A, %sign3A_18 : i32
    %sign3A_20 = arith.extui %sign3A_19 : i1 to i32
    %sign3A_21 = arith.subi %sign3A_17, %sign3A_20 : i32
    %sign3A_22 = arith.constant 0 : i32
    %sign3A_23 = arith.cmpi sgt, %jit3A, %sign3A_22 : i32
    %sign3A_24 = arith.extui %sign3A_23 : i1 to i32
    %sign3A_25 = arith.constant 0 : i32
    %sign3A_26 = arith.cmpi slt, %jit3A, %sign3A_25 : i32
    %sign3A_27 = arith.extui %sign3A_26 : i1 to i32
    %sign3A_28 = arith.subi %sign3A_24, %sign3A_27 : i32
    %ne3A = arith.cmpi ne, %sign3A_21, %sign3A_28 : i32
    %rem3A = arith.remsi %add3A, %jit3A : i32
    %ne3A_29 = arith.constant 0 : i32
    %ne3A_30 = arith.cmpi ne, %rem3A, %ne3A_29 : i32
    %and3A = arith.andi %ne3A, %ne3A_30 : i1
    %sub3A = arith.constant 1 : i32
    %sub3A_31 = arith.subi %div3A, %sub3A : i32
    %select_n3A = arith.select %and3A, %sub3A_31, %div3A : i32
    %jit3A_32 = arith.constant 8 : i32
    %eq3A = arith.constant 0 : i32
    %eq3A_33 = arith.cmpi eq, %jit3A_32, %eq3A : i32
    %jit3A_34 = arith.constant 1 : i32
    %select_n3A_35 = arith.select %eq3A_33, %jit3A_34, %jit3A_32 : i32
    %rem3A_36 = arith.remsi %add3A, %select_n3A_35 : i32
    %ne3A_37 = arith.constant 0 : i32
    %ne3A_38 = arith.cmpi ne, %rem3A_36, %ne3A_37 : i32
    %lt3A = arith.constant 0 : i32
    %lt3A_39 = arith.cmpi slt, %rem3A_36, %lt3A : i32
    %lt3A_40 = arith.constant 0 : i32
    %lt3A_41 = arith.cmpi slt, %select_n3A_35, %lt3A_40 : i32
    %ne3A_42 = arith.xori %lt3A_39, %lt3A_41 : i1
    %and3A_43 = arith.andi %ne3A_42, %ne3A_38 : i1
    %add3A_44 = arith.addi %rem3A_36, %select_n3A_35 : i32
    %select_n3A_45 = arith.select %and3A_43, %add3A_44, %rem3A_36 : i32
    %mul3A_46 = arith.constant 2048 : i32
    %mul3A_47 = arith.muli %select_n3A_45, %mul3A_46 : i32
    %add3A_48 = arith.constant 0 : i32
    %add3A_49 = arith.addi %mul3A_47, %add3A_48 : i32
    %dma_start3A_50 = arith.constant 0 : i32
    %dma_start3A_51 = tpu.memref_slice %arg4[%select_n3A, %add3A_49, %dma_start3A_50] : memref<4x16384x32xf32, #tpu.memory_space<hbm>> -> memref<1x128x32xf32, #tpu.memory_space<hbm>>
    %dma_start3A_52 = tpu.memref_squeeze %dma_start3A_51 : memref<1x128x32xf32, #tpu.memory_space<hbm>> -> memref<128x32xf32, #tpu.memory_space<hbm>>
    %dma_start3A_53 = arith.constant 0 : i32
    %dma_start3A_54 = tpu.memref_slice %arg4[%select_n3A, %add3A_49, %dma_start3A_53] : memref<4x16384x32xf32, #tpu.memory_space<hbm>> -> memref<1x128x32xf32, #tpu.memory_space<hbm>>
    %dma_start3A_55 = tpu.memref_squeeze %dma_start3A_54 : memref<1x128x32xf32, #tpu.memory_space<hbm>> -> memref<128x32xf32, #tpu.memory_space<hbm>>
    tpu.enqueue_dma source(%arg6 : memref<128x32xf32, #tpu.memory_space<vmem>>) target(%dma_start3A_55 : memref<128x32xf32, #tpu.memory_space<hbm>>) target_semaphore(%arg10 : memref<!tpu.dma_semaphore, #tpu.memory_space<semaphore_mem>>)
    %dma_wait3A_56 = arith.constant 0 : i32
    %dma_wait3A_57 = tpu.memref_slice %arg4[%select_n3A, %add3A_49, %dma_wait3A_56] : memref<4x16384x32xf32, #tpu.memory_space<hbm>> -> memref<1x128x32xf32, #tpu.memory_space<hbm>>
    %dma_wait3A_58 = tpu.memref_squeeze %dma_wait3A_57 : memref<1x128x32xf32, #tpu.memory_space<hbm>> -> memref<128x32xf32, #tpu.memory_space<hbm>>
    %dma_wait3A_59 = arith.constant 0 : i32
    %dma_wait3A_60 = tpu.memref_slice %arg4[%select_n3A, %add3A_49, %dma_wait3A_59] : memref<4x16384x32xf32, #tpu.memory_space<hbm>> -> memref<1x128x32xf32, #tpu.memory_space<hbm>>
    %dma_wait3A_61 = tpu.memref_squeeze %dma_wait3A_60 : memref<1x128x32xf32, #tpu.memory_space<hbm>> -> memref<128x32xf32, #tpu.memory_space<hbm>>
    tpu.wait_dma2 semaphore(%arg10 : memref<!tpu.dma_semaphore, #tpu.memory_space<semaphore_mem>>) src(%arg6 : memref<128x32xf32, #tpu.memory_space<vmem>>) dst(%dma_wait3A_61 : memref<128x32xf32, #tpu.memory_space<hbm>>)
    %dma_start3A_62 = arith.constant 256 : i32
    %dma_start3A_63 = tpu.memref_slice %arg5[%dma_start3A_62] : memref<2048xi32, #tpu.memory_space<vmem>> -> memref<128xi32, #tpu.memory_space<vmem>>
    %dma_start3A_64 = arith.constant 0 : i32
    %dma_start3A_65 = arith.constant 0 : i32
    %dma_start3A_66 = tpu.memref_slice %arg2[%dma_start3A_64, %dma_start3A_65] : memref<4096x32xf32, #tpu.memory_space<hbm>> -> memref<4096x32xf32, #tpu.memory_space<hbm>>
    tpu.enqueue_indirect_dma source(%dma_start3A_66 : memref<4096x32xf32, #tpu.memory_space<hbm>>) target(%arg6 : memref<128x32xf32, #tpu.memory_space<vmem>>) offsets(%dma_start3A_63 : memref<128xi32, #tpu.memory_space<vmem>>) semaphore(%arg8 : memref<!tpu.dma_semaphore, #tpu.memory_space<semaphore_mem>>)
    %dma_wait3A_67 = arith.constant 128 : i32
    %dma_wait3A_68 = tpu.memref_slice %arg5[%dma_wait3A_67] : memref<2048xi32, #tpu.memory_space<vmem>> -> memref<128xi32, #tpu.memory_space<vmem>>
    %dma_wait3A_69 = arith.constant 0 : i32
    %dma_wait3A_70 = arith.constant 0 : i32
    %dma_wait3A_71 = tpu.memref_slice %arg2[%dma_wait3A_69, %dma_wait3A_70] : memref<4096x32xf32, #tpu.memory_space<hbm>> -> memref<4096x32xf32, #tpu.memory_space<hbm>>
    tpu.wait_indirect_dma semaphore(%arg9 : memref<!tpu.dma_semaphore, #tpu.memory_space<semaphore_mem>>) src(%dma_wait3A_71 : memref<4096x32xf32, #tpu.memory_space<hbm>>) dst(%arg7 : memref<128x32xf32, #tpu.memory_space<vmem>>)
    %jit3A_72 = arith.constant 8 : i32
    %div3A_73 = arith.divsi %add3A, %jit3A_72 : i32
    %sign3A_74 = arith.constant 0 : i32
    %sign3A_75 = arith.cmpi sgt, %add3A, %sign3A_74 : i32
    %sign3A_76 = arith.extui %sign3A_75 : i1 to i32
    %sign3A_77 = arith.constant 0 : i32
    %sign3A_78 = arith.cmpi slt, %add3A, %sign3A_77 : i32
    %sign3A_79 = arith.extui %sign3A_78 : i1 to i32
    %sign3A_80 = arith.subi %sign3A_76, %sign3A_79 : i32
    %sign3A_81 = arith.constant 0 : i32
    %sign3A_82 = arith.cmpi sgt, %jit3A_72, %sign3A_81 : i32
    %sign3A_83 = arith.extui %sign3A_82 : i1 to i32
    %sign3A_84 = arith.constant 0 : i32
    %sign3A_85 = arith.cmpi slt, %jit3A_72, %sign3A_84 : i32
    %sign3A_86 = arith.extui %sign3A_85 : i1 to i32
    %sign3A_87 = arith.subi %sign3A_83, %sign3A_86 : i32
    %ne3A_88 = arith.cmpi ne, %sign3A_80, %sign3A_87 : i32
    %rem3A_89 = arith.remsi %add3A, %jit3A_72 : i32
    %ne3A_90 = arith.constant 0 : i32
    %ne3A_91 = arith.cmpi ne, %rem3A_89, %ne3A_90 : i32
    %and3A_92 = arith.andi %ne3A_88, %ne3A_91 : i1
    %sub3A_93 = arith.constant 1 : i32
    %sub3A_94 = arith.subi %div3A_73, %sub3A_93 : i32
    %select_n3A_95 = arith.select %and3A_92, %sub3A_94, %div3A_73 : i32
    %jit3A_96 = arith.constant 8 : i32
    %eq3A_97 = arith.constant 0 : i32
    %eq3A_98 = arith.cmpi eq, %jit3A_96, %eq3A_97 : i32
    %jit3A_99 = arith.constant 1 : i32
    %select_n3A_100 = arith.select %eq3A_98, %jit3A_99, %jit3A_96 : i32
    %rem3A_101 = arith.remsi %add3A, %select_n3A_100 : i32
    %ne3A_102 = arith.constant 0 : i32
    %ne3A_103 = arith.cmpi ne, %rem3A_101, %ne3A_102 : i32
    %lt3A_104 = arith.constant 0 : i32
    %lt3A_105 = arith.cmpi slt, %rem3A_101, %lt3A_104 : i32
    %lt3A_106 = arith.constant 0 : i32
    %lt3A_107 = arith.cmpi slt, %select_n3A_100, %lt3A_106 : i32
    %ne3A_108 = arith.xori %lt3A_105, %lt3A_107 : i1
    %and3A_109 = arith.andi %ne3A_108, %ne3A_103 : i1
    %add3A_110 = arith.addi %rem3A_101, %select_n3A_100 : i32
    %select_n3A_111 = arith.select %and3A_109, %add3A_110, %rem3A_101 : i32
    %mul3A_112 = arith.constant 2048 : i32
    %mul3A_113 = arith.muli %select_n3A_111, %mul3A_112 : i32
    %add3A_114 = arith.constant 128 : i32
    %add3A_115 = arith.addi %mul3A_113, %add3A_114 : i32
    %dma_start3A_116 = arith.constant 0 : i32
    %dma_start3A_117 = tpu.memref_slice %arg4[%select_n3A_95, %add3A_115, %dma_start3A_116] : memref<4x16384x32xf32, #tpu.memory_space<hbm>> -> memref<1x128x32xf32, #tpu.memory_space<hbm>>
    %dma_start3A_118 = tpu.memref_squeeze %dma_start3A_117 : memref<1x128x32xf32, #tpu.memory_space<hbm>> -> memref<128x32xf32, #tpu.memory_space<hbm>>
    %dma_start3A_119 = arith.constant 0 : i32
    %dma_start3A_120 = tpu.memref_slice %arg4[%select_n3A_95, %add3A_115, %dma_start3A_119] : memref<4x16384x32xf32, #tpu.memory_space<hbm>> -> memref<1x128x32xf32, #tpu.memory_space<hbm>>
    %dma_start3A_121 = tpu.memref_squeeze %dma_start3A_120 : memref<1x128x32xf32, #tpu.memory_space<hbm>> -> memref<128x32xf32, #tpu.memory_space<hbm>>
    tpu.enqueue_dma source(%arg7 : memref<128x32xf32, #tpu.memory_space<vmem>>) target(%dma_start3A_121 : memref<128x32xf32, #tpu.memory_space<hbm>>) target_semaphore(%arg11 : memref<!tpu.dma_semaphore, #tpu.memory_space<semaphore_mem>>)
    %dma_wait3A_122 = arith.constant 0 : i32
    %dma_wait3A_123 = tpu.memref_slice %arg4[%select_n3A_95, %add3A_115, %dma_wait3A_122] : memref<4x16384x32xf32, #tpu.memory_space<hbm>> -> memref<1x128x32xf32, #tpu.memory_space<hbm>>
    %dma_wait3A_124 = tpu.memref_squeeze %dma_wait3A_123 : memref<1x128x32xf32, #tpu.memory_space<hbm>> -> memref<128x32xf32, #tpu.memory_space<hbm>>
    %dma_wait3A_125 = arith.constant 0 : i32
    %dma_wait3A_126 = tpu.memref_slice %arg4[%select_n3A_95, %add3A_115, %dma_wait3A_125] : memref<4x16384x32xf32, #tpu.memory_space<hbm>> -> memref<1x128x32xf32, #tpu.memory_space<hbm>>
    %dma_wait3A_127 = tpu.memref_squeeze %dma_wait3A_126 : memref<1x128x32xf32, #tpu.memory_space<hbm>> -> memref<128x32xf32, #tpu.memory_space<hbm>>
    tpu.wait_dma2 semaphore(%arg11 : memref<!tpu.dma_semaphore, #tpu.memory_space<semaphore_mem>>) src(%arg7 : memref<128x32xf32, #tpu.memory_space<vmem>>) dst(%dma_wait3A_127 : memref<128x32xf32, #tpu.memory_space<hbm>>)
    %dma_start3A_128 = arith.constant 384 : i32
    %dma_start3A_129 = tpu.memref_slice %arg5[%dma_start3A_128] : memref<2048xi32, #tpu.memory_space<vmem>> -> memref<128xi32, #tpu.memory_space<vmem>>
    %dma_start3A_130 = arith.constant 0 : i32
    %dma_start3A_131 = arith.constant 0 : i32
    %dma_start3A_132 = tpu.memref_slice %arg2[%dma_start3A_130, %dma_start3A_131] : memref<4096x32xf32, #tpu.memory_space<hbm>> -> memref<4096x32xf32, #tpu.memory_space<hbm>>
    tpu.enqueue_indirect_dma source(%dma_start3A_132 : memref<4096x32xf32, #tpu.memory_space<hbm>>) target(%arg7 : memref<128x32xf32, #tpu.memory_space<vmem>>) offsets(%dma_start3A_129 : memref<128xi32, #tpu.memory_space<vmem>>) semaphore(%arg9 : memref<!tpu.dma_semaphore, #tpu.memory_space<semaphore_mem>>)
    %dma_wait3A_133 = arith.constant 256 : i32
    %dma_wait3A_134 = tpu.memref_slice %arg5[%dma_wait3A_133] : memref<2048xi32, #tpu.memory_space<vmem>> -> memref<128xi32, #tpu.memory_space<vmem>>
    %dma_wait3A_135 = arith.constant 0 : i32
    %dma_wait3A_136 = arith.constant 0 : i32
    %dma_wait3A_137 = tpu.memref_slice %arg2[%dma_wait3A_135, %dma_wait3A_136] : memref<4096x32xf32, #tpu.memory_space<hbm>> -> memref<4096x32xf32, #tpu.memory_space<hbm>>
    tpu.wait_indirect_dma semaphore(%arg8 : memref<!tpu.dma_semaphore, #tpu.memory_space<semaphore_mem>>) src(%dma_wait3A_137 : memref<4096x32xf32, #tpu.memory_space<hbm>>) dst(%arg6 : memref<128x32xf32, #tpu.memory_space<vmem>>)
    %jit3A_138 = arith.constant 8 : i32
    %div3A_139 = arith.divsi %add3A, %jit3A_138 : i32
    %sign3A_140 = arith.constant 0 : i32
    %sign3A_141 = arith.cmpi sgt, %add3A, %sign3A_140 : i32
    %sign3A_142 = arith.extui %sign3A_141 : i1 to i32
    %sign3A_143 = arith.constant 0 : i32
    %sign3A_144 = arith.cmpi slt, %add3A, %sign3A_143 : i32
    %sign3A_145 = arith.extui %sign3A_144 : i1 to i32
    %sign3A_146 = arith.subi %sign3A_142, %sign3A_145 : i32
    %sign3A_147 = arith.constant 0 : i32
    %sign3A_148 = arith.cmpi sgt, %jit3A_138, %sign3A_147 : i32
    %sign3A_149 = arith.extui %sign3A_148 : i1 to i32
    %sign3A_150 = arith.constant 0 : i32
    %sign3A_151 = arith.cmpi slt, %jit3A_138, %sign3A_150 : i32
    %sign3A_152 = arith.extui %sign3A_151 : i1 to i32
    %sign3A_153 = arith.subi %sign3A_149, %sign3A_152 : i32
    %ne3A_154 = arith.cmpi ne, %sign3A_146, %sign3A_153 : i32
    %rem3A_155 = arith.remsi %add3A, %jit3A_138 : i32
    %ne3A_156 = arith.constant 0 : i32
    %ne3A_157 = arith.cmpi ne, %rem3A_155, %ne3A_156 : i32
    %and3A_158 = arith.andi %ne3A_154, %ne3A_157 : i1
    %sub3A_159 = arith.constant 1 : i32
    %sub3A_160 = arith.subi %div3A_139, %sub3A_159 : i32
    %select_n3A_161 = arith.select %and3A_158, %sub3A_160, %div3A_139 : i32
    %jit3A_162 = arith.constant 8 : i32
    %eq3A_163 = arith.constant 0 : i32
    %eq3A_164 = arith.cmpi eq, %jit3A_162, %eq3A_163 : i32
    %jit3A_165 = arith.constant 1 : i32
    %select_n3A_166 = arith.select %eq3A_164, %jit3A_165, %jit3A_162 : i32
    %rem3A_167 = arith.remsi %add3A, %select_n3A_166 : i32
    %ne3A_168 = arith.constant 0 : i32
    %ne3A_169 = arith.cmpi ne, %rem3A_167, %ne3A_168 : i32
    %lt3A_170 = arith.constant 0 : i32
    %lt3A_171 = arith.cmpi slt, %rem3A_167, %lt3A_170 : i32
    %lt3A_172 = arith.constant 0 : i32
    %lt3A_173 = arith.cmpi slt, %select_n3A_166, %lt3A_172 : i32
    %ne3A_174 = arith.xori %lt3A_171, %lt3A_173 : i1
    %and3A_175 = arith.andi %ne3A_174, %ne3A_169 : i1
    %add3A_176 = arith.addi %rem3A_167, %select_n3A_166 : i32
    %select_n3A_177 = arith.select %and3A_175, %add3A_176, %rem3A_167 : i32
    %mul3A_178 = arith.constant 2048 : i32
    %mul3A_179 = arith.muli %select_n3A_177, %mul3A_178 : i32
    %add3A_180 = arith.constant 256 : i32
    %add3A_181 = arith.addi %mul3A_179, %add3A_180 : i32
    %dma_start3A_182 = arith.constant 0 : i32
    %dma_start3A_183 = tpu.memref_slice %arg4[%select_n3A_161, %add3A_181, %dma_start3A_182] : memref<4x16384x32xf32, #tpu.memory_space<hbm>> -> memref<1x128x32xf32, #tpu.memory_space<hbm>>
    %dma_start3A_184 = tpu.memref_squeeze %dma_start3A_183 : memref<1x128x32xf32, #tpu.memory_space<hbm>> -> memref<128x32xf32, #tpu.memory_space<hbm>>
    %dma_start3A_185 = arith.constant 0 : i32
    %dma_start3A_186 = tpu.memref_slice %arg4[%select_n3A_161, %add3A_181, %dma_start3A_185] : memref<4x16384x32xf32, #tpu.memory_space<hbm>> -> memref<1x128x32xf32, #tpu.memory_space<hbm>>
    %dma_start3A_187 = tpu.memref_squeeze %dma_start3A_186 : memref<1x128x32xf32, #tpu.memory_space<hbm>> -> memref<128x32xf32, #tpu.memory_space<hbm>>
    tpu.enqueue_dma source(%arg6 : memref<128x32xf32, #tpu.memory_space<vmem>>) target(%dma_start3A_187 : memref<128x32xf32, #tpu.memory_space<hbm>>) target_semaphore(%arg10 : memref<!tpu.dma_semaphore, #tpu.memory_space<semaphore_mem>>)
    %dma_wait3A_188 = arith.constant 0 : i32
    %dma_wait3A_189 = tpu.memref_slice %arg4[%select_n3A_161, %add3A_181, %dma_wait3A_188] : memref<4x16384x32xf32, #tpu.memory_space<hbm>> -> memref<1x128x32xf32, #tpu.memory_space<hbm>>
    %dma_wait3A_190 = tpu.memref_squeeze %dma_wait3A_189 : memref<1x128x32xf32, #tpu.memory_space<hbm>> -> memref<128x32xf32, #tpu.memory_space<hbm>>
    %dma_wait3A_191 = arith.constant 0 : i32
    %dma_wait3A_192 = tpu.memref_slice %arg4[%select_n3A_161, %add3A_181, %dma_wait3A_191] : memref<4x16384x32xf32, #tpu.memory_space<hbm>> -> memref<1x128x32xf32, #tpu.memory_space<hbm>>
    %dma_wait3A_193 = tpu.memref_squeeze %dma_wait3A_192 : memref<1x128x32xf32, #tpu.memory_space<hbm>> -> memref<128x32xf32, #tpu.memory_space<hbm>>
    tpu.wait_dma2 semaphore(%arg10 : memref<!tpu.dma_semaphore, #tpu.memory_space<semaphore_mem>>) src(%arg6 : memref<128x32xf32, #tpu.memory_space<vmem>>) dst(%dma_wait3A_193 : memref<128x32xf32, #tpu.memory_space<hbm>>)
    %dma_start3A_194 = arith.constant 512 : i32
    %dma_start3A_195 = tpu.memref_slice %arg5[%dma_start3A_194] : memref<2048xi32, #tpu.memory_space<vmem>> -> memref<128xi32, #tpu.memory_space<vmem>>
    %dma_start3A_196 = arith.constant 0 : i32
    %dma_start3A_197 = arith.constant 0 : i32
    %dma_start3A_198 = tpu.memref_slice %arg2[%dma_start3A_196, %dma_start3A_197] : memref<4096x32xf32, #tpu.memory_space<hbm>> -> memref<4096x32xf32, #tpu.memory_space<hbm>>
    tpu.enqueue_indirect_dma source(%dma_start3A_198 : memref<4096x32xf32, #tpu.memory_space<hbm>>) target(%arg6 : memref<128x32xf32, #tpu.memory_space<vmem>>) offsets(%dma_start3A_195 : memref<128xi32, #tpu.memory_space<vmem>>) semaphore(%arg8 : memref<!tpu.dma_semaphore, #tpu.memory_space<semaphore_mem>>)
    %dma_wait3A_199 = arith.constant 384 : i32
    %dma_wait3A_200 = tpu.memref_slice %arg5[%dma_wait3A_199] : memref<2048xi32, #tpu.memory_space<vmem>> -> memref<128xi32, #tpu.memory_space<vmem>>
    %dma_wait3A_201 = arith.constant 0 : i32
    %dma_wait3A_202 = arith.constant 0 : i32
    %dma_wait3A_203 = tpu.memref_slice %arg2[%dma_wait3A_201, %dma_wait3A_202] : memref<4096x32xf32, #tpu.memory_space<hbm>> -> memref<4096x32xf32, #tpu.memory_space<hbm>>
    tpu.wait_indirect_dma semaphore(%arg9 : memref<!tpu.dma_semaphore, #tpu.memory_space<semaphore_mem>>) src(%dma_wait3A_203 : memref<4096x32xf32, #tpu.memory_space<hbm>>) dst(%arg7 : memref<128x32xf32, #tpu.memory_space<vmem>>)
    %jit3A_204 = arith.constant 8 : i32
    %div3A_205 = arith.divsi %add3A, %jit3A_204 : i32
    %sign3A_206 = arith.constant 0 : i32
    %sign3A_207 = arith.cmpi sgt, %add3A, %sign3A_206 : i32
    %sign3A_208 = arith.extui %sign3A_207 : i1 to i32
    %sign3A_209 = arith.constant 0 : i32
    %sign3A_210 = arith.cmpi slt, %add3A, %sign3A_209 : i32
    %sign3A_211 = arith.extui %sign3A_210 : i1 to i32
    %sign3A_212 = arith.subi %sign3A_208, %sign3A_211 : i32
    %sign3A_213 = arith.constant 0 : i32
    %sign3A_214 = arith.cmpi sgt, %jit3A_204, %sign3A_213 : i32
    %sign3A_215 = arith.extui %sign3A_214 : i1 to i32
    %sign3A_216 = arith.constant 0 : i32
    %sign3A_217 = arith.cmpi slt, %jit3A_204, %sign3A_216 : i32
    %sign3A_218 = arith.extui %sign3A_217 : i1 to i32
    %sign3A_219 = arith.subi %sign3A_215, %sign3A_218 : i32
    %ne3A_220 = arith.cmpi ne, %sign3A_212, %sign3A_219 : i32
    %rem3A_221 = arith.remsi %add3A, %jit3A_204 : i32
    %ne3A_222 = arith.constant 0 : i32
    %ne3A_223 = arith.cmpi ne, %rem3A_221, %ne3A_222 : i32
    %and3A_224 = arith.andi %ne3A_220, %ne3A_223 : i1
    %sub3A_225 = arith.constant 1 : i32
    %sub3A_226 = arith.subi %div3A_205, %sub3A_225 : i32
    %select_n3A_227 = arith.select %and3A_224, %sub3A_226, %div3A_205 : i32
    %jit3A_228 = arith.constant 8 : i32
    %eq3A_229 = arith.constant 0 : i32
    %eq3A_230 = arith.cmpi eq, %jit3A_228, %eq3A_229 : i32
    %jit3A_231 = arith.constant 1 : i32
    %select_n3A_232 = arith.select %eq3A_230, %jit3A_231, %jit3A_228 : i32
    %rem3A_233 = arith.remsi %add3A, %select_n3A_232 : i32
    %ne3A_234 = arith.constant 0 : i32
    %ne3A_235 = arith.cmpi ne, %rem3A_233, %ne3A_234 : i32
    %lt3A_236 = arith.constant 0 : i32
    %lt3A_237 = arith.cmpi slt, %rem3A_233, %lt3A_236 : i32
    %lt3A_238 = arith.constant 0 : i32
    %lt3A_239 = arith.cmpi slt, %select_n3A_232, %lt3A_238 : i32
    %ne3A_240 = arith.xori %lt3A_237, %lt3A_239 : i1
    %and3A_241 = arith.andi %ne3A_240, %ne3A_235 : i1
    %add3A_242 = arith.addi %rem3A_233, %select_n3A_232 : i32
    %select_n3A_243 = arith.select %and3A_241, %add3A_242, %rem3A_233 : i32
    %mul3A_244 = arith.constant 2048 : i32
    %mul3A_245 = arith.muli %select_n3A_243, %mul3A_244 : i32
    %add3A_246 = arith.constant 384 : i32
    %add3A_247 = arith.addi %mul3A_245, %add3A_246 : i32
    %dma_start3A_248 = arith.constant 0 : i32
    %dma_start3A_249 = tpu.memref_slice %arg4[%select_n3A_227, %add3A_247, %dma_start3A_248] : memref<4x16384x32xf32, #tpu.memory_space<hbm>> -> memref<1x128x32xf32, #tpu.memory_space<hbm>>
    %dma_start3A_250 = tpu.memref_squeeze %dma_start3A_249 : memref<1x128x32xf32, #tpu.memory_space<hbm>> -> memref<128x32xf32, #tpu.memory_space<hbm>>
    %dma_start3A_251 = arith.constant 0 : i32
    %dma_start3A_252 = tpu.memref_slice %arg4[%select_n3A_227, %add3A_247, %dma_start3A_251] : memref<4x16384x32xf32, #tpu.memory_space<hbm>> -> memref<1x128x32xf32, #tpu.memory_space<hbm>>
    %dma_start3A_253 = tpu.memref_squeeze %dma_start3A_252 : memref<1x128x32xf32, #tpu.memory_space<hbm>> -> memref<128x32xf32, #tpu.memory_space<hbm>>
    tpu.enqueue_dma source(%arg7 : memref<128x32xf32, #tpu.memory_space<vmem>>) target(%dma_start3A_253 : memref<128x32xf32, #tpu.memory_space<hbm>>) target_semaphore(%arg11 : memref<!tpu.dma_semaphore, #tpu.memory_space<semaphore_mem>>)
    %dma_wait3A_254 = arith.constant 0 : i32
    %dma_wait3A_255 = tpu.memref_slice %arg4[%select_n3A_227, %add3A_247, %dma_wait3A_254] : memref<4x16384x32xf32, #tpu.memory_space<hbm>> -> memref<1x128x32xf32, #tpu.memory_space<hbm>>
    %dma_wait3A_256 = tpu.memref_squeeze %dma_wait3A_255 : memref<1x128x32xf32, #tpu.memory_space<hbm>> -> memref<128x32xf32, #tpu.memory_space<hbm>>
    %dma_wait3A_257 = arith.constant 0 : i32
    %dma_wait3A_258 = tpu.memref_slice %arg4[%select_n3A_227, %add3A_247, %dma_wait3A_257] : memref<4x16384x32xf32, #tpu.memory_space<hbm>> -> memref<1x128x32xf32, #tpu.memory_space<hbm>>
    %dma_wait3A_259 = tpu.memref_squeeze %dma_wait3A_258 : memref<1x128x32xf32, #tpu.memory_space<hbm>> -> memref<128x32xf32, #tpu.memory_space<hbm>>
    tpu.wait_dma2 semaphore(%arg11 : memref<!tpu.dma_semaphore, #tpu.memory_space<semaphore_mem>>) src(%arg7 : memref<128x32xf32, #tpu.memory_space<vmem>>) dst(%dma_wait3A_259 : memref<128x32xf32, #tpu.memory_space<hbm>>)
    %dma_start3A_260 = arith.constant 640 : i32
    %dma_start3A_261 = tpu.memref_slice %arg5[%dma_start3A_260] : memref<2048xi32, #tpu.memory_space<vmem>> -> memref<128xi32, #tpu.memory_space<vmem>>
    %dma_start3A_262 = arith.constant 0 : i32
    %dma_start3A_263 = arith.constant 0 : i32
    %dma_start3A_264 = tpu.memref_slice %arg2[%dma_start3A_262, %dma_start3A_263] : memref<4096x32xf32, #tpu.memory_space<hbm>> -> memref<4096x32xf32, #tpu.memory_space<hbm>>
    tpu.enqueue_indirect_dma source(%dma_start3A_264 : memref<4096x32xf32, #tpu.memory_space<hbm>>) target(%arg7 : memref<128x32xf32, #tpu.memory_space<vmem>>) offsets(%dma_start3A_261 : memref<128xi32, #tpu.memory_space<vmem>>) semaphore(%arg9 : memref<!tpu.dma_semaphore, #tpu.memory_space<semaphore_mem>>)
    %dma_wait3A_265 = arith.constant 512 : i32
    %dma_wait3A_266 = tpu.memref_slice %arg5[%dma_wait3A_265] : memref<2048xi32, #tpu.memory_space<vmem>> -> memref<128xi32, #tpu.memory_space<vmem>>
    %dma_wait3A_267 = arith.constant 0 : i32
    %dma_wait3A_268 = arith.constant 0 : i32
    %dma_wait3A_269 = tpu.memref_slice %arg2[%dma_wait3A_267, %dma_wait3A_268] : memref<4096x32xf32, #tpu.memory_space<hbm>> -> memref<4096x32xf32, #tpu.memory_space<hbm>>
    tpu.wait_indirect_dma semaphore(%arg8 : memref<!tpu.dma_semaphore, #tpu.memory_space<semaphore_mem>>) src(%dma_wait3A_269 : memref<4096x32xf32, #tpu.memory_space<hbm>>) dst(%arg6 : memref<128x32xf32, #tpu.memory_space<vmem>>)
    %jit3A_270 = arith.constant 8 : i32
    %div3A_271 = arith.divsi %add3A, %jit3A_270 : i32
    %sign3A_272 = arith.constant 0 : i32
    %sign3A_273 = arith.cmpi sgt, %add3A, %sign3A_272 : i32
    %sign3A_274 = arith.extui %sign3A_273 : i1 to i32
    %sign3A_275 = arith.constant 0 : i32
    %sign3A_276 = arith.cmpi slt, %add3A, %sign3A_275 : i32
    %sign3A_277 = arith.extui %sign3A_276 : i1 to i32
    %sign3A_278 = arith.subi %sign3A_274, %sign3A_277 : i32
    %sign3A_279 = arith.constant 0 : i32
    %sign3A_280 = arith.cmpi sgt, %jit3A_270, %sign3A_279 : i32
    %sign3A_281 = arith.extui %sign3A_280 : i1 to i32
    %sign3A_282 = arith.constant 0 : i32
    %sign3A_283 = arith.cmpi slt, %jit3A_270, %sign3A_282 : i32
    %sign3A_284 = arith.extui %sign3A_283 : i1 to i32
    %sign3A_285 = arith.subi %sign3A_281, %sign3A_284 : i32
    %ne3A_286 = arith.cmpi ne, %sign3A_278, %sign3A_285 : i32
    %rem3A_287 = arith.remsi %add3A, %jit3A_270 : i32
    %ne3A_288 = arith.constant 0 : i32
    %ne3A_289 = arith.cmpi ne, %rem3A_287, %ne3A_288 : i32
    %and3A_290 = arith.andi %ne3A_286, %ne3A_289 : i1
    %sub3A_291 = arith.constant 1 : i32
    %sub3A_292 = arith.subi %div3A_271, %sub3A_291 : i32
    %select_n3A_293 = arith.select %and3A_290, %sub3A_292, %div3A_271 : i32
    %jit3A_294 = arith.constant 8 : i32
    %eq3A_295 = arith.constant 0 : i32
    %eq3A_296 = arith.cmpi eq, %jit3A_294, %eq3A_295 : i32
    %jit3A_297 = arith.constant 1 : i32
    %select_n3A_298 = arith.select %eq3A_296, %jit3A_297, %jit3A_294 : i32
    %rem3A_299 = arith.remsi %add3A, %select_n3A_298 : i32
    %ne3A_300 = arith.constant 0 : i32
    %ne3A_301 = arith.cmpi ne, %rem3A_299, %ne3A_300 : i32
    %lt3A_302 = arith.constant 0 : i32
    %lt3A_303 = arith.cmpi slt, %rem3A_299, %lt3A_302 : i32
    %lt3A_304 = arith.constant 0 : i32
    %lt3A_305 = arith.cmpi slt, %select_n3A_298, %lt3A_304 : i32
    %ne3A_306 = arith.xori %lt3A_303, %lt3A_305 : i1
    %and3A_307 = arith.andi %ne3A_306, %ne3A_301 : i1
    %add3A_308 = arith.addi %rem3A_299, %select_n3A_298 : i32
    %select_n3A_309 = arith.select %and3A_307, %add3A_308, %rem3A_299 : i32
    %mul3A_310 = arith.constant 2048 : i32
    %mul3A_311 = arith.muli %select_n3A_309, %mul3A_310 : i32
    %add3A_312 = arith.constant 512 : i32
    %add3A_313 = arith.addi %mul3A_311, %add3A_312 : i32
    %dma_start3A_314 = arith.constant 0 : i32
    %dma_start3A_315 = tpu.memref_slice %arg4[%select_n3A_293, %add3A_313, %dma_start3A_314] : memref<4x16384x32xf32, #tpu.memory_space<hbm>> -> memref<1x128x32xf32, #tpu.memory_space<hbm>>
    %dma_start3A_316 = tpu.memref_squeeze %dma_start3A_315 : memref<1x128x32xf32, #tpu.memory_space<hbm>> -> memref<128x32xf32, #tpu.memory_space<hbm>>
    %dma_start3A_317 = arith.constant 0 : i32
    %dma_start3A_318 = tpu.memref_slice %arg4[%select_n3A_293, %add3A_313, %dma_start3A_317] : memref<4x16384x32xf32, #tpu.memory_space<hbm>> -> memref<1x128x32xf32, #tpu.memory_space<hbm>>
    %dma_start3A_319 = tpu.memref_squeeze %dma_start3A_318 : memref<1x128x32xf32, #tpu.memory_space<hbm>> -> memref<128x32xf32, #tpu.memory_space<hbm>>
    tpu.enqueue_dma source(%arg6 : memref<128x32xf32, #tpu.memory_space<vmem>>) target(%dma_start3A_319 : memref<128x32xf32, #tpu.memory_space<hbm>>) target_semaphore(%arg10 : memref<!tpu.dma_semaphore, #tpu.memory_space<semaphore_mem>>)
    %dma_wait3A_320 = arith.constant 0 : i32
    %dma_wait3A_321 = tpu.memref_slice %arg4[%select_n3A_293, %add3A_313, %dma_wait3A_320] : memref<4x16384x32xf32, #tpu.memory_space<hbm>> -> memref<1x128x32xf32, #tpu.memory_space<hbm>>
    %dma_wait3A_322 = tpu.memref_squeeze %dma_wait3A_321 : memref<1x128x32xf32, #tpu.memory_space<hbm>> -> memref<128x32xf32, #tpu.memory_space<hbm>>
    %dma_wait3A_323 = arith.constant 0 : i32
    %dma_wait3A_324 = tpu.memref_slice %arg4[%select_n3A_293, %add3A_313, %dma_wait3A_323] : memref<4x16384x32xf32, #tpu.memory_space<hbm>> -> memref<1x128x32xf32, #tpu.memory_space<hbm>>
    %dma_wait3A_325 = tpu.memref_squeeze %dma_wait3A_324 : memref<1x128x32xf32, #tpu.memory_space<hbm>> -> memref<128x32xf32, #tpu.memory_space<hbm>>
    tpu.wait_dma2 semaphore(%arg10 : memref<!tpu.dma_semaphore, #tpu.memory_space<semaphore_mem>>) src(%arg6 : memref<128x32xf32, #tpu.memory_space<vmem>>) dst(%dma_wait3A_325 : memref<128x32xf32, #tpu.memory_space<hbm>>)
    %dma_start3A_326 = arith.constant 768 : i32
    %dma_start3A_327 = tpu.memref_slice %arg5[%dma_start3A_326] : memref<2048xi32, #tpu.memory_space<vmem>> -> memref<128xi32, #tpu.memory_space<vmem>>
    %dma_start3A_328 = arith.constant 0 : i32
    %dma_start3A_329 = arith.constant 0 : i32
    %dma_start3A_330 = tpu.memref_slice %arg2[%dma_start3A_328, %dma_start3A_329] : memref<4096x32xf32, #tpu.memory_space<hbm>> -> memref<4096x32xf32, #tpu.memory_space<hbm>>
    tpu.enqueue_indirect_dma source(%dma_start3A_330 : memref<4096x32xf32, #tpu.memory_space<hbm>>) target(%arg6 : memref<128x32xf32, #tpu.memory_space<vmem>>) offsets(%dma_start3A_327 : memref<128xi32, #tpu.memory_space<vmem>>) semaphore(%arg8 : memref<!tpu.dma_semaphore, #tpu.memory_space<semaphore_mem>>)
    %dma_wait3A_331 = arith.constant 640 : i32
    %dma_wait3A_332 = tpu.memref_slice %arg5[%dma_wait3A_331] : memref<2048xi32, #tpu.memory_space<vmem>> -> memref<128xi32, #tpu.memory_space<vmem>>
    %dma_wait3A_333 = arith.constant 0 : i32
    %dma_wait3A_334 = arith.constant 0 : i32
    %dma_wait3A_335 = tpu.memref_slice %arg2[%dma_wait3A_333, %dma_wait3A_334] : memref<4096x32xf32, #tpu.memory_space<hbm>> -> memref<4096x32xf32, #tpu.memory_space<hbm>>
    tpu.wait_indirect_dma semaphore(%arg9 : memref<!tpu.dma_semaphore, #tpu.memory_space<semaphore_mem>>) src(%dma_wait3A_335 : memref<4096x32xf32, #tpu.memory_space<hbm>>) dst(%arg7 : memref<128x32xf32, #tpu.memory_space<vmem>>)
    %jit3A_336 = arith.constant 8 : i32
    %div3A_337 = arith.divsi %add3A, %jit3A_336 : i32
    %sign3A_338 = arith.constant 0 : i32
    %sign3A_339 = arith.cmpi sgt, %add3A, %sign3A_338 : i32
    %sign3A_340 = arith.extui %sign3A_339 : i1 to i32
    %sign3A_341 = arith.constant 0 : i32
    %sign3A_342 = arith.cmpi slt, %add3A, %sign3A_341 : i32
    %sign3A_343 = arith.extui %sign3A_342 : i1 to i32
    %sign3A_344 = arith.subi %sign3A_340, %sign3A_343 : i32
    %sign3A_345 = arith.constant 0 : i32
    %sign3A_346 = arith.cmpi sgt, %jit3A_336, %sign3A_345 : i32
    %sign3A_347 = arith.extui %sign3A_346 : i1 to i32
    %sign3A_348 = arith.constant 0 : i32
    %sign3A_349 = arith.cmpi slt, %jit3A_336, %sign3A_348 : i32
    %sign3A_350 = arith.extui %sign3A_349 : i1 to i32
    %sign3A_351 = arith.subi %sign3A_347, %sign3A_350 : i32
    %ne3A_352 = arith.cmpi ne, %sign3A_344, %sign3A_351 : i32
    %rem3A_353 = arith.remsi %add3A, %jit3A_336 : i32
    %ne3A_354 = arith.constant 0 : i32
    %ne3A_355 = arith.cmpi ne, %rem3A_353, %ne3A_354 : i32
    %and3A_356 = arith.andi %ne3A_352, %ne3A_355 : i1
    %sub3A_357 = arith.constant 1 : i32
    %sub3A_358 = arith.subi %div3A_337, %sub3A_357 : i32
    %select_n3A_359 = arith.select %and3A_356, %sub3A_358, %div3A_337 : i32
    %jit3A_360 = arith.constant 8 : i32
    %eq3A_361 = arith.constant 0 : i32
    %eq3A_362 = arith.cmpi eq, %jit3A_360, %eq3A_361 : i32
    %jit3A_363 = arith.constant 1 : i32
    %select_n3A_364 = arith.select %eq3A_362, %jit3A_363, %jit3A_360 : i32
    %rem3A_365 = arith.remsi %add3A, %select_n3A_364 : i32
    %ne3A_366 = arith.constant 0 : i32
    %ne3A_367 = arith.cmpi ne, %rem3A_365, %ne3A_366 : i32
    %lt3A_368 = arith.constant 0 : i32
    %lt3A_369 = arith.cmpi slt, %rem3A_365, %lt3A_368 : i32
    %lt3A_370 = arith.constant 0 : i32
    %lt3A_371 = arith.cmpi slt, %select_n3A_364, %lt3A_370 : i32
    %ne3A_372 = arith.xori %lt3A_369, %lt3A_371 : i1
    %and3A_373 = arith.andi %ne3A_372, %ne3A_367 : i1
    %add3A_374 = arith.addi %rem3A_365, %select_n3A_364 : i32
    %select_n3A_375 = arith.select %and3A_373, %add3A_374, %rem3A_365 : i32
    %mul3A_376 = arith.constant 2048 : i32
    %mul3A_377 = arith.muli %select_n3A_375, %mul3A_376 : i32
    %add3A_378 = arith.constant 640 : i32
    %add3A_379 = arith.addi %mul3A_377, %add3A_378 : i32
    %dma_start3A_380 = arith.constant 0 : i32
    %dma_start3A_381 = tpu.memref_slice %arg4[%select_n3A_359, %add3A_379, %dma_start3A_380] : memref<4x16384x32xf32, #tpu.memory_space<hbm>> -> memref<1x128x32xf32, #tpu.memory_space<hbm>>
    %dma_start3A_382 = tpu.memref_squeeze %dma_start3A_381 : memref<1x128x32xf32, #tpu.memory_space<hbm>> -> memref<128x32xf32, #tpu.memory_space<hbm>>
    %dma_start3A_383 = arith.constant 0 : i32
    %dma_start3A_384 = tpu.memref_slice %arg4[%select_n3A_359, %add3A_379, %dma_start3A_383] : memref<4x16384x32xf32, #tpu.memory_space<hbm>> -> memref<1x128x32xf32, #tpu.memory_space<hbm>>
    %dma_start3A_385 = tpu.memref_squeeze %dma_start3A_384 : memref<1x128x32xf32, #tpu.memory_space<hbm>> -> memref<128x32xf32, #tpu.memory_space<hbm>>
    tpu.enqueue_dma source(%arg7 : memref<128x32xf32, #tpu.memory_space<vmem>>) target(%dma_start3A_385 : memref<128x32xf32, #tpu.memory_space<hbm>>) target_semaphore(%arg11 : memref<!tpu.dma_semaphore, #tpu.memory_space<semaphore_mem>>)
    %dma_wait3A_386 = arith.constant 0 : i32
    %dma_wait3A_387 = tpu.memref_slice %arg4[%select_n3A_359, %add3A_379, %dma_wait3A_386] : memref<4x16384x32xf32, #tpu.memory_space<hbm>> -> memref<1x128x32xf32, #tpu.memory_space<hbm>>
    %dma_wait3A_388 = tpu.memref_squeeze %dma_wait3A_387 : memref<1x128x32xf32, #tpu.memory_space<hbm>> -> memref<128x32xf32, #tpu.memory_space<hbm>>
    %dma_wait3A_389 = arith.constant 0 : i32
    %dma_wait3A_390 = tpu.memref_slice %arg4[%select_n3A_359, %add3A_379, %dma_wait3A_389] : memref<4x16384x32xf32, #tpu.memory_space<hbm>> -> memref<1x128x32xf32, #tpu.memory_space<hbm>>
    %dma_wait3A_391 = tpu.memref_squeeze %dma_wait3A_390 : memref<1x128x32xf32, #tpu.memory_space<hbm>> -> memref<128x32xf32, #tpu.memory_space<hbm>>
    tpu.wait_dma2 semaphore(%arg11 : memref<!tpu.dma_semaphore, #tpu.memory_space<semaphore_mem>>) src(%arg7 : memref<128x32xf32, #tpu.memory_space<vmem>>) dst(%dma_wait3A_391 : memref<128x32xf32, #tpu.memory_space<hbm>>)
    %dma_start3A_392 = arith.constant 896 : i32
    %dma_start3A_393 = tpu.memref_slice %arg5[%dma_start3A_392] : memref<2048xi32, #tpu.memory_space<vmem>> -> memref<128xi32, #tpu.memory_space<vmem>>
    %dma_start3A_394 = arith.constant 0 : i32
    %dma_start3A_395 = arith.constant 0 : i32
    %dma_start3A_396 = tpu.memref_slice %arg2[%dma_start3A_394, %dma_start3A_395] : memref<4096x32xf32, #tpu.memory_space<hbm>> -> memref<4096x32xf32, #tpu.memory_space<hbm>>
    tpu.enqueue_indirect_dma source(%dma_start3A_396 : memref<4096x32xf32, #tpu.memory_space<hbm>>) target(%arg7 : memref<128x32xf32, #tpu.memory_space<vmem>>) offsets(%dma_start3A_393 : memref<128xi32, #tpu.memory_space<vmem>>) semaphore(%arg9 : memref<!tpu.dma_semaphore, #tpu.memory_space<semaphore_mem>>)
    %dma_wait3A_397 = arith.constant 768 : i32
    %dma_wait3A_398 = tpu.memref_slice %arg5[%dma_wait3A_397] : memref<2048xi32, #tpu.memory_space<vmem>> -> memref<128xi32, #tpu.memory_space<vmem>>
    %dma_wait3A_399 = arith.constant 0 : i32
    %dma_wait3A_400 = arith.constant 0 : i32
    %dma_wait3A_401 = tpu.memref_slice %arg2[%dma_wait3A_399, %dma_wait3A_400] : memref<4096x32xf32, #tpu.memory_space<hbm>> -> memref<4096x32xf32, #tpu.memory_space<hbm>>
    tpu.wait_indirect_dma semaphore(%arg8 : memref<!tpu.dma_semaphore, #tpu.memory_space<semaphore_mem>>) src(%dma_wait3A_401 : memref<4096x32xf32, #tpu.memory_space<hbm>>) dst(%arg6 : memref<128x32xf32, #tpu.memory_space<vmem>>)
    %jit3A_402 = arith.constant 8 : i32
    %div3A_403 = arith.divsi %add3A, %jit3A_402 : i32
    %sign3A_404 = arith.constant 0 : i32
    %sign3A_405 = arith.cmpi sgt, %add3A, %sign3A_404 : i32
    %sign3A_406 = arith.extui %sign3A_405 : i1 to i32
    %sign3A_407 = arith.constant 0 : i32
    %sign3A_408 = arith.cmpi slt, %add3A, %sign3A_407 : i32
    %sign3A_409 = arith.extui %sign3A_408 : i1 to i32
    %sign3A_410 = arith.subi %sign3A_406, %sign3A_409 : i32
    %sign3A_411 = arith.constant 0 : i32
    %sign3A_412 = arith.cmpi sgt, %jit3A_402, %sign3A_411 : i32
    %sign3A_413 = arith.extui %sign3A_412 : i1 to i32
    %sign3A_414 = arith.constant 0 : i32
    %sign3A_415 = arith.cmpi slt, %jit3A_402, %sign3A_414 : i32
    %sign3A_416 = arith.extui %sign3A_415 : i1 to i32
    %sign3A_417 = arith.subi %sign3A_413, %sign3A_416 : i32
    %ne3A_418 = arith.cmpi ne, %sign3A_410, %sign3A_417 : i32
    %rem3A_419 = arith.remsi %add3A, %jit3A_402 : i32
    %ne3A_420 = arith.constant 0 : i32
    %ne3A_421 = arith.cmpi ne, %rem3A_419, %ne3A_420 : i32
    %and3A_422 = arith.andi %ne3A_418, %ne3A_421 : i1
    %sub3A_423 = arith.constant 1 : i32
    %sub3A_424 = arith.subi %div3A_403, %sub3A_423 : i32
    %select_n3A_425 = arith.select %and3A_422, %sub3A_424, %div3A_403 : i32
    %jit3A_426 = arith.constant 8 : i32
    %eq3A_427 = arith.constant 0 : i32
    %eq3A_428 = arith.cmpi eq, %jit3A_426, %eq3A_427 : i32
    %jit3A_429 = arith.constant 1 : i32
    %select_n3A_430 = arith.select %eq3A_428, %jit3A_429, %jit3A_426 : i32
    %rem3A_431 = arith.remsi %add3A, %select_n3A_430 : i32
    %ne3A_432 = arith.constant 0 : i32
    %ne3A_433 = arith.cmpi ne, %rem3A_431, %ne3A_432 : i32
    %lt3A_434 = arith.constant 0 : i32
    %lt3A_435 = arith.cmpi slt, %rem3A_431, %lt3A_434 : i32
    %lt3A_436 = arith.constant 0 : i32
    %lt3A_437 = arith.cmpi slt, %select_n3A_430, %lt3A_436 : i32
    %ne3A_438 = arith.xori %lt3A_435, %lt3A_437 : i1
    %and3A_439 = arith.andi %ne3A_438, %ne3A_433 : i1
    %add3A_440 = arith.addi %rem3A_431, %select_n3A_430 : i32
    %select_n3A_441 = arith.select %and3A_439, %add3A_440, %rem3A_431 : i32
    %mul3A_442 = arith.constant 2048 : i32
    %mul3A_443 = arith.muli %select_n3A_441, %mul3A_442 : i32
    %add3A_444 = arith.constant 768 : i32
    %add3A_445 = arith.addi %mul3A_443, %add3A_444 : i32
    %dma_start3A_446 = arith.constant 0 : i32
    %dma_start3A_447 = tpu.memref_slice %arg4[%select_n3A_425, %add3A_445, %dma_start3A_446] : memref<4x16384x32xf32, #tpu.memory_space<hbm>> -> memref<1x128x32xf32, #tpu.memory_space<hbm>>
    %dma_start3A_448 = tpu.memref_squeeze %dma_start3A_447 : memref<1x128x32xf32, #tpu.memory_space<hbm>> -> memref<128x32xf32, #tpu.memory_space<hbm>>
    %dma_start3A_449 = arith.constant 0 : i32
    %dma_start3A_450 = tpu.memref_slice %arg4[%select_n3A_425, %add3A_445, %dma_start3A_449] : memref<4x16384x32xf32, #tpu.memory_space<hbm>> -> memref<1x128x32xf32, #tpu.memory_space<hbm>>
    %dma_start3A_451 = tpu.memref_squeeze %dma_start3A_450 : memref<1x128x32xf32, #tpu.memory_space<hbm>> -> memref<128x32xf32, #tpu.memory_space<hbm>>
    tpu.enqueue_dma source(%arg6 : memref<128x32xf32, #tpu.memory_space<vmem>>) target(%dma_start3A_451 : memref<128x32xf32, #tpu.memory_space<hbm>>) target_semaphore(%arg10 : memref<!tpu.dma_semaphore, #tpu.memory_space<semaphore_mem>>)
    %dma_wait3A_452 = arith.constant 0 : i32
    %dma_wait3A_453 = tpu.memref_slice %arg4[%select_n3A_425, %add3A_445, %dma_wait3A_452] : memref<4x16384x32xf32, #tpu.memory_space<hbm>> -> memref<1x128x32xf32, #tpu.memory_space<hbm>>
    %dma_wait3A_454 = tpu.memref_squeeze %dma_wait3A_453 : memref<1x128x32xf32, #tpu.memory_space<hbm>> -> memref<128x32xf32, #tpu.memory_space<hbm>>
    %dma_wait3A_455 = arith.constant 0 : i32
    %dma_wait3A_456 = tpu.memref_slice %arg4[%select_n3A_425, %add3A_445, %dma_wait3A_455] : memref<4x16384x32xf32, #tpu.memory_space<hbm>> -> memref<1x128x32xf32, #tpu.memory_space<hbm>>
    %dma_wait3A_457 = tpu.memref_squeeze %dma_wait3A_456 : memref<1x128x32xf32, #tpu.memory_space<hbm>> -> memref<128x32xf32, #tpu.memory_space<hbm>>
    tpu.wait_dma2 semaphore(%arg10 : memref<!tpu.dma_semaphore, #tpu.memory_space<semaphore_mem>>) src(%arg6 : memref<128x32xf32, #tpu.memory_space<vmem>>) dst(%dma_wait3A_457 : memref<128x32xf32, #tpu.memory_space<hbm>>)
    %dma_start3A_458 = arith.constant 1024 : i32
    %dma_start3A_459 = tpu.memref_slice %arg5[%dma_start3A_458] : memref<2048xi32, #tpu.memory_space<vmem>> -> memref<128xi32, #tpu.memory_space<vmem>>
    %dma_start3A_460 = arith.constant 0 : i32
    %dma_start3A_461 = arith.constant 0 : i32
    %dma_start3A_462 = tpu.memref_slice %arg2[%dma_start3A_460, %dma_start3A_461] : memref<4096x32xf32, #tpu.memory_space<hbm>> -> memref<4096x32xf32, #tpu.memory_space<hbm>>
    tpu.enqueue_indirect_dma source(%dma_start3A_462 : memref<4096x32xf32, #tpu.memory_space<hbm>>) target(%arg6 : memref<128x32xf32, #tpu.memory_space<vmem>>) offsets(%dma_start3A_459 : memref<128xi32, #tpu.memory_space<vmem>>) semaphore(%arg8 : memref<!tpu.dma_semaphore, #tpu.memory_space<semaphore_mem>>)
    %dma_wait3A_463 = arith.constant 896 : i32
    %dma_wait3A_464 = tpu.memref_slice %arg5[%dma_wait3A_463] : memref<2048xi32, #tpu.memory_space<vmem>> -> memref<128xi32, #tpu.memory_space<vmem>>
    %dma_wait3A_465 = arith.constant 0 : i32
    %dma_wait3A_466 = arith.constant 0 : i32
    %dma_wait3A_467 = tpu.memref_slice %arg2[%dma_wait3A_465, %dma_wait3A_466] : memref<4096x32xf32, #tpu.memory_space<hbm>> -> memref<4096x32xf32, #tpu.memory_space<hbm>>
    tpu.wait_indirect_dma semaphore(%arg9 : memref<!tpu.dma_semaphore, #tpu.memory_space<semaphore_mem>>) src(%dma_wait3A_467 : memref<4096x32xf32, #tpu.memory_space<hbm>>) dst(%arg7 : memref<128x32xf32, #tpu.memory_space<vmem>>)
    %jit3A_468 = arith.constant 8 : i32
    %div3A_469 = arith.divsi %add3A, %jit3A_468 : i32
    %sign3A_470 = arith.constant 0 : i32
    %sign3A_471 = arith.cmpi sgt, %add3A, %sign3A_470 : i32
    %sign3A_472 = arith.extui %sign3A_471 : i1 to i32
    %sign3A_473 = arith.constant 0 : i32
    %sign3A_474 = arith.cmpi slt, %add3A, %sign3A_473 : i32
    %sign3A_475 = arith.extui %sign3A_474 : i1 to i32
    %sign3A_476 = arith.subi %sign3A_472, %sign3A_475 : i32
    %sign3A_477 = arith.constant 0 : i32
    %sign3A_478 = arith.cmpi sgt, %jit3A_468, %sign3A_477 : i32
    %sign3A_479 = arith.extui %sign3A_478 : i1 to i32
    %sign3A_480 = arith.constant 0 : i32
    %sign3A_481 = arith.cmpi slt, %jit3A_468, %sign3A_480 : i32
    %sign3A_482 = arith.extui %sign3A_481 : i1 to i32
    %sign3A_483 = arith.subi %sign3A_479, %sign3A_482 : i32
    %ne3A_484 = arith.cmpi ne, %sign3A_476, %sign3A_483 : i32
    %rem3A_485 = arith.remsi %add3A, %jit3A_468 : i32
    %ne3A_486 = arith.constant 0 : i32
    %ne3A_487 = arith.cmpi ne, %rem3A_485, %ne3A_486 : i32
    %and3A_488 = arith.andi %ne3A_484, %ne3A_487 : i1
    %sub3A_489 = arith.constant 1 : i32
    %sub3A_490 = arith.subi %div3A_469, %sub3A_489 : i32
    %select_n3A_491 = arith.select %and3A_488, %sub3A_490, %div3A_469 : i32
    %jit3A_492 = arith.constant 8 : i32
    %eq3A_493 = arith.constant 0 : i32
    %eq3A_494 = arith.cmpi eq, %jit3A_492, %eq3A_493 : i32
    %jit3A_495 = arith.constant 1 : i32
    %select_n3A_496 = arith.select %eq3A_494, %jit3A_495, %jit3A_492 : i32
    %rem3A_497 = arith.remsi %add3A, %select_n3A_496 : i32
    %ne3A_498 = arith.constant 0 : i32
    %ne3A_499 = arith.cmpi ne, %rem3A_497, %ne3A_498 : i32
    %lt3A_500 = arith.constant 0 : i32
    %lt3A_501 = arith.cmpi slt, %rem3A_497, %lt3A_500 : i32
    %lt3A_502 = arith.constant 0 : i32
    %lt3A_503 = arith.cmpi slt, %select_n3A_496, %lt3A_502 : i32
    %ne3A_504 = arith.xori %lt3A_501, %lt3A_503 : i1
    %and3A_505 = arith.andi %ne3A_504, %ne3A_499 : i1
    %add3A_506 = arith.addi %rem3A_497, %select_n3A_496 : i32
    %select_n3A_507 = arith.select %and3A_505, %add3A_506, %rem3A_497 : i32
    %mul3A_508 = arith.constant 2048 : i32
    %mul3A_509 = arith.muli %select_n3A_507, %mul3A_508 : i32
    %add3A_510 = arith.constant 896 : i32
    %add3A_511 = arith.addi %mul3A_509, %add3A_510 : i32
    %dma_start3A_512 = arith.constant 0 : i32
    %dma_start3A_513 = tpu.memref_slice %arg4[%select_n3A_491, %add3A_511, %dma_start3A_512] : memref<4x16384x32xf32, #tpu.memory_space<hbm>> -> memref<1x128x32xf32, #tpu.memory_space<hbm>>
    %dma_start3A_514 = tpu.memref_squeeze %dma_start3A_513 : memref<1x128x32xf32, #tpu.memory_space<hbm>> -> memref<128x32xf32, #tpu.memory_space<hbm>>
    %dma_start3A_515 = arith.constant 0 : i32
    %dma_start3A_516 = tpu.memref_slice %arg4[%select_n3A_491, %add3A_511, %dma_start3A_515] : memref<4x16384x32xf32, #tpu.memory_space<hbm>> -> memref<1x128x32xf32, #tpu.memory_space<hbm>>
    %dma_start3A_517 = tpu.memref_squeeze %dma_start3A_516 : memref<1x128x32xf32, #tpu.memory_space<hbm>> -> memref<128x32xf32, #tpu.memory_space<hbm>>
    tpu.enqueue_dma source(%arg7 : memref<128x32xf32, #tpu.memory_space<vmem>>) target(%dma_start3A_517 : memref<128x32xf32, #tpu.memory_space<hbm>>) target_semaphore(%arg11 : memref<!tpu.dma_semaphore, #tpu.memory_space<semaphore_mem>>)
    %dma_wait3A_518 = arith.constant 0 : i32
    %dma_wait3A_519 = tpu.memref_slice %arg4[%select_n3A_491, %add3A_511, %dma_wait3A_518] : memref<4x16384x32xf32, #tpu.memory_space<hbm>> -> memref<1x128x32xf32, #tpu.memory_space<hbm>>
    %dma_wait3A_520 = tpu.memref_squeeze %dma_wait3A_519 : memref<1x128x32xf32, #tpu.memory_space<hbm>> -> memref<128x32xf32, #tpu.memory_space<hbm>>
    %dma_wait3A_521 = arith.constant 0 : i32
    %dma_wait3A_522 = tpu.memref_slice %arg4[%select_n3A_491, %add3A_511, %dma_wait3A_521] : memref<4x16384x32xf32, #tpu.memory_space<hbm>> -> memref<1x128x32xf32, #tpu.memory_space<hbm>>
    %dma_wait3A_523 = tpu.memref_squeeze %dma_wait3A_522 : memref<1x128x32xf32, #tpu.memory_space<hbm>> -> memref<128x32xf32, #tpu.memory_space<hbm>>
    tpu.wait_dma2 semaphore(%arg11 : memref<!tpu.dma_semaphore, #tpu.memory_space<semaphore_mem>>) src(%arg7 : memref<128x32xf32, #tpu.memory_space<vmem>>) dst(%dma_wait3A_523 : memref<128x32xf32, #tpu.memory_space<hbm>>)
    %dma_start3A_524 = arith.constant 1152 : i32
    %dma_start3A_525 = tpu.memref_slice %arg5[%dma_start3A_524] : memref<2048xi32, #tpu.memory_space<vmem>> -> memref<128xi32, #tpu.memory_space<vmem>>
    %dma_start3A_526 = arith.constant 0 : i32
    %dma_start3A_527 = arith.constant 0 : i32
    %dma_start3A_528 = tpu.memref_slice %arg2[%dma_start3A_526, %dma_start3A_527] : memref<4096x32xf32, #tpu.memory_space<hbm>> -> memref<4096x32xf32, #tpu.memory_space<hbm>>
    tpu.enqueue_indirect_dma source(%dma_start3A_528 : memref<4096x32xf32, #tpu.memory_space<hbm>>) target(%arg7 : memref<128x32xf32, #tpu.memory_space<vmem>>) offsets(%dma_start3A_525 : memref<128xi32, #tpu.memory_space<vmem>>) semaphore(%arg9 : memref<!tpu.dma_semaphore, #tpu.memory_space<semaphore_mem>>)
    %dma_wait3A_529 = arith.constant 1024 : i32
    %dma_wait3A_530 = tpu.memref_slice %arg5[%dma_wait3A_529] : memref<2048xi32, #tpu.memory_space<vmem>> -> memref<128xi32, #tpu.memory_space<vmem>>
    %dma_wait3A_531 = arith.constant 0 : i32
    %dma_wait3A_532 = arith.constant 0 : i32
    %dma_wait3A_533 = tpu.memref_slice %arg2[%dma_wait3A_531, %dma_wait3A_532] : memref<4096x32xf32, #tpu.memory_space<hbm>> -> memref<4096x32xf32, #tpu.memory_space<hbm>>
    tpu.wait_indirect_dma semaphore(%arg8 : memref<!tpu.dma_semaphore, #tpu.memory_space<semaphore_mem>>) src(%dma_wait3A_533 : memref<4096x32xf32, #tpu.memory_space<hbm>>) dst(%arg6 : memref<128x32xf32, #tpu.memory_space<vmem>>)
    %jit3A_534 = arith.constant 8 : i32
    %div3A_535 = arith.divsi %add3A, %jit3A_534 : i32
    %sign3A_536 = arith.constant 0 : i32
    %sign3A_537 = arith.cmpi sgt, %add3A, %sign3A_536 : i32
    %sign3A_538 = arith.extui %sign3A_537 : i1 to i32
    %sign3A_539 = arith.constant 0 : i32
    %sign3A_540 = arith.cmpi slt, %add3A, %sign3A_539 : i32
    %sign3A_541 = arith.extui %sign3A_540 : i1 to i32
    %sign3A_542 = arith.subi %sign3A_538, %sign3A_541 : i32
    %sign3A_543 = arith.constant 0 : i32
    %sign3A_544 = arith.cmpi sgt, %jit3A_534, %sign3A_543 : i32
    %sign3A_545 = arith.extui %sign3A_544 : i1 to i32
    %sign3A_546 = arith.constant 0 : i32
    %sign3A_547 = arith.cmpi slt, %jit3A_534, %sign3A_546 : i32
    %sign3A_548 = arith.extui %sign3A_547 : i1 to i32
    %sign3A_549 = arith.subi %sign3A_545, %sign3A_548 : i32
    %ne3A_550 = arith.cmpi ne, %sign3A_542, %sign3A_549 : i32
    %rem3A_551 = arith.remsi %add3A, %jit3A_534 : i32
    %ne3A_552 = arith.constant 0 : i32
    %ne3A_553 = arith.cmpi ne, %rem3A_551, %ne3A_552 : i32
    %and3A_554 = arith.andi %ne3A_550, %ne3A_553 : i1
    %sub3A_555 = arith.constant 1 : i32
    %sub3A_556 = arith.subi %div3A_535, %sub3A_555 : i32
    %select_n3A_557 = arith.select %and3A_554, %sub3A_556, %div3A_535 : i32
    %jit3A_558 = arith.constant 8 : i32
    %eq3A_559 = arith.constant 0 : i32
    %eq3A_560 = arith.cmpi eq, %jit3A_558, %eq3A_559 : i32
    %jit3A_561 = arith.constant 1 : i32
    %select_n3A_562 = arith.select %eq3A_560, %jit3A_561, %jit3A_558 : i32
    %rem3A_563 = arith.remsi %add3A, %select_n3A_562 : i32
    %ne3A_564 = arith.constant 0 : i32
    %ne3A_565 = arith.cmpi ne, %rem3A_563, %ne3A_564 : i32
    %lt3A_566 = arith.constant 0 : i32
    %lt3A_567 = arith.cmpi slt, %rem3A_563, %lt3A_566 : i32
    %lt3A_568 = arith.constant 0 : i32
    %lt3A_569 = arith.cmpi slt, %select_n3A_562, %lt3A_568 : i32
    %ne3A_570 = arith.xori %lt3A_567, %lt3A_569 : i1
    %and3A_571 = arith.andi %ne3A_570, %ne3A_565 : i1
    %add3A_572 = arith.addi %rem3A_563, %select_n3A_562 : i32
    %select_n3A_573 = arith.select %and3A_571, %add3A_572, %rem3A_563 : i32
    %mul3A_574 = arith.constant 2048 : i32
    %mul3A_575 = arith.muli %select_n3A_573, %mul3A_574 : i32
    %add3A_576 = arith.constant 1024 : i32
    %add3A_577 = arith.addi %mul3A_575, %add3A_576 : i32
    %dma_start3A_578 = arith.constant 0 : i32
    %dma_start3A_579 = tpu.memref_slice %arg4[%select_n3A_557, %add3A_577, %dma_start3A_578] : memref<4x16384x32xf32, #tpu.memory_space<hbm>> -> memref<1x128x32xf32, #tpu.memory_space<hbm>>
    %dma_start3A_580 = tpu.memref_squeeze %dma_start3A_579 : memref<1x128x32xf32, #tpu.memory_space<hbm>> -> memref<128x32xf32, #tpu.memory_space<hbm>>
    %dma_start3A_581 = arith.constant 0 : i32
    %dma_start3A_582 = tpu.memref_slice %arg4[%select_n3A_557, %add3A_577, %dma_start3A_581] : memref<4x16384x32xf32, #tpu.memory_space<hbm>> -> memref<1x128x32xf32, #tpu.memory_space<hbm>>
    %dma_start3A_583 = tpu.memref_squeeze %dma_start3A_582 : memref<1x128x32xf32, #tpu.memory_space<hbm>> -> memref<128x32xf32, #tpu.memory_space<hbm>>
    tpu.enqueue_dma source(%arg6 : memref<128x32xf32, #tpu.memory_space<vmem>>) target(%dma_start3A_583 : memref<128x32xf32, #tpu.memory_space<hbm>>) target_semaphore(%arg10 : memref<!tpu.dma_semaphore, #tpu.memory_space<semaphore_mem>>)
    %dma_wait3A_584 = arith.constant 0 : i32
    %dma_wait3A_585 = tpu.memref_slice %arg4[%select_n3A_557, %add3A_577, %dma_wait3A_584] : memref<4x16384x32xf32, #tpu.memory_space<hbm>> -> memref<1x128x32xf32, #tpu.memory_space<hbm>>
    %dma_wait3A_586 = tpu.memref_squeeze %dma_wait3A_585 : memref<1x128x32xf32, #tpu.memory_space<hbm>> -> memref<128x32xf32, #tpu.memory_space<hbm>>
    %dma_wait3A_587 = arith.constant 0 : i32
    %dma_wait3A_588 = tpu.memref_slice %arg4[%select_n3A_557, %add3A_577, %dma_wait3A_587] : memref<4x16384x32xf32, #tpu.memory_space<hbm>> -> memref<1x128x32xf32, #tpu.memory_space<hbm>>
    %dma_wait3A_589 = tpu.memref_squeeze %dma_wait3A_588 : memref<1x128x32xf32, #tpu.memory_space<hbm>> -> memref<128x32xf32, #tpu.memory_space<hbm>>
    tpu.wait_dma2 semaphore(%arg10 : memref<!tpu.dma_semaphore, #tpu.memory_space<semaphore_mem>>) src(%arg6 : memref<128x32xf32, #tpu.memory_space<vmem>>) dst(%dma_wait3A_589 : memref<128x32xf32, #tpu.memory_space<hbm>>)
    %dma_start3A_590 = arith.constant 1280 : i32
    %dma_start3A_591 = tpu.memref_slice %arg5[%dma_start3A_590] : memref<2048xi32, #tpu.memory_space<vmem>> -> memref<128xi32, #tpu.memory_space<vmem>>
    %dma_start3A_592 = arith.constant 0 : i32
    %dma_start3A_593 = arith.constant 0 : i32
    %dma_start3A_594 = tpu.memref_slice %arg2[%dma_start3A_592, %dma_start3A_593] : memref<4096x32xf32, #tpu.memory_space<hbm>> -> memref<4096x32xf32, #tpu.memory_space<hbm>>
    tpu.enqueue_indirect_dma source(%dma_start3A_594 : memref<4096x32xf32, #tpu.memory_space<hbm>>) target(%arg6 : memref<128x32xf32, #tpu.memory_space<vmem>>) offsets(%dma_start3A_591 : memref<128xi32, #tpu.memory_space<vmem>>) semaphore(%arg8 : memref<!tpu.dma_semaphore, #tpu.memory_space<semaphore_mem>>)
    %dma_wait3A_595 = arith.constant 1152 : i32
    %dma_wait3A_596 = tpu.memref_slice %arg5[%dma_wait3A_595] : memref<2048xi32, #tpu.memory_space<vmem>> -> memref<128xi32, #tpu.memory_space<vmem>>
    %dma_wait3A_597 = arith.constant 0 : i32
    %dma_wait3A_598 = arith.constant 0 : i32
    %dma_wait3A_599 = tpu.memref_slice %arg2[%dma_wait3A_597, %dma_wait3A_598] : memref<4096x32xf32, #tpu.memory_space<hbm>> -> memref<4096x32xf32, #tpu.memory_space<hbm>>
    tpu.wait_indirect_dma semaphore(%arg9 : memref<!tpu.dma_semaphore, #tpu.memory_space<semaphore_mem>>) src(%dma_wait3A_599 : memref<4096x32xf32, #tpu.memory_space<hbm>>) dst(%arg7 : memref<128x32xf32, #tpu.memory_space<vmem>>)
    %jit3A_600 = arith.constant 8 : i32
    %div3A_601 = arith.divsi %add3A, %jit3A_600 : i32
    %sign3A_602 = arith.constant 0 : i32
    %sign3A_603 = arith.cmpi sgt, %add3A, %sign3A_602 : i32
    %sign3A_604 = arith.extui %sign3A_603 : i1 to i32
    %sign3A_605 = arith.constant 0 : i32
    %sign3A_606 = arith.cmpi slt, %add3A, %sign3A_605 : i32
    %sign3A_607 = arith.extui %sign3A_606 : i1 to i32
    %sign3A_608 = arith.subi %sign3A_604, %sign3A_607 : i32
    %sign3A_609 = arith.constant 0 : i32
    %sign3A_610 = arith.cmpi sgt, %jit3A_600, %sign3A_609 : i32
    %sign3A_611 = arith.extui %sign3A_610 : i1 to i32
    %sign3A_612 = arith.constant 0 : i32
    %sign3A_613 = arith.cmpi slt, %jit3A_600, %sign3A_612 : i32
    %sign3A_614 = arith.extui %sign3A_613 : i1 to i32
    %sign3A_615 = arith.subi %sign3A_611, %sign3A_614 : i32
    %ne3A_616 = arith.cmpi ne, %sign3A_608, %sign3A_615 : i32
    %rem3A_617 = arith.remsi %add3A, %jit3A_600 : i32
    %ne3A_618 = arith.constant 0 : i32
    %ne3A_619 = arith.cmpi ne, %rem3A_617, %ne3A_618 : i32
    %and3A_620 = arith.andi %ne3A_616, %ne3A_619 : i1
    %sub3A_621 = arith.constant 1 : i32
    %sub3A_622 = arith.subi %div3A_601, %sub3A_621 : i32
    %select_n3A_623 = arith.select %and3A_620, %sub3A_622, %div3A_601 : i32
    %jit3A_624 = arith.constant 8 : i32
    %eq3A_625 = arith.constant 0 : i32
    %eq3A_626 = arith.cmpi eq, %jit3A_624, %eq3A_625 : i32
    %jit3A_627 = arith.constant 1 : i32
    %select_n3A_628 = arith.select %eq3A_626, %jit3A_627, %jit3A_624 : i32
    %rem3A_629 = arith.remsi %add3A, %select_n3A_628 : i32
    %ne3A_630 = arith.constant 0 : i32
    %ne3A_631 = arith.cmpi ne, %rem3A_629, %ne3A_630 : i32
    %lt3A_632 = arith.constant 0 : i32
    %lt3A_633 = arith.cmpi slt, %rem3A_629, %lt3A_632 : i32
    %lt3A_634 = arith.constant 0 : i32
    %lt3A_635 = arith.cmpi slt, %select_n3A_628, %lt3A_634 : i32
    %ne3A_636 = arith.xori %lt3A_633, %lt3A_635 : i1
    %and3A_637 = arith.andi %ne3A_636, %ne3A_631 : i1
    %add3A_638 = arith.addi %rem3A_629, %select_n3A_628 : i32
    %select_n3A_639 = arith.select %and3A_637, %add3A_638, %rem3A_629 : i32
    %mul3A_640 = arith.constant 2048 : i32
    %mul3A_641 = arith.muli %select_n3A_639, %mul3A_640 : i32
    %add3A_642 = arith.constant 1152 : i32
    %add3A_643 = arith.addi %mul3A_641, %add3A_642 : i32
    %dma_start3A_644 = arith.constant 0 : i32
    %dma_start3A_645 = tpu.memref_slice %arg4[%select_n3A_623, %add3A_643, %dma_start3A_644] : memref<4x16384x32xf32, #tpu.memory_space<hbm>> -> memref<1x128x32xf32, #tpu.memory_space<hbm>>
    %dma_start3A_646 = tpu.memref_squeeze %dma_start3A_645 : memref<1x128x32xf32, #tpu.memory_space<hbm>> -> memref<128x32xf32, #tpu.memory_space<hbm>>
    %dma_start3A_647 = arith.constant 0 : i32
    %dma_start3A_648 = tpu.memref_slice %arg4[%select_n3A_623, %add3A_643, %dma_start3A_647] : memref<4x16384x32xf32, #tpu.memory_space<hbm>> -> memref<1x128x32xf32, #tpu.memory_space<hbm>>
    %dma_start3A_649 = tpu.memref_squeeze %dma_start3A_648 : memref<1x128x32xf32, #tpu.memory_space<hbm>> -> memref<128x32xf32, #tpu.memory_space<hbm>>
    tpu.enqueue_dma source(%arg7 : memref<128x32xf32, #tpu.memory_space<vmem>>) target(%dma_start3A_649 : memref<128x32xf32, #tpu.memory_space<hbm>>) target_semaphore(%arg11 : memref<!tpu.dma_semaphore, #tpu.memory_space<semaphore_mem>>)
    %dma_wait3A_650 = arith.constant 0 : i32
    %dma_wait3A_651 = tpu.memref_slice %arg4[%select_n3A_623, %add3A_643, %dma_wait3A_650] : memref<4x16384x32xf32, #tpu.memory_space<hbm>> -> memref<1x128x32xf32, #tpu.memory_space<hbm>>
    %dma_wait3A_652 = tpu.memref_squeeze %dma_wait3A_651 : memref<1x128x32xf32, #tpu.memory_space<hbm>> -> memref<128x32xf32, #tpu.memory_space<hbm>>
    %dma_wait3A_653 = arith.constant 0 : i32
    %dma_wait3A_654 = tpu.memref_slice %arg4[%select_n3A_623, %add3A_643, %dma_wait3A_653] : memref<4x16384x32xf32, #tpu.memory_space<hbm>> -> memref<1x128x32xf32, #tpu.memory_space<hbm>>
    %dma_wait3A_655 = tpu.memref_squeeze %dma_wait3A_654 : memref<1x128x32xf32, #tpu.memory_space<hbm>> -> memref<128x32xf32, #tpu.memory_space<hbm>>
    tpu.wait_dma2 semaphore(%arg11 : memref<!tpu.dma_semaphore, #tpu.memory_space<semaphore_mem>>) src(%arg7 : memref<128x32xf32, #tpu.memory_space<vmem>>) dst(%dma_wait3A_655 : memref<128x32xf32, #tpu.memory_space<hbm>>)
    %dma_start3A_656 = arith.constant 1408 : i32
    %dma_start3A_657 = tpu.memref_slice %arg5[%dma_start3A_656] : memref<2048xi32, #tpu.memory_space<vmem>> -> memref<128xi32, #tpu.memory_space<vmem>>
    %dma_start3A_658 = arith.constant 0 : i32
    %dma_start3A_659 = arith.constant 0 : i32
    %dma_start3A_660 = tpu.memref_slice %arg2[%dma_start3A_658, %dma_start3A_659] : memref<4096x32xf32, #tpu.memory_space<hbm>> -> memref<4096x32xf32, #tpu.memory_space<hbm>>
    tpu.enqueue_indirect_dma source(%dma_start3A_660 : memref<4096x32xf32, #tpu.memory_space<hbm>>) target(%arg7 : memref<128x32xf32, #tpu.memory_space<vmem>>) offsets(%dma_start3A_657 : memref<128xi32, #tpu.memory_space<vmem>>) semaphore(%arg9 : memref<!tpu.dma_semaphore, #tpu.memory_space<semaphore_mem>>)
    %dma_wait3A_661 = arith.constant 1280 : i32
    %dma_wait3A_662 = tpu.memref_slice %arg5[%dma_wait3A_661] : memref<2048xi32, #tpu.memory_space<vmem>> -> memref<128xi32, #tpu.memory_space<vmem>>
    %dma_wait3A_663 = arith.constant 0 : i32
    %dma_wait3A_664 = arith.constant 0 : i32
    %dma_wait3A_665 = tpu.memref_slice %arg2[%dma_wait3A_663, %dma_wait3A_664] : memref<4096x32xf32, #tpu.memory_space<hbm>> -> memref<4096x32xf32, #tpu.memory_space<hbm>>
    tpu.wait_indirect_dma semaphore(%arg8 : memref<!tpu.dma_semaphore, #tpu.memory_space<semaphore_mem>>) src(%dma_wait3A_665 : memref<4096x32xf32, #tpu.memory_space<hbm>>) dst(%arg6 : memref<128x32xf32, #tpu.memory_space<vmem>>)
    %jit3A_666 = arith.constant 8 : i32
    %div3A_667 = arith.divsi %add3A, %jit3A_666 : i32
    %sign3A_668 = arith.constant 0 : i32
    %sign3A_669 = arith.cmpi sgt, %add3A, %sign3A_668 : i32
    %sign3A_670 = arith.extui %sign3A_669 : i1 to i32
    %sign3A_671 = arith.constant 0 : i32
    %sign3A_672 = arith.cmpi slt, %add3A, %sign3A_671 : i32
    %sign3A_673 = arith.extui %sign3A_672 : i1 to i32
    %sign3A_674 = arith.subi %sign3A_670, %sign3A_673 : i32
    %sign3A_675 = arith.constant 0 : i32
    %sign3A_676 = arith.cmpi sgt, %jit3A_666, %sign3A_675 : i32
    %sign3A_677 = arith.extui %sign3A_676 : i1 to i32
    %sign3A_678 = arith.constant 0 : i32
    %sign3A_679 = arith.cmpi slt, %jit3A_666, %sign3A_678 : i32
    %sign3A_680 = arith.extui %sign3A_679 : i1 to i32
    %sign3A_681 = arith.subi %sign3A_677, %sign3A_680 : i32
    %ne3A_682 = arith.cmpi ne, %sign3A_674, %sign3A_681 : i32
    %rem3A_683 = arith.remsi %add3A, %jit3A_666 : i32
    %ne3A_684 = arith.constant 0 : i32
    %ne3A_685 = arith.cmpi ne, %rem3A_683, %ne3A_684 : i32
    %and3A_686 = arith.andi %ne3A_682, %ne3A_685 : i1
    %sub3A_687 = arith.constant 1 : i32
    %sub3A_688 = arith.subi %div3A_667, %sub3A_687 : i32
    %select_n3A_689 = arith.select %and3A_686, %sub3A_688, %div3A_667 : i32
    %jit3A_690 = arith.constant 8 : i32
    %eq3A_691 = arith.constant 0 : i32
    %eq3A_692 = arith.cmpi eq, %jit3A_690, %eq3A_691 : i32
    %jit3A_693 = arith.constant 1 : i32
    %select_n3A_694 = arith.select %eq3A_692, %jit3A_693, %jit3A_690 : i32
    %rem3A_695 = arith.remsi %add3A, %select_n3A_694 : i32
    %ne3A_696 = arith.constant 0 : i32
    %ne3A_697 = arith.cmpi ne, %rem3A_695, %ne3A_696 : i32
    %lt3A_698 = arith.constant 0 : i32
    %lt3A_699 = arith.cmpi slt, %rem3A_695, %lt3A_698 : i32
    %lt3A_700 = arith.constant 0 : i32
    %lt3A_701 = arith.cmpi slt, %select_n3A_694, %lt3A_700 : i32
    %ne3A_702 = arith.xori %lt3A_699, %lt3A_701 : i1
    %and3A_703 = arith.andi %ne3A_702, %ne3A_697 : i1
    %add3A_704 = arith.addi %rem3A_695, %select_n3A_694 : i32
    %select_n3A_705 = arith.select %and3A_703, %add3A_704, %rem3A_695 : i32
    %mul3A_706 = arith.constant 2048 : i32
    %mul3A_707 = arith.muli %select_n3A_705, %mul3A_706 : i32
    %add3A_708 = arith.constant 1280 : i32
    %add3A_709 = arith.addi %mul3A_707, %add3A_708 : i32
    %dma_start3A_710 = arith.constant 0 : i32
    %dma_start3A_711 = tpu.memref_slice %arg4[%select_n3A_689, %add3A_709, %dma_start3A_710] : memref<4x16384x32xf32, #tpu.memory_space<hbm>> -> memref<1x128x32xf32, #tpu.memory_space<hbm>>
    %dma_start3A_712 = tpu.memref_squeeze %dma_start3A_711 : memref<1x128x32xf32, #tpu.memory_space<hbm>> -> memref<128x32xf32, #tpu.memory_space<hbm>>
    %dma_start3A_713 = arith.constant 0 : i32
    %dma_start3A_714 = tpu.memref_slice %arg4[%select_n3A_689, %add3A_709, %dma_start3A_713] : memref<4x16384x32xf32, #tpu.memory_space<hbm>> -> memref<1x128x32xf32, #tpu.memory_space<hbm>>
    %dma_start3A_715 = tpu.memref_squeeze %dma_start3A_714 : memref<1x128x32xf32, #tpu.memory_space<hbm>> -> memref<128x32xf32, #tpu.memory_space<hbm>>
    tpu.enqueue_dma source(%arg6 : memref<128x32xf32, #tpu.memory_space<vmem>>) target(%dma_start3A_715 : memref<128x32xf32, #tpu.memory_space<hbm>>) target_semaphore(%arg10 : memref<!tpu.dma_semaphore, #tpu.memory_space<semaphore_mem>>)
    %dma_wait3A_716 = arith.constant 0 : i32
    %dma_wait3A_717 = tpu.memref_slice %arg4[%select_n3A_689, %add3A_709, %dma_wait3A_716] : memref<4x16384x32xf32, #tpu.memory_space<hbm>> -> memref<1x128x32xf32, #tpu.memory_space<hbm>>
    %dma_wait3A_718 = tpu.memref_squeeze %dma_wait3A_717 : memref<1x128x32xf32, #tpu.memory_space<hbm>> -> memref<128x32xf32, #tpu.memory_space<hbm>>
    %dma_wait3A_719 = arith.constant 0 : i32
    %dma_wait3A_720 = tpu.memref_slice %arg4[%select_n3A_689, %add3A_709, %dma_wait3A_719] : memref<4x16384x32xf32, #tpu.memory_space<hbm>> -> memref<1x128x32xf32, #tpu.memory_space<hbm>>
    %dma_wait3A_721 = tpu.memref_squeeze %dma_wait3A_720 : memref<1x128x32xf32, #tpu.memory_space<hbm>> -> memref<128x32xf32, #tpu.memory_space<hbm>>
    tpu.wait_dma2 semaphore(%arg10 : memref<!tpu.dma_semaphore, #tpu.memory_space<semaphore_mem>>) src(%arg6 : memref<128x32xf32, #tpu.memory_space<vmem>>) dst(%dma_wait3A_721 : memref<128x32xf32, #tpu.memory_space<hbm>>)
    %dma_start3A_722 = arith.constant 1536 : i32
    %dma_start3A_723 = tpu.memref_slice %arg5[%dma_start3A_722] : memref<2048xi32, #tpu.memory_space<vmem>> -> memref<128xi32, #tpu.memory_space<vmem>>
    %dma_start3A_724 = arith.constant 0 : i32
    %dma_start3A_725 = arith.constant 0 : i32
    %dma_start3A_726 = tpu.memref_slice %arg2[%dma_start3A_724, %dma_start3A_725] : memref<4096x32xf32, #tpu.memory_space<hbm>> -> memref<4096x32xf32, #tpu.memory_space<hbm>>
    tpu.enqueue_indirect_dma source(%dma_start3A_726 : memref<4096x32xf32, #tpu.memory_space<hbm>>) target(%arg6 : memref<128x32xf32, #tpu.memory_space<vmem>>) offsets(%dma_start3A_723 : memref<128xi32, #tpu.memory_space<vmem>>) semaphore(%arg8 : memref<!tpu.dma_semaphore, #tpu.memory_space<semaphore_mem>>)
    %dma_wait3A_727 = arith.constant 1408 : i32
    %dma_wait3A_728 = tpu.memref_slice %arg5[%dma_wait3A_727] : memref<2048xi32, #tpu.memory_space<vmem>> -> memref<128xi32, #tpu.memory_space<vmem>>
    %dma_wait3A_729 = arith.constant 0 : i32
    %dma_wait3A_730 = arith.constant 0 : i32
    %dma_wait3A_731 = tpu.memref_slice %arg2[%dma_wait3A_729, %dma_wait3A_730] : memref<4096x32xf32, #tpu.memory_space<hbm>> -> memref<4096x32xf32, #tpu.memory_space<hbm>>
    tpu.wait_indirect_dma semaphore(%arg9 : memref<!tpu.dma_semaphore, #tpu.memory_space<semaphore_mem>>) src(%dma_wait3A_731 : memref<4096x32xf32, #tpu.memory_space<hbm>>) dst(%arg7 : memref<128x32xf32, #tpu.memory_space<vmem>>)
    %jit3A_732 = arith.constant 8 : i32
    %div3A_733 = arith.divsi %add3A, %jit3A_732 : i32
    %sign3A_734 = arith.constant 0 : i32
    %sign3A_735 = arith.cmpi sgt, %add3A, %sign3A_734 : i32
    %sign3A_736 = arith.extui %sign3A_735 : i1 to i32
    %sign3A_737 = arith.constant 0 : i32
    %sign3A_738 = arith.cmpi slt, %add3A, %sign3A_737 : i32
    %sign3A_739 = arith.extui %sign3A_738 : i1 to i32
    %sign3A_740 = arith.subi %sign3A_736, %sign3A_739 : i32
    %sign3A_741 = arith.constant 0 : i32
    %sign3A_742 = arith.cmpi sgt, %jit3A_732, %sign3A_741 : i32
    %sign3A_743 = arith.extui %sign3A_742 : i1 to i32
    %sign3A_744 = arith.constant 0 : i32
    %sign3A_745 = arith.cmpi slt, %jit3A_732, %sign3A_744 : i32
    %sign3A_746 = arith.extui %sign3A_745 : i1 to i32
    %sign3A_747 = arith.subi %sign3A_743, %sign3A_746 : i32
    %ne3A_748 = arith.cmpi ne, %sign3A_740, %sign3A_747 : i32
    %rem3A_749 = arith.remsi %add3A, %jit3A_732 : i32
    %ne3A_750 = arith.constant 0 : i32
    %ne3A_751 = arith.cmpi ne, %rem3A_749, %ne3A_750 : i32
    %and3A_752 = arith.andi %ne3A_748, %ne3A_751 : i1
    %sub3A_753 = arith.constant 1 : i32
    %sub3A_754 = arith.subi %div3A_733, %sub3A_753 : i32
    %select_n3A_755 = arith.select %and3A_752, %sub3A_754, %div3A_733 : i32
    %jit3A_756 = arith.constant 8 : i32
    %eq3A_757 = arith.constant 0 : i32
    %eq3A_758 = arith.cmpi eq, %jit3A_756, %eq3A_757 : i32
    %jit3A_759 = arith.constant 1 : i32
    %select_n3A_760 = arith.select %eq3A_758, %jit3A_759, %jit3A_756 : i32
    %rem3A_761 = arith.remsi %add3A, %select_n3A_760 : i32
    %ne3A_762 = arith.constant 0 : i32
    %ne3A_763 = arith.cmpi ne, %rem3A_761, %ne3A_762 : i32
    %lt3A_764 = arith.constant 0 : i32
    %lt3A_765 = arith.cmpi slt, %rem3A_761, %lt3A_764 : i32
    %lt3A_766 = arith.constant 0 : i32
    %lt3A_767 = arith.cmpi slt, %select_n3A_760, %lt3A_766 : i32
    %ne3A_768 = arith.xori %lt3A_765, %lt3A_767 : i1
    %and3A_769 = arith.andi %ne3A_768, %ne3A_763 : i1
    %add3A_770 = arith.addi %rem3A_761, %select_n3A_760 : i32
    %select_n3A_771 = arith.select %and3A_769, %add3A_770, %rem3A_761 : i32
    %mul3A_772 = arith.constant 2048 : i32
    %mul3A_773 = arith.muli %select_n3A_771, %mul3A_772 : i32
    %add3A_774 = arith.constant 1408 : i32
    %add3A_775 = arith.addi %mul3A_773, %add3A_774 : i32
    %dma_start3A_776 = arith.constant 0 : i32
    %dma_start3A_777 = tpu.memref_slice %arg4[%select_n3A_755, %add3A_775, %dma_start3A_776] : memref<4x16384x32xf32, #tpu.memory_space<hbm>> -> memref<1x128x32xf32, #tpu.memory_space<hbm>>
    %dma_start3A_778 = tpu.memref_squeeze %dma_start3A_777 : memref<1x128x32xf32, #tpu.memory_space<hbm>> -> memref<128x32xf32, #tpu.memory_space<hbm>>
    %dma_start3A_779 = arith.constant 0 : i32
    %dma_start3A_780 = tpu.memref_slice %arg4[%select_n3A_755, %add3A_775, %dma_start3A_779] : memref<4x16384x32xf32, #tpu.memory_space<hbm>> -> memref<1x128x32xf32, #tpu.memory_space<hbm>>
    %dma_start3A_781 = tpu.memref_squeeze %dma_start3A_780 : memref<1x128x32xf32, #tpu.memory_space<hbm>> -> memref<128x32xf32, #tpu.memory_space<hbm>>
    tpu.enqueue_dma source(%arg7 : memref<128x32xf32, #tpu.memory_space<vmem>>) target(%dma_start3A_781 : memref<128x32xf32, #tpu.memory_space<hbm>>) target_semaphore(%arg11 : memref<!tpu.dma_semaphore, #tpu.memory_space<semaphore_mem>>)
    %dma_wait3A_782 = arith.constant 0 : i32
    %dma_wait3A_783 = tpu.memref_slice %arg4[%select_n3A_755, %add3A_775, %dma_wait3A_782] : memref<4x16384x32xf32, #tpu.memory_space<hbm>> -> memref<1x128x32xf32, #tpu.memory_space<hbm>>
    %dma_wait3A_784 = tpu.memref_squeeze %dma_wait3A_783 : memref<1x128x32xf32, #tpu.memory_space<hbm>> -> memref<128x32xf32, #tpu.memory_space<hbm>>
    %dma_wait3A_785 = arith.constant 0 : i32
    %dma_wait3A_786 = tpu.memref_slice %arg4[%select_n3A_755, %add3A_775, %dma_wait3A_785] : memref<4x16384x32xf32, #tpu.memory_space<hbm>> -> memref<1x128x32xf32, #tpu.memory_space<hbm>>
    %dma_wait3A_787 = tpu.memref_squeeze %dma_wait3A_786 : memref<1x128x32xf32, #tpu.memory_space<hbm>> -> memref<128x32xf32, #tpu.memory_space<hbm>>
    tpu.wait_dma2 semaphore(%arg11 : memref<!tpu.dma_semaphore, #tpu.memory_space<semaphore_mem>>) src(%arg7 : memref<128x32xf32, #tpu.memory_space<vmem>>) dst(%dma_wait3A_787 : memref<128x32xf32, #tpu.memory_space<hbm>>)
    %dma_start3A_788 = arith.constant 1664 : i32
    %dma_start3A_789 = tpu.memref_slice %arg5[%dma_start3A_788] : memref<2048xi32, #tpu.memory_space<vmem>> -> memref<128xi32, #tpu.memory_space<vmem>>
    %dma_start3A_790 = arith.constant 0 : i32
    %dma_start3A_791 = arith.constant 0 : i32
    %dma_start3A_792 = tpu.memref_slice %arg2[%dma_start3A_790, %dma_start3A_791] : memref<4096x32xf32, #tpu.memory_space<hbm>> -> memref<4096x32xf32, #tpu.memory_space<hbm>>
    tpu.enqueue_indirect_dma source(%dma_start3A_792 : memref<4096x32xf32, #tpu.memory_space<hbm>>) target(%arg7 : memref<128x32xf32, #tpu.memory_space<vmem>>) offsets(%dma_start3A_789 : memref<128xi32, #tpu.memory_space<vmem>>) semaphore(%arg9 : memref<!tpu.dma_semaphore, #tpu.memory_space<semaphore_mem>>)
    %dma_wait3A_793 = arith.constant 1536 : i32
    %dma_wait3A_794 = tpu.memref_slice %arg5[%dma_wait3A_793] : memref<2048xi32, #tpu.memory_space<vmem>> -> memref<128xi32, #tpu.memory_space<vmem>>
    %dma_wait3A_795 = arith.constant 0 : i32
    %dma_wait3A_796 = arith.constant 0 : i32
    %dma_wait3A_797 = tpu.memref_slice %arg2[%dma_wait3A_795, %dma_wait3A_796] : memref<4096x32xf32, #tpu.memory_space<hbm>> -> memref<4096x32xf32, #tpu.memory_space<hbm>>
    tpu.wait_indirect_dma semaphore(%arg8 : memref<!tpu.dma_semaphore, #tpu.memory_space<semaphore_mem>>) src(%dma_wait3A_797 : memref<4096x32xf32, #tpu.memory_space<hbm>>) dst(%arg6 : memref<128x32xf32, #tpu.memory_space<vmem>>)
    %jit3A_798 = arith.constant 8 : i32
    %div3A_799 = arith.divsi %add3A, %jit3A_798 : i32
    %sign3A_800 = arith.constant 0 : i32
    %sign3A_801 = arith.cmpi sgt, %add3A, %sign3A_800 : i32
    %sign3A_802 = arith.extui %sign3A_801 : i1 to i32
    %sign3A_803 = arith.constant 0 : i32
    %sign3A_804 = arith.cmpi slt, %add3A, %sign3A_803 : i32
    %sign3A_805 = arith.extui %sign3A_804 : i1 to i32
    %sign3A_806 = arith.subi %sign3A_802, %sign3A_805 : i32
    %sign3A_807 = arith.constant 0 : i32
    %sign3A_808 = arith.cmpi sgt, %jit3A_798, %sign3A_807 : i32
    %sign3A_809 = arith.extui %sign3A_808 : i1 to i32
    %sign3A_810 = arith.constant 0 : i32
    %sign3A_811 = arith.cmpi slt, %jit3A_798, %sign3A_810 : i32
    %sign3A_812 = arith.extui %sign3A_811 : i1 to i32
    %sign3A_813 = arith.subi %sign3A_809, %sign3A_812 : i32
    %ne3A_814 = arith.cmpi ne, %sign3A_806, %sign3A_813 : i32
    %rem3A_815 = arith.remsi %add3A, %jit3A_798 : i32
    %ne3A_816 = arith.constant 0 : i32
    %ne3A_817 = arith.cmpi ne, %rem3A_815, %ne3A_816 : i32
    %and3A_818 = arith.andi %ne3A_814, %ne3A_817 : i1
    %sub3A_819 = arith.constant 1 : i32
    %sub3A_820 = arith.subi %div3A_799, %sub3A_819 : i32
    %select_n3A_821 = arith.select %and3A_818, %sub3A_820, %div3A_799 : i32
    %jit3A_822 = arith.constant 8 : i32
    %eq3A_823 = arith.constant 0 : i32
    %eq3A_824 = arith.cmpi eq, %jit3A_822, %eq3A_823 : i32
    %jit3A_825 = arith.constant 1 : i32
    %select_n3A_826 = arith.select %eq3A_824, %jit3A_825, %jit3A_822 : i32
    %rem3A_827 = arith.remsi %add3A, %select_n3A_826 : i32
    %ne3A_828 = arith.constant 0 : i32
    %ne3A_829 = arith.cmpi ne, %rem3A_827, %ne3A_828 : i32
    %lt3A_830 = arith.constant 0 : i32
    %lt3A_831 = arith.cmpi slt, %rem3A_827, %lt3A_830 : i32
    %lt3A_832 = arith.constant 0 : i32
    %lt3A_833 = arith.cmpi slt, %select_n3A_826, %lt3A_832 : i32
    %ne3A_834 = arith.xori %lt3A_831, %lt3A_833 : i1
    %and3A_835 = arith.andi %ne3A_834, %ne3A_829 : i1
    %add3A_836 = arith.addi %rem3A_827, %select_n3A_826 : i32
    %select_n3A_837 = arith.select %and3A_835, %add3A_836, %rem3A_827 : i32
    %mul3A_838 = arith.constant 2048 : i32
    %mul3A_839 = arith.muli %select_n3A_837, %mul3A_838 : i32
    %add3A_840 = arith.constant 1536 : i32
    %add3A_841 = arith.addi %mul3A_839, %add3A_840 : i32
    %dma_start3A_842 = arith.constant 0 : i32
    %dma_start3A_843 = tpu.memref_slice %arg4[%select_n3A_821, %add3A_841, %dma_start3A_842] : memref<4x16384x32xf32, #tpu.memory_space<hbm>> -> memref<1x128x32xf32, #tpu.memory_space<hbm>>
    %dma_start3A_844 = tpu.memref_squeeze %dma_start3A_843 : memref<1x128x32xf32, #tpu.memory_space<hbm>> -> memref<128x32xf32, #tpu.memory_space<hbm>>
    %dma_start3A_845 = arith.constant 0 : i32
    %dma_start3A_846 = tpu.memref_slice %arg4[%select_n3A_821, %add3A_841, %dma_start3A_845] : memref<4x16384x32xf32, #tpu.memory_space<hbm>> -> memref<1x128x32xf32, #tpu.memory_space<hbm>>
    %dma_start3A_847 = tpu.memref_squeeze %dma_start3A_846 : memref<1x128x32xf32, #tpu.memory_space<hbm>> -> memref<128x32xf32, #tpu.memory_space<hbm>>
    tpu.enqueue_dma source(%arg6 : memref<128x32xf32, #tpu.memory_space<vmem>>) target(%dma_start3A_847 : memref<128x32xf32, #tpu.memory_space<hbm>>) target_semaphore(%arg10 : memref<!tpu.dma_semaphore, #tpu.memory_space<semaphore_mem>>)
    %dma_wait3A_848 = arith.constant 0 : i32
    %dma_wait3A_849 = tpu.memref_slice %arg4[%select_n3A_821, %add3A_841, %dma_wait3A_848] : memref<4x16384x32xf32, #tpu.memory_space<hbm>> -> memref<1x128x32xf32, #tpu.memory_space<hbm>>
    %dma_wait3A_850 = tpu.memref_squeeze %dma_wait3A_849 : memref<1x128x32xf32, #tpu.memory_space<hbm>> -> memref<128x32xf32, #tpu.memory_space<hbm>>
    %dma_wait3A_851 = arith.constant 0 : i32
    %dma_wait3A_852 = tpu.memref_slice %arg4[%select_n3A_821, %add3A_841, %dma_wait3A_851] : memref<4x16384x32xf32, #tpu.memory_space<hbm>> -> memref<1x128x32xf32, #tpu.memory_space<hbm>>
    %dma_wait3A_853 = tpu.memref_squeeze %dma_wait3A_852 : memref<1x128x32xf32, #tpu.memory_space<hbm>> -> memref<128x32xf32, #tpu.memory_space<hbm>>
    tpu.wait_dma2 semaphore(%arg10 : memref<!tpu.dma_semaphore, #tpu.memory_space<semaphore_mem>>) src(%arg6 : memref<128x32xf32, #tpu.memory_space<vmem>>) dst(%dma_wait3A_853 : memref<128x32xf32, #tpu.memory_space<hbm>>)
    %dma_start3A_854 = arith.constant 1792 : i32
    %dma_start3A_855 = tpu.memref_slice %arg5[%dma_start3A_854] : memref<2048xi32, #tpu.memory_space<vmem>> -> memref<128xi32, #tpu.memory_space<vmem>>
    %dma_start3A_856 = arith.constant 0 : i32
    %dma_start3A_857 = arith.constant 0 : i32
    %dma_start3A_858 = tpu.memref_slice %arg2[%dma_start3A_856, %dma_start3A_857] : memref<4096x32xf32, #tpu.memory_space<hbm>> -> memref<4096x32xf32, #tpu.memory_space<hbm>>
    tpu.enqueue_indirect_dma source(%dma_start3A_858 : memref<4096x32xf32, #tpu.memory_space<hbm>>) target(%arg6 : memref<128x32xf32, #tpu.memory_space<vmem>>) offsets(%dma_start3A_855 : memref<128xi32, #tpu.memory_space<vmem>>) semaphore(%arg8 : memref<!tpu.dma_semaphore, #tpu.memory_space<semaphore_mem>>)
    %dma_wait3A_859 = arith.constant 1664 : i32
    %dma_wait3A_860 = tpu.memref_slice %arg5[%dma_wait3A_859] : memref<2048xi32, #tpu.memory_space<vmem>> -> memref<128xi32, #tpu.memory_space<vmem>>
    %dma_wait3A_861 = arith.constant 0 : i32
    %dma_wait3A_862 = arith.constant 0 : i32
    %dma_wait3A_863 = tpu.memref_slice %arg2[%dma_wait3A_861, %dma_wait3A_862] : memref<4096x32xf32, #tpu.memory_space<hbm>> -> memref<4096x32xf32, #tpu.memory_space<hbm>>
    tpu.wait_indirect_dma semaphore(%arg9 : memref<!tpu.dma_semaphore, #tpu.memory_space<semaphore_mem>>) src(%dma_wait3A_863 : memref<4096x32xf32, #tpu.memory_space<hbm>>) dst(%arg7 : memref<128x32xf32, #tpu.memory_space<vmem>>)
    %jit3A_864 = arith.constant 8 : i32
    %div3A_865 = arith.divsi %add3A, %jit3A_864 : i32
    %sign3A_866 = arith.constant 0 : i32
    %sign3A_867 = arith.cmpi sgt, %add3A, %sign3A_866 : i32
    %sign3A_868 = arith.extui %sign3A_867 : i1 to i32
    %sign3A_869 = arith.constant 0 : i32
    %sign3A_870 = arith.cmpi slt, %add3A, %sign3A_869 : i32
    %sign3A_871 = arith.extui %sign3A_870 : i1 to i32
    %sign3A_872 = arith.subi %sign3A_868, %sign3A_871 : i32
    %sign3A_873 = arith.constant 0 : i32
    %sign3A_874 = arith.cmpi sgt, %jit3A_864, %sign3A_873 : i32
    %sign3A_875 = arith.extui %sign3A_874 : i1 to i32
    %sign3A_876 = arith.constant 0 : i32
    %sign3A_877 = arith.cmpi slt, %jit3A_864, %sign3A_876 : i32
    %sign3A_878 = arith.extui %sign3A_877 : i1 to i32
    %sign3A_879 = arith.subi %sign3A_875, %sign3A_878 : i32
    %ne3A_880 = arith.cmpi ne, %sign3A_872, %sign3A_879 : i32
    %rem3A_881 = arith.remsi %add3A, %jit3A_864 : i32
    %ne3A_882 = arith.constant 0 : i32
    %ne3A_883 = arith.cmpi ne, %rem3A_881, %ne3A_882 : i32
    %and3A_884 = arith.andi %ne3A_880, %ne3A_883 : i1
    %sub3A_885 = arith.constant 1 : i32
    %sub3A_886 = arith.subi %div3A_865, %sub3A_885 : i32
    %select_n3A_887 = arith.select %and3A_884, %sub3A_886, %div3A_865 : i32
    %jit3A_888 = arith.constant 8 : i32
    %eq3A_889 = arith.constant 0 : i32
    %eq3A_890 = arith.cmpi eq, %jit3A_888, %eq3A_889 : i32
    %jit3A_891 = arith.constant 1 : i32
    %select_n3A_892 = arith.select %eq3A_890, %jit3A_891, %jit3A_888 : i32
    %rem3A_893 = arith.remsi %add3A, %select_n3A_892 : i32
    %ne3A_894 = arith.constant 0 : i32
    %ne3A_895 = arith.cmpi ne, %rem3A_893, %ne3A_894 : i32
    %lt3A_896 = arith.constant 0 : i32
    %lt3A_897 = arith.cmpi slt, %rem3A_893, %lt3A_896 : i32
    %lt3A_898 = arith.constant 0 : i32
    %lt3A_899 = arith.cmpi slt, %select_n3A_892, %lt3A_898 : i32
    %ne3A_900 = arith.xori %lt3A_897, %lt3A_899 : i1
    %and3A_901 = arith.andi %ne3A_900, %ne3A_895 : i1
    %add3A_902 = arith.addi %rem3A_893, %select_n3A_892 : i32
    %select_n3A_903 = arith.select %and3A_901, %add3A_902, %rem3A_893 : i32
    %mul3A_904 = arith.constant 2048 : i32
    %mul3A_905 = arith.muli %select_n3A_903, %mul3A_904 : i32
    %add3A_906 = arith.constant 1664 : i32
    %add3A_907 = arith.addi %mul3A_905, %add3A_906 : i32
    %dma_start3A_908 = arith.constant 0 : i32
    %dma_start3A_909 = tpu.memref_slice %arg4[%select_n3A_887, %add3A_907, %dma_start3A_908] : memref<4x16384x32xf32, #tpu.memory_space<hbm>> -> memref<1x128x32xf32, #tpu.memory_space<hbm>>
    %dma_start3A_910 = tpu.memref_squeeze %dma_start3A_909 : memref<1x128x32xf32, #tpu.memory_space<hbm>> -> memref<128x32xf32, #tpu.memory_space<hbm>>
    %dma_start3A_911 = arith.constant 0 : i32
    %dma_start3A_912 = tpu.memref_slice %arg4[%select_n3A_887, %add3A_907, %dma_start3A_911] : memref<4x16384x32xf32, #tpu.memory_space<hbm>> -> memref<1x128x32xf32, #tpu.memory_space<hbm>>
    %dma_start3A_913 = tpu.memref_squeeze %dma_start3A_912 : memref<1x128x32xf32, #tpu.memory_space<hbm>> -> memref<128x32xf32, #tpu.memory_space<hbm>>
    tpu.enqueue_dma source(%arg7 : memref<128x32xf32, #tpu.memory_space<vmem>>) target(%dma_start3A_913 : memref<128x32xf32, #tpu.memory_space<hbm>>) target_semaphore(%arg11 : memref<!tpu.dma_semaphore, #tpu.memory_space<semaphore_mem>>)
    %dma_wait3A_914 = arith.constant 0 : i32
    %dma_wait3A_915 = tpu.memref_slice %arg4[%select_n3A_887, %add3A_907, %dma_wait3A_914] : memref<4x16384x32xf32, #tpu.memory_space<hbm>> -> memref<1x128x32xf32, #tpu.memory_space<hbm>>
    %dma_wait3A_916 = tpu.memref_squeeze %dma_wait3A_915 : memref<1x128x32xf32, #tpu.memory_space<hbm>> -> memref<128x32xf32, #tpu.memory_space<hbm>>
    %dma_wait3A_917 = arith.constant 0 : i32
    %dma_wait3A_918 = tpu.memref_slice %arg4[%select_n3A_887, %add3A_907, %dma_wait3A_917] : memref<4x16384x32xf32, #tpu.memory_space<hbm>> -> memref<1x128x32xf32, #tpu.memory_space<hbm>>
    %dma_wait3A_919 = tpu.memref_squeeze %dma_wait3A_918 : memref<1x128x32xf32, #tpu.memory_space<hbm>> -> memref<128x32xf32, #tpu.memory_space<hbm>>
    tpu.wait_dma2 semaphore(%arg11 : memref<!tpu.dma_semaphore, #tpu.memory_space<semaphore_mem>>) src(%arg7 : memref<128x32xf32, #tpu.memory_space<vmem>>) dst(%dma_wait3A_919 : memref<128x32xf32, #tpu.memory_space<hbm>>)
    %dma_start3A_920 = arith.constant 1920 : i32
    %dma_start3A_921 = tpu.memref_slice %arg5[%dma_start3A_920] : memref<2048xi32, #tpu.memory_space<vmem>> -> memref<128xi32, #tpu.memory_space<vmem>>
    %dma_start3A_922 = arith.constant 0 : i32
    %dma_start3A_923 = arith.constant 0 : i32
    %dma_start3A_924 = tpu.memref_slice %arg2[%dma_start3A_922, %dma_start3A_923] : memref<4096x32xf32, #tpu.memory_space<hbm>> -> memref<4096x32xf32, #tpu.memory_space<hbm>>
    tpu.enqueue_indirect_dma source(%dma_start3A_924 : memref<4096x32xf32, #tpu.memory_space<hbm>>) target(%arg7 : memref<128x32xf32, #tpu.memory_space<vmem>>) offsets(%dma_start3A_921 : memref<128xi32, #tpu.memory_space<vmem>>) semaphore(%arg9 : memref<!tpu.dma_semaphore, #tpu.memory_space<semaphore_mem>>)
    %dma_wait3A_925 = arith.constant 1792 : i32
    %dma_wait3A_926 = tpu.memref_slice %arg5[%dma_wait3A_925] : memref<2048xi32, #tpu.memory_space<vmem>> -> memref<128xi32, #tpu.memory_space<vmem>>
    %dma_wait3A_927 = arith.constant 0 : i32
    %dma_wait3A_928 = arith.constant 0 : i32
    %dma_wait3A_929 = tpu.memref_slice %arg2[%dma_wait3A_927, %dma_wait3A_928] : memref<4096x32xf32, #tpu.memory_space<hbm>> -> memref<4096x32xf32, #tpu.memory_space<hbm>>
    tpu.wait_indirect_dma semaphore(%arg8 : memref<!tpu.dma_semaphore, #tpu.memory_space<semaphore_mem>>) src(%dma_wait3A_929 : memref<4096x32xf32, #tpu.memory_space<hbm>>) dst(%arg6 : memref<128x32xf32, #tpu.memory_space<vmem>>)
    %jit3A_930 = arith.constant 8 : i32
    %div3A_931 = arith.divsi %add3A, %jit3A_930 : i32
    %sign3A_932 = arith.constant 0 : i32
    %sign3A_933 = arith.cmpi sgt, %add3A, %sign3A_932 : i32
    %sign3A_934 = arith.extui %sign3A_933 : i1 to i32
    %sign3A_935 = arith.constant 0 : i32
    %sign3A_936 = arith.cmpi slt, %add3A, %sign3A_935 : i32
    %sign3A_937 = arith.extui %sign3A_936 : i1 to i32
    %sign3A_938 = arith.subi %sign3A_934, %sign3A_937 : i32
    %sign3A_939 = arith.constant 0 : i32
    %sign3A_940 = arith.cmpi sgt, %jit3A_930, %sign3A_939 : i32
    %sign3A_941 = arith.extui %sign3A_940 : i1 to i32
    %sign3A_942 = arith.constant 0 : i32
    %sign3A_943 = arith.cmpi slt, %jit3A_930, %sign3A_942 : i32
    %sign3A_944 = arith.extui %sign3A_943 : i1 to i32
    %sign3A_945 = arith.subi %sign3A_941, %sign3A_944 : i32
    %ne3A_946 = arith.cmpi ne, %sign3A_938, %sign3A_945 : i32
    %rem3A_947 = arith.remsi %add3A, %jit3A_930 : i32
    %ne3A_948 = arith.constant 0 : i32
    %ne3A_949 = arith.cmpi ne, %rem3A_947, %ne3A_948 : i32
    %and3A_950 = arith.andi %ne3A_946, %ne3A_949 : i1
    %sub3A_951 = arith.constant 1 : i32
    %sub3A_952 = arith.subi %div3A_931, %sub3A_951 : i32
    %select_n3A_953 = arith.select %and3A_950, %sub3A_952, %div3A_931 : i32
    %jit3A_954 = arith.constant 8 : i32
    %eq3A_955 = arith.constant 0 : i32
    %eq3A_956 = arith.cmpi eq, %jit3A_954, %eq3A_955 : i32
    %jit3A_957 = arith.constant 1 : i32
    %select_n3A_958 = arith.select %eq3A_956, %jit3A_957, %jit3A_954 : i32
    %rem3A_959 = arith.remsi %add3A, %select_n3A_958 : i32
    %ne3A_960 = arith.constant 0 : i32
    %ne3A_961 = arith.cmpi ne, %rem3A_959, %ne3A_960 : i32
    %lt3A_962 = arith.constant 0 : i32
    %lt3A_963 = arith.cmpi slt, %rem3A_959, %lt3A_962 : i32
    %lt3A_964 = arith.constant 0 : i32
    %lt3A_965 = arith.cmpi slt, %select_n3A_958, %lt3A_964 : i32
    %ne3A_966 = arith.xori %lt3A_963, %lt3A_965 : i1
    %and3A_967 = arith.andi %ne3A_966, %ne3A_961 : i1
    %add3A_968 = arith.addi %rem3A_959, %select_n3A_958 : i32
    %select_n3A_969 = arith.select %and3A_967, %add3A_968, %rem3A_959 : i32
    %mul3A_970 = arith.constant 2048 : i32
    %mul3A_971 = arith.muli %select_n3A_969, %mul3A_970 : i32
    %add3A_972 = arith.constant 1792 : i32
    %add3A_973 = arith.addi %mul3A_971, %add3A_972 : i32
    %dma_start3A_974 = arith.constant 0 : i32
    %dma_start3A_975 = tpu.memref_slice %arg4[%select_n3A_953, %add3A_973, %dma_start3A_974] : memref<4x16384x32xf32, #tpu.memory_space<hbm>> -> memref<1x128x32xf32, #tpu.memory_space<hbm>>
    %dma_start3A_976 = tpu.memref_squeeze %dma_start3A_975 : memref<1x128x32xf32, #tpu.memory_space<hbm>> -> memref<128x32xf32, #tpu.memory_space<hbm>>
    %dma_start3A_977 = arith.constant 0 : i32
    %dma_start3A_978 = tpu.memref_slice %arg4[%select_n3A_953, %add3A_973, %dma_start3A_977] : memref<4x16384x32xf32, #tpu.memory_space<hbm>> -> memref<1x128x32xf32, #tpu.memory_space<hbm>>
    %dma_start3A_979 = tpu.memref_squeeze %dma_start3A_978 : memref<1x128x32xf32, #tpu.memory_space<hbm>> -> memref<128x32xf32, #tpu.memory_space<hbm>>
    tpu.enqueue_dma source(%arg6 : memref<128x32xf32, #tpu.memory_space<vmem>>) target(%dma_start3A_979 : memref<128x32xf32, #tpu.memory_space<hbm>>) target_semaphore(%arg10 : memref<!tpu.dma_semaphore, #tpu.memory_space<semaphore_mem>>)
    %dma_wait3A_980 = arith.constant 1920 : i32
    %dma_wait3A_981 = tpu.memref_slice %arg5[%dma_wait3A_980] : memref<2048xi32, #tpu.memory_space<vmem>> -> memref<128xi32, #tpu.memory_space<vmem>>
    %dma_wait3A_982 = arith.constant 0 : i32
    %dma_wait3A_983 = arith.constant 0 : i32
    %dma_wait3A_984 = tpu.memref_slice %arg2[%dma_wait3A_982, %dma_wait3A_983] : memref<4096x32xf32, #tpu.memory_space<hbm>> -> memref<4096x32xf32, #tpu.memory_space<hbm>>
    tpu.wait_indirect_dma semaphore(%arg9 : memref<!tpu.dma_semaphore, #tpu.memory_space<semaphore_mem>>) src(%dma_wait3A_984 : memref<4096x32xf32, #tpu.memory_space<hbm>>) dst(%arg7 : memref<128x32xf32, #tpu.memory_space<vmem>>)
    %jit3A_985 = arith.constant 8 : i32
    %div3A_986 = arith.divsi %add3A, %jit3A_985 : i32
    %sign3A_987 = arith.constant 0 : i32
    %sign3A_988 = arith.cmpi sgt, %add3A, %sign3A_987 : i32
    %sign3A_989 = arith.extui %sign3A_988 : i1 to i32
    %sign3A_990 = arith.constant 0 : i32
    %sign3A_991 = arith.cmpi slt, %add3A, %sign3A_990 : i32
    %sign3A_992 = arith.extui %sign3A_991 : i1 to i32
    %sign3A_993 = arith.subi %sign3A_989, %sign3A_992 : i32
    %sign3A_994 = arith.constant 0 : i32
    %sign3A_995 = arith.cmpi sgt, %jit3A_985, %sign3A_994 : i32
    %sign3A_996 = arith.extui %sign3A_995 : i1 to i32
    %sign3A_997 = arith.constant 0 : i32
    %sign3A_998 = arith.cmpi slt, %jit3A_985, %sign3A_997 : i32
    %sign3A_999 = arith.extui %sign3A_998 : i1 to i32
    %sign3A_1000 = arith.subi %sign3A_996, %sign3A_999 : i32
    %ne3A_1001 = arith.cmpi ne, %sign3A_993, %sign3A_1000 : i32
    %rem3A_1002 = arith.remsi %add3A, %jit3A_985 : i32
    %ne3A_1003 = arith.constant 0 : i32
    %ne3A_1004 = arith.cmpi ne, %rem3A_1002, %ne3A_1003 : i32
    %and3A_1005 = arith.andi %ne3A_1001, %ne3A_1004 : i1
    %sub3A_1006 = arith.constant 1 : i32
    %sub3A_1007 = arith.subi %div3A_986, %sub3A_1006 : i32
    %select_n3A_1008 = arith.select %and3A_1005, %sub3A_1007, %div3A_986 : i32
    %jit3A_1009 = arith.constant 8 : i32
    %eq3A_1010 = arith.constant 0 : i32
    %eq3A_1011 = arith.cmpi eq, %jit3A_1009, %eq3A_1010 : i32
    %jit3A_1012 = arith.constant 1 : i32
    %select_n3A_1013 = arith.select %eq3A_1011, %jit3A_1012, %jit3A_1009 : i32
    %rem3A_1014 = arith.remsi %add3A, %select_n3A_1013 : i32
    %ne3A_1015 = arith.constant 0 : i32
    %ne3A_1016 = arith.cmpi ne, %rem3A_1014, %ne3A_1015 : i32
    %lt3A_1017 = arith.constant 0 : i32
    %lt3A_1018 = arith.cmpi slt, %rem3A_1014, %lt3A_1017 : i32
    %lt3A_1019 = arith.constant 0 : i32
    %lt3A_1020 = arith.cmpi slt, %select_n3A_1013, %lt3A_1019 : i32
    %ne3A_1021 = arith.xori %lt3A_1018, %lt3A_1020 : i1
    %and3A_1022 = arith.andi %ne3A_1021, %ne3A_1016 : i1
    %add3A_1023 = arith.addi %rem3A_1014, %select_n3A_1013 : i32
    %select_n3A_1024 = arith.select %and3A_1022, %add3A_1023, %rem3A_1014 : i32
    %mul3A_1025 = arith.constant 2048 : i32
    %mul3A_1026 = arith.muli %select_n3A_1024, %mul3A_1025 : i32
    %add3A_1027 = arith.constant 1920 : i32
    %add3A_1028 = arith.addi %mul3A_1026, %add3A_1027 : i32
    %dma_start3A_1029 = arith.constant 0 : i32
    %dma_start3A_1030 = tpu.memref_slice %arg4[%select_n3A_1008, %add3A_1028, %dma_start3A_1029] : memref<4x16384x32xf32, #tpu.memory_space<hbm>> -> memref<1x128x32xf32, #tpu.memory_space<hbm>>
    %dma_start3A_1031 = tpu.memref_squeeze %dma_start3A_1030 : memref<1x128x32xf32, #tpu.memory_space<hbm>> -> memref<128x32xf32, #tpu.memory_space<hbm>>
    %dma_start3A_1032 = arith.constant 0 : i32
    %dma_start3A_1033 = tpu.memref_slice %arg4[%select_n3A_1008, %add3A_1028, %dma_start3A_1032] : memref<4x16384x32xf32, #tpu.memory_space<hbm>> -> memref<1x128x32xf32, #tpu.memory_space<hbm>>
    %dma_start3A_1034 = tpu.memref_squeeze %dma_start3A_1033 : memref<1x128x32xf32, #tpu.memory_space<hbm>> -> memref<128x32xf32, #tpu.memory_space<hbm>>
    tpu.enqueue_dma source(%arg7 : memref<128x32xf32, #tpu.memory_space<vmem>>) target(%dma_start3A_1034 : memref<128x32xf32, #tpu.memory_space<hbm>>) target_semaphore(%arg11 : memref<!tpu.dma_semaphore, #tpu.memory_space<semaphore_mem>>)
    %dma_wait3A_1035 = arith.constant 0 : i32
    %dma_wait3A_1036 = tpu.memref_slice %arg4[%select_n3A_953, %add3A_973, %dma_wait3A_1035] : memref<4x16384x32xf32, #tpu.memory_space<hbm>> -> memref<1x128x32xf32, #tpu.memory_space<hbm>>
    %dma_wait3A_1037 = tpu.memref_squeeze %dma_wait3A_1036 : memref<1x128x32xf32, #tpu.memory_space<hbm>> -> memref<128x32xf32, #tpu.memory_space<hbm>>
    %dma_wait3A_1038 = arith.constant 0 : i32
    %dma_wait3A_1039 = tpu.memref_slice %arg4[%select_n3A_953, %add3A_973, %dma_wait3A_1038] : memref<4x16384x32xf32, #tpu.memory_space<hbm>> -> memref<1x128x32xf32, #tpu.memory_space<hbm>>
    %dma_wait3A_1040 = tpu.memref_squeeze %dma_wait3A_1039 : memref<1x128x32xf32, #tpu.memory_space<hbm>> -> memref<128x32xf32, #tpu.memory_space<hbm>>
    tpu.wait_dma2 semaphore(%arg10 : memref<!tpu.dma_semaphore, #tpu.memory_space<semaphore_mem>>) src(%arg6 : memref<128x32xf32, #tpu.memory_space<vmem>>) dst(%dma_wait3A_1040 : memref<128x32xf32, #tpu.memory_space<hbm>>)
    %dma_wait3A_1041 = arith.constant 0 : i32
    %dma_wait3A_1042 = tpu.memref_slice %arg4[%select_n3A_1008, %add3A_1028, %dma_wait3A_1041] : memref<4x16384x32xf32, #tpu.memory_space<hbm>> -> memref<1x128x32xf32, #tpu.memory_space<hbm>>
    %dma_wait3A_1043 = tpu.memref_squeeze %dma_wait3A_1042 : memref<1x128x32xf32, #tpu.memory_space<hbm>> -> memref<128x32xf32, #tpu.memory_space<hbm>>
    %dma_wait3A_1044 = arith.constant 0 : i32
    %dma_wait3A_1045 = tpu.memref_slice %arg4[%select_n3A_1008, %add3A_1028, %dma_wait3A_1044] : memref<4x16384x32xf32, #tpu.memory_space<hbm>> -> memref<1x128x32xf32, #tpu.memory_space<hbm>>
    %dma_wait3A_1046 = tpu.memref_squeeze %dma_wait3A_1045 : memref<1x128x32xf32, #tpu.memory_space<hbm>> -> memref<128x32xf32, #tpu.memory_space<hbm>>
    tpu.wait_dma2 semaphore(%arg11 : memref<!tpu.dma_semaphore, #tpu.memory_space<semaphore_mem>>) src(%arg7 : memref<128x32xf32, #tpu.memory_space<vmem>>) dst(%dma_wait3A_1046 : memref<128x32xf32, #tpu.memory_space<hbm>>)
    return
  }
}

module attributes {stable_mosaic.version = 14 : i64} {
  func.func @_dist_argmin_kernel(%arg0: i32, %arg1: i32, %arg2: memref<1x32x2048xf32, #tpu.memory_space<vmem>>, %arg3: memref<1x512x32xf32, #tpu.memory_space<vmem>>, %arg4: memref<1x512x1xf32, #tpu.memory_space<vmem>>, %arg5: memref<2048xi32, #tpu.memory_space<vmem>>, %arg6: memref<4x8xf32, #tpu.memory_space<smem>>) attributes {dimension_semantics = [#tpu.dimension_semantics<arbitrary>, #tpu.dimension_semantics<arbitrary>], iteration_bounds = array<i64: 4, 8>, scalar_prefetch = 0 : i64, scratch_operands = 0 : i64, tpu.core_type = #tpu.core_type<tc>, window_params = [{transform_indices = @transform_0, window_bounds = array<i64: 1, 32, 2048>}, {transform_indices = @transform_1, window_bounds = array<i64: 1, 512, 32>}, {transform_indices = @transform_2, window_bounds = array<i64: 1, 512, 1>}, {transform_indices = @transform_3, window_bounds = array<i64: 2048>}, {transform_indices = @transform_4, window_bounds = array<i64: 4, 8>}]} {
    %get3A = arith.constant 0 : index
    %get3A_0 = arith.constant 0 : index
    %get3A_1 = arith.constant 0 : index
    %get3A_2 = vector.load %arg2[%get3A, %get3A_0, %get3A_1] : memref<1x32x2048xf32, #tpu.memory_space<vmem>>, vector<1x32x2048xf32>
    %get3A_3 = vector.shape_cast %get3A_2 : vector<1x32x2048xf32> to vector<32x2048xf32>
    %get3A_4 = arith.constant 0 : index
    %get3A_5 = arith.constant 0 : index
    %get3A_6 = arith.constant 0 : index
    %get3A_7 = vector.load %arg3[%get3A_4, %get3A_5, %get3A_6] : memref<1x512x32xf32, #tpu.memory_space<vmem>>, vector<1x512x32xf32>
    %get3A_8 = vector.shape_cast %get3A_7 : vector<1x512x32xf32> to vector<512x32xf32>
    %get3A_9 = arith.constant 0 : index
    %get3A_10 = arith.constant 0 : index
    %get3A_11 = arith.constant 0 : index
    %get3A_12 = vector.load %arg4[%get3A_9, %get3A_10, %get3A_11] : memref<1x512x1xf32, #tpu.memory_space<vmem>>, vector<1x512x1xf32>
    %get3A_13 = vector.shape_cast %get3A_12 : vector<1x512x1xf32> to vector<512x1xf32>
    %dot_general3A = arith.constant dense<0.000000e+00> : vector<512x2048xf32>
    %dot_general3A_14 = tpu.matmul %get3A_8, %get3A_3, %dot_general3A {dimension_numbers = #tpu.dot_dimension_numbers<[1], [0], [0], [1], [0, 0, 1, 1], [], []>, transpose_lhs_hint = false} : vector<512x32xf32>, vector<32x2048xf32>, vector<512x2048xf32> -> vector<512x2048xf32>
    %broadcast_in_dim3A = arith.constant 0x7F800000 : f32
    %broadcast_in_dim3A_15 = vector.broadcast %broadcast_in_dim3A : f32 to vector<8x2048xf32>
    %broadcast_in_dim3A_16 = arith.constant 0 : i32
    %broadcast_in_dim3A_17 = vector.broadcast %broadcast_in_dim3A_16 : i32 to vector<8x2048xi32>
    %slice3A = vector.extract_strided_slice %dot_general3A_14 {offsets = [0, 0], sizes = [8, 2048], strides = [1, 1]} : vector<512x2048xf32> to vector<8x2048xf32>
    %slice3A_18 = vector.extract_strided_slice %get3A_13 {offsets = [0, 0], sizes = [8, 1], strides = [1, 1]} : vector<512x1xf32> to vector<8x1xf32>
    %add3A = vector.broadcast %slice3A_18 : vector<8x1xf32> to vector<8x2048xf32>
    %add3A_19 = arith.addf %slice3A, %add3A : vector<8x2048xf32>
    %lt3A = arith.cmpf olt, %add3A_19, %broadcast_in_dim3A_15 : vector<8x2048xf32>
    %select_n3A = arith.select %lt3A, %add3A_19, %broadcast_in_dim3A_15 : vector<8x2048xi1>, vector<8x2048xf32>
    %jit3A = arith.constant 0 : i32
    %broadcast_in_dim3A_20 = vector.broadcast %jit3A : i32 to vector<8x2048xi32>
    %select_n3A_21 = arith.select %lt3A, %broadcast_in_dim3A_20, %broadcast_in_dim3A_17 : vector<8x2048xi1>, vector<8x2048xi32>
    %slice3A_22 = vector.extract_strided_slice %dot_general3A_14 {offsets = [8, 0], sizes = [8, 2048], strides = [1, 1]} : vector<512x2048xf32> to vector<8x2048xf32>
    %slice3A_23 = vector.extract_strided_slice %get3A_13 {offsets = [8, 0], sizes = [8, 1], strides = [1, 1]} : vector<512x1xf32> to vector<8x1xf32>
    %add3A_24 = vector.broadcast %slice3A_23 : vector<8x1xf32> to vector<8x2048xf32>
    %add3A_25 = arith.addf %slice3A_22, %add3A_24 : vector<8x2048xf32>
    %lt3A_26 = arith.cmpf olt, %add3A_25, %select_n3A : vector<8x2048xf32>
    %select_n3A_27 = arith.select %lt3A_26, %add3A_25, %select_n3A : vector<8x2048xi1>, vector<8x2048xf32>
    %jit3A_28 = arith.constant 1 : i32
    %broadcast_in_dim3A_29 = vector.broadcast %jit3A_28 : i32 to vector<8x2048xi32>
    %select_n3A_30 = arith.select %lt3A_26, %broadcast_in_dim3A_29, %select_n3A_21 : vector<8x2048xi1>, vector<8x2048xi32>
    %slice3A_31 = vector.extract_strided_slice %dot_general3A_14 {offsets = [16, 0], sizes = [8, 2048], strides = [1, 1]} : vector<512x2048xf32> to vector<8x2048xf32>
    %slice3A_32 = vector.extract_strided_slice %get3A_13 {offsets = [16, 0], sizes = [8, 1], strides = [1, 1]} : vector<512x1xf32> to vector<8x1xf32>
    %add3A_33 = vector.broadcast %slice3A_32 : vector<8x1xf32> to vector<8x2048xf32>
    %add3A_34 = arith.addf %slice3A_31, %add3A_33 : vector<8x2048xf32>
    %lt3A_35 = arith.cmpf olt, %add3A_34, %select_n3A_27 : vector<8x2048xf32>
    %select_n3A_36 = arith.select %lt3A_35, %add3A_34, %select_n3A_27 : vector<8x2048xi1>, vector<8x2048xf32>
    %jit3A_37 = arith.constant 2 : i32
    %broadcast_in_dim3A_38 = vector.broadcast %jit3A_37 : i32 to vector<8x2048xi32>
    %select_n3A_39 = arith.select %lt3A_35, %broadcast_in_dim3A_38, %select_n3A_30 : vector<8x2048xi1>, vector<8x2048xi32>
    %slice3A_40 = vector.extract_strided_slice %dot_general3A_14 {offsets = [24, 0], sizes = [8, 2048], strides = [1, 1]} : vector<512x2048xf32> to vector<8x2048xf32>
    %slice3A_41 = vector.extract_strided_slice %get3A_13 {offsets = [24, 0], sizes = [8, 1], strides = [1, 1]} : vector<512x1xf32> to vector<8x1xf32>
    %add3A_42 = vector.broadcast %slice3A_41 : vector<8x1xf32> to vector<8x2048xf32>
    %add3A_43 = arith.addf %slice3A_40, %add3A_42 : vector<8x2048xf32>
    %lt3A_44 = arith.cmpf olt, %add3A_43, %select_n3A_36 : vector<8x2048xf32>
    %select_n3A_45 = arith.select %lt3A_44, %add3A_43, %select_n3A_36 : vector<8x2048xi1>, vector<8x2048xf32>
    %jit3A_46 = arith.constant 3 : i32
    %broadcast_in_dim3A_47 = vector.broadcast %jit3A_46 : i32 to vector<8x2048xi32>
    %select_n3A_48 = arith.select %lt3A_44, %broadcast_in_dim3A_47, %select_n3A_39 : vector<8x2048xi1>, vector<8x2048xi32>
    %slice3A_49 = vector.extract_strided_slice %dot_general3A_14 {offsets = [32, 0], sizes = [8, 2048], strides = [1, 1]} : vector<512x2048xf32> to vector<8x2048xf32>
    %slice3A_50 = vector.extract_strided_slice %get3A_13 {offsets = [32, 0], sizes = [8, 1], strides = [1, 1]} : vector<512x1xf32> to vector<8x1xf32>
    %add3A_51 = vector.broadcast %slice3A_50 : vector<8x1xf32> to vector<8x2048xf32>
    %add3A_52 = arith.addf %slice3A_49, %add3A_51 : vector<8x2048xf32>
    %lt3A_53 = arith.cmpf olt, %add3A_52, %select_n3A_45 : vector<8x2048xf32>
    %select_n3A_54 = arith.select %lt3A_53, %add3A_52, %select_n3A_45 : vector<8x2048xi1>, vector<8x2048xf32>
    %jit3A_55 = arith.constant 4 : i32
    %broadcast_in_dim3A_56 = vector.broadcast %jit3A_55 : i32 to vector<8x2048xi32>
    %select_n3A_57 = arith.select %lt3A_53, %broadcast_in_dim3A_56, %select_n3A_48 : vector<8x2048xi1>, vector<8x2048xi32>
    %slice3A_58 = vector.extract_strided_slice %dot_general3A_14 {offsets = [40, 0], sizes = [8, 2048], strides = [1, 1]} : vector<512x2048xf32> to vector<8x2048xf32>
    %slice3A_59 = vector.extract_strided_slice %get3A_13 {offsets = [40, 0], sizes = [8, 1], strides = [1, 1]} : vector<512x1xf32> to vector<8x1xf32>
    %add3A_60 = vector.broadcast %slice3A_59 : vector<8x1xf32> to vector<8x2048xf32>
    %add3A_61 = arith.addf %slice3A_58, %add3A_60 : vector<8x2048xf32>
    %lt3A_62 = arith.cmpf olt, %add3A_61, %select_n3A_54 : vector<8x2048xf32>
    %select_n3A_63 = arith.select %lt3A_62, %add3A_61, %select_n3A_54 : vector<8x2048xi1>, vector<8x2048xf32>
    %jit3A_64 = arith.constant 5 : i32
    %broadcast_in_dim3A_65 = vector.broadcast %jit3A_64 : i32 to vector<8x2048xi32>
    %select_n3A_66 = arith.select %lt3A_62, %broadcast_in_dim3A_65, %select_n3A_57 : vector<8x2048xi1>, vector<8x2048xi32>
    %slice3A_67 = vector.extract_strided_slice %dot_general3A_14 {offsets = [48, 0], sizes = [8, 2048], strides = [1, 1]} : vector<512x2048xf32> to vector<8x2048xf32>
    %slice3A_68 = vector.extract_strided_slice %get3A_13 {offsets = [48, 0], sizes = [8, 1], strides = [1, 1]} : vector<512x1xf32> to vector<8x1xf32>
    %add3A_69 = vector.broadcast %slice3A_68 : vector<8x1xf32> to vector<8x2048xf32>
    %add3A_70 = arith.addf %slice3A_67, %add3A_69 : vector<8x2048xf32>
    %lt3A_71 = arith.cmpf olt, %add3A_70, %select_n3A_63 : vector<8x2048xf32>
    %select_n3A_72 = arith.select %lt3A_71, %add3A_70, %select_n3A_63 : vector<8x2048xi1>, vector<8x2048xf32>
    %jit3A_73 = arith.constant 6 : i32
    %broadcast_in_dim3A_74 = vector.broadcast %jit3A_73 : i32 to vector<8x2048xi32>
    %select_n3A_75 = arith.select %lt3A_71, %broadcast_in_dim3A_74, %select_n3A_66 : vector<8x2048xi1>, vector<8x2048xi32>
    %slice3A_76 = vector.extract_strided_slice %dot_general3A_14 {offsets = [56, 0], sizes = [8, 2048], strides = [1, 1]} : vector<512x2048xf32> to vector<8x2048xf32>
    %slice3A_77 = vector.extract_strided_slice %get3A_13 {offsets = [56, 0], sizes = [8, 1], strides = [1, 1]} : vector<512x1xf32> to vector<8x1xf32>
    %add3A_78 = vector.broadcast %slice3A_77 : vector<8x1xf32> to vector<8x2048xf32>
    %add3A_79 = arith.addf %slice3A_76, %add3A_78 : vector<8x2048xf32>
    %lt3A_80 = arith.cmpf olt, %add3A_79, %select_n3A_72 : vector<8x2048xf32>
    %select_n3A_81 = arith.select %lt3A_80, %add3A_79, %select_n3A_72 : vector<8x2048xi1>, vector<8x2048xf32>
    %jit3A_82 = arith.constant 7 : i32
    %broadcast_in_dim3A_83 = vector.broadcast %jit3A_82 : i32 to vector<8x2048xi32>
    %select_n3A_84 = arith.select %lt3A_80, %broadcast_in_dim3A_83, %select_n3A_75 : vector<8x2048xi1>, vector<8x2048xi32>
    %slice3A_85 = vector.extract_strided_slice %dot_general3A_14 {offsets = [64, 0], sizes = [8, 2048], strides = [1, 1]} : vector<512x2048xf32> to vector<8x2048xf32>
    %slice3A_86 = vector.extract_strided_slice %get3A_13 {offsets = [64, 0], sizes = [8, 1], strides = [1, 1]} : vector<512x1xf32> to vector<8x1xf32>
    %add3A_87 = vector.broadcast %slice3A_86 : vector<8x1xf32> to vector<8x2048xf32>
    %add3A_88 = arith.addf %slice3A_85, %add3A_87 : vector<8x2048xf32>
    %lt3A_89 = arith.cmpf olt, %add3A_88, %select_n3A_81 : vector<8x2048xf32>
    %select_n3A_90 = arith.select %lt3A_89, %add3A_88, %select_n3A_81 : vector<8x2048xi1>, vector<8x2048xf32>
    %jit3A_91 = arith.constant 8 : i32
    %broadcast_in_dim3A_92 = vector.broadcast %jit3A_91 : i32 to vector<8x2048xi32>
    %select_n3A_93 = arith.select %lt3A_89, %broadcast_in_dim3A_92, %select_n3A_84 : vector<8x2048xi1>, vector<8x2048xi32>
    %slice3A_94 = vector.extract_strided_slice %dot_general3A_14 {offsets = [72, 0], sizes = [8, 2048], strides = [1, 1]} : vector<512x2048xf32> to vector<8x2048xf32>
    %slice3A_95 = vector.extract_strided_slice %get3A_13 {offsets = [72, 0], sizes = [8, 1], strides = [1, 1]} : vector<512x1xf32> to vector<8x1xf32>
    %add3A_96 = vector.broadcast %slice3A_95 : vector<8x1xf32> to vector<8x2048xf32>
    %add3A_97 = arith.addf %slice3A_94, %add3A_96 : vector<8x2048xf32>
    %lt3A_98 = arith.cmpf olt, %add3A_97, %select_n3A_90 : vector<8x2048xf32>
    %select_n3A_99 = arith.select %lt3A_98, %add3A_97, %select_n3A_90 : vector<8x2048xi1>, vector<8x2048xf32>
    %jit3A_100 = arith.constant 9 : i32
    %broadcast_in_dim3A_101 = vector.broadcast %jit3A_100 : i32 to vector<8x2048xi32>
    %select_n3A_102 = arith.select %lt3A_98, %broadcast_in_dim3A_101, %select_n3A_93 : vector<8x2048xi1>, vector<8x2048xi32>
    %slice3A_103 = vector.extract_strided_slice %dot_general3A_14 {offsets = [80, 0], sizes = [8, 2048], strides = [1, 1]} : vector<512x2048xf32> to vector<8x2048xf32>
    %slice3A_104 = vector.extract_strided_slice %get3A_13 {offsets = [80, 0], sizes = [8, 1], strides = [1, 1]} : vector<512x1xf32> to vector<8x1xf32>
    %add3A_105 = vector.broadcast %slice3A_104 : vector<8x1xf32> to vector<8x2048xf32>
    %add3A_106 = arith.addf %slice3A_103, %add3A_105 : vector<8x2048xf32>
    %lt3A_107 = arith.cmpf olt, %add3A_106, %select_n3A_99 : vector<8x2048xf32>
    %select_n3A_108 = arith.select %lt3A_107, %add3A_106, %select_n3A_99 : vector<8x2048xi1>, vector<8x2048xf32>
    %jit3A_109 = arith.constant 10 : i32
    %broadcast_in_dim3A_110 = vector.broadcast %jit3A_109 : i32 to vector<8x2048xi32>
    %select_n3A_111 = arith.select %lt3A_107, %broadcast_in_dim3A_110, %select_n3A_102 : vector<8x2048xi1>, vector<8x2048xi32>
    %slice3A_112 = vector.extract_strided_slice %dot_general3A_14 {offsets = [88, 0], sizes = [8, 2048], strides = [1, 1]} : vector<512x2048xf32> to vector<8x2048xf32>
    %slice3A_113 = vector.extract_strided_slice %get3A_13 {offsets = [88, 0], sizes = [8, 1], strides = [1, 1]} : vector<512x1xf32> to vector<8x1xf32>
    %add3A_114 = vector.broadcast %slice3A_113 : vector<8x1xf32> to vector<8x2048xf32>
    %add3A_115 = arith.addf %slice3A_112, %add3A_114 : vector<8x2048xf32>
    %lt3A_116 = arith.cmpf olt, %add3A_115, %select_n3A_108 : vector<8x2048xf32>
    %select_n3A_117 = arith.select %lt3A_116, %add3A_115, %select_n3A_108 : vector<8x2048xi1>, vector<8x2048xf32>
    %jit3A_118 = arith.constant 11 : i32
    %broadcast_in_dim3A_119 = vector.broadcast %jit3A_118 : i32 to vector<8x2048xi32>
    %select_n3A_120 = arith.select %lt3A_116, %broadcast_in_dim3A_119, %select_n3A_111 : vector<8x2048xi1>, vector<8x2048xi32>
    %slice3A_121 = vector.extract_strided_slice %dot_general3A_14 {offsets = [96, 0], sizes = [8, 2048], strides = [1, 1]} : vector<512x2048xf32> to vector<8x2048xf32>
    %slice3A_122 = vector.extract_strided_slice %get3A_13 {offsets = [96, 0], sizes = [8, 1], strides = [1, 1]} : vector<512x1xf32> to vector<8x1xf32>
    %add3A_123 = vector.broadcast %slice3A_122 : vector<8x1xf32> to vector<8x2048xf32>
    %add3A_124 = arith.addf %slice3A_121, %add3A_123 : vector<8x2048xf32>
    %lt3A_125 = arith.cmpf olt, %add3A_124, %select_n3A_117 : vector<8x2048xf32>
    %select_n3A_126 = arith.select %lt3A_125, %add3A_124, %select_n3A_117 : vector<8x2048xi1>, vector<8x2048xf32>
    %jit3A_127 = arith.constant 12 : i32
    %broadcast_in_dim3A_128 = vector.broadcast %jit3A_127 : i32 to vector<8x2048xi32>
    %select_n3A_129 = arith.select %lt3A_125, %broadcast_in_dim3A_128, %select_n3A_120 : vector<8x2048xi1>, vector<8x2048xi32>
    %slice3A_130 = vector.extract_strided_slice %dot_general3A_14 {offsets = [104, 0], sizes = [8, 2048], strides = [1, 1]} : vector<512x2048xf32> to vector<8x2048xf32>
    %slice3A_131 = vector.extract_strided_slice %get3A_13 {offsets = [104, 0], sizes = [8, 1], strides = [1, 1]} : vector<512x1xf32> to vector<8x1xf32>
    %add3A_132 = vector.broadcast %slice3A_131 : vector<8x1xf32> to vector<8x2048xf32>
    %add3A_133 = arith.addf %slice3A_130, %add3A_132 : vector<8x2048xf32>
    %lt3A_134 = arith.cmpf olt, %add3A_133, %select_n3A_126 : vector<8x2048xf32>
    %select_n3A_135 = arith.select %lt3A_134, %add3A_133, %select_n3A_126 : vector<8x2048xi1>, vector<8x2048xf32>
    %jit3A_136 = arith.constant 13 : i32
    %broadcast_in_dim3A_137 = vector.broadcast %jit3A_136 : i32 to vector<8x2048xi32>
    %select_n3A_138 = arith.select %lt3A_134, %broadcast_in_dim3A_137, %select_n3A_129 : vector<8x2048xi1>, vector<8x2048xi32>
    %slice3A_139 = vector.extract_strided_slice %dot_general3A_14 {offsets = [112, 0], sizes = [8, 2048], strides = [1, 1]} : vector<512x2048xf32> to vector<8x2048xf32>
    %slice3A_140 = vector.extract_strided_slice %get3A_13 {offsets = [112, 0], sizes = [8, 1], strides = [1, 1]} : vector<512x1xf32> to vector<8x1xf32>
    %add3A_141 = vector.broadcast %slice3A_140 : vector<8x1xf32> to vector<8x2048xf32>
    %add3A_142 = arith.addf %slice3A_139, %add3A_141 : vector<8x2048xf32>
    %lt3A_143 = arith.cmpf olt, %add3A_142, %select_n3A_135 : vector<8x2048xf32>
    %select_n3A_144 = arith.select %lt3A_143, %add3A_142, %select_n3A_135 : vector<8x2048xi1>, vector<8x2048xf32>
    %jit3A_145 = arith.constant 14 : i32
    %broadcast_in_dim3A_146 = vector.broadcast %jit3A_145 : i32 to vector<8x2048xi32>
    %select_n3A_147 = arith.select %lt3A_143, %broadcast_in_dim3A_146, %select_n3A_138 : vector<8x2048xi1>, vector<8x2048xi32>
    %slice3A_148 = vector.extract_strided_slice %dot_general3A_14 {offsets = [120, 0], sizes = [8, 2048], strides = [1, 1]} : vector<512x2048xf32> to vector<8x2048xf32>
    %slice3A_149 = vector.extract_strided_slice %get3A_13 {offsets = [120, 0], sizes = [8, 1], strides = [1, 1]} : vector<512x1xf32> to vector<8x1xf32>
    %add3A_150 = vector.broadcast %slice3A_149 : vector<8x1xf32> to vector<8x2048xf32>
    %add3A_151 = arith.addf %slice3A_148, %add3A_150 : vector<8x2048xf32>
    %lt3A_152 = arith.cmpf olt, %add3A_151, %select_n3A_144 : vector<8x2048xf32>
    %select_n3A_153 = arith.select %lt3A_152, %add3A_151, %select_n3A_144 : vector<8x2048xi1>, vector<8x2048xf32>
    %jit3A_154 = arith.constant 15 : i32
    %broadcast_in_dim3A_155 = vector.broadcast %jit3A_154 : i32 to vector<8x2048xi32>
    %select_n3A_156 = arith.select %lt3A_152, %broadcast_in_dim3A_155, %select_n3A_147 : vector<8x2048xi1>, vector<8x2048xi32>
    %slice3A_157 = vector.extract_strided_slice %dot_general3A_14 {offsets = [128, 0], sizes = [8, 2048], strides = [1, 1]} : vector<512x2048xf32> to vector<8x2048xf32>
    %slice3A_158 = vector.extract_strided_slice %get3A_13 {offsets = [128, 0], sizes = [8, 1], strides = [1, 1]} : vector<512x1xf32> to vector<8x1xf32>
    %add3A_159 = vector.broadcast %slice3A_158 : vector<8x1xf32> to vector<8x2048xf32>
    %add3A_160 = arith.addf %slice3A_157, %add3A_159 : vector<8x2048xf32>
    %lt3A_161 = arith.cmpf olt, %add3A_160, %select_n3A_153 : vector<8x2048xf32>
    %select_n3A_162 = arith.select %lt3A_161, %add3A_160, %select_n3A_153 : vector<8x2048xi1>, vector<8x2048xf32>
    %jit3A_163 = arith.constant 16 : i32
    %broadcast_in_dim3A_164 = vector.broadcast %jit3A_163 : i32 to vector<8x2048xi32>
    %select_n3A_165 = arith.select %lt3A_161, %broadcast_in_dim3A_164, %select_n3A_156 : vector<8x2048xi1>, vector<8x2048xi32>
    %slice3A_166 = vector.extract_strided_slice %dot_general3A_14 {offsets = [136, 0], sizes = [8, 2048], strides = [1, 1]} : vector<512x2048xf32> to vector<8x2048xf32>
    %slice3A_167 = vector.extract_strided_slice %get3A_13 {offsets = [136, 0], sizes = [8, 1], strides = [1, 1]} : vector<512x1xf32> to vector<8x1xf32>
    %add3A_168 = vector.broadcast %slice3A_167 : vector<8x1xf32> to vector<8x2048xf32>
    %add3A_169 = arith.addf %slice3A_166, %add3A_168 : vector<8x2048xf32>
    %lt3A_170 = arith.cmpf olt, %add3A_169, %select_n3A_162 : vector<8x2048xf32>
    %select_n3A_171 = arith.select %lt3A_170, %add3A_169, %select_n3A_162 : vector<8x2048xi1>, vector<8x2048xf32>
    %jit3A_172 = arith.constant 17 : i32
    %broadcast_in_dim3A_173 = vector.broadcast %jit3A_172 : i32 to vector<8x2048xi32>
    %select_n3A_174 = arith.select %lt3A_170, %broadcast_in_dim3A_173, %select_n3A_165 : vector<8x2048xi1>, vector<8x2048xi32>
    %slice3A_175 = vector.extract_strided_slice %dot_general3A_14 {offsets = [144, 0], sizes = [8, 2048], strides = [1, 1]} : vector<512x2048xf32> to vector<8x2048xf32>
    %slice3A_176 = vector.extract_strided_slice %get3A_13 {offsets = [144, 0], sizes = [8, 1], strides = [1, 1]} : vector<512x1xf32> to vector<8x1xf32>
    %add3A_177 = vector.broadcast %slice3A_176 : vector<8x1xf32> to vector<8x2048xf32>
    %add3A_178 = arith.addf %slice3A_175, %add3A_177 : vector<8x2048xf32>
    %lt3A_179 = arith.cmpf olt, %add3A_178, %select_n3A_171 : vector<8x2048xf32>
    %select_n3A_180 = arith.select %lt3A_179, %add3A_178, %select_n3A_171 : vector<8x2048xi1>, vector<8x2048xf32>
    %jit3A_181 = arith.constant 18 : i32
    %broadcast_in_dim3A_182 = vector.broadcast %jit3A_181 : i32 to vector<8x2048xi32>
    %select_n3A_183 = arith.select %lt3A_179, %broadcast_in_dim3A_182, %select_n3A_174 : vector<8x2048xi1>, vector<8x2048xi32>
    %slice3A_184 = vector.extract_strided_slice %dot_general3A_14 {offsets = [152, 0], sizes = [8, 2048], strides = [1, 1]} : vector<512x2048xf32> to vector<8x2048xf32>
    %slice3A_185 = vector.extract_strided_slice %get3A_13 {offsets = [152, 0], sizes = [8, 1], strides = [1, 1]} : vector<512x1xf32> to vector<8x1xf32>
    %add3A_186 = vector.broadcast %slice3A_185 : vector<8x1xf32> to vector<8x2048xf32>
    %add3A_187 = arith.addf %slice3A_184, %add3A_186 : vector<8x2048xf32>
    %lt3A_188 = arith.cmpf olt, %add3A_187, %select_n3A_180 : vector<8x2048xf32>
    %select_n3A_189 = arith.select %lt3A_188, %add3A_187, %select_n3A_180 : vector<8x2048xi1>, vector<8x2048xf32>
    %jit3A_190 = arith.constant 19 : i32
    %broadcast_in_dim3A_191 = vector.broadcast %jit3A_190 : i32 to vector<8x2048xi32>
    %select_n3A_192 = arith.select %lt3A_188, %broadcast_in_dim3A_191, %select_n3A_183 : vector<8x2048xi1>, vector<8x2048xi32>
    %slice3A_193 = vector.extract_strided_slice %dot_general3A_14 {offsets = [160, 0], sizes = [8, 2048], strides = [1, 1]} : vector<512x2048xf32> to vector<8x2048xf32>
    %slice3A_194 = vector.extract_strided_slice %get3A_13 {offsets = [160, 0], sizes = [8, 1], strides = [1, 1]} : vector<512x1xf32> to vector<8x1xf32>
    %add3A_195 = vector.broadcast %slice3A_194 : vector<8x1xf32> to vector<8x2048xf32>
    %add3A_196 = arith.addf %slice3A_193, %add3A_195 : vector<8x2048xf32>
    %lt3A_197 = arith.cmpf olt, %add3A_196, %select_n3A_189 : vector<8x2048xf32>
    %select_n3A_198 = arith.select %lt3A_197, %add3A_196, %select_n3A_189 : vector<8x2048xi1>, vector<8x2048xf32>
    %jit3A_199 = arith.constant 20 : i32
    %broadcast_in_dim3A_200 = vector.broadcast %jit3A_199 : i32 to vector<8x2048xi32>
    %select_n3A_201 = arith.select %lt3A_197, %broadcast_in_dim3A_200, %select_n3A_192 : vector<8x2048xi1>, vector<8x2048xi32>
    %slice3A_202 = vector.extract_strided_slice %dot_general3A_14 {offsets = [168, 0], sizes = [8, 2048], strides = [1, 1]} : vector<512x2048xf32> to vector<8x2048xf32>
    %slice3A_203 = vector.extract_strided_slice %get3A_13 {offsets = [168, 0], sizes = [8, 1], strides = [1, 1]} : vector<512x1xf32> to vector<8x1xf32>
    %add3A_204 = vector.broadcast %slice3A_203 : vector<8x1xf32> to vector<8x2048xf32>
    %add3A_205 = arith.addf %slice3A_202, %add3A_204 : vector<8x2048xf32>
    %lt3A_206 = arith.cmpf olt, %add3A_205, %select_n3A_198 : vector<8x2048xf32>
    %select_n3A_207 = arith.select %lt3A_206, %add3A_205, %select_n3A_198 : vector<8x2048xi1>, vector<8x2048xf32>
    %jit3A_208 = arith.constant 21 : i32
    %broadcast_in_dim3A_209 = vector.broadcast %jit3A_208 : i32 to vector<8x2048xi32>
    %select_n3A_210 = arith.select %lt3A_206, %broadcast_in_dim3A_209, %select_n3A_201 : vector<8x2048xi1>, vector<8x2048xi32>
    %slice3A_211 = vector.extract_strided_slice %dot_general3A_14 {offsets = [176, 0], sizes = [8, 2048], strides = [1, 1]} : vector<512x2048xf32> to vector<8x2048xf32>
    %slice3A_212 = vector.extract_strided_slice %get3A_13 {offsets = [176, 0], sizes = [8, 1], strides = [1, 1]} : vector<512x1xf32> to vector<8x1xf32>
    %add3A_213 = vector.broadcast %slice3A_212 : vector<8x1xf32> to vector<8x2048xf32>
    %add3A_214 = arith.addf %slice3A_211, %add3A_213 : vector<8x2048xf32>
    %lt3A_215 = arith.cmpf olt, %add3A_214, %select_n3A_207 : vector<8x2048xf32>
    %select_n3A_216 = arith.select %lt3A_215, %add3A_214, %select_n3A_207 : vector<8x2048xi1>, vector<8x2048xf32>
    %jit3A_217 = arith.constant 22 : i32
    %broadcast_in_dim3A_218 = vector.broadcast %jit3A_217 : i32 to vector<8x2048xi32>
    %select_n3A_219 = arith.select %lt3A_215, %broadcast_in_dim3A_218, %select_n3A_210 : vector<8x2048xi1>, vector<8x2048xi32>
    %slice3A_220 = vector.extract_strided_slice %dot_general3A_14 {offsets = [184, 0], sizes = [8, 2048], strides = [1, 1]} : vector<512x2048xf32> to vector<8x2048xf32>
    %slice3A_221 = vector.extract_strided_slice %get3A_13 {offsets = [184, 0], sizes = [8, 1], strides = [1, 1]} : vector<512x1xf32> to vector<8x1xf32>
    %add3A_222 = vector.broadcast %slice3A_221 : vector<8x1xf32> to vector<8x2048xf32>
    %add3A_223 = arith.addf %slice3A_220, %add3A_222 : vector<8x2048xf32>
    %lt3A_224 = arith.cmpf olt, %add3A_223, %select_n3A_216 : vector<8x2048xf32>
    %select_n3A_225 = arith.select %lt3A_224, %add3A_223, %select_n3A_216 : vector<8x2048xi1>, vector<8x2048xf32>
    %jit3A_226 = arith.constant 23 : i32
    %broadcast_in_dim3A_227 = vector.broadcast %jit3A_226 : i32 to vector<8x2048xi32>
    %select_n3A_228 = arith.select %lt3A_224, %broadcast_in_dim3A_227, %select_n3A_219 : vector<8x2048xi1>, vector<8x2048xi32>
    %slice3A_229 = vector.extract_strided_slice %dot_general3A_14 {offsets = [192, 0], sizes = [8, 2048], strides = [1, 1]} : vector<512x2048xf32> to vector<8x2048xf32>
    %slice3A_230 = vector.extract_strided_slice %get3A_13 {offsets = [192, 0], sizes = [8, 1], strides = [1, 1]} : vector<512x1xf32> to vector<8x1xf32>
    %add3A_231 = vector.broadcast %slice3A_230 : vector<8x1xf32> to vector<8x2048xf32>
    %add3A_232 = arith.addf %slice3A_229, %add3A_231 : vector<8x2048xf32>
    %lt3A_233 = arith.cmpf olt, %add3A_232, %select_n3A_225 : vector<8x2048xf32>
    %select_n3A_234 = arith.select %lt3A_233, %add3A_232, %select_n3A_225 : vector<8x2048xi1>, vector<8x2048xf32>
    %jit3A_235 = arith.constant 24 : i32
    %broadcast_in_dim3A_236 = vector.broadcast %jit3A_235 : i32 to vector<8x2048xi32>
    %select_n3A_237 = arith.select %lt3A_233, %broadcast_in_dim3A_236, %select_n3A_228 : vector<8x2048xi1>, vector<8x2048xi32>
    %slice3A_238 = vector.extract_strided_slice %dot_general3A_14 {offsets = [200, 0], sizes = [8, 2048], strides = [1, 1]} : vector<512x2048xf32> to vector<8x2048xf32>
    %slice3A_239 = vector.extract_strided_slice %get3A_13 {offsets = [200, 0], sizes = [8, 1], strides = [1, 1]} : vector<512x1xf32> to vector<8x1xf32>
    %add3A_240 = vector.broadcast %slice3A_239 : vector<8x1xf32> to vector<8x2048xf32>
    %add3A_241 = arith.addf %slice3A_238, %add3A_240 : vector<8x2048xf32>
    %lt3A_242 = arith.cmpf olt, %add3A_241, %select_n3A_234 : vector<8x2048xf32>
    %select_n3A_243 = arith.select %lt3A_242, %add3A_241, %select_n3A_234 : vector<8x2048xi1>, vector<8x2048xf32>
    %jit3A_244 = arith.constant 25 : i32
    %broadcast_in_dim3A_245 = vector.broadcast %jit3A_244 : i32 to vector<8x2048xi32>
    %select_n3A_246 = arith.select %lt3A_242, %broadcast_in_dim3A_245, %select_n3A_237 : vector<8x2048xi1>, vector<8x2048xi32>
    %slice3A_247 = vector.extract_strided_slice %dot_general3A_14 {offsets = [208, 0], sizes = [8, 2048], strides = [1, 1]} : vector<512x2048xf32> to vector<8x2048xf32>
    %slice3A_248 = vector.extract_strided_slice %get3A_13 {offsets = [208, 0], sizes = [8, 1], strides = [1, 1]} : vector<512x1xf32> to vector<8x1xf32>
    %add3A_249 = vector.broadcast %slice3A_248 : vector<8x1xf32> to vector<8x2048xf32>
    %add3A_250 = arith.addf %slice3A_247, %add3A_249 : vector<8x2048xf32>
    %lt3A_251 = arith.cmpf olt, %add3A_250, %select_n3A_243 : vector<8x2048xf32>
    %select_n3A_252 = arith.select %lt3A_251, %add3A_250, %select_n3A_243 : vector<8x2048xi1>, vector<8x2048xf32>
    %jit3A_253 = arith.constant 26 : i32
    %broadcast_in_dim3A_254 = vector.broadcast %jit3A_253 : i32 to vector<8x2048xi32>
    %select_n3A_255 = arith.select %lt3A_251, %broadcast_in_dim3A_254, %select_n3A_246 : vector<8x2048xi1>, vector<8x2048xi32>
    %slice3A_256 = vector.extract_strided_slice %dot_general3A_14 {offsets = [216, 0], sizes = [8, 2048], strides = [1, 1]} : vector<512x2048xf32> to vector<8x2048xf32>
    %slice3A_257 = vector.extract_strided_slice %get3A_13 {offsets = [216, 0], sizes = [8, 1], strides = [1, 1]} : vector<512x1xf32> to vector<8x1xf32>
    %add3A_258 = vector.broadcast %slice3A_257 : vector<8x1xf32> to vector<8x2048xf32>
    %add3A_259 = arith.addf %slice3A_256, %add3A_258 : vector<8x2048xf32>
    %lt3A_260 = arith.cmpf olt, %add3A_259, %select_n3A_252 : vector<8x2048xf32>
    %select_n3A_261 = arith.select %lt3A_260, %add3A_259, %select_n3A_252 : vector<8x2048xi1>, vector<8x2048xf32>
    %jit3A_262 = arith.constant 27 : i32
    %broadcast_in_dim3A_263 = vector.broadcast %jit3A_262 : i32 to vector<8x2048xi32>
    %select_n3A_264 = arith.select %lt3A_260, %broadcast_in_dim3A_263, %select_n3A_255 : vector<8x2048xi1>, vector<8x2048xi32>
    %slice3A_265 = vector.extract_strided_slice %dot_general3A_14 {offsets = [224, 0], sizes = [8, 2048], strides = [1, 1]} : vector<512x2048xf32> to vector<8x2048xf32>
    %slice3A_266 = vector.extract_strided_slice %get3A_13 {offsets = [224, 0], sizes = [8, 1], strides = [1, 1]} : vector<512x1xf32> to vector<8x1xf32>
    %add3A_267 = vector.broadcast %slice3A_266 : vector<8x1xf32> to vector<8x2048xf32>
    %add3A_268 = arith.addf %slice3A_265, %add3A_267 : vector<8x2048xf32>
    %lt3A_269 = arith.cmpf olt, %add3A_268, %select_n3A_261 : vector<8x2048xf32>
    %select_n3A_270 = arith.select %lt3A_269, %add3A_268, %select_n3A_261 : vector<8x2048xi1>, vector<8x2048xf32>
    %jit3A_271 = arith.constant 28 : i32
    %broadcast_in_dim3A_272 = vector.broadcast %jit3A_271 : i32 to vector<8x2048xi32>
    %select_n3A_273 = arith.select %lt3A_269, %broadcast_in_dim3A_272, %select_n3A_264 : vector<8x2048xi1>, vector<8x2048xi32>
    %slice3A_274 = vector.extract_strided_slice %dot_general3A_14 {offsets = [232, 0], sizes = [8, 2048], strides = [1, 1]} : vector<512x2048xf32> to vector<8x2048xf32>
    %slice3A_275 = vector.extract_strided_slice %get3A_13 {offsets = [232, 0], sizes = [8, 1], strides = [1, 1]} : vector<512x1xf32> to vector<8x1xf32>
    %add3A_276 = vector.broadcast %slice3A_275 : vector<8x1xf32> to vector<8x2048xf32>
    %add3A_277 = arith.addf %slice3A_274, %add3A_276 : vector<8x2048xf32>
    %lt3A_278 = arith.cmpf olt, %add3A_277, %select_n3A_270 : vector<8x2048xf32>
    %select_n3A_279 = arith.select %lt3A_278, %add3A_277, %select_n3A_270 : vector<8x2048xi1>, vector<8x2048xf32>
    %jit3A_280 = arith.constant 29 : i32
    %broadcast_in_dim3A_281 = vector.broadcast %jit3A_280 : i32 to vector<8x2048xi32>
    %select_n3A_282 = arith.select %lt3A_278, %broadcast_in_dim3A_281, %select_n3A_273 : vector<8x2048xi1>, vector<8x2048xi32>
    %slice3A_283 = vector.extract_strided_slice %dot_general3A_14 {offsets = [240, 0], sizes = [8, 2048], strides = [1, 1]} : vector<512x2048xf32> to vector<8x2048xf32>
    %slice3A_284 = vector.extract_strided_slice %get3A_13 {offsets = [240, 0], sizes = [8, 1], strides = [1, 1]} : vector<512x1xf32> to vector<8x1xf32>
    %add3A_285 = vector.broadcast %slice3A_284 : vector<8x1xf32> to vector<8x2048xf32>
    %add3A_286 = arith.addf %slice3A_283, %add3A_285 : vector<8x2048xf32>
    %lt3A_287 = arith.cmpf olt, %add3A_286, %select_n3A_279 : vector<8x2048xf32>
    %select_n3A_288 = arith.select %lt3A_287, %add3A_286, %select_n3A_279 : vector<8x2048xi1>, vector<8x2048xf32>
    %jit3A_289 = arith.constant 30 : i32
    %broadcast_in_dim3A_290 = vector.broadcast %jit3A_289 : i32 to vector<8x2048xi32>
    %select_n3A_291 = arith.select %lt3A_287, %broadcast_in_dim3A_290, %select_n3A_282 : vector<8x2048xi1>, vector<8x2048xi32>
    %slice3A_292 = vector.extract_strided_slice %dot_general3A_14 {offsets = [248, 0], sizes = [8, 2048], strides = [1, 1]} : vector<512x2048xf32> to vector<8x2048xf32>
    %slice3A_293 = vector.extract_strided_slice %get3A_13 {offsets = [248, 0], sizes = [8, 1], strides = [1, 1]} : vector<512x1xf32> to vector<8x1xf32>
    %add3A_294 = vector.broadcast %slice3A_293 : vector<8x1xf32> to vector<8x2048xf32>
    %add3A_295 = arith.addf %slice3A_292, %add3A_294 : vector<8x2048xf32>
    %lt3A_296 = arith.cmpf olt, %add3A_295, %select_n3A_288 : vector<8x2048xf32>
    %select_n3A_297 = arith.select %lt3A_296, %add3A_295, %select_n3A_288 : vector<8x2048xi1>, vector<8x2048xf32>
    %jit3A_298 = arith.constant 31 : i32
    %broadcast_in_dim3A_299 = vector.broadcast %jit3A_298 : i32 to vector<8x2048xi32>
    %select_n3A_300 = arith.select %lt3A_296, %broadcast_in_dim3A_299, %select_n3A_291 : vector<8x2048xi1>, vector<8x2048xi32>
    %slice3A_301 = vector.extract_strided_slice %dot_general3A_14 {offsets = [256, 0], sizes = [8, 2048], strides = [1, 1]} : vector<512x2048xf32> to vector<8x2048xf32>
    %slice3A_302 = vector.extract_strided_slice %get3A_13 {offsets = [256, 0], sizes = [8, 1], strides = [1, 1]} : vector<512x1xf32> to vector<8x1xf32>
    %add3A_303 = vector.broadcast %slice3A_302 : vector<8x1xf32> to vector<8x2048xf32>
    %add3A_304 = arith.addf %slice3A_301, %add3A_303 : vector<8x2048xf32>
    %lt3A_305 = arith.cmpf olt, %add3A_304, %select_n3A_297 : vector<8x2048xf32>
    %select_n3A_306 = arith.select %lt3A_305, %add3A_304, %select_n3A_297 : vector<8x2048xi1>, vector<8x2048xf32>
    %jit3A_307 = arith.constant 32 : i32
    %broadcast_in_dim3A_308 = vector.broadcast %jit3A_307 : i32 to vector<8x2048xi32>
    %select_n3A_309 = arith.select %lt3A_305, %broadcast_in_dim3A_308, %select_n3A_300 : vector<8x2048xi1>, vector<8x2048xi32>
    %slice3A_310 = vector.extract_strided_slice %dot_general3A_14 {offsets = [264, 0], sizes = [8, 2048], strides = [1, 1]} : vector<512x2048xf32> to vector<8x2048xf32>
    %slice3A_311 = vector.extract_strided_slice %get3A_13 {offsets = [264, 0], sizes = [8, 1], strides = [1, 1]} : vector<512x1xf32> to vector<8x1xf32>
    %add3A_312 = vector.broadcast %slice3A_311 : vector<8x1xf32> to vector<8x2048xf32>
    %add3A_313 = arith.addf %slice3A_310, %add3A_312 : vector<8x2048xf32>
    %lt3A_314 = arith.cmpf olt, %add3A_313, %select_n3A_306 : vector<8x2048xf32>
    %select_n3A_315 = arith.select %lt3A_314, %add3A_313, %select_n3A_306 : vector<8x2048xi1>, vector<8x2048xf32>
    %jit3A_316 = arith.constant 33 : i32
    %broadcast_in_dim3A_317 = vector.broadcast %jit3A_316 : i32 to vector<8x2048xi32>
    %select_n3A_318 = arith.select %lt3A_314, %broadcast_in_dim3A_317, %select_n3A_309 : vector<8x2048xi1>, vector<8x2048xi32>
    %slice3A_319 = vector.extract_strided_slice %dot_general3A_14 {offsets = [272, 0], sizes = [8, 2048], strides = [1, 1]} : vector<512x2048xf32> to vector<8x2048xf32>
    %slice3A_320 = vector.extract_strided_slice %get3A_13 {offsets = [272, 0], sizes = [8, 1], strides = [1, 1]} : vector<512x1xf32> to vector<8x1xf32>
    %add3A_321 = vector.broadcast %slice3A_320 : vector<8x1xf32> to vector<8x2048xf32>
    %add3A_322 = arith.addf %slice3A_319, %add3A_321 : vector<8x2048xf32>
    %lt3A_323 = arith.cmpf olt, %add3A_322, %select_n3A_315 : vector<8x2048xf32>
    %select_n3A_324 = arith.select %lt3A_323, %add3A_322, %select_n3A_315 : vector<8x2048xi1>, vector<8x2048xf32>
    %jit3A_325 = arith.constant 34 : i32
    %broadcast_in_dim3A_326 = vector.broadcast %jit3A_325 : i32 to vector<8x2048xi32>
    %select_n3A_327 = arith.select %lt3A_323, %broadcast_in_dim3A_326, %select_n3A_318 : vector<8x2048xi1>, vector<8x2048xi32>
    %slice3A_328 = vector.extract_strided_slice %dot_general3A_14 {offsets = [280, 0], sizes = [8, 2048], strides = [1, 1]} : vector<512x2048xf32> to vector<8x2048xf32>
    %slice3A_329 = vector.extract_strided_slice %get3A_13 {offsets = [280, 0], sizes = [8, 1], strides = [1, 1]} : vector<512x1xf32> to vector<8x1xf32>
    %add3A_330 = vector.broadcast %slice3A_329 : vector<8x1xf32> to vector<8x2048xf32>
    %add3A_331 = arith.addf %slice3A_328, %add3A_330 : vector<8x2048xf32>
    %lt3A_332 = arith.cmpf olt, %add3A_331, %select_n3A_324 : vector<8x2048xf32>
    %select_n3A_333 = arith.select %lt3A_332, %add3A_331, %select_n3A_324 : vector<8x2048xi1>, vector<8x2048xf32>
    %jit3A_334 = arith.constant 35 : i32
    %broadcast_in_dim3A_335 = vector.broadcast %jit3A_334 : i32 to vector<8x2048xi32>
    %select_n3A_336 = arith.select %lt3A_332, %broadcast_in_dim3A_335, %select_n3A_327 : vector<8x2048xi1>, vector<8x2048xi32>
    %slice3A_337 = vector.extract_strided_slice %dot_general3A_14 {offsets = [288, 0], sizes = [8, 2048], strides = [1, 1]} : vector<512x2048xf32> to vector<8x2048xf32>
    %slice3A_338 = vector.extract_strided_slice %get3A_13 {offsets = [288, 0], sizes = [8, 1], strides = [1, 1]} : vector<512x1xf32> to vector<8x1xf32>
    %add3A_339 = vector.broadcast %slice3A_338 : vector<8x1xf32> to vector<8x2048xf32>
    %add3A_340 = arith.addf %slice3A_337, %add3A_339 : vector<8x2048xf32>
    %lt3A_341 = arith.cmpf olt, %add3A_340, %select_n3A_333 : vector<8x2048xf32>
    %select_n3A_342 = arith.select %lt3A_341, %add3A_340, %select_n3A_333 : vector<8x2048xi1>, vector<8x2048xf32>
    %jit3A_343 = arith.constant 36 : i32
    %broadcast_in_dim3A_344 = vector.broadcast %jit3A_343 : i32 to vector<8x2048xi32>
    %select_n3A_345 = arith.select %lt3A_341, %broadcast_in_dim3A_344, %select_n3A_336 : vector<8x2048xi1>, vector<8x2048xi32>
    %slice3A_346 = vector.extract_strided_slice %dot_general3A_14 {offsets = [296, 0], sizes = [8, 2048], strides = [1, 1]} : vector<512x2048xf32> to vector<8x2048xf32>
    %slice3A_347 = vector.extract_strided_slice %get3A_13 {offsets = [296, 0], sizes = [8, 1], strides = [1, 1]} : vector<512x1xf32> to vector<8x1xf32>
    %add3A_348 = vector.broadcast %slice3A_347 : vector<8x1xf32> to vector<8x2048xf32>
    %add3A_349 = arith.addf %slice3A_346, %add3A_348 : vector<8x2048xf32>
    %lt3A_350 = arith.cmpf olt, %add3A_349, %select_n3A_342 : vector<8x2048xf32>
    %select_n3A_351 = arith.select %lt3A_350, %add3A_349, %select_n3A_342 : vector<8x2048xi1>, vector<8x2048xf32>
    %jit3A_352 = arith.constant 37 : i32
    %broadcast_in_dim3A_353 = vector.broadcast %jit3A_352 : i32 to vector<8x2048xi32>
    %select_n3A_354 = arith.select %lt3A_350, %broadcast_in_dim3A_353, %select_n3A_345 : vector<8x2048xi1>, vector<8x2048xi32>
    %slice3A_355 = vector.extract_strided_slice %dot_general3A_14 {offsets = [304, 0], sizes = [8, 2048], strides = [1, 1]} : vector<512x2048xf32> to vector<8x2048xf32>
    %slice3A_356 = vector.extract_strided_slice %get3A_13 {offsets = [304, 0], sizes = [8, 1], strides = [1, 1]} : vector<512x1xf32> to vector<8x1xf32>
    %add3A_357 = vector.broadcast %slice3A_356 : vector<8x1xf32> to vector<8x2048xf32>
    %add3A_358 = arith.addf %slice3A_355, %add3A_357 : vector<8x2048xf32>
    %lt3A_359 = arith.cmpf olt, %add3A_358, %select_n3A_351 : vector<8x2048xf32>
    %select_n3A_360 = arith.select %lt3A_359, %add3A_358, %select_n3A_351 : vector<8x2048xi1>, vector<8x2048xf32>
    %jit3A_361 = arith.constant 38 : i32
    %broadcast_in_dim3A_362 = vector.broadcast %jit3A_361 : i32 to vector<8x2048xi32>
    %select_n3A_363 = arith.select %lt3A_359, %broadcast_in_dim3A_362, %select_n3A_354 : vector<8x2048xi1>, vector<8x2048xi32>
    %slice3A_364 = vector.extract_strided_slice %dot_general3A_14 {offsets = [312, 0], sizes = [8, 2048], strides = [1, 1]} : vector<512x2048xf32> to vector<8x2048xf32>
    %slice3A_365 = vector.extract_strided_slice %get3A_13 {offsets = [312, 0], sizes = [8, 1], strides = [1, 1]} : vector<512x1xf32> to vector<8x1xf32>
    %add3A_366 = vector.broadcast %slice3A_365 : vector<8x1xf32> to vector<8x2048xf32>
    %add3A_367 = arith.addf %slice3A_364, %add3A_366 : vector<8x2048xf32>
    %lt3A_368 = arith.cmpf olt, %add3A_367, %select_n3A_360 : vector<8x2048xf32>
    %select_n3A_369 = arith.select %lt3A_368, %add3A_367, %select_n3A_360 : vector<8x2048xi1>, vector<8x2048xf32>
    %jit3A_370 = arith.constant 39 : i32
    %broadcast_in_dim3A_371 = vector.broadcast %jit3A_370 : i32 to vector<8x2048xi32>
    %select_n3A_372 = arith.select %lt3A_368, %broadcast_in_dim3A_371, %select_n3A_363 : vector<8x2048xi1>, vector<8x2048xi32>
    %slice3A_373 = vector.extract_strided_slice %dot_general3A_14 {offsets = [320, 0], sizes = [8, 2048], strides = [1, 1]} : vector<512x2048xf32> to vector<8x2048xf32>
    %slice3A_374 = vector.extract_strided_slice %get3A_13 {offsets = [320, 0], sizes = [8, 1], strides = [1, 1]} : vector<512x1xf32> to vector<8x1xf32>
    %add3A_375 = vector.broadcast %slice3A_374 : vector<8x1xf32> to vector<8x2048xf32>
    %add3A_376 = arith.addf %slice3A_373, %add3A_375 : vector<8x2048xf32>
    %lt3A_377 = arith.cmpf olt, %add3A_376, %select_n3A_369 : vector<8x2048xf32>
    %select_n3A_378 = arith.select %lt3A_377, %add3A_376, %select_n3A_369 : vector<8x2048xi1>, vector<8x2048xf32>
    %jit3A_379 = arith.constant 40 : i32
    %broadcast_in_dim3A_380 = vector.broadcast %jit3A_379 : i32 to vector<8x2048xi32>
    %select_n3A_381 = arith.select %lt3A_377, %broadcast_in_dim3A_380, %select_n3A_372 : vector<8x2048xi1>, vector<8x2048xi32>
    %slice3A_382 = vector.extract_strided_slice %dot_general3A_14 {offsets = [328, 0], sizes = [8, 2048], strides = [1, 1]} : vector<512x2048xf32> to vector<8x2048xf32>
    %slice3A_383 = vector.extract_strided_slice %get3A_13 {offsets = [328, 0], sizes = [8, 1], strides = [1, 1]} : vector<512x1xf32> to vector<8x1xf32>
    %add3A_384 = vector.broadcast %slice3A_383 : vector<8x1xf32> to vector<8x2048xf32>
    %add3A_385 = arith.addf %slice3A_382, %add3A_384 : vector<8x2048xf32>
    %lt3A_386 = arith.cmpf olt, %add3A_385, %select_n3A_378 : vector<8x2048xf32>
    %select_n3A_387 = arith.select %lt3A_386, %add3A_385, %select_n3A_378 : vector<8x2048xi1>, vector<8x2048xf32>
    %jit3A_388 = arith.constant 41 : i32
    %broadcast_in_dim3A_389 = vector.broadcast %jit3A_388 : i32 to vector<8x2048xi32>
    %select_n3A_390 = arith.select %lt3A_386, %broadcast_in_dim3A_389, %select_n3A_381 : vector<8x2048xi1>, vector<8x2048xi32>
    %slice3A_391 = vector.extract_strided_slice %dot_general3A_14 {offsets = [336, 0], sizes = [8, 2048], strides = [1, 1]} : vector<512x2048xf32> to vector<8x2048xf32>
    %slice3A_392 = vector.extract_strided_slice %get3A_13 {offsets = [336, 0], sizes = [8, 1], strides = [1, 1]} : vector<512x1xf32> to vector<8x1xf32>
    %add3A_393 = vector.broadcast %slice3A_392 : vector<8x1xf32> to vector<8x2048xf32>
    %add3A_394 = arith.addf %slice3A_391, %add3A_393 : vector<8x2048xf32>
    %lt3A_395 = arith.cmpf olt, %add3A_394, %select_n3A_387 : vector<8x2048xf32>
    %select_n3A_396 = arith.select %lt3A_395, %add3A_394, %select_n3A_387 : vector<8x2048xi1>, vector<8x2048xf32>
    %jit3A_397 = arith.constant 42 : i32
    %broadcast_in_dim3A_398 = vector.broadcast %jit3A_397 : i32 to vector<8x2048xi32>
    %select_n3A_399 = arith.select %lt3A_395, %broadcast_in_dim3A_398, %select_n3A_390 : vector<8x2048xi1>, vector<8x2048xi32>
    %slice3A_400 = vector.extract_strided_slice %dot_general3A_14 {offsets = [344, 0], sizes = [8, 2048], strides = [1, 1]} : vector<512x2048xf32> to vector<8x2048xf32>
    %slice3A_401 = vector.extract_strided_slice %get3A_13 {offsets = [344, 0], sizes = [8, 1], strides = [1, 1]} : vector<512x1xf32> to vector<8x1xf32>
    %add3A_402 = vector.broadcast %slice3A_401 : vector<8x1xf32> to vector<8x2048xf32>
    %add3A_403 = arith.addf %slice3A_400, %add3A_402 : vector<8x2048xf32>
    %lt3A_404 = arith.cmpf olt, %add3A_403, %select_n3A_396 : vector<8x2048xf32>
    %select_n3A_405 = arith.select %lt3A_404, %add3A_403, %select_n3A_396 : vector<8x2048xi1>, vector<8x2048xf32>
    %jit3A_406 = arith.constant 43 : i32
    %broadcast_in_dim3A_407 = vector.broadcast %jit3A_406 : i32 to vector<8x2048xi32>
    %select_n3A_408 = arith.select %lt3A_404, %broadcast_in_dim3A_407, %select_n3A_399 : vector<8x2048xi1>, vector<8x2048xi32>
    %slice3A_409 = vector.extract_strided_slice %dot_general3A_14 {offsets = [352, 0], sizes = [8, 2048], strides = [1, 1]} : vector<512x2048xf32> to vector<8x2048xf32>
    %slice3A_410 = vector.extract_strided_slice %get3A_13 {offsets = [352, 0], sizes = [8, 1], strides = [1, 1]} : vector<512x1xf32> to vector<8x1xf32>
    %add3A_411 = vector.broadcast %slice3A_410 : vector<8x1xf32> to vector<8x2048xf32>
    %add3A_412 = arith.addf %slice3A_409, %add3A_411 : vector<8x2048xf32>
    %lt3A_413 = arith.cmpf olt, %add3A_412, %select_n3A_405 : vector<8x2048xf32>
    %select_n3A_414 = arith.select %lt3A_413, %add3A_412, %select_n3A_405 : vector<8x2048xi1>, vector<8x2048xf32>
    %jit3A_415 = arith.constant 44 : i32
    %broadcast_in_dim3A_416 = vector.broadcast %jit3A_415 : i32 to vector<8x2048xi32>
    %select_n3A_417 = arith.select %lt3A_413, %broadcast_in_dim3A_416, %select_n3A_408 : vector<8x2048xi1>, vector<8x2048xi32>
    %slice3A_418 = vector.extract_strided_slice %dot_general3A_14 {offsets = [360, 0], sizes = [8, 2048], strides = [1, 1]} : vector<512x2048xf32> to vector<8x2048xf32>
    %slice3A_419 = vector.extract_strided_slice %get3A_13 {offsets = [360, 0], sizes = [8, 1], strides = [1, 1]} : vector<512x1xf32> to vector<8x1xf32>
    %add3A_420 = vector.broadcast %slice3A_419 : vector<8x1xf32> to vector<8x2048xf32>
    %add3A_421 = arith.addf %slice3A_418, %add3A_420 : vector<8x2048xf32>
    %lt3A_422 = arith.cmpf olt, %add3A_421, %select_n3A_414 : vector<8x2048xf32>
    %select_n3A_423 = arith.select %lt3A_422, %add3A_421, %select_n3A_414 : vector<8x2048xi1>, vector<8x2048xf32>
    %jit3A_424 = arith.constant 45 : i32
    %broadcast_in_dim3A_425 = vector.broadcast %jit3A_424 : i32 to vector<8x2048xi32>
    %select_n3A_426 = arith.select %lt3A_422, %broadcast_in_dim3A_425, %select_n3A_417 : vector<8x2048xi1>, vector<8x2048xi32>
    %slice3A_427 = vector.extract_strided_slice %dot_general3A_14 {offsets = [368, 0], sizes = [8, 2048], strides = [1, 1]} : vector<512x2048xf32> to vector<8x2048xf32>
    %slice3A_428 = vector.extract_strided_slice %get3A_13 {offsets = [368, 0], sizes = [8, 1], strides = [1, 1]} : vector<512x1xf32> to vector<8x1xf32>
    %add3A_429 = vector.broadcast %slice3A_428 : vector<8x1xf32> to vector<8x2048xf32>
    %add3A_430 = arith.addf %slice3A_427, %add3A_429 : vector<8x2048xf32>
    %lt3A_431 = arith.cmpf olt, %add3A_430, %select_n3A_423 : vector<8x2048xf32>
    %select_n3A_432 = arith.select %lt3A_431, %add3A_430, %select_n3A_423 : vector<8x2048xi1>, vector<8x2048xf32>
    %jit3A_433 = arith.constant 46 : i32
    %broadcast_in_dim3A_434 = vector.broadcast %jit3A_433 : i32 to vector<8x2048xi32>
    %select_n3A_435 = arith.select %lt3A_431, %broadcast_in_dim3A_434, %select_n3A_426 : vector<8x2048xi1>, vector<8x2048xi32>
    %slice3A_436 = vector.extract_strided_slice %dot_general3A_14 {offsets = [376, 0], sizes = [8, 2048], strides = [1, 1]} : vector<512x2048xf32> to vector<8x2048xf32>
    %slice3A_437 = vector.extract_strided_slice %get3A_13 {offsets = [376, 0], sizes = [8, 1], strides = [1, 1]} : vector<512x1xf32> to vector<8x1xf32>
    %add3A_438 = vector.broadcast %slice3A_437 : vector<8x1xf32> to vector<8x2048xf32>
    %add3A_439 = arith.addf %slice3A_436, %add3A_438 : vector<8x2048xf32>
    %lt3A_440 = arith.cmpf olt, %add3A_439, %select_n3A_432 : vector<8x2048xf32>
    %select_n3A_441 = arith.select %lt3A_440, %add3A_439, %select_n3A_432 : vector<8x2048xi1>, vector<8x2048xf32>
    %jit3A_442 = arith.constant 47 : i32
    %broadcast_in_dim3A_443 = vector.broadcast %jit3A_442 : i32 to vector<8x2048xi32>
    %select_n3A_444 = arith.select %lt3A_440, %broadcast_in_dim3A_443, %select_n3A_435 : vector<8x2048xi1>, vector<8x2048xi32>
    %slice3A_445 = vector.extract_strided_slice %dot_general3A_14 {offsets = [384, 0], sizes = [8, 2048], strides = [1, 1]} : vector<512x2048xf32> to vector<8x2048xf32>
    %slice3A_446 = vector.extract_strided_slice %get3A_13 {offsets = [384, 0], sizes = [8, 1], strides = [1, 1]} : vector<512x1xf32> to vector<8x1xf32>
    %add3A_447 = vector.broadcast %slice3A_446 : vector<8x1xf32> to vector<8x2048xf32>
    %add3A_448 = arith.addf %slice3A_445, %add3A_447 : vector<8x2048xf32>
    %lt3A_449 = arith.cmpf olt, %add3A_448, %select_n3A_441 : vector<8x2048xf32>
    %select_n3A_450 = arith.select %lt3A_449, %add3A_448, %select_n3A_441 : vector<8x2048xi1>, vector<8x2048xf32>
    %jit3A_451 = arith.constant 48 : i32
    %broadcast_in_dim3A_452 = vector.broadcast %jit3A_451 : i32 to vector<8x2048xi32>
    %select_n3A_453 = arith.select %lt3A_449, %broadcast_in_dim3A_452, %select_n3A_444 : vector<8x2048xi1>, vector<8x2048xi32>
    %slice3A_454 = vector.extract_strided_slice %dot_general3A_14 {offsets = [392, 0], sizes = [8, 2048], strides = [1, 1]} : vector<512x2048xf32> to vector<8x2048xf32>
    %slice3A_455 = vector.extract_strided_slice %get3A_13 {offsets = [392, 0], sizes = [8, 1], strides = [1, 1]} : vector<512x1xf32> to vector<8x1xf32>
    %add3A_456 = vector.broadcast %slice3A_455 : vector<8x1xf32> to vector<8x2048xf32>
    %add3A_457 = arith.addf %slice3A_454, %add3A_456 : vector<8x2048xf32>
    %lt3A_458 = arith.cmpf olt, %add3A_457, %select_n3A_450 : vector<8x2048xf32>
    %select_n3A_459 = arith.select %lt3A_458, %add3A_457, %select_n3A_450 : vector<8x2048xi1>, vector<8x2048xf32>
    %jit3A_460 = arith.constant 49 : i32
    %broadcast_in_dim3A_461 = vector.broadcast %jit3A_460 : i32 to vector<8x2048xi32>
    %select_n3A_462 = arith.select %lt3A_458, %broadcast_in_dim3A_461, %select_n3A_453 : vector<8x2048xi1>, vector<8x2048xi32>
    %slice3A_463 = vector.extract_strided_slice %dot_general3A_14 {offsets = [400, 0], sizes = [8, 2048], strides = [1, 1]} : vector<512x2048xf32> to vector<8x2048xf32>
    %slice3A_464 = vector.extract_strided_slice %get3A_13 {offsets = [400, 0], sizes = [8, 1], strides = [1, 1]} : vector<512x1xf32> to vector<8x1xf32>
    %add3A_465 = vector.broadcast %slice3A_464 : vector<8x1xf32> to vector<8x2048xf32>
    %add3A_466 = arith.addf %slice3A_463, %add3A_465 : vector<8x2048xf32>
    %lt3A_467 = arith.cmpf olt, %add3A_466, %select_n3A_459 : vector<8x2048xf32>
    %select_n3A_468 = arith.select %lt3A_467, %add3A_466, %select_n3A_459 : vector<8x2048xi1>, vector<8x2048xf32>
    %jit3A_469 = arith.constant 50 : i32
    %broadcast_in_dim3A_470 = vector.broadcast %jit3A_469 : i32 to vector<8x2048xi32>
    %select_n3A_471 = arith.select %lt3A_467, %broadcast_in_dim3A_470, %select_n3A_462 : vector<8x2048xi1>, vector<8x2048xi32>
    %slice3A_472 = vector.extract_strided_slice %dot_general3A_14 {offsets = [408, 0], sizes = [8, 2048], strides = [1, 1]} : vector<512x2048xf32> to vector<8x2048xf32>
    %slice3A_473 = vector.extract_strided_slice %get3A_13 {offsets = [408, 0], sizes = [8, 1], strides = [1, 1]} : vector<512x1xf32> to vector<8x1xf32>
    %add3A_474 = vector.broadcast %slice3A_473 : vector<8x1xf32> to vector<8x2048xf32>
    %add3A_475 = arith.addf %slice3A_472, %add3A_474 : vector<8x2048xf32>
    %lt3A_476 = arith.cmpf olt, %add3A_475, %select_n3A_468 : vector<8x2048xf32>
    %select_n3A_477 = arith.select %lt3A_476, %add3A_475, %select_n3A_468 : vector<8x2048xi1>, vector<8x2048xf32>
    %jit3A_478 = arith.constant 51 : i32
    %broadcast_in_dim3A_479 = vector.broadcast %jit3A_478 : i32 to vector<8x2048xi32>
    %select_n3A_480 = arith.select %lt3A_476, %broadcast_in_dim3A_479, %select_n3A_471 : vector<8x2048xi1>, vector<8x2048xi32>
    %slice3A_481 = vector.extract_strided_slice %dot_general3A_14 {offsets = [416, 0], sizes = [8, 2048], strides = [1, 1]} : vector<512x2048xf32> to vector<8x2048xf32>
    %slice3A_482 = vector.extract_strided_slice %get3A_13 {offsets = [416, 0], sizes = [8, 1], strides = [1, 1]} : vector<512x1xf32> to vector<8x1xf32>
    %add3A_483 = vector.broadcast %slice3A_482 : vector<8x1xf32> to vector<8x2048xf32>
    %add3A_484 = arith.addf %slice3A_481, %add3A_483 : vector<8x2048xf32>
    %lt3A_485 = arith.cmpf olt, %add3A_484, %select_n3A_477 : vector<8x2048xf32>
    %select_n3A_486 = arith.select %lt3A_485, %add3A_484, %select_n3A_477 : vector<8x2048xi1>, vector<8x2048xf32>
    %jit3A_487 = arith.constant 52 : i32
    %broadcast_in_dim3A_488 = vector.broadcast %jit3A_487 : i32 to vector<8x2048xi32>
    %select_n3A_489 = arith.select %lt3A_485, %broadcast_in_dim3A_488, %select_n3A_480 : vector<8x2048xi1>, vector<8x2048xi32>
    %slice3A_490 = vector.extract_strided_slice %dot_general3A_14 {offsets = [424, 0], sizes = [8, 2048], strides = [1, 1]} : vector<512x2048xf32> to vector<8x2048xf32>
    %slice3A_491 = vector.extract_strided_slice %get3A_13 {offsets = [424, 0], sizes = [8, 1], strides = [1, 1]} : vector<512x1xf32> to vector<8x1xf32>
    %add3A_492 = vector.broadcast %slice3A_491 : vector<8x1xf32> to vector<8x2048xf32>
    %add3A_493 = arith.addf %slice3A_490, %add3A_492 : vector<8x2048xf32>
    %lt3A_494 = arith.cmpf olt, %add3A_493, %select_n3A_486 : vector<8x2048xf32>
    %select_n3A_495 = arith.select %lt3A_494, %add3A_493, %select_n3A_486 : vector<8x2048xi1>, vector<8x2048xf32>
    %jit3A_496 = arith.constant 53 : i32
    %broadcast_in_dim3A_497 = vector.broadcast %jit3A_496 : i32 to vector<8x2048xi32>
    %select_n3A_498 = arith.select %lt3A_494, %broadcast_in_dim3A_497, %select_n3A_489 : vector<8x2048xi1>, vector<8x2048xi32>
    %slice3A_499 = vector.extract_strided_slice %dot_general3A_14 {offsets = [432, 0], sizes = [8, 2048], strides = [1, 1]} : vector<512x2048xf32> to vector<8x2048xf32>
    %slice3A_500 = vector.extract_strided_slice %get3A_13 {offsets = [432, 0], sizes = [8, 1], strides = [1, 1]} : vector<512x1xf32> to vector<8x1xf32>
    %add3A_501 = vector.broadcast %slice3A_500 : vector<8x1xf32> to vector<8x2048xf32>
    %add3A_502 = arith.addf %slice3A_499, %add3A_501 : vector<8x2048xf32>
    %lt3A_503 = arith.cmpf olt, %add3A_502, %select_n3A_495 : vector<8x2048xf32>
    %select_n3A_504 = arith.select %lt3A_503, %add3A_502, %select_n3A_495 : vector<8x2048xi1>, vector<8x2048xf32>
    %jit3A_505 = arith.constant 54 : i32
    %broadcast_in_dim3A_506 = vector.broadcast %jit3A_505 : i32 to vector<8x2048xi32>
    %select_n3A_507 = arith.select %lt3A_503, %broadcast_in_dim3A_506, %select_n3A_498 : vector<8x2048xi1>, vector<8x2048xi32>
    %slice3A_508 = vector.extract_strided_slice %dot_general3A_14 {offsets = [440, 0], sizes = [8, 2048], strides = [1, 1]} : vector<512x2048xf32> to vector<8x2048xf32>
    %slice3A_509 = vector.extract_strided_slice %get3A_13 {offsets = [440, 0], sizes = [8, 1], strides = [1, 1]} : vector<512x1xf32> to vector<8x1xf32>
    %add3A_510 = vector.broadcast %slice3A_509 : vector<8x1xf32> to vector<8x2048xf32>
    %add3A_511 = arith.addf %slice3A_508, %add3A_510 : vector<8x2048xf32>
    %lt3A_512 = arith.cmpf olt, %add3A_511, %select_n3A_504 : vector<8x2048xf32>
    %select_n3A_513 = arith.select %lt3A_512, %add3A_511, %select_n3A_504 : vector<8x2048xi1>, vector<8x2048xf32>
    %jit3A_514 = arith.constant 55 : i32
    %broadcast_in_dim3A_515 = vector.broadcast %jit3A_514 : i32 to vector<8x2048xi32>
    %select_n3A_516 = arith.select %lt3A_512, %broadcast_in_dim3A_515, %select_n3A_507 : vector<8x2048xi1>, vector<8x2048xi32>
    %slice3A_517 = vector.extract_strided_slice %dot_general3A_14 {offsets = [448, 0], sizes = [8, 2048], strides = [1, 1]} : vector<512x2048xf32> to vector<8x2048xf32>
    %slice3A_518 = vector.extract_strided_slice %get3A_13 {offsets = [448, 0], sizes = [8, 1], strides = [1, 1]} : vector<512x1xf32> to vector<8x1xf32>
    %add3A_519 = vector.broadcast %slice3A_518 : vector<8x1xf32> to vector<8x2048xf32>
    %add3A_520 = arith.addf %slice3A_517, %add3A_519 : vector<8x2048xf32>
    %lt3A_521 = arith.cmpf olt, %add3A_520, %select_n3A_513 : vector<8x2048xf32>
    %select_n3A_522 = arith.select %lt3A_521, %add3A_520, %select_n3A_513 : vector<8x2048xi1>, vector<8x2048xf32>
    %jit3A_523 = arith.constant 56 : i32
    %broadcast_in_dim3A_524 = vector.broadcast %jit3A_523 : i32 to vector<8x2048xi32>
    %select_n3A_525 = arith.select %lt3A_521, %broadcast_in_dim3A_524, %select_n3A_516 : vector<8x2048xi1>, vector<8x2048xi32>
    %slice3A_526 = vector.extract_strided_slice %dot_general3A_14 {offsets = [456, 0], sizes = [8, 2048], strides = [1, 1]} : vector<512x2048xf32> to vector<8x2048xf32>
    %slice3A_527 = vector.extract_strided_slice %get3A_13 {offsets = [456, 0], sizes = [8, 1], strides = [1, 1]} : vector<512x1xf32> to vector<8x1xf32>
    %add3A_528 = vector.broadcast %slice3A_527 : vector<8x1xf32> to vector<8x2048xf32>
    %add3A_529 = arith.addf %slice3A_526, %add3A_528 : vector<8x2048xf32>
    %lt3A_530 = arith.cmpf olt, %add3A_529, %select_n3A_522 : vector<8x2048xf32>
    %select_n3A_531 = arith.select %lt3A_530, %add3A_529, %select_n3A_522 : vector<8x2048xi1>, vector<8x2048xf32>
    %jit3A_532 = arith.constant 57 : i32
    %broadcast_in_dim3A_533 = vector.broadcast %jit3A_532 : i32 to vector<8x2048xi32>
    %select_n3A_534 = arith.select %lt3A_530, %broadcast_in_dim3A_533, %select_n3A_525 : vector<8x2048xi1>, vector<8x2048xi32>
    %slice3A_535 = vector.extract_strided_slice %dot_general3A_14 {offsets = [464, 0], sizes = [8, 2048], strides = [1, 1]} : vector<512x2048xf32> to vector<8x2048xf32>
    %slice3A_536 = vector.extract_strided_slice %get3A_13 {offsets = [464, 0], sizes = [8, 1], strides = [1, 1]} : vector<512x1xf32> to vector<8x1xf32>
    %add3A_537 = vector.broadcast %slice3A_536 : vector<8x1xf32> to vector<8x2048xf32>
    %add3A_538 = arith.addf %slice3A_535, %add3A_537 : vector<8x2048xf32>
    %lt3A_539 = arith.cmpf olt, %add3A_538, %select_n3A_531 : vector<8x2048xf32>
    %select_n3A_540 = arith.select %lt3A_539, %add3A_538, %select_n3A_531 : vector<8x2048xi1>, vector<8x2048xf32>
    %jit3A_541 = arith.constant 58 : i32
    %broadcast_in_dim3A_542 = vector.broadcast %jit3A_541 : i32 to vector<8x2048xi32>
    %select_n3A_543 = arith.select %lt3A_539, %broadcast_in_dim3A_542, %select_n3A_534 : vector<8x2048xi1>, vector<8x2048xi32>
    %slice3A_544 = vector.extract_strided_slice %dot_general3A_14 {offsets = [472, 0], sizes = [8, 2048], strides = [1, 1]} : vector<512x2048xf32> to vector<8x2048xf32>
    %slice3A_545 = vector.extract_strided_slice %get3A_13 {offsets = [472, 0], sizes = [8, 1], strides = [1, 1]} : vector<512x1xf32> to vector<8x1xf32>
    %add3A_546 = vector.broadcast %slice3A_545 : vector<8x1xf32> to vector<8x2048xf32>
    %add3A_547 = arith.addf %slice3A_544, %add3A_546 : vector<8x2048xf32>
    %lt3A_548 = arith.cmpf olt, %add3A_547, %select_n3A_540 : vector<8x2048xf32>
    %select_n3A_549 = arith.select %lt3A_548, %add3A_547, %select_n3A_540 : vector<8x2048xi1>, vector<8x2048xf32>
    %jit3A_550 = arith.constant 59 : i32
    %broadcast_in_dim3A_551 = vector.broadcast %jit3A_550 : i32 to vector<8x2048xi32>
    %select_n3A_552 = arith.select %lt3A_548, %broadcast_in_dim3A_551, %select_n3A_543 : vector<8x2048xi1>, vector<8x2048xi32>
    %slice3A_553 = vector.extract_strided_slice %dot_general3A_14 {offsets = [480, 0], sizes = [8, 2048], strides = [1, 1]} : vector<512x2048xf32> to vector<8x2048xf32>
    %slice3A_554 = vector.extract_strided_slice %get3A_13 {offsets = [480, 0], sizes = [8, 1], strides = [1, 1]} : vector<512x1xf32> to vector<8x1xf32>
    %add3A_555 = vector.broadcast %slice3A_554 : vector<8x1xf32> to vector<8x2048xf32>
    %add3A_556 = arith.addf %slice3A_553, %add3A_555 : vector<8x2048xf32>
    %lt3A_557 = arith.cmpf olt, %add3A_556, %select_n3A_549 : vector<8x2048xf32>
    %select_n3A_558 = arith.select %lt3A_557, %add3A_556, %select_n3A_549 : vector<8x2048xi1>, vector<8x2048xf32>
    %jit3A_559 = arith.constant 60 : i32
    %broadcast_in_dim3A_560 = vector.broadcast %jit3A_559 : i32 to vector<8x2048xi32>
    %select_n3A_561 = arith.select %lt3A_557, %broadcast_in_dim3A_560, %select_n3A_552 : vector<8x2048xi1>, vector<8x2048xi32>
    %slice3A_562 = vector.extract_strided_slice %dot_general3A_14 {offsets = [488, 0], sizes = [8, 2048], strides = [1, 1]} : vector<512x2048xf32> to vector<8x2048xf32>
    %slice3A_563 = vector.extract_strided_slice %get3A_13 {offsets = [488, 0], sizes = [8, 1], strides = [1, 1]} : vector<512x1xf32> to vector<8x1xf32>
    %add3A_564 = vector.broadcast %slice3A_563 : vector<8x1xf32> to vector<8x2048xf32>
    %add3A_565 = arith.addf %slice3A_562, %add3A_564 : vector<8x2048xf32>
    %lt3A_566 = arith.cmpf olt, %add3A_565, %select_n3A_558 : vector<8x2048xf32>
    %select_n3A_567 = arith.select %lt3A_566, %add3A_565, %select_n3A_558 : vector<8x2048xi1>, vector<8x2048xf32>
    %jit3A_568 = arith.constant 61 : i32
    %broadcast_in_dim3A_569 = vector.broadcast %jit3A_568 : i32 to vector<8x2048xi32>
    %select_n3A_570 = arith.select %lt3A_566, %broadcast_in_dim3A_569, %select_n3A_561 : vector<8x2048xi1>, vector<8x2048xi32>
    %slice3A_571 = vector.extract_strided_slice %dot_general3A_14 {offsets = [496, 0], sizes = [8, 2048], strides = [1, 1]} : vector<512x2048xf32> to vector<8x2048xf32>
    %slice3A_572 = vector.extract_strided_slice %get3A_13 {offsets = [496, 0], sizes = [8, 1], strides = [1, 1]} : vector<512x1xf32> to vector<8x1xf32>
    %add3A_573 = vector.broadcast %slice3A_572 : vector<8x1xf32> to vector<8x2048xf32>
    %add3A_574 = arith.addf %slice3A_571, %add3A_573 : vector<8x2048xf32>
    %lt3A_575 = arith.cmpf olt, %add3A_574, %select_n3A_567 : vector<8x2048xf32>
    %select_n3A_576 = arith.select %lt3A_575, %add3A_574, %select_n3A_567 : vector<8x2048xi1>, vector<8x2048xf32>
    %jit3A_577 = arith.constant 62 : i32
    %broadcast_in_dim3A_578 = vector.broadcast %jit3A_577 : i32 to vector<8x2048xi32>
    %select_n3A_579 = arith.select %lt3A_575, %broadcast_in_dim3A_578, %select_n3A_570 : vector<8x2048xi1>, vector<8x2048xi32>
    %slice3A_580 = vector.extract_strided_slice %dot_general3A_14 {offsets = [504, 0], sizes = [8, 2048], strides = [1, 1]} : vector<512x2048xf32> to vector<8x2048xf32>
    %slice3A_581 = vector.extract_strided_slice %get3A_13 {offsets = [504, 0], sizes = [8, 1], strides = [1, 1]} : vector<512x1xf32> to vector<8x1xf32>
    %add3A_582 = vector.broadcast %slice3A_581 : vector<8x1xf32> to vector<8x2048xf32>
    %add3A_583 = arith.addf %slice3A_580, %add3A_582 : vector<8x2048xf32>
    %lt3A_584 = arith.cmpf olt, %add3A_583, %select_n3A_576 : vector<8x2048xf32>
    %select_n3A_585 = arith.select %lt3A_584, %add3A_583, %select_n3A_576 : vector<8x2048xi1>, vector<8x2048xf32>
    %jit3A_586 = arith.constant 63 : i32
    %broadcast_in_dim3A_587 = vector.broadcast %jit3A_586 : i32 to vector<8x2048xi32>
    %select_n3A_588 = arith.select %lt3A_584, %broadcast_in_dim3A_587, %select_n3A_579 : vector<8x2048xi1>, vector<8x2048xi32>
    %iota3A = tpu.iota {dimensions = array<i32: 0>} : vector<8x2048xi32>
    %mul3A = arith.constant 8 : i32
    %mul3A_589 = vector.broadcast %mul3A : i32 to vector<8x2048xi32>
    %mul3A_590 = arith.muli %select_n3A_588, %mul3A_589 : vector<8x2048xi32>
    %add3A_591 = arith.addi %mul3A_590, %iota3A : vector<8x2048xi32>
    %reduce_min3A = arith.constant dense<0x7F800000> : vector<2048xf32>
    %reduce_min3A_592 = vector.multi_reduction <minimumf>, %select_n3A_585, %reduce_min3A [0] : vector<8x2048xf32> to vector<2048xf32>
    %broadcast_in_dim3A_593 = vector.shape_cast %reduce_min3A_592 : vector<2048xf32> to vector<1x2048xf32>
    %eq3A = vector.broadcast %broadcast_in_dim3A_593 : vector<1x2048xf32> to vector<8x2048xf32>
    %eq3A_594 = arith.cmpf oeq, %select_n3A_585, %eq3A : vector<8x2048xf32>
    %jit3A_595 = arith.constant 512 : i32
    %broadcast_in_dim3A_596 = vector.broadcast %jit3A_595 : i32 to vector<8x2048xi32>
    %select_n3A_597 = arith.select %eq3A_594, %add3A_591, %broadcast_in_dim3A_596 : vector<8x2048xi1>, vector<8x2048xi32>
    %reduce_min3A_598 = arith.constant dense<2147483647> : vector<2048xi32>
    %reduce_min3A_599 = vector.multi_reduction <minsi>, %select_n3A_597, %reduce_min3A_598 [0] : vector<8x2048xi32> to vector<2048xi32>
    %add3A_600 = arith.constant 0 : i32
    %add3A_601 = arith.addi %arg0, %add3A_600 : i32
    %mul3A_602 = arith.constant 512 : i32
    %mul3A_603 = arith.muli %add3A_601, %mul3A_602 : i32
    %add3A_604 = vector.broadcast %mul3A_603 : i32 to vector<2048xi32>
    %add3A_605 = arith.addi %reduce_min3A_599, %add3A_604 : vector<2048xi32>
    %swap3A = arith.constant 0 : index
    %swap3A_606 = vector.load %arg5[%swap3A] : memref<2048xi32, #tpu.memory_space<vmem>>, vector<2048xi32>
    tpu.vector_store %arg5[%swap3A], %add3A_605 {strides = array<i32>} : memref<2048xi32, #tpu.memory_space<vmem>>, vector<2048xi32>,
    %reduce_sum3A = vector.shape_cast %broadcast_in_dim3A_593 : vector<1x2048xf32> to vector<1x1x2048xf32>
    %reduce_sum3A_607 = arith.constant dense<0.000000e+00> : vector<1xf32>
    %reduce_sum3A_608 = vector.multi_reduction <add>, %reduce_sum3A, %reduce_sum3A_607 [1, 2] : vector<1x1x2048xf32> to vector<1xf32>
    %reduce_sum3A_609 = vector.shape_cast %reduce_sum3A_608 : vector<1xf32> to vector<1x1x1xf32>
    %reduce_sum3A_610 = vector.extract %reduce_sum3A_609[0, 0, 0] : f32 from vector<1x1x1xf32>
    %mul3A_611 = arith.mulf %get3A_3, %get3A_3 : vector<32x2048xf32>
    %reduce_sum3A_612 = vector.shape_cast %mul3A_611 : vector<32x2048xf32> to vector<1x32x2048xf32>
    %reduce_sum3A_613 = arith.constant dense<0.000000e+00> : vector<1xf32>
    %reduce_sum3A_614 = vector.multi_reduction <add>, %reduce_sum3A_612, %reduce_sum3A_613 [1, 2] : vector<1x32x2048xf32> to vector<1xf32>
    %reduce_sum3A_615 = vector.shape_cast %reduce_sum3A_614 : vector<1xf32> to vector<1x1x1xf32>
    %reduce_sum3A_616 = vector.extract %reduce_sum3A_615[0, 0, 0] : f32 from vector<1x1x1xf32>
    %add3A_617 = arith.addf %reduce_sum3A_610, %reduce_sum3A_616 : f32
    %swap3A_618 = arith.index_cast %arg0 : i32 to index
    %swap3A_619 = arith.index_cast %arg1 : i32 to index
    %swap3A_620 = memref.load %arg6[%swap3A_618, %swap3A_619] : memref<4x8xf32, #tpu.memory_space<smem>>
    memref.store %add3A_617, %arg6[%swap3A_618, %swap3A_619] : memref<4x8xf32, #tpu.memory_space<smem>>
    return
  }
  func.func @transform_0(%arg0: i32, %arg1: i32) -> (i32, i32, i32) {
    %c0_i32 = arith.constant 0 : i32
    %c0_i32_0 = arith.constant 0 : i32
    return %arg0, %c0_i32, %arg1 : i32, i32, i32
  }
  func.func @transform_1(%arg0: i32, %arg1: i32) -> (i32, i32, i32) {
    %c0_i32 = arith.constant 0 : i32
    %c0_i32_0 = arith.constant 0 : i32
    %c0_i32_1 = arith.constant 0 : i32
    return %arg0, %c0_i32, %c0_i32_0 : i32, i32, i32
  }
  func.func @transform_2(%arg0: i32, %arg1: i32) -> (i32, i32, i32) {
    %c0_i32 = arith.constant 0 : i32
    %c0_i32_0 = arith.constant 0 : i32
    %c0_i32_1 = arith.constant 0 : i32
    return %arg0, %c0_i32, %c0_i32_0 : i32, i32, i32
  }
  func.func @transform_3(%arg0: i32, %arg1: i32) -> i32 {
    %mul3A = arith.constant 8 : i32
    %mul3A_0 = arith.muli %arg0, %mul3A : i32
    %add3A = arith.addi %mul3A_0, %arg1 : i32
    %c0_i32 = arith.constant 0 : i32
    return %add3A : i32
  }
  func.func @transform_4(%arg0: i32, %arg1: i32) -> (i32, i32) {
    %c0_i32 = arith.constant 0 : i32
    %c0_i32_0 = arith.constant 0 : i32
    %c0_i32_1 = arith.constant 0 : i32
    return %c0_i32, %c0_i32_0 : i32, i32
  }
}

module attributes {stable_mosaic.version = 14 : i64} {
  func.func @_dist_argmin_kernel(%arg0: i32, %arg1: i32, %arg2: memref<1x32x2048xf32, #tpu.memory_space<vmem>>, %arg3: memref<1x512x32xf32, #tpu.memory_space<vmem>>, %arg4: memref<1x512x1xf32, #tpu.memory_space<vmem>>, %arg5: memref<2048xi32, #tpu.memory_space<vmem>>, %arg6: memref<4x8xf32, #tpu.memory_space<smem>>) attributes {dimension_semantics = [#tpu.dimension_semantics<arbitrary>, #tpu.dimension_semantics<arbitrary>], iteration_bounds = array<i64: 4, 8>, scalar_prefetch = 0 : i64, scratch_operands = 0 : i64, tpu.core_type = #tpu.core_type<tc>, window_params = [{transform_indices = @transform_0, window_bounds = array<i64: 1, 32, 2048>}, {transform_indices = @transform_1, window_bounds = array<i64: 1, 512, 32>}, {transform_indices = @transform_2, window_bounds = array<i64: 1, 512, 1>}, {transform_indices = @transform_3, window_bounds = array<i64: 2048>}, {transform_indices = @transform_4, window_bounds = array<i64: 4, 8>}]} {
    %get3A = arith.constant 0 : index
    %get3A_0 = arith.constant 0 : index
    %get3A_1 = arith.constant 0 : index
    %get3A_2 = vector.load %arg2[%get3A, %get3A_0, %get3A_1] : memref<1x32x2048xf32, #tpu.memory_space<vmem>>, vector<1x32x2048xf32>
    %get3A_3 = vector.shape_cast %get3A_2 : vector<1x32x2048xf32> to vector<32x2048xf32>
    %get3A_4 = arith.constant 0 : index
    %get3A_5 = arith.constant 0 : index
    %get3A_6 = arith.constant 0 : index
    %get3A_7 = vector.load %arg3[%get3A_4, %get3A_5, %get3A_6] : memref<1x512x32xf32, #tpu.memory_space<vmem>>, vector<1x512x32xf32>
    %get3A_8 = vector.shape_cast %get3A_7 : vector<1x512x32xf32> to vector<512x32xf32>
    %get3A_9 = arith.constant 0 : index
    %get3A_10 = arith.constant 0 : index
    %get3A_11 = arith.constant 0 : index
    %get3A_12 = vector.load %arg4[%get3A_9, %get3A_10, %get3A_11] : memref<1x512x1xf32, #tpu.memory_space<vmem>>, vector<1x512x1xf32>
    %get3A_13 = vector.shape_cast %get3A_12 : vector<1x512x1xf32> to vector<512x1xf32>
    %dot_general3A = arith.constant dense<0.000000e+00> : vector<512x2048xf32>
    %dot_general3A_14 = tpu.matmul %get3A_8, %get3A_3, %dot_general3A {dimension_numbers = #tpu.dot_dimension_numbers<[1], [0], [0], [1], [0, 0, 1, 1], [], []>, transpose_lhs_hint = false} : vector<512x32xf32>, vector<32x2048xf32>, vector<512x2048xf32> -> vector<512x2048xf32>
    %broadcast_in_dim3A = arith.constant 0x7F800000 : f32
    %broadcast_in_dim3A_15 = vector.broadcast %broadcast_in_dim3A : f32 to vector<8x2048xf32>
    %broadcast_in_dim3A_16 = arith.constant 0 : i32
    %broadcast_in_dim3A_17 = vector.broadcast %broadcast_in_dim3A_16 : i32 to vector<8x2048xi32>
    %slice3A = vector.extract_strided_slice %dot_general3A_14 {offsets = [0, 0], sizes = [8, 2048], strides = [1, 1]} : vector<512x2048xf32> to vector<8x2048xf32>
    %slice3A_18 = vector.extract_strided_slice %get3A_13 {offsets = [0, 0], sizes = [8, 1], strides = [1, 1]} : vector<512x1xf32> to vector<8x1xf32>
    %add3A = vector.broadcast %slice3A_18 : vector<8x1xf32> to vector<8x2048xf32>
    %add3A_19 = arith.addf %slice3A, %add3A : vector<8x2048xf32>
    %lt3A = arith.cmpf olt, %add3A_19, %broadcast_in_dim3A_15 : vector<8x2048xf32>
    %select_n3A = arith.select %lt3A, %add3A_19, %broadcast_in_dim3A_15 : vector<8x2048xi1>, vector<8x2048xf32>
    %jit3A = arith.constant 0 : i32
    %broadcast_in_dim3A_20 = vector.broadcast %jit3A : i32 to vector<8x2048xi32>
    %select_n3A_21 = arith.select %lt3A, %broadcast_in_dim3A_20, %broadcast_in_dim3A_17 : vector<8x2048xi1>, vector<8x2048xi32>
    %slice3A_22 = vector.extract_strided_slice %dot_general3A_14 {offsets = [8, 0], sizes = [8, 2048], strides = [1, 1]} : vector<512x2048xf32> to vector<8x2048xf32>
    %slice3A_23 = vector.extract_strided_slice %get3A_13 {offsets = [8, 0], sizes = [8, 1], strides = [1, 1]} : vector<512x1xf32> to vector<8x1xf32>
    %add3A_24 = vector.broadcast %slice3A_23 : vector<8x1xf32> to vector<8x2048xf32>
    %add3A_25 = arith.addf %slice3A_22, %add3A_24 : vector<8x2048xf32>
    %lt3A_26 = arith.cmpf olt, %add3A_25, %select_n3A : vector<8x2048xf32>
    %select_n3A_27 = arith.select %lt3A_26, %add3A_25, %select_n3A : vector<8x2048xi1>, vector<8x2048xf32>
    %jit3A_28 = arith.constant 1 : i32
    %broadcast_in_dim3A_29 = vector.broadcast %jit3A_28 : i32 to vector<8x2048xi32>
    %select_n3A_30 = arith.select %lt3A_26, %broadcast_in_dim3A_29, %select_n3A_21 : vector<8x2048xi1>, vector<8x2048xi32>
    %slice3A_31 = vector.extract_strided_slice %dot_general3A_14 {offsets = [16, 0], sizes = [8, 2048], strides = [1, 1]} : vector<512x2048xf32> to vector<8x2048xf32>
    %slice3A_32 = vector.extract_strided_slice %get3A_13 {offsets = [16, 0], sizes = [8, 1], strides = [1, 1]} : vector<512x1xf32> to vector<8x1xf32>
    %add3A_33 = vector.broadcast %slice3A_32 : vector<8x1xf32> to vector<8x2048xf32>
    %add3A_34 = arith.addf %slice3A_31, %add3A_33 : vector<8x2048xf32>
    %lt3A_35 = arith.cmpf olt, %add3A_34, %select_n3A_27 : vector<8x2048xf32>
    %select_n3A_36 = arith.select %lt3A_35, %add3A_34, %select_n3A_27 : vector<8x2048xi1>, vector<8x2048xf32>
    %jit3A_37 = arith.constant 2 : i32
    %broadcast_in_dim3A_38 = vector.broadcast %jit3A_37 : i32 to vector<8x2048xi32>
    %select_n3A_39 = arith.select %lt3A_35, %broadcast_in_dim3A_38, %select_n3A_30 : vector<8x2048xi1>, vector<8x2048xi32>
    %slice3A_40 = vector.extract_strided_slice %dot_general3A_14 {offsets = [24, 0], sizes = [8, 2048], strides = [1, 1]} : vector<512x2048xf32> to vector<8x2048xf32>
    %slice3A_41 = vector.extract_strided_slice %get3A_13 {offsets = [24, 0], sizes = [8, 1], strides = [1, 1]} : vector<512x1xf32> to vector<8x1xf32>
    %add3A_42 = vector.broadcast %slice3A_41 : vector<8x1xf32> to vector<8x2048xf32>
    %add3A_43 = arith.addf %slice3A_40, %add3A_42 : vector<8x2048xf32>
    %lt3A_44 = arith.cmpf olt, %add3A_43, %select_n3A_36 : vector<8x2048xf32>
    %select_n3A_45 = arith.select %lt3A_44, %add3A_43, %select_n3A_36 : vector<8x2048xi1>, vector<8x2048xf32>
    %jit3A_46 = arith.constant 3 : i32
    %broadcast_in_dim3A_47 = vector.broadcast %jit3A_46 : i32 to vector<8x2048xi32>
    %select_n3A_48 = arith.select %lt3A_44, %broadcast_in_dim3A_47, %select_n3A_39 : vector<8x2048xi1>, vector<8x2048xi32>
    %slice3A_49 = vector.extract_strided_slice %dot_general3A_14 {offsets = [32, 0], sizes = [8, 2048], strides = [1, 1]} : vector<512x2048xf32> to vector<8x2048xf32>
    %slice3A_50 = vector.extract_strided_slice %get3A_13 {offsets = [32, 0], sizes = [8, 1], strides = [1, 1]} : vector<512x1xf32> to vector<8x1xf32>
    %add3A_51 = vector.broadcast %slice3A_50 : vector<8x1xf32> to vector<8x2048xf32>
    %add3A_52 = arith.addf %slice3A_49, %add3A_51 : vector<8x2048xf32>
    %lt3A_53 = arith.cmpf olt, %add3A_52, %select_n3A_45 : vector<8x2048xf32>
    %select_n3A_54 = arith.select %lt3A_53, %add3A_52, %select_n3A_45 : vector<8x2048xi1>, vector<8x2048xf32>
    %jit3A_55 = arith.constant 4 : i32
    %broadcast_in_dim3A_56 = vector.broadcast %jit3A_55 : i32 to vector<8x2048xi32>
    %select_n3A_57 = arith.select %lt3A_53, %broadcast_in_dim3A_56, %select_n3A_48 : vector<8x2048xi1>, vector<8x2048xi32>
    %slice3A_58 = vector.extract_strided_slice %dot_general3A_14 {offsets = [40, 0], sizes = [8, 2048], strides = [1, 1]} : vector<512x2048xf32> to vector<8x2048xf32>
    %slice3A_59 = vector.extract_strided_slice %get3A_13 {offsets = [40, 0], sizes = [8, 1], strides = [1, 1]} : vector<512x1xf32> to vector<8x1xf32>
    %add3A_60 = vector.broadcast %slice3A_59 : vector<8x1xf32> to vector<8x2048xf32>
    %add3A_61 = arith.addf %slice3A_58, %add3A_60 : vector<8x2048xf32>
    %lt3A_62 = arith.cmpf olt, %add3A_61, %select_n3A_54 : vector<8x2048xf32>
    %select_n3A_63 = arith.select %lt3A_62, %add3A_61, %select_n3A_54 : vector<8x2048xi1>, vector<8x2048xf32>
    %jit3A_64 = arith.constant 5 : i32
    %broadcast_in_dim3A_65 = vector.broadcast %jit3A_64 : i32 to vector<8x2048xi32>
    %select_n3A_66 = arith.select %lt3A_62, %broadcast_in_dim3A_65, %select_n3A_57 : vector<8x2048xi1>, vector<8x2048xi32>
    %slice3A_67 = vector.extract_strided_slice %dot_general3A_14 {offsets = [48, 0], sizes = [8, 2048], strides = [1, 1]} : vector<512x2048xf32> to vector<8x2048xf32>
    %slice3A_68 = vector.extract_strided_slice %get3A_13 {offsets = [48, 0], sizes = [8, 1], strides = [1, 1]} : vector<512x1xf32> to vector<8x1xf32>
    %add3A_69 = vector.broadcast %slice3A_68 : vector<8x1xf32> to vector<8x2048xf32>
    %add3A_70 = arith.addf %slice3A_67, %add3A_69 : vector<8x2048xf32>
    %lt3A_71 = arith.cmpf olt, %add3A_70, %select_n3A_63 : vector<8x2048xf32>
    %select_n3A_72 = arith.select %lt3A_71, %add3A_70, %select_n3A_63 : vector<8x2048xi1>, vector<8x2048xf32>
    %jit3A_73 = arith.constant 6 : i32
    %broadcast_in_dim3A_74 = vector.broadcast %jit3A_73 : i32 to vector<8x2048xi32>
    %select_n3A_75 = arith.select %lt3A_71, %broadcast_in_dim3A_74, %select_n3A_66 : vector<8x2048xi1>, vector<8x2048xi32>
    %slice3A_76 = vector.extract_strided_slice %dot_general3A_14 {offsets = [56, 0], sizes = [8, 2048], strides = [1, 1]} : vector<512x2048xf32> to vector<8x2048xf32>
    %slice3A_77 = vector.extract_strided_slice %get3A_13 {offsets = [56, 0], sizes = [8, 1], strides = [1, 1]} : vector<512x1xf32> to vector<8x1xf32>
    %add3A_78 = vector.broadcast %slice3A_77 : vector<8x1xf32> to vector<8x2048xf32>
    %add3A_79 = arith.addf %slice3A_76, %add3A_78 : vector<8x2048xf32>
    %lt3A_80 = arith.cmpf olt, %add3A_79, %select_n3A_72 : vector<8x2048xf32>
    %select_n3A_81 = arith.select %lt3A_80, %add3A_79, %select_n3A_72 : vector<8x2048xi1>, vector<8x2048xf32>
    %jit3A_82 = arith.constant 7 : i32
    %broadcast_in_dim3A_83 = vector.broadcast %jit3A_82 : i32 to vector<8x2048xi32>
    %select_n3A_84 = arith.select %lt3A_80, %broadcast_in_dim3A_83, %select_n3A_75 : vector<8x2048xi1>, vector<8x2048xi32>
    %slice3A_85 = vector.extract_strided_slice %dot_general3A_14 {offsets = [64, 0], sizes = [8, 2048], strides = [1, 1]} : vector<512x2048xf32> to vector<8x2048xf32>
    %slice3A_86 = vector.extract_strided_slice %get3A_13 {offsets = [64, 0], sizes = [8, 1], strides = [1, 1]} : vector<512x1xf32> to vector<8x1xf32>
    %add3A_87 = vector.broadcast %slice3A_86 : vector<8x1xf32> to vector<8x2048xf32>
    %add3A_88 = arith.addf %slice3A_85, %add3A_87 : vector<8x2048xf32>
    %lt3A_89 = arith.cmpf olt, %add3A_88, %select_n3A_81 : vector<8x2048xf32>
    %select_n3A_90 = arith.select %lt3A_89, %add3A_88, %select_n3A_81 : vector<8x2048xi1>, vector<8x2048xf32>
    %jit3A_91 = arith.constant 8 : i32
    %broadcast_in_dim3A_92 = vector.broadcast %jit3A_91 : i32 to vector<8x2048xi32>
    %select_n3A_93 = arith.select %lt3A_89, %broadcast_in_dim3A_92, %select_n3A_84 : vector<8x2048xi1>, vector<8x2048xi32>
    %slice3A_94 = vector.extract_strided_slice %dot_general3A_14 {offsets = [72, 0], sizes = [8, 2048], strides = [1, 1]} : vector<512x2048xf32> to vector<8x2048xf32>
    %slice3A_95 = vector.extract_strided_slice %get3A_13 {offsets = [72, 0], sizes = [8, 1], strides = [1, 1]} : vector<512x1xf32> to vector<8x1xf32>
    %add3A_96 = vector.broadcast %slice3A_95 : vector<8x1xf32> to vector<8x2048xf32>
    %add3A_97 = arith.addf %slice3A_94, %add3A_96 : vector<8x2048xf32>
    %lt3A_98 = arith.cmpf olt, %add3A_97, %select_n3A_90 : vector<8x2048xf32>
    %select_n3A_99 = arith.select %lt3A_98, %add3A_97, %select_n3A_90 : vector<8x2048xi1>, vector<8x2048xf32>
    %jit3A_100 = arith.constant 9 : i32
    %broadcast_in_dim3A_101 = vector.broadcast %jit3A_100 : i32 to vector<8x2048xi32>
    %select_n3A_102 = arith.select %lt3A_98, %broadcast_in_dim3A_101, %select_n3A_93 : vector<8x2048xi1>, vector<8x2048xi32>
    %slice3A_103 = vector.extract_strided_slice %dot_general3A_14 {offsets = [80, 0], sizes = [8, 2048], strides = [1, 1]} : vector<512x2048xf32> to vector<8x2048xf32>
    %slice3A_104 = vector.extract_strided_slice %get3A_13 {offsets = [80, 0], sizes = [8, 1], strides = [1, 1]} : vector<512x1xf32> to vector<8x1xf32>
    %add3A_105 = vector.broadcast %slice3A_104 : vector<8x1xf32> to vector<8x2048xf32>
    %add3A_106 = arith.addf %slice3A_103, %add3A_105 : vector<8x2048xf32>
    %lt3A_107 = arith.cmpf olt, %add3A_106, %select_n3A_99 : vector<8x2048xf32>
    %select_n3A_108 = arith.select %lt3A_107, %add3A_106, %select_n3A_99 : vector<8x2048xi1>, vector<8x2048xf32>
    %jit3A_109 = arith.constant 10 : i32
    %broadcast_in_dim3A_110 = vector.broadcast %jit3A_109 : i32 to vector<8x2048xi32>
    %select_n3A_111 = arith.select %lt3A_107, %broadcast_in_dim3A_110, %select_n3A_102 : vector<8x2048xi1>, vector<8x2048xi32>
    %slice3A_112 = vector.extract_strided_slice %dot_general3A_14 {offsets = [88, 0], sizes = [8, 2048], strides = [1, 1]} : vector<512x2048xf32> to vector<8x2048xf32>
    %slice3A_113 = vector.extract_strided_slice %get3A_13 {offsets = [88, 0], sizes = [8, 1], strides = [1, 1]} : vector<512x1xf32> to vector<8x1xf32>
    %add3A_114 = vector.broadcast %slice3A_113 : vector<8x1xf32> to vector<8x2048xf32>
    %add3A_115 = arith.addf %slice3A_112, %add3A_114 : vector<8x2048xf32>
    %lt3A_116 = arith.cmpf olt, %add3A_115, %select_n3A_108 : vector<8x2048xf32>
    %select_n3A_117 = arith.select %lt3A_116, %add3A_115, %select_n3A_108 : vector<8x2048xi1>, vector<8x2048xf32>
    %jit3A_118 = arith.constant 11 : i32
    %broadcast_in_dim3A_119 = vector.broadcast %jit3A_118 : i32 to vector<8x2048xi32>
    %select_n3A_120 = arith.select %lt3A_116, %broadcast_in_dim3A_119, %select_n3A_111 : vector<8x2048xi1>, vector<8x2048xi32>
    %slice3A_121 = vector.extract_strided_slice %dot_general3A_14 {offsets = [96, 0], sizes = [8, 2048], strides = [1, 1]} : vector<512x2048xf32> to vector<8x2048xf32>
    %slice3A_122 = vector.extract_strided_slice %get3A_13 {offsets = [96, 0], sizes = [8, 1], strides = [1, 1]} : vector<512x1xf32> to vector<8x1xf32>
    %add3A_123 = vector.broadcast %slice3A_122 : vector<8x1xf32> to vector<8x2048xf32>
    %add3A_124 = arith.addf %slice3A_121, %add3A_123 : vector<8x2048xf32>
    %lt3A_125 = arith.cmpf olt, %add3A_124, %select_n3A_117 : vector<8x2048xf32>
    %select_n3A_126 = arith.select %lt3A_125, %add3A_124, %select_n3A_117 : vector<8x2048xi1>, vector<8x2048xf32>
    %jit3A_127 = arith.constant 12 : i32
    %broadcast_in_dim3A_128 = vector.broadcast %jit3A_127 : i32 to vector<8x2048xi32>
    %select_n3A_129 = arith.select %lt3A_125, %broadcast_in_dim3A_128, %select_n3A_120 : vector<8x2048xi1>, vector<8x2048xi32>
    %slice3A_130 = vector.extract_strided_slice %dot_general3A_14 {offsets = [104, 0], sizes = [8, 2048], strides = [1, 1]} : vector<512x2048xf32> to vector<8x2048xf32>
    %slice3A_131 = vector.extract_strided_slice %get3A_13 {offsets = [104, 0], sizes = [8, 1], strides = [1, 1]} : vector<512x1xf32> to vector<8x1xf32>
    %add3A_132 = vector.broadcast %slice3A_131 : vector<8x1xf32> to vector<8x2048xf32>
    %add3A_133 = arith.addf %slice3A_130, %add3A_132 : vector<8x2048xf32>
    %lt3A_134 = arith.cmpf olt, %add3A_133, %select_n3A_126 : vector<8x2048xf32>
    %select_n3A_135 = arith.select %lt3A_134, %add3A_133, %select_n3A_126 : vector<8x2048xi1>, vector<8x2048xf32>
    %jit3A_136 = arith.constant 13 : i32
    %broadcast_in_dim3A_137 = vector.broadcast %jit3A_136 : i32 to vector<8x2048xi32>
    %select_n3A_138 = arith.select %lt3A_134, %broadcast_in_dim3A_137, %select_n3A_129 : vector<8x2048xi1>, vector<8x2048xi32>
    %slice3A_139 = vector.extract_strided_slice %dot_general3A_14 {offsets = [112, 0], sizes = [8, 2048], strides = [1, 1]} : vector<512x2048xf32> to vector<8x2048xf32>
    %slice3A_140 = vector.extract_strided_slice %get3A_13 {offsets = [112, 0], sizes = [8, 1], strides = [1, 1]} : vector<512x1xf32> to vector<8x1xf32>
    %add3A_141 = vector.broadcast %slice3A_140 : vector<8x1xf32> to vector<8x2048xf32>
    %add3A_142 = arith.addf %slice3A_139, %add3A_141 : vector<8x2048xf32>
    %lt3A_143 = arith.cmpf olt, %add3A_142, %select_n3A_135 : vector<8x2048xf32>
    %select_n3A_144 = arith.select %lt3A_143, %add3A_142, %select_n3A_135 : vector<8x2048xi1>, vector<8x2048xf32>
    %jit3A_145 = arith.constant 14 : i32
    %broadcast_in_dim3A_146 = vector.broadcast %jit3A_145 : i32 to vector<8x2048xi32>
    %select_n3A_147 = arith.select %lt3A_143, %broadcast_in_dim3A_146, %select_n3A_138 : vector<8x2048xi1>, vector<8x2048xi32>
    %slice3A_148 = vector.extract_strided_slice %dot_general3A_14 {offsets = [120, 0], sizes = [8, 2048], strides = [1, 1]} : vector<512x2048xf32> to vector<8x2048xf32>
    %slice3A_149 = vector.extract_strided_slice %get3A_13 {offsets = [120, 0], sizes = [8, 1], strides = [1, 1]} : vector<512x1xf32> to vector<8x1xf32>
    %add3A_150 = vector.broadcast %slice3A_149 : vector<8x1xf32> to vector<8x2048xf32>
    %add3A_151 = arith.addf %slice3A_148, %add3A_150 : vector<8x2048xf32>
    %lt3A_152 = arith.cmpf olt, %add3A_151, %select_n3A_144 : vector<8x2048xf32>
    %select_n3A_153 = arith.select %lt3A_152, %add3A_151, %select_n3A_144 : vector<8x2048xi1>, vector<8x2048xf32>
    %jit3A_154 = arith.constant 15 : i32
    %broadcast_in_dim3A_155 = vector.broadcast %jit3A_154 : i32 to vector<8x2048xi32>
    %select_n3A_156 = arith.select %lt3A_152, %broadcast_in_dim3A_155, %select_n3A_147 : vector<8x2048xi1>, vector<8x2048xi32>
    %slice3A_157 = vector.extract_strided_slice %dot_general3A_14 {offsets = [128, 0], sizes = [8, 2048], strides = [1, 1]} : vector<512x2048xf32> to vector<8x2048xf32>
    %slice3A_158 = vector.extract_strided_slice %get3A_13 {offsets = [128, 0], sizes = [8, 1], strides = [1, 1]} : vector<512x1xf32> to vector<8x1xf32>
    %add3A_159 = vector.broadcast %slice3A_158 : vector<8x1xf32> to vector<8x2048xf32>
    %add3A_160 = arith.addf %slice3A_157, %add3A_159 : vector<8x2048xf32>
    %lt3A_161 = arith.cmpf olt, %add3A_160, %select_n3A_153 : vector<8x2048xf32>
    %select_n3A_162 = arith.select %lt3A_161, %add3A_160, %select_n3A_153 : vector<8x2048xi1>, vector<8x2048xf32>
    %jit3A_163 = arith.constant 16 : i32
    %broadcast_in_dim3A_164 = vector.broadcast %jit3A_163 : i32 to vector<8x2048xi32>
    %select_n3A_165 = arith.select %lt3A_161, %broadcast_in_dim3A_164, %select_n3A_156 : vector<8x2048xi1>, vector<8x2048xi32>
    %slice3A_166 = vector.extract_strided_slice %dot_general3A_14 {offsets = [136, 0], sizes = [8, 2048], strides = [1, 1]} : vector<512x2048xf32> to vector<8x2048xf32>
    %slice3A_167 = vector.extract_strided_slice %get3A_13 {offsets = [136, 0], sizes = [8, 1], strides = [1, 1]} : vector<512x1xf32> to vector<8x1xf32>
    %add3A_168 = vector.broadcast %slice3A_167 : vector<8x1xf32> to vector<8x2048xf32>
    %add3A_169 = arith.addf %slice3A_166, %add3A_168 : vector<8x2048xf32>
    %lt3A_170 = arith.cmpf olt, %add3A_169, %select_n3A_162 : vector<8x2048xf32>
    %select_n3A_171 = arith.select %lt3A_170, %add3A_169, %select_n3A_162 : vector<8x2048xi1>, vector<8x2048xf32>
    %jit3A_172 = arith.constant 17 : i32
    %broadcast_in_dim3A_173 = vector.broadcast %jit3A_172 : i32 to vector<8x2048xi32>
    %select_n3A_174 = arith.select %lt3A_170, %broadcast_in_dim3A_173, %select_n3A_165 : vector<8x2048xi1>, vector<8x2048xi32>
    %slice3A_175 = vector.extract_strided_slice %dot_general3A_14 {offsets = [144, 0], sizes = [8, 2048], strides = [1, 1]} : vector<512x2048xf32> to vector<8x2048xf32>
    %slice3A_176 = vector.extract_strided_slice %get3A_13 {offsets = [144, 0], sizes = [8, 1], strides = [1, 1]} : vector<512x1xf32> to vector<8x1xf32>
    %add3A_177 = vector.broadcast %slice3A_176 : vector<8x1xf32> to vector<8x2048xf32>
    %add3A_178 = arith.addf %slice3A_175, %add3A_177 : vector<8x2048xf32>
    %lt3A_179 = arith.cmpf olt, %add3A_178, %select_n3A_171 : vector<8x2048xf32>
    %select_n3A_180 = arith.select %lt3A_179, %add3A_178, %select_n3A_171 : vector<8x2048xi1>, vector<8x2048xf32>
    %jit3A_181 = arith.constant 18 : i32
    %broadcast_in_dim3A_182 = vector.broadcast %jit3A_181 : i32 to vector<8x2048xi32>
    %select_n3A_183 = arith.select %lt3A_179, %broadcast_in_dim3A_182, %select_n3A_174 : vector<8x2048xi1>, vector<8x2048xi32>
    %slice3A_184 = vector.extract_strided_slice %dot_general3A_14 {offsets = [152, 0], sizes = [8, 2048], strides = [1, 1]} : vector<512x2048xf32> to vector<8x2048xf32>
    %slice3A_185 = vector.extract_strided_slice %get3A_13 {offsets = [152, 0], sizes = [8, 1], strides = [1, 1]} : vector<512x1xf32> to vector<8x1xf32>
    %add3A_186 = vector.broadcast %slice3A_185 : vector<8x1xf32> to vector<8x2048xf32>
    %add3A_187 = arith.addf %slice3A_184, %add3A_186 : vector<8x2048xf32>
    %lt3A_188 = arith.cmpf olt, %add3A_187, %select_n3A_180 : vector<8x2048xf32>
    %select_n3A_189 = arith.select %lt3A_188, %add3A_187, %select_n3A_180 : vector<8x2048xi1>, vector<8x2048xf32>
    %jit3A_190 = arith.constant 19 : i32
    %broadcast_in_dim3A_191 = vector.broadcast %jit3A_190 : i32 to vector<8x2048xi32>
    %select_n3A_192 = arith.select %lt3A_188, %broadcast_in_dim3A_191, %select_n3A_183 : vector<8x2048xi1>, vector<8x2048xi32>
    %slice3A_193 = vector.extract_strided_slice %dot_general3A_14 {offsets = [160, 0], sizes = [8, 2048], strides = [1, 1]} : vector<512x2048xf32> to vector<8x2048xf32>
    %slice3A_194 = vector.extract_strided_slice %get3A_13 {offsets = [160, 0], sizes = [8, 1], strides = [1, 1]} : vector<512x1xf32> to vector<8x1xf32>
    %add3A_195 = vector.broadcast %slice3A_194 : vector<8x1xf32> to vector<8x2048xf32>
    %add3A_196 = arith.addf %slice3A_193, %add3A_195 : vector<8x2048xf32>
    %lt3A_197 = arith.cmpf olt, %add3A_196, %select_n3A_189 : vector<8x2048xf32>
    %select_n3A_198 = arith.select %lt3A_197, %add3A_196, %select_n3A_189 : vector<8x2048xi1>, vector<8x2048xf32>
    %jit3A_199 = arith.constant 20 : i32
    %broadcast_in_dim3A_200 = vector.broadcast %jit3A_199 : i32 to vector<8x2048xi32>
    %select_n3A_201 = arith.select %lt3A_197, %broadcast_in_dim3A_200, %select_n3A_192 : vector<8x2048xi1>, vector<8x2048xi32>
    %slice3A_202 = vector.extract_strided_slice %dot_general3A_14 {offsets = [168, 0], sizes = [8, 2048], strides = [1, 1]} : vector<512x2048xf32> to vector<8x2048xf32>
    %slice3A_203 = vector.extract_strided_slice %get3A_13 {offsets = [168, 0], sizes = [8, 1], strides = [1, 1]} : vector<512x1xf32> to vector<8x1xf32>
    %add3A_204 = vector.broadcast %slice3A_203 : vector<8x1xf32> to vector<8x2048xf32>
    %add3A_205 = arith.addf %slice3A_202, %add3A_204 : vector<8x2048xf32>
    %lt3A_206 = arith.cmpf olt, %add3A_205, %select_n3A_198 : vector<8x2048xf32>
    %select_n3A_207 = arith.select %lt3A_206, %add3A_205, %select_n3A_198 : vector<8x2048xi1>, vector<8x2048xf32>
    %jit3A_208 = arith.constant 21 : i32
    %broadcast_in_dim3A_209 = vector.broadcast %jit3A_208 : i32 to vector<8x2048xi32>
    %select_n3A_210 = arith.select %lt3A_206, %broadcast_in_dim3A_209, %select_n3A_201 : vector<8x2048xi1>, vector<8x2048xi32>
    %slice3A_211 = vector.extract_strided_slice %dot_general3A_14 {offsets = [176, 0], sizes = [8, 2048], strides = [1, 1]} : vector<512x2048xf32> to vector<8x2048xf32>
    %slice3A_212 = vector.extract_strided_slice %get3A_13 {offsets = [176, 0], sizes = [8, 1], strides = [1, 1]} : vector<512x1xf32> to vector<8x1xf32>
    %add3A_213 = vector.broadcast %slice3A_212 : vector<8x1xf32> to vector<8x2048xf32>
    %add3A_214 = arith.addf %slice3A_211, %add3A_213 : vector<8x2048xf32>
    %lt3A_215 = arith.cmpf olt, %add3A_214, %select_n3A_207 : vector<8x2048xf32>
    %select_n3A_216 = arith.select %lt3A_215, %add3A_214, %select_n3A_207 : vector<8x2048xi1>, vector<8x2048xf32>
    %jit3A_217 = arith.constant 22 : i32
    %broadcast_in_dim3A_218 = vector.broadcast %jit3A_217 : i32 to vector<8x2048xi32>
    %select_n3A_219 = arith.select %lt3A_215, %broadcast_in_dim3A_218, %select_n3A_210 : vector<8x2048xi1>, vector<8x2048xi32>
    %slice3A_220 = vector.extract_strided_slice %dot_general3A_14 {offsets = [184, 0], sizes = [8, 2048], strides = [1, 1]} : vector<512x2048xf32> to vector<8x2048xf32>
    %slice3A_221 = vector.extract_strided_slice %get3A_13 {offsets = [184, 0], sizes = [8, 1], strides = [1, 1]} : vector<512x1xf32> to vector<8x1xf32>
    %add3A_222 = vector.broadcast %slice3A_221 : vector<8x1xf32> to vector<8x2048xf32>
    %add3A_223 = arith.addf %slice3A_220, %add3A_222 : vector<8x2048xf32>
    %lt3A_224 = arith.cmpf olt, %add3A_223, %select_n3A_216 : vector<8x2048xf32>
    %select_n3A_225 = arith.select %lt3A_224, %add3A_223, %select_n3A_216 : vector<8x2048xi1>, vector<8x2048xf32>
    %jit3A_226 = arith.constant 23 : i32
    %broadcast_in_dim3A_227 = vector.broadcast %jit3A_226 : i32 to vector<8x2048xi32>
    %select_n3A_228 = arith.select %lt3A_224, %broadcast_in_dim3A_227, %select_n3A_219 : vector<8x2048xi1>, vector<8x2048xi32>
    %slice3A_229 = vector.extract_strided_slice %dot_general3A_14 {offsets = [192, 0], sizes = [8, 2048], strides = [1, 1]} : vector<512x2048xf32> to vector<8x2048xf32>
    %slice3A_230 = vector.extract_strided_slice %get3A_13 {offsets = [192, 0], sizes = [8, 1], strides = [1, 1]} : vector<512x1xf32> to vector<8x1xf32>
    %add3A_231 = vector.broadcast %slice3A_230 : vector<8x1xf32> to vector<8x2048xf32>
    %add3A_232 = arith.addf %slice3A_229, %add3A_231 : vector<8x2048xf32>
    %lt3A_233 = arith.cmpf olt, %add3A_232, %select_n3A_225 : vector<8x2048xf32>
    %select_n3A_234 = arith.select %lt3A_233, %add3A_232, %select_n3A_225 : vector<8x2048xi1>, vector<8x2048xf32>
    %jit3A_235 = arith.constant 24 : i32
    %broadcast_in_dim3A_236 = vector.broadcast %jit3A_235 : i32 to vector<8x2048xi32>
    %select_n3A_237 = arith.select %lt3A_233, %broadcast_in_dim3A_236, %select_n3A_228 : vector<8x2048xi1>, vector<8x2048xi32>
    %slice3A_238 = vector.extract_strided_slice %dot_general3A_14 {offsets = [200, 0], sizes = [8, 2048], strides = [1, 1]} : vector<512x2048xf32> to vector<8x2048xf32>
    %slice3A_239 = vector.extract_strided_slice %get3A_13 {offsets = [200, 0], sizes = [8, 1], strides = [1, 1]} : vector<512x1xf32> to vector<8x1xf32>
    %add3A_240 = vector.broadcast %slice3A_239 : vector<8x1xf32> to vector<8x2048xf32>
    %add3A_241 = arith.addf %slice3A_238, %add3A_240 : vector<8x2048xf32>
    %lt3A_242 = arith.cmpf olt, %add3A_241, %select_n3A_234 : vector<8x2048xf32>
    %select_n3A_243 = arith.select %lt3A_242, %add3A_241, %select_n3A_234 : vector<8x2048xi1>, vector<8x2048xf32>
    %jit3A_244 = arith.constant 25 : i32
    %broadcast_in_dim3A_245 = vector.broadcast %jit3A_244 : i32 to vector<8x2048xi32>
    %select_n3A_246 = arith.select %lt3A_242, %broadcast_in_dim3A_245, %select_n3A_237 : vector<8x2048xi1>, vector<8x2048xi32>
    %slice3A_247 = vector.extract_strided_slice %dot_general3A_14 {offsets = [208, 0], sizes = [8, 2048], strides = [1, 1]} : vector<512x2048xf32> to vector<8x2048xf32>
    %slice3A_248 = vector.extract_strided_slice %get3A_13 {offsets = [208, 0], sizes = [8, 1], strides = [1, 1]} : vector<512x1xf32> to vector<8x1xf32>
    %add3A_249 = vector.broadcast %slice3A_248 : vector<8x1xf32> to vector<8x2048xf32>
    %add3A_250 = arith.addf %slice3A_247, %add3A_249 : vector<8x2048xf32>
    %lt3A_251 = arith.cmpf olt, %add3A_250, %select_n3A_243 : vector<8x2048xf32>
    %select_n3A_252 = arith.select %lt3A_251, %add3A_250, %select_n3A_243 : vector<8x2048xi1>, vector<8x2048xf32>
    %jit3A_253 = arith.constant 26 : i32
    %broadcast_in_dim3A_254 = vector.broadcast %jit3A_253 : i32 to vector<8x2048xi32>
    %select_n3A_255 = arith.select %lt3A_251, %broadcast_in_dim3A_254, %select_n3A_246 : vector<8x2048xi1>, vector<8x2048xi32>
    %slice3A_256 = vector.extract_strided_slice %dot_general3A_14 {offsets = [216, 0], sizes = [8, 2048], strides = [1, 1]} : vector<512x2048xf32> to vector<8x2048xf32>
    %slice3A_257 = vector.extract_strided_slice %get3A_13 {offsets = [216, 0], sizes = [8, 1], strides = [1, 1]} : vector<512x1xf32> to vector<8x1xf32>
    %add3A_258 = vector.broadcast %slice3A_257 : vector<8x1xf32> to vector<8x2048xf32>
    %add3A_259 = arith.addf %slice3A_256, %add3A_258 : vector<8x2048xf32>
    %lt3A_260 = arith.cmpf olt, %add3A_259, %select_n3A_252 : vector<8x2048xf32>
    %select_n3A_261 = arith.select %lt3A_260, %add3A_259, %select_n3A_252 : vector<8x2048xi1>, vector<8x2048xf32>
    %jit3A_262 = arith.constant 27 : i32
    %broadcast_in_dim3A_263 = vector.broadcast %jit3A_262 : i32 to vector<8x2048xi32>
    %select_n3A_264 = arith.select %lt3A_260, %broadcast_in_dim3A_263, %select_n3A_255 : vector<8x2048xi1>, vector<8x2048xi32>
    %slice3A_265 = vector.extract_strided_slice %dot_general3A_14 {offsets = [224, 0], sizes = [8, 2048], strides = [1, 1]} : vector<512x2048xf32> to vector<8x2048xf32>
    %slice3A_266 = vector.extract_strided_slice %get3A_13 {offsets = [224, 0], sizes = [8, 1], strides = [1, 1]} : vector<512x1xf32> to vector<8x1xf32>
    %add3A_267 = vector.broadcast %slice3A_266 : vector<8x1xf32> to vector<8x2048xf32>
    %add3A_268 = arith.addf %slice3A_265, %add3A_267 : vector<8x2048xf32>
    %lt3A_269 = arith.cmpf olt, %add3A_268, %select_n3A_261 : vector<8x2048xf32>
    %select_n3A_270 = arith.select %lt3A_269, %add3A_268, %select_n3A_261 : vector<8x2048xi1>, vector<8x2048xf32>
    %jit3A_271 = arith.constant 28 : i32
    %broadcast_in_dim3A_272 = vector.broadcast %jit3A_271 : i32 to vector<8x2048xi32>
    %select_n3A_273 = arith.select %lt3A_269, %broadcast_in_dim3A_272, %select_n3A_264 : vector<8x2048xi1>, vector<8x2048xi32>
    %slice3A_274 = vector.extract_strided_slice %dot_general3A_14 {offsets = [232, 0], sizes = [8, 2048], strides = [1, 1]} : vector<512x2048xf32> to vector<8x2048xf32>
    %slice3A_275 = vector.extract_strided_slice %get3A_13 {offsets = [232, 0], sizes = [8, 1], strides = [1, 1]} : vector<512x1xf32> to vector<8x1xf32>
    %add3A_276 = vector.broadcast %slice3A_275 : vector<8x1xf32> to vector<8x2048xf32>
    %add3A_277 = arith.addf %slice3A_274, %add3A_276 : vector<8x2048xf32>
    %lt3A_278 = arith.cmpf olt, %add3A_277, %select_n3A_270 : vector<8x2048xf32>
    %select_n3A_279 = arith.select %lt3A_278, %add3A_277, %select_n3A_270 : vector<8x2048xi1>, vector<8x2048xf32>
    %jit3A_280 = arith.constant 29 : i32
    %broadcast_in_dim3A_281 = vector.broadcast %jit3A_280 : i32 to vector<8x2048xi32>
    %select_n3A_282 = arith.select %lt3A_278, %broadcast_in_dim3A_281, %select_n3A_273 : vector<8x2048xi1>, vector<8x2048xi32>
    %slice3A_283 = vector.extract_strided_slice %dot_general3A_14 {offsets = [240, 0], sizes = [8, 2048], strides = [1, 1]} : vector<512x2048xf32> to vector<8x2048xf32>
    %slice3A_284 = vector.extract_strided_slice %get3A_13 {offsets = [240, 0], sizes = [8, 1], strides = [1, 1]} : vector<512x1xf32> to vector<8x1xf32>
    %add3A_285 = vector.broadcast %slice3A_284 : vector<8x1xf32> to vector<8x2048xf32>
    %add3A_286 = arith.addf %slice3A_283, %add3A_285 : vector<8x2048xf32>
    %lt3A_287 = arith.cmpf olt, %add3A_286, %select_n3A_279 : vector<8x2048xf32>
    %select_n3A_288 = arith.select %lt3A_287, %add3A_286, %select_n3A_279 : vector<8x2048xi1>, vector<8x2048xf32>
    %jit3A_289 = arith.constant 30 : i32
    %broadcast_in_dim3A_290 = vector.broadcast %jit3A_289 : i32 to vector<8x2048xi32>
    %select_n3A_291 = arith.select %lt3A_287, %broadcast_in_dim3A_290, %select_n3A_282 : vector<8x2048xi1>, vector<8x2048xi32>
    %slice3A_292 = vector.extract_strided_slice %dot_general3A_14 {offsets = [248, 0], sizes = [8, 2048], strides = [1, 1]} : vector<512x2048xf32> to vector<8x2048xf32>
    %slice3A_293 = vector.extract_strided_slice %get3A_13 {offsets = [248, 0], sizes = [8, 1], strides = [1, 1]} : vector<512x1xf32> to vector<8x1xf32>
    %add3A_294 = vector.broadcast %slice3A_293 : vector<8x1xf32> to vector<8x2048xf32>
    %add3A_295 = arith.addf %slice3A_292, %add3A_294 : vector<8x2048xf32>
    %lt3A_296 = arith.cmpf olt, %add3A_295, %select_n3A_288 : vector<8x2048xf32>
    %select_n3A_297 = arith.select %lt3A_296, %add3A_295, %select_n3A_288 : vector<8x2048xi1>, vector<8x2048xf32>
    %jit3A_298 = arith.constant 31 : i32
    %broadcast_in_dim3A_299 = vector.broadcast %jit3A_298 : i32 to vector<8x2048xi32>
    %select_n3A_300 = arith.select %lt3A_296, %broadcast_in_dim3A_299, %select_n3A_291 : vector<8x2048xi1>, vector<8x2048xi32>
    %slice3A_301 = vector.extract_strided_slice %dot_general3A_14 {offsets = [256, 0], sizes = [8, 2048], strides = [1, 1]} : vector<512x2048xf32> to vector<8x2048xf32>
    %slice3A_302 = vector.extract_strided_slice %get3A_13 {offsets = [256, 0], sizes = [8, 1], strides = [1, 1]} : vector<512x1xf32> to vector<8x1xf32>
    %add3A_303 = vector.broadcast %slice3A_302 : vector<8x1xf32> to vector<8x2048xf32>
    %add3A_304 = arith.addf %slice3A_301, %add3A_303 : vector<8x2048xf32>
    %lt3A_305 = arith.cmpf olt, %add3A_304, %select_n3A_297 : vector<8x2048xf32>
    %select_n3A_306 = arith.select %lt3A_305, %add3A_304, %select_n3A_297 : vector<8x2048xi1>, vector<8x2048xf32>
    %jit3A_307 = arith.constant 32 : i32
    %broadcast_in_dim3A_308 = vector.broadcast %jit3A_307 : i32 to vector<8x2048xi32>
    %select_n3A_309 = arith.select %lt3A_305, %broadcast_in_dim3A_308, %select_n3A_300 : vector<8x2048xi1>, vector<8x2048xi32>
    %slice3A_310 = vector.extract_strided_slice %dot_general3A_14 {offsets = [264, 0], sizes = [8, 2048], strides = [1, 1]} : vector<512x2048xf32> to vector<8x2048xf32>
    %slice3A_311 = vector.extract_strided_slice %get3A_13 {offsets = [264, 0], sizes = [8, 1], strides = [1, 1]} : vector<512x1xf32> to vector<8x1xf32>
    %add3A_312 = vector.broadcast %slice3A_311 : vector<8x1xf32> to vector<8x2048xf32>
    %add3A_313 = arith.addf %slice3A_310, %add3A_312 : vector<8x2048xf32>
    %lt3A_314 = arith.cmpf olt, %add3A_313, %select_n3A_306 : vector<8x2048xf32>
    %select_n3A_315 = arith.select %lt3A_314, %add3A_313, %select_n3A_306 : vector<8x2048xi1>, vector<8x2048xf32>
    %jit3A_316 = arith.constant 33 : i32
    %broadcast_in_dim3A_317 = vector.broadcast %jit3A_316 : i32 to vector<8x2048xi32>
    %select_n3A_318 = arith.select %lt3A_314, %broadcast_in_dim3A_317, %select_n3A_309 : vector<8x2048xi1>, vector<8x2048xi32>
    %slice3A_319 = vector.extract_strided_slice %dot_general3A_14 {offsets = [272, 0], sizes = [8, 2048], strides = [1, 1]} : vector<512x2048xf32> to vector<8x2048xf32>
    %slice3A_320 = vector.extract_strided_slice %get3A_13 {offsets = [272, 0], sizes = [8, 1], strides = [1, 1]} : vector<512x1xf32> to vector<8x1xf32>
    %add3A_321 = vector.broadcast %slice3A_320 : vector<8x1xf32> to vector<8x2048xf32>
    %add3A_322 = arith.addf %slice3A_319, %add3A_321 : vector<8x2048xf32>
    %lt3A_323 = arith.cmpf olt, %add3A_322, %select_n3A_315 : vector<8x2048xf32>
    %select_n3A_324 = arith.select %lt3A_323, %add3A_322, %select_n3A_315 : vector<8x2048xi1>, vector<8x2048xf32>
    %jit3A_325 = arith.constant 34 : i32
    %broadcast_in_dim3A_326 = vector.broadcast %jit3A_325 : i32 to vector<8x2048xi32>
    %select_n3A_327 = arith.select %lt3A_323, %broadcast_in_dim3A_326, %select_n3A_318 : vector<8x2048xi1>, vector<8x2048xi32>
    %slice3A_328 = vector.extract_strided_slice %dot_general3A_14 {offsets = [280, 0], sizes = [8, 2048], strides = [1, 1]} : vector<512x2048xf32> to vector<8x2048xf32>
    %slice3A_329 = vector.extract_strided_slice %get3A_13 {offsets = [280, 0], sizes = [8, 1], strides = [1, 1]} : vector<512x1xf32> to vector<8x1xf32>
    %add3A_330 = vector.broadcast %slice3A_329 : vector<8x1xf32> to vector<8x2048xf32>
    %add3A_331 = arith.addf %slice3A_328, %add3A_330 : vector<8x2048xf32>
    %lt3A_332 = arith.cmpf olt, %add3A_331, %select_n3A_324 : vector<8x2048xf32>
    %select_n3A_333 = arith.select %lt3A_332, %add3A_331, %select_n3A_324 : vector<8x2048xi1>, vector<8x2048xf32>
    %jit3A_334 = arith.constant 35 : i32
    %broadcast_in_dim3A_335 = vector.broadcast %jit3A_334 : i32 to vector<8x2048xi32>
    %select_n3A_336 = arith.select %lt3A_332, %broadcast_in_dim3A_335, %select_n3A_327 : vector<8x2048xi1>, vector<8x2048xi32>
    %slice3A_337 = vector.extract_strided_slice %dot_general3A_14 {offsets = [288, 0], sizes = [8, 2048], strides = [1, 1]} : vector<512x2048xf32> to vector<8x2048xf32>
    %slice3A_338 = vector.extract_strided_slice %get3A_13 {offsets = [288, 0], sizes = [8, 1], strides = [1, 1]} : vector<512x1xf32> to vector<8x1xf32>
    %add3A_339 = vector.broadcast %slice3A_338 : vector<8x1xf32> to vector<8x2048xf32>
    %add3A_340 = arith.addf %slice3A_337, %add3A_339 : vector<8x2048xf32>
    %lt3A_341 = arith.cmpf olt, %add3A_340, %select_n3A_333 : vector<8x2048xf32>
    %select_n3A_342 = arith.select %lt3A_341, %add3A_340, %select_n3A_333 : vector<8x2048xi1>, vector<8x2048xf32>
    %jit3A_343 = arith.constant 36 : i32
    %broadcast_in_dim3A_344 = vector.broadcast %jit3A_343 : i32 to vector<8x2048xi32>
    %select_n3A_345 = arith.select %lt3A_341, %broadcast_in_dim3A_344, %select_n3A_336 : vector<8x2048xi1>, vector<8x2048xi32>
    %slice3A_346 = vector.extract_strided_slice %dot_general3A_14 {offsets = [296, 0], sizes = [8, 2048], strides = [1, 1]} : vector<512x2048xf32> to vector<8x2048xf32>
    %slice3A_347 = vector.extract_strided_slice %get3A_13 {offsets = [296, 0], sizes = [8, 1], strides = [1, 1]} : vector<512x1xf32> to vector<8x1xf32>
    %add3A_348 = vector.broadcast %slice3A_347 : vector<8x1xf32> to vector<8x2048xf32>
    %add3A_349 = arith.addf %slice3A_346, %add3A_348 : vector<8x2048xf32>
    %lt3A_350 = arith.cmpf olt, %add3A_349, %select_n3A_342 : vector<8x2048xf32>
    %select_n3A_351 = arith.select %lt3A_350, %add3A_349, %select_n3A_342 : vector<8x2048xi1>, vector<8x2048xf32>
    %jit3A_352 = arith.constant 37 : i32
    %broadcast_in_dim3A_353 = vector.broadcast %jit3A_352 : i32 to vector<8x2048xi32>
    %select_n3A_354 = arith.select %lt3A_350, %broadcast_in_dim3A_353, %select_n3A_345 : vector<8x2048xi1>, vector<8x2048xi32>
    %slice3A_355 = vector.extract_strided_slice %dot_general3A_14 {offsets = [304, 0], sizes = [8, 2048], strides = [1, 1]} : vector<512x2048xf32> to vector<8x2048xf32>
    %slice3A_356 = vector.extract_strided_slice %get3A_13 {offsets = [304, 0], sizes = [8, 1], strides = [1, 1]} : vector<512x1xf32> to vector<8x1xf32>
    %add3A_357 = vector.broadcast %slice3A_356 : vector<8x1xf32> to vector<8x2048xf32>
    %add3A_358 = arith.addf %slice3A_355, %add3A_357 : vector<8x2048xf32>
    %lt3A_359 = arith.cmpf olt, %add3A_358, %select_n3A_351 : vector<8x2048xf32>
    %select_n3A_360 = arith.select %lt3A_359, %add3A_358, %select_n3A_351 : vector<8x2048xi1>, vector<8x2048xf32>
    %jit3A_361 = arith.constant 38 : i32
    %broadcast_in_dim3A_362 = vector.broadcast %jit3A_361 : i32 to vector<8x2048xi32>
    %select_n3A_363 = arith.select %lt3A_359, %broadcast_in_dim3A_362, %select_n3A_354 : vector<8x2048xi1>, vector<8x2048xi32>
    %slice3A_364 = vector.extract_strided_slice %dot_general3A_14 {offsets = [312, 0], sizes = [8, 2048], strides = [1, 1]} : vector<512x2048xf32> to vector<8x2048xf32>
    %slice3A_365 = vector.extract_strided_slice %get3A_13 {offsets = [312, 0], sizes = [8, 1], strides = [1, 1]} : vector<512x1xf32> to vector<8x1xf32>
    %add3A_366 = vector.broadcast %slice3A_365 : vector<8x1xf32> to vector<8x2048xf32>
    %add3A_367 = arith.addf %slice3A_364, %add3A_366 : vector<8x2048xf32>
    %lt3A_368 = arith.cmpf olt, %add3A_367, %select_n3A_360 : vector<8x2048xf32>
    %select_n3A_369 = arith.select %lt3A_368, %add3A_367, %select_n3A_360 : vector<8x2048xi1>, vector<8x2048xf32>
    %jit3A_370 = arith.constant 39 : i32
    %broadcast_in_dim3A_371 = vector.broadcast %jit3A_370 : i32 to vector<8x2048xi32>
    %select_n3A_372 = arith.select %lt3A_368, %broadcast_in_dim3A_371, %select_n3A_363 : vector<8x2048xi1>, vector<8x2048xi32>
    %slice3A_373 = vector.extract_strided_slice %dot_general3A_14 {offsets = [320, 0], sizes = [8, 2048], strides = [1, 1]} : vector<512x2048xf32> to vector<8x2048xf32>
    %slice3A_374 = vector.extract_strided_slice %get3A_13 {offsets = [320, 0], sizes = [8, 1], strides = [1, 1]} : vector<512x1xf32> to vector<8x1xf32>
    %add3A_375 = vector.broadcast %slice3A_374 : vector<8x1xf32> to vector<8x2048xf32>
    %add3A_376 = arith.addf %slice3A_373, %add3A_375 : vector<8x2048xf32>
    %lt3A_377 = arith.cmpf olt, %add3A_376, %select_n3A_369 : vector<8x2048xf32>
    %select_n3A_378 = arith.select %lt3A_377, %add3A_376, %select_n3A_369 : vector<8x2048xi1>, vector<8x2048xf32>
    %jit3A_379 = arith.constant 40 : i32
    %broadcast_in_dim3A_380 = vector.broadcast %jit3A_379 : i32 to vector<8x2048xi32>
    %select_n3A_381 = arith.select %lt3A_377, %broadcast_in_dim3A_380, %select_n3A_372 : vector<8x2048xi1>, vector<8x2048xi32>
    %slice3A_382 = vector.extract_strided_slice %dot_general3A_14 {offsets = [328, 0], sizes = [8, 2048], strides = [1, 1]} : vector<512x2048xf32> to vector<8x2048xf32>
    %slice3A_383 = vector.extract_strided_slice %get3A_13 {offsets = [328, 0], sizes = [8, 1], strides = [1, 1]} : vector<512x1xf32> to vector<8x1xf32>
    %add3A_384 = vector.broadcast %slice3A_383 : vector<8x1xf32> to vector<8x2048xf32>
    %add3A_385 = arith.addf %slice3A_382, %add3A_384 : vector<8x2048xf32>
    %lt3A_386 = arith.cmpf olt, %add3A_385, %select_n3A_378 : vector<8x2048xf32>
    %select_n3A_387 = arith.select %lt3A_386, %add3A_385, %select_n3A_378 : vector<8x2048xi1>, vector<8x2048xf32>
    %jit3A_388 = arith.constant 41 : i32
    %broadcast_in_dim3A_389 = vector.broadcast %jit3A_388 : i32 to vector<8x2048xi32>
    %select_n3A_390 = arith.select %lt3A_386, %broadcast_in_dim3A_389, %select_n3A_381 : vector<8x2048xi1>, vector<8x2048xi32>
    %slice3A_391 = vector.extract_strided_slice %dot_general3A_14 {offsets = [336, 0], sizes = [8, 2048], strides = [1, 1]} : vector<512x2048xf32> to vector<8x2048xf32>
    %slice3A_392 = vector.extract_strided_slice %get3A_13 {offsets = [336, 0], sizes = [8, 1], strides = [1, 1]} : vector<512x1xf32> to vector<8x1xf32>
    %add3A_393 = vector.broadcast %slice3A_392 : vector<8x1xf32> to vector<8x2048xf32>
    %add3A_394 = arith.addf %slice3A_391, %add3A_393 : vector<8x2048xf32>
    %lt3A_395 = arith.cmpf olt, %add3A_394, %select_n3A_387 : vector<8x2048xf32>
    %select_n3A_396 = arith.select %lt3A_395, %add3A_394, %select_n3A_387 : vector<8x2048xi1>, vector<8x2048xf32>
    %jit3A_397 = arith.constant 42 : i32
    %broadcast_in_dim3A_398 = vector.broadcast %jit3A_397 : i32 to vector<8x2048xi32>
    %select_n3A_399 = arith.select %lt3A_395, %broadcast_in_dim3A_398, %select_n3A_390 : vector<8x2048xi1>, vector<8x2048xi32>
    %slice3A_400 = vector.extract_strided_slice %dot_general3A_14 {offsets = [344, 0], sizes = [8, 2048], strides = [1, 1]} : vector<512x2048xf32> to vector<8x2048xf32>
    %slice3A_401 = vector.extract_strided_slice %get3A_13 {offsets = [344, 0], sizes = [8, 1], strides = [1, 1]} : vector<512x1xf32> to vector<8x1xf32>
    %add3A_402 = vector.broadcast %slice3A_401 : vector<8x1xf32> to vector<8x2048xf32>
    %add3A_403 = arith.addf %slice3A_400, %add3A_402 : vector<8x2048xf32>
    %lt3A_404 = arith.cmpf olt, %add3A_403, %select_n3A_396 : vector<8x2048xf32>
    %select_n3A_405 = arith.select %lt3A_404, %add3A_403, %select_n3A_396 : vector<8x2048xi1>, vector<8x2048xf32>
    %jit3A_406 = arith.constant 43 : i32
    %broadcast_in_dim3A_407 = vector.broadcast %jit3A_406 : i32 to vector<8x2048xi32>
    %select_n3A_408 = arith.select %lt3A_404, %broadcast_in_dim3A_407, %select_n3A_399 : vector<8x2048xi1>, vector<8x2048xi32>
    %slice3A_409 = vector.extract_strided_slice %dot_general3A_14 {offsets = [352, 0], sizes = [8, 2048], strides = [1, 1]} : vector<512x2048xf32> to vector<8x2048xf32>
    %slice3A_410 = vector.extract_strided_slice %get3A_13 {offsets = [352, 0], sizes = [8, 1], strides = [1, 1]} : vector<512x1xf32> to vector<8x1xf32>
    %add3A_411 = vector.broadcast %slice3A_410 : vector<8x1xf32> to vector<8x2048xf32>
    %add3A_412 = arith.addf %slice3A_409, %add3A_411 : vector<8x2048xf32>
    %lt3A_413 = arith.cmpf olt, %add3A_412, %select_n3A_405 : vector<8x2048xf32>
    %select_n3A_414 = arith.select %lt3A_413, %add3A_412, %select_n3A_405 : vector<8x2048xi1>, vector<8x2048xf32>
    %jit3A_415 = arith.constant 44 : i32
    %broadcast_in_dim3A_416 = vector.broadcast %jit3A_415 : i32 to vector<8x2048xi32>
    %select_n3A_417 = arith.select %lt3A_413, %broadcast_in_dim3A_416, %select_n3A_408 : vector<8x2048xi1>, vector<8x2048xi32>
    %slice3A_418 = vector.extract_strided_slice %dot_general3A_14 {offsets = [360, 0], sizes = [8, 2048], strides = [1, 1]} : vector<512x2048xf32> to vector<8x2048xf32>
    %slice3A_419 = vector.extract_strided_slice %get3A_13 {offsets = [360, 0], sizes = [8, 1], strides = [1, 1]} : vector<512x1xf32> to vector<8x1xf32>
    %add3A_420 = vector.broadcast %slice3A_419 : vector<8x1xf32> to vector<8x2048xf32>
    %add3A_421 = arith.addf %slice3A_418, %add3A_420 : vector<8x2048xf32>
    %lt3A_422 = arith.cmpf olt, %add3A_421, %select_n3A_414 : vector<8x2048xf32>
    %select_n3A_423 = arith.select %lt3A_422, %add3A_421, %select_n3A_414 : vector<8x2048xi1>, vector<8x2048xf32>
    %jit3A_424 = arith.constant 45 : i32
    %broadcast_in_dim3A_425 = vector.broadcast %jit3A_424 : i32 to vector<8x2048xi32>
    %select_n3A_426 = arith.select %lt3A_422, %broadcast_in_dim3A_425, %select_n3A_417 : vector<8x2048xi1>, vector<8x2048xi32>
    %slice3A_427 = vector.extract_strided_slice %dot_general3A_14 {offsets = [368, 0], sizes = [8, 2048], strides = [1, 1]} : vector<512x2048xf32> to vector<8x2048xf32>
    %slice3A_428 = vector.extract_strided_slice %get3A_13 {offsets = [368, 0], sizes = [8, 1], strides = [1, 1]} : vector<512x1xf32> to vector<8x1xf32>
    %add3A_429 = vector.broadcast %slice3A_428 : vector<8x1xf32> to vector<8x2048xf32>
    %add3A_430 = arith.addf %slice3A_427, %add3A_429 : vector<8x2048xf32>
    %lt3A_431 = arith.cmpf olt, %add3A_430, %select_n3A_423 : vector<8x2048xf32>
    %select_n3A_432 = arith.select %lt3A_431, %add3A_430, %select_n3A_423 : vector<8x2048xi1>, vector<8x2048xf32>
    %jit3A_433 = arith.constant 46 : i32
    %broadcast_in_dim3A_434 = vector.broadcast %jit3A_433 : i32 to vector<8x2048xi32>
    %select_n3A_435 = arith.select %lt3A_431, %broadcast_in_dim3A_434, %select_n3A_426 : vector<8x2048xi1>, vector<8x2048xi32>
    %slice3A_436 = vector.extract_strided_slice %dot_general3A_14 {offsets = [376, 0], sizes = [8, 2048], strides = [1, 1]} : vector<512x2048xf32> to vector<8x2048xf32>
    %slice3A_437 = vector.extract_strided_slice %get3A_13 {offsets = [376, 0], sizes = [8, 1], strides = [1, 1]} : vector<512x1xf32> to vector<8x1xf32>
    %add3A_438 = vector.broadcast %slice3A_437 : vector<8x1xf32> to vector<8x2048xf32>
    %add3A_439 = arith.addf %slice3A_436, %add3A_438 : vector<8x2048xf32>
    %lt3A_440 = arith.cmpf olt, %add3A_439, %select_n3A_432 : vector<8x2048xf32>
    %select_n3A_441 = arith.select %lt3A_440, %add3A_439, %select_n3A_432 : vector<8x2048xi1>, vector<8x2048xf32>
    %jit3A_442 = arith.constant 47 : i32
    %broadcast_in_dim3A_443 = vector.broadcast %jit3A_442 : i32 to vector<8x2048xi32>
    %select_n3A_444 = arith.select %lt3A_440, %broadcast_in_dim3A_443, %select_n3A_435 : vector<8x2048xi1>, vector<8x2048xi32>
    %slice3A_445 = vector.extract_strided_slice %dot_general3A_14 {offsets = [384, 0], sizes = [8, 2048], strides = [1, 1]} : vector<512x2048xf32> to vector<8x2048xf32>
    %slice3A_446 = vector.extract_strided_slice %get3A_13 {offsets = [384, 0], sizes = [8, 1], strides = [1, 1]} : vector<512x1xf32> to vector<8x1xf32>
    %add3A_447 = vector.broadcast %slice3A_446 : vector<8x1xf32> to vector<8x2048xf32>
    %add3A_448 = arith.addf %slice3A_445, %add3A_447 : vector<8x2048xf32>
    %lt3A_449 = arith.cmpf olt, %add3A_448, %select_n3A_441 : vector<8x2048xf32>
    %select_n3A_450 = arith.select %lt3A_449, %add3A_448, %select_n3A_441 : vector<8x2048xi1>, vector<8x2048xf32>
    %jit3A_451 = arith.constant 48 : i32
    %broadcast_in_dim3A_452 = vector.broadcast %jit3A_451 : i32 to vector<8x2048xi32>
    %select_n3A_453 = arith.select %lt3A_449, %broadcast_in_dim3A_452, %select_n3A_444 : vector<8x2048xi1>, vector<8x2048xi32>
    %slice3A_454 = vector.extract_strided_slice %dot_general3A_14 {offsets = [392, 0], sizes = [8, 2048], strides = [1, 1]} : vector<512x2048xf32> to vector<8x2048xf32>
    %slice3A_455 = vector.extract_strided_slice %get3A_13 {offsets = [392, 0], sizes = [8, 1], strides = [1, 1]} : vector<512x1xf32> to vector<8x1xf32>
    %add3A_456 = vector.broadcast %slice3A_455 : vector<8x1xf32> to vector<8x2048xf32>
    %add3A_457 = arith.addf %slice3A_454, %add3A_456 : vector<8x2048xf32>
    %lt3A_458 = arith.cmpf olt, %add3A_457, %select_n3A_450 : vector<8x2048xf32>
    %select_n3A_459 = arith.select %lt3A_458, %add3A_457, %select_n3A_450 : vector<8x2048xi1>, vector<8x2048xf32>
    %jit3A_460 = arith.constant 49 : i32
    %broadcast_in_dim3A_461 = vector.broadcast %jit3A_460 : i32 to vector<8x2048xi32>
    %select_n3A_462 = arith.select %lt3A_458, %broadcast_in_dim3A_461, %select_n3A_453 : vector<8x2048xi1>, vector<8x2048xi32>
    %slice3A_463 = vector.extract_strided_slice %dot_general3A_14 {offsets = [400, 0], sizes = [8, 2048], strides = [1, 1]} : vector<512x2048xf32> to vector<8x2048xf32>
    %slice3A_464 = vector.extract_strided_slice %get3A_13 {offsets = [400, 0], sizes = [8, 1], strides = [1, 1]} : vector<512x1xf32> to vector<8x1xf32>
    %add3A_465 = vector.broadcast %slice3A_464 : vector<8x1xf32> to vector<8x2048xf32>
    %add3A_466 = arith.addf %slice3A_463, %add3A_465 : vector<8x2048xf32>
    %lt3A_467 = arith.cmpf olt, %add3A_466, %select_n3A_459 : vector<8x2048xf32>
    %select_n3A_468 = arith.select %lt3A_467, %add3A_466, %select_n3A_459 : vector<8x2048xi1>, vector<8x2048xf32>
    %jit3A_469 = arith.constant 50 : i32
    %broadcast_in_dim3A_470 = vector.broadcast %jit3A_469 : i32 to vector<8x2048xi32>
    %select_n3A_471 = arith.select %lt3A_467, %broadcast_in_dim3A_470, %select_n3A_462 : vector<8x2048xi1>, vector<8x2048xi32>
    %slice3A_472 = vector.extract_strided_slice %dot_general3A_14 {offsets = [408, 0], sizes = [8, 2048], strides = [1, 1]} : vector<512x2048xf32> to vector<8x2048xf32>
    %slice3A_473 = vector.extract_strided_slice %get3A_13 {offsets = [408, 0], sizes = [8, 1], strides = [1, 1]} : vector<512x1xf32> to vector<8x1xf32>
    %add3A_474 = vector.broadcast %slice3A_473 : vector<8x1xf32> to vector<8x2048xf32>
    %add3A_475 = arith.addf %slice3A_472, %add3A_474 : vector<8x2048xf32>
    %lt3A_476 = arith.cmpf olt, %add3A_475, %select_n3A_468 : vector<8x2048xf32>
    %select_n3A_477 = arith.select %lt3A_476, %add3A_475, %select_n3A_468 : vector<8x2048xi1>, vector<8x2048xf32>
    %jit3A_478 = arith.constant 51 : i32
    %broadcast_in_dim3A_479 = vector.broadcast %jit3A_478 : i32 to vector<8x2048xi32>
    %select_n3A_480 = arith.select %lt3A_476, %broadcast_in_dim3A_479, %select_n3A_471 : vector<8x2048xi1>, vector<8x2048xi32>
    %slice3A_481 = vector.extract_strided_slice %dot_general3A_14 {offsets = [416, 0], sizes = [8, 2048], strides = [1, 1]} : vector<512x2048xf32> to vector<8x2048xf32>
    %slice3A_482 = vector.extract_strided_slice %get3A_13 {offsets = [416, 0], sizes = [8, 1], strides = [1, 1]} : vector<512x1xf32> to vector<8x1xf32>
    %add3A_483 = vector.broadcast %slice3A_482 : vector<8x1xf32> to vector<8x2048xf32>
    %add3A_484 = arith.addf %slice3A_481, %add3A_483 : vector<8x2048xf32>
    %lt3A_485 = arith.cmpf olt, %add3A_484, %select_n3A_477 : vector<8x2048xf32>
    %select_n3A_486 = arith.select %lt3A_485, %add3A_484, %select_n3A_477 : vector<8x2048xi1>, vector<8x2048xf32>
    %jit3A_487 = arith.constant 52 : i32
    %broadcast_in_dim3A_488 = vector.broadcast %jit3A_487 : i32 to vector<8x2048xi32>
    %select_n3A_489 = arith.select %lt3A_485, %broadcast_in_dim3A_488, %select_n3A_480 : vector<8x2048xi1>, vector<8x2048xi32>
    %slice3A_490 = vector.extract_strided_slice %dot_general3A_14 {offsets = [424, 0], sizes = [8, 2048], strides = [1, 1]} : vector<512x2048xf32> to vector<8x2048xf32>
    %slice3A_491 = vector.extract_strided_slice %get3A_13 {offsets = [424, 0], sizes = [8, 1], strides = [1, 1]} : vector<512x1xf32> to vector<8x1xf32>
    %add3A_492 = vector.broadcast %slice3A_491 : vector<8x1xf32> to vector<8x2048xf32>
    %add3A_493 = arith.addf %slice3A_490, %add3A_492 : vector<8x2048xf32>
    %lt3A_494 = arith.cmpf olt, %add3A_493, %select_n3A_486 : vector<8x2048xf32>
    %select_n3A_495 = arith.select %lt3A_494, %add3A_493, %select_n3A_486 : vector<8x2048xi1>, vector<8x2048xf32>
    %jit3A_496 = arith.constant 53 : i32
    %broadcast_in_dim3A_497 = vector.broadcast %jit3A_496 : i32 to vector<8x2048xi32>
    %select_n3A_498 = arith.select %lt3A_494, %broadcast_in_dim3A_497, %select_n3A_489 : vector<8x2048xi1>, vector<8x2048xi32>
    %slice3A_499 = vector.extract_strided_slice %dot_general3A_14 {offsets = [432, 0], sizes = [8, 2048], strides = [1, 1]} : vector<512x2048xf32> to vector<8x2048xf32>
    %slice3A_500 = vector.extract_strided_slice %get3A_13 {offsets = [432, 0], sizes = [8, 1], strides = [1, 1]} : vector<512x1xf32> to vector<8x1xf32>
    %add3A_501 = vector.broadcast %slice3A_500 : vector<8x1xf32> to vector<8x2048xf32>
    %add3A_502 = arith.addf %slice3A_499, %add3A_501 : vector<8x2048xf32>
    %lt3A_503 = arith.cmpf olt, %add3A_502, %select_n3A_495 : vector<8x2048xf32>
    %select_n3A_504 = arith.select %lt3A_503, %add3A_502, %select_n3A_495 : vector<8x2048xi1>, vector<8x2048xf32>
    %jit3A_505 = arith.constant 54 : i32
    %broadcast_in_dim3A_506 = vector.broadcast %jit3A_505 : i32 to vector<8x2048xi32>
    %select_n3A_507 = arith.select %lt3A_503, %broadcast_in_dim3A_506, %select_n3A_498 : vector<8x2048xi1>, vector<8x2048xi32>
    %slice3A_508 = vector.extract_strided_slice %dot_general3A_14 {offsets = [440, 0], sizes = [8, 2048], strides = [1, 1]} : vector<512x2048xf32> to vector<8x2048xf32>
    %slice3A_509 = vector.extract_strided_slice %get3A_13 {offsets = [440, 0], sizes = [8, 1], strides = [1, 1]} : vector<512x1xf32> to vector<8x1xf32>
    %add3A_510 = vector.broadcast %slice3A_509 : vector<8x1xf32> to vector<8x2048xf32>
    %add3A_511 = arith.addf %slice3A_508, %add3A_510 : vector<8x2048xf32>
    %lt3A_512 = arith.cmpf olt, %add3A_511, %select_n3A_504 : vector<8x2048xf32>
    %select_n3A_513 = arith.select %lt3A_512, %add3A_511, %select_n3A_504 : vector<8x2048xi1>, vector<8x2048xf32>
    %jit3A_514 = arith.constant 55 : i32
    %broadcast_in_dim3A_515 = vector.broadcast %jit3A_514 : i32 to vector<8x2048xi32>
    %select_n3A_516 = arith.select %lt3A_512, %broadcast_in_dim3A_515, %select_n3A_507 : vector<8x2048xi1>, vector<8x2048xi32>
    %slice3A_517 = vector.extract_strided_slice %dot_general3A_14 {offsets = [448, 0], sizes = [8, 2048], strides = [1, 1]} : vector<512x2048xf32> to vector<8x2048xf32>
    %slice3A_518 = vector.extract_strided_slice %get3A_13 {offsets = [448, 0], sizes = [8, 1], strides = [1, 1]} : vector<512x1xf32> to vector<8x1xf32>
    %add3A_519 = vector.broadcast %slice3A_518 : vector<8x1xf32> to vector<8x2048xf32>
    %add3A_520 = arith.addf %slice3A_517, %add3A_519 : vector<8x2048xf32>
    %lt3A_521 = arith.cmpf olt, %add3A_520, %select_n3A_513 : vector<8x2048xf32>
    %select_n3A_522 = arith.select %lt3A_521, %add3A_520, %select_n3A_513 : vector<8x2048xi1>, vector<8x2048xf32>
    %jit3A_523 = arith.constant 56 : i32
    %broadcast_in_dim3A_524 = vector.broadcast %jit3A_523 : i32 to vector<8x2048xi32>
    %select_n3A_525 = arith.select %lt3A_521, %broadcast_in_dim3A_524, %select_n3A_516 : vector<8x2048xi1>, vector<8x2048xi32>
    %slice3A_526 = vector.extract_strided_slice %dot_general3A_14 {offsets = [456, 0], sizes = [8, 2048], strides = [1, 1]} : vector<512x2048xf32> to vector<8x2048xf32>
    %slice3A_527 = vector.extract_strided_slice %get3A_13 {offsets = [456, 0], sizes = [8, 1], strides = [1, 1]} : vector<512x1xf32> to vector<8x1xf32>
    %add3A_528 = vector.broadcast %slice3A_527 : vector<8x1xf32> to vector<8x2048xf32>
    %add3A_529 = arith.addf %slice3A_526, %add3A_528 : vector<8x2048xf32>
    %lt3A_530 = arith.cmpf olt, %add3A_529, %select_n3A_522 : vector<8x2048xf32>
    %select_n3A_531 = arith.select %lt3A_530, %add3A_529, %select_n3A_522 : vector<8x2048xi1>, vector<8x2048xf32>
    %jit3A_532 = arith.constant 57 : i32
    %broadcast_in_dim3A_533 = vector.broadcast %jit3A_532 : i32 to vector<8x2048xi32>
    %select_n3A_534 = arith.select %lt3A_530, %broadcast_in_dim3A_533, %select_n3A_525 : vector<8x2048xi1>, vector<8x2048xi32>
    %slice3A_535 = vector.extract_strided_slice %dot_general3A_14 {offsets = [464, 0], sizes = [8, 2048], strides = [1, 1]} : vector<512x2048xf32> to vector<8x2048xf32>
    %slice3A_536 = vector.extract_strided_slice %get3A_13 {offsets = [464, 0], sizes = [8, 1], strides = [1, 1]} : vector<512x1xf32> to vector<8x1xf32>
    %add3A_537 = vector.broadcast %slice3A_536 : vector<8x1xf32> to vector<8x2048xf32>
    %add3A_538 = arith.addf %slice3A_535, %add3A_537 : vector<8x2048xf32>
    %lt3A_539 = arith.cmpf olt, %add3A_538, %select_n3A_531 : vector<8x2048xf32>
    %select_n3A_540 = arith.select %lt3A_539, %add3A_538, %select_n3A_531 : vector<8x2048xi1>, vector<8x2048xf32>
    %jit3A_541 = arith.constant 58 : i32
    %broadcast_in_dim3A_542 = vector.broadcast %jit3A_541 : i32 to vector<8x2048xi32>
    %select_n3A_543 = arith.select %lt3A_539, %broadcast_in_dim3A_542, %select_n3A_534 : vector<8x2048xi1>, vector<8x2048xi32>
    %slice3A_544 = vector.extract_strided_slice %dot_general3A_14 {offsets = [472, 0], sizes = [8, 2048], strides = [1, 1]} : vector<512x2048xf32> to vector<8x2048xf32>
    %slice3A_545 = vector.extract_strided_slice %get3A_13 {offsets = [472, 0], sizes = [8, 1], strides = [1, 1]} : vector<512x1xf32> to vector<8x1xf32>
    %add3A_546 = vector.broadcast %slice3A_545 : vector<8x1xf32> to vector<8x2048xf32>
    %add3A_547 = arith.addf %slice3A_544, %add3A_546 : vector<8x2048xf32>
    %lt3A_548 = arith.cmpf olt, %add3A_547, %select_n3A_540 : vector<8x2048xf32>
    %select_n3A_549 = arith.select %lt3A_548, %add3A_547, %select_n3A_540 : vector<8x2048xi1>, vector<8x2048xf32>
    %jit3A_550 = arith.constant 59 : i32
    %broadcast_in_dim3A_551 = vector.broadcast %jit3A_550 : i32 to vector<8x2048xi32>
    %select_n3A_552 = arith.select %lt3A_548, %broadcast_in_dim3A_551, %select_n3A_543 : vector<8x2048xi1>, vector<8x2048xi32>
    %slice3A_553 = vector.extract_strided_slice %dot_general3A_14 {offsets = [480, 0], sizes = [8, 2048], strides = [1, 1]} : vector<512x2048xf32> to vector<8x2048xf32>
    %slice3A_554 = vector.extract_strided_slice %get3A_13 {offsets = [480, 0], sizes = [8, 1], strides = [1, 1]} : vector<512x1xf32> to vector<8x1xf32>
    %add3A_555 = vector.broadcast %slice3A_554 : vector<8x1xf32> to vector<8x2048xf32>
    %add3A_556 = arith.addf %slice3A_553, %add3A_555 : vector<8x2048xf32>
    %lt3A_557 = arith.cmpf olt, %add3A_556, %select_n3A_549 : vector<8x2048xf32>
    %select_n3A_558 = arith.select %lt3A_557, %add3A_556, %select_n3A_549 : vector<8x2048xi1>, vector<8x2048xf32>
    %jit3A_559 = arith.constant 60 : i32
    %broadcast_in_dim3A_560 = vector.broadcast %jit3A_559 : i32 to vector<8x2048xi32>
    %select_n3A_561 = arith.select %lt3A_557, %broadcast_in_dim3A_560, %select_n3A_552 : vector<8x2048xi1>, vector<8x2048xi32>
    %slice3A_562 = vector.extract_strided_slice %dot_general3A_14 {offsets = [488, 0], sizes = [8, 2048], strides = [1, 1]} : vector<512x2048xf32> to vector<8x2048xf32>
    %slice3A_563 = vector.extract_strided_slice %get3A_13 {offsets = [488, 0], sizes = [8, 1], strides = [1, 1]} : vector<512x1xf32> to vector<8x1xf32>
    %add3A_564 = vector.broadcast %slice3A_563 : vector<8x1xf32> to vector<8x2048xf32>
    %add3A_565 = arith.addf %slice3A_562, %add3A_564 : vector<8x2048xf32>
    %lt3A_566 = arith.cmpf olt, %add3A_565, %select_n3A_558 : vector<8x2048xf32>
    %select_n3A_567 = arith.select %lt3A_566, %add3A_565, %select_n3A_558 : vector<8x2048xi1>, vector<8x2048xf32>
    %jit3A_568 = arith.constant 61 : i32
    %broadcast_in_dim3A_569 = vector.broadcast %jit3A_568 : i32 to vector<8x2048xi32>
    %select_n3A_570 = arith.select %lt3A_566, %broadcast_in_dim3A_569, %select_n3A_561 : vector<8x2048xi1>, vector<8x2048xi32>
    %slice3A_571 = vector.extract_strided_slice %dot_general3A_14 {offsets = [496, 0], sizes = [8, 2048], strides = [1, 1]} : vector<512x2048xf32> to vector<8x2048xf32>
    %slice3A_572 = vector.extract_strided_slice %get3A_13 {offsets = [496, 0], sizes = [8, 1], strides = [1, 1]} : vector<512x1xf32> to vector<8x1xf32>
    %add3A_573 = vector.broadcast %slice3A_572 : vector<8x1xf32> to vector<8x2048xf32>
    %add3A_574 = arith.addf %slice3A_571, %add3A_573 : vector<8x2048xf32>
    %lt3A_575 = arith.cmpf olt, %add3A_574, %select_n3A_567 : vector<8x2048xf32>
    %select_n3A_576 = arith.select %lt3A_575, %add3A_574, %select_n3A_567 : vector<8x2048xi1>, vector<8x2048xf32>
    %jit3A_577 = arith.constant 62 : i32
    %broadcast_in_dim3A_578 = vector.broadcast %jit3A_577 : i32 to vector<8x2048xi32>
    %select_n3A_579 = arith.select %lt3A_575, %broadcast_in_dim3A_578, %select_n3A_570 : vector<8x2048xi1>, vector<8x2048xi32>
    %slice3A_580 = vector.extract_strided_slice %dot_general3A_14 {offsets = [504, 0], sizes = [8, 2048], strides = [1, 1]} : vector<512x2048xf32> to vector<8x2048xf32>
    %slice3A_581 = vector.extract_strided_slice %get3A_13 {offsets = [504, 0], sizes = [8, 1], strides = [1, 1]} : vector<512x1xf32> to vector<8x1xf32>
    %add3A_582 = vector.broadcast %slice3A_581 : vector<8x1xf32> to vector<8x2048xf32>
    %add3A_583 = arith.addf %slice3A_580, %add3A_582 : vector<8x2048xf32>
    %lt3A_584 = arith.cmpf olt, %add3A_583, %select_n3A_576 : vector<8x2048xf32>
    %select_n3A_585 = arith.select %lt3A_584, %add3A_583, %select_n3A_576 : vector<8x2048xi1>, vector<8x2048xf32>
    %jit3A_586 = arith.constant 63 : i32
    %broadcast_in_dim3A_587 = vector.broadcast %jit3A_586 : i32 to vector<8x2048xi32>
    %select_n3A_588 = arith.select %lt3A_584, %broadcast_in_dim3A_587, %select_n3A_579 : vector<8x2048xi1>, vector<8x2048xi32>
    %iota3A = tpu.iota {dimensions = array<i32: 0>} : vector<8x2048xi32>
    %mul3A = arith.constant 8 : i32
    %mul3A_589 = vector.broadcast %mul3A : i32 to vector<8x2048xi32>
    %mul3A_590 = arith.muli %select_n3A_588, %mul3A_589 : vector<8x2048xi32>
    %add3A_591 = arith.addi %mul3A_590, %iota3A : vector<8x2048xi32>
    %reduce_min3A = arith.constant dense<0x7F800000> : vector<2048xf32>
    %reduce_min3A_592 = vector.multi_reduction <minimumf>, %select_n3A_585, %reduce_min3A [0] : vector<8x2048xf32> to vector<2048xf32>
    %broadcast_in_dim3A_593 = vector.shape_cast %reduce_min3A_592 : vector<2048xf32> to vector<1x2048xf32>
    %eq3A = vector.broadcast %broadcast_in_dim3A_593 : vector<1x2048xf32> to vector<8x2048xf32>
    %eq3A_594 = arith.cmpf oeq, %select_n3A_585, %eq3A : vector<8x2048xf32>
    %jit3A_595 = arith.constant 512 : i32
    %broadcast_in_dim3A_596 = vector.broadcast %jit3A_595 : i32 to vector<8x2048xi32>
    %select_n3A_597 = arith.select %eq3A_594, %add3A_591, %broadcast_in_dim3A_596 : vector<8x2048xi1>, vector<8x2048xi32>
    %reduce_min3A_598 = arith.constant dense<2147483647> : vector<2048xi32>
    %reduce_min3A_599 = vector.multi_reduction <minsi>, %select_n3A_597, %reduce_min3A_598 [0] : vector<8x2048xi32> to vector<2048xi32>
    %add3A_600 = arith.constant 4 : i32
    %add3A_601 = arith.addi %arg0, %add3A_600 : i32
    %mul3A_602 = arith.constant 512 : i32
    %mul3A_603 = arith.muli %add3A_601, %mul3A_602 : i32
    %add3A_604 = vector.broadcast %mul3A_603 : i32 to vector<2048xi32>
    %add3A_605 = arith.addi %reduce_min3A_599, %add3A_604 : vector<2048xi32>
    %swap3A = arith.constant 0 : index
    %swap3A_606 = vector.load %arg5[%swap3A] : memref<2048xi32, #tpu.memory_space<vmem>>, vector<2048xi32>
    tpu.vector_store %arg5[%swap3A], %add3A_605 {strides = array<i32>} : memref<2048xi32, #tpu.memory_space<vmem>>, vector<2048xi32>,
    %reduce_sum3A = vector.shape_cast %broadcast_in_dim3A_593 : vector<1x2048xf32> to vector<1x1x2048xf32>
    %reduce_sum3A_607 = arith.constant dense<0.000000e+00> : vector<1xf32>
    %reduce_sum3A_608 = vector.multi_reduction <add>, %reduce_sum3A, %reduce_sum3A_607 [1, 2] : vector<1x1x2048xf32> to vector<1xf32>
    %reduce_sum3A_609 = vector.shape_cast %reduce_sum3A_608 : vector<1xf32> to vector<1x1x1xf32>
    %reduce_sum3A_610 = vector.extract %reduce_sum3A_609[0, 0, 0] : f32 from vector<1x1x1xf32>
    %mul3A_611 = arith.mulf %get3A_3, %get3A_3 : vector<32x2048xf32>
    %reduce_sum3A_612 = vector.shape_cast %mul3A_611 : vector<32x2048xf32> to vector<1x32x2048xf32>
    %reduce_sum3A_613 = arith.constant dense<0.000000e+00> : vector<1xf32>
    %reduce_sum3A_614 = vector.multi_reduction <add>, %reduce_sum3A_612, %reduce_sum3A_613 [1, 2] : vector<1x32x2048xf32> to vector<1xf32>
    %reduce_sum3A_615 = vector.shape_cast %reduce_sum3A_614 : vector<1xf32> to vector<1x1x1xf32>
    %reduce_sum3A_616 = vector.extract %reduce_sum3A_615[0, 0, 0] : f32 from vector<1x1x1xf32>
    %add3A_617 = arith.addf %reduce_sum3A_610, %reduce_sum3A_616 : f32
    %swap3A_618 = arith.index_cast %arg0 : i32 to index
    %swap3A_619 = arith.index_cast %arg1 : i32 to index
    %swap3A_620 = memref.load %arg6[%swap3A_618, %swap3A_619] : memref<4x8xf32, #tpu.memory_space<smem>>
    memref.store %add3A_617, %arg6[%swap3A_618, %swap3A_619] : memref<4x8xf32, #tpu.memory_space<smem>>
    return
  }
  func.func @transform_0(%arg0: i32, %arg1: i32) -> (i32, i32, i32) {
    %c0_i32 = arith.constant 0 : i32
    %c0_i32_0 = arith.constant 0 : i32
    return %arg0, %c0_i32, %arg1 : i32, i32, i32
  }
  func.func @transform_1(%arg0: i32, %arg1: i32) -> (i32, i32, i32) {
    %c0_i32 = arith.constant 0 : i32
    %c0_i32_0 = arith.constant 0 : i32
    %c0_i32_1 = arith.constant 0 : i32
    return %arg0, %c0_i32, %c0_i32_0 : i32, i32, i32
  }
  func.func @transform_2(%arg0: i32, %arg1: i32) -> (i32, i32, i32) {
    %c0_i32 = arith.constant 0 : i32
    %c0_i32_0 = arith.constant 0 : i32
    %c0_i32_1 = arith.constant 0 : i32
    return %arg0, %c0_i32, %c0_i32_0 : i32, i32, i32
  }
  func.func @transform_3(%arg0: i32, %arg1: i32) -> i32 {
    %mul3A = arith.constant 8 : i32
    %mul3A_0 = arith.muli %arg0, %mul3A : i32
    %add3A = arith.addi %mul3A_0, %arg1 : i32
    %c0_i32 = arith.constant 0 : i32
    return %add3A : i32
  }
  func.func @transform_4(%arg0: i32, %arg1: i32) -> (i32, i32) {
    %c0_i32 = arith.constant 0 : i32
    %c0_i32_0 = arith.constant 0 : i32
    %c0_i32_1 = arith.constant 0 : i32
    return %c0_i32, %c0_i32_0 : i32, i32
  }
}

</mosaic_0001>

<sc_bundles>
// kernel: kernel.6.cloned.1.call-start
scs
__scs_entry_jumppad:
0x0: {  	(pc) =	sbr.rel $0x88, $3  }
0x1: {  	(tag) =	ssettag $0x0;
	lr =	simm.s32 $0x1  }
0x2: {  	[smem:$0x3F9F] =	sst lr;
	_ =	strace $0xD0000000  }
0x3: {  	_ = 	snop  }
0x4: {  	_ = 	snop  }
0x5: {  	_ = 	snop  }
0x6: {  	_ = 	snop  }
0x7: {  	_ = 	snop  }
__scs_overlays_trampoline_lowered:
0x8: {  	[smem:$0x3FAE] =	sst s0  }
0x9: {  	[smem:$0x3FAF] =	sst s1  }
0xa: {  	[smem:$0x3FB0] =	sst s2  }
0xb: {  	[smem:$0x3FB1] =	sst s3  }
0xc: {  	[smem:$0x3FB2] =	sst s4  }
0xd: {  	[smem:$0x3FB3] =	sst s5  }
0xe: {  	[smem:$0x3FB4] =	sst s6  }
0xf: {  	[smem:$0x3FB5] =	sst s7  }
0x10: {  	[smem:$0x3FB6] =	sst s8  }
0x11: {  	[smem:$0x3FB7] =	sst s9;
	s0 =	simm.s32 @!p0 $0x0  }
0x12: {  	s1 =	sld [smem:$0x3F9D];
	s0 =	simm.s32 @p0 $0x1  }
0x13: {  	[smem:$0x3FB8] =	sst s0;
	s0 =	simm.s32 @!p1 $0x0  }
0x14: {  	s2 =	sld [smem:$0x3F9C];
	s0 =	simm.s32 @p1 $0x1  }
0x15: {  	[smem:$0x3FB9] =	sst s0;
	s0 =	simm.s32 @!p2 $0x0  }
0x16: {  	s3 =	sld [smem:$0x3FDB];
	s0 =	simm.s32 @p2 $0x1  }
0x17: {  	s4 =	simm.s32 $0x1BF5;
	[smem:$0x3FBB] =	sst s0  }
0x18: {  	s0 =	sld [smem:$0x3F9E];
	_ =	swait.ge [sflag:s4], $0x0  }
0x19: {  	s7 =	sld [smem:$0x3F9F]  }
0x1a: {  	s8 =	sadd.s32 $0xFFFFE003, lr  }
0x1b: {  	s9 =	sadd.s32 $0xFFFFFEF7, lr;
	s5 =	simm.s32 $0xFFFFFFFF;
	p2 =	slt.u32 s8, $0xFFFFF086  }
0x1c: {  	p1 =	slt.u32 s9, $0xF7A;
	s5 =	simm.s32 @!p2 $0x0  }
0x1d: {  	s5 =	simm.s32 @p1 $0x1;
	p0 =	seq.s32 s7, s2  }
0x1e: {  	s7 =	smul.u32 @!p0 $0xF7A, s2;
	p2 =	seq.s32 @!p0 s5, $0x0  }
0x1f: {  	s9 =	smul.u32 $0xF7A, s1;
	s8 =	simm.s32 @!p0 $0x1BF5;
	p2 =	por !p2, p0  }
0x20: {  	[sflag:s8] =	ssyncset.s32 @!p0 $0xFFFFF086;
	s6 =	sadd.s32 @!p0 s3, s7;
	s7 =	simm.s32 @!p0 $0x108  }
0x21: {  	s3 =	sadd.s32 s3, s9;
	s6 =	sadd.s32 @!p0 $0x88, s6;
	s7 =	simm.s32 @p2 $0x1082  }
0x22: {  	[simem:s7], [sflag:s8] =	dma.local @!p0 [hbm:s6], $0xF7A  }
0x23: {  	s9 =	sor.u32 $0xD0000000, s2;
	s6 =	simm.s32 $0x108;
	_ =	swait.ge @!p0 [sflag:s8], $0x0  }
0x24: {  	s3 =	sadd.s32 $0x88, s3;
	s6 =	simm.s32 @!p1 $0x1082;
	[sflag:s4] =	ssyncset.s32 $0xFFFFF086  }
0x25: {  	[simem:s6], [sflag:s4] =	dma.local [hbm:s3], $0xF7A  }
0x26: {  	[smem:$0x3F9F] =	sst s1;
	(tag) =	ssettag s2;
	_ =	strace s9  }
0x27: {  	s1 =	sld [smem:$0x3FAF]  }
0x28: {  	s2 =	sld [smem:$0x3FB0]  }
0x29: {  	s4 =	sld [smem:$0x3FB2]  }
0x2a: {  	p0 =	seq.s32 s5, $0x0;
	s5 =	sld [smem:$0x3FB3]  }
0x2b: {  	s6 =	sld [smem:$0x3FB4]  }
0x2c: {  	s7 =	sld [smem:$0x3FB5]  }
0x2d: {  	s3 =	simm.s32 $0x108;
	s8 =	sld [smem:$0x3FB6]  }
0x2e: {  	s3 =	simm.s32 @!p0 $0x1082;
	s9 =	sld [smem:$0x3FB7]  }
0x2f: {  	lr =	sadd.s32 s0, s3;
	s0 =	sld [smem:$0x3FAE]  }
0x30: {  	s3 =	sld [smem:$0x3FB1]  }
0x31: {  	[smem:$0x3FBA] =	sst s10  }
0x32: {  	s10 =	sld [smem:$0x3FB8];
	_ =	sdelay $0x3  }
0x33: {  	p0 =	seq.s32 s10, $0x1;
	s10 =	sld [smem:$0x3FBA];
	_ =	sdelay $0x3  }
0x34: {  	[smem:$0x3FBA] =	sst s10  }
0x35: {  	s10 =	sld [smem:$0x3FB9];
	_ =	sdelay $0x3  }
0x36: {  	p1 =	seq.s32 s10, $0x1;
	s10 =	sld [smem:$0x3FBA];
	_ =	sdelay $0x3  }
0x37: {  	[smem:$0x3FBA] =	sst s10  }
0x38: {  	s10 =	sld [smem:$0x3FBB]  }
0x39: {  	_ = 	snop;
	(pc) =	sbr.ind lr, $3  }
0x3a: {  	_ = 	snop  }
0x3b: {  	_ = 	snop  }
0x3c: {  	p2 =	seq.s32 s10, $0x1;
	s10 =	sld [smem:$0x3FBA]  }
0x3d: {  	_ =	shalt  }
0x3e: {  	_ =	shalt  }
0x3f: {  	_ =	shalt  }
0x40: {  	_ =	shalt  }
0x41: {  	_ =	shalt  }
0x42: {  	_ =	shalt  }
0x43: {  	_ =	shalt  }
0x44: {  	_ =	shalt  }
0x45: {  	_ =	shalt  }
0x46: {  	_ =	shalt  }
0x47: {  	_ =	shalt  }
0x48: {  	_ =	shalt  }
0x49: {  	_ =	shalt  }
0x4a: {  	_ =	shalt  }
0x4b: {  	_ =	shalt  }
0x4c: {  	_ =	shalt  }
0x4d: {  	_ =	shalt  }
0x4e: {  	_ =	shalt  }
0x4f: {  	_ =	shalt  }
0x50: {  	_ =	shalt  }
0x51: {  	_ =	shalt  }
0x52: {  	_ =	shalt  }
0x53: {  	_ =	shalt  }
0x54: {  	_ =	shalt  }
0x55: {  	_ =	shalt  }
0x56: {  	_ =	shalt  }
0x57: {  	_ =	shalt  }
0x58: {  	_ =	shalt  }
0x59: {  	_ =	shalt  }
0x5a: {  	_ =	shalt  }
0x5b: {  	_ =	shalt  }
0x5c: {  	_ =	shalt  }
0x5d: {  	_ =	shalt  }
0x5e: {  	_ =	shalt  }
0x5f: {  	_ =	shalt  }
0x60: {  	_ =	shalt  }
0x61: {  	_ =	shalt  }
0x62: {  	_ =	shalt  }
0x63: {  	_ =	shalt  }
0x64: {  	_ =	shalt  }
0x65: {  	_ =	shalt  }
0x66: {  	_ =	shalt  }
0x67: {  	_ =	shalt  }
0x68: {  	_ =	shalt  }
0x69: {  	_ =	shalt  }
0x6a: {  	_ =	shalt  }
0x6b: {  	_ =	shalt  }
0x6c: {  	_ =	shalt  }
0x6d: {  	_ =	shalt  }
0x6e: {  	_ =	shalt  }
0x6f: {  	_ =	shalt  }
0x70: {  	_ =	shalt  }
0x71: {  	_ =	shalt  }
0x72: {  	_ =	shalt  }
0x73: {  	_ =	shalt  }
0x74: {  	_ =	shalt  }
0x75: {  	_ =	shalt  }
0x76: {  	_ =	shalt  }
0x77: {  	_ =	shalt  }
0x78: {  	_ =	shalt  }
0x79: {  	_ =	shalt  }
0x7a: {  	_ =	shalt  }
0x7b: {  	_ =	shalt  }
0x7c: {  	_ =	shalt  }
0x7d: {  	_ =	shalt  }
0x7e: {  	_ =	shalt  }
0x7f: {  	_ =	shalt  }
0x80: {  	_ =	shalt  }
0x81: {  	_ =	shalt  }
0x82: {  	_ =	shalt  }
0x83: {  	_ =	shalt  }
0x84: {  	_ =	shalt  }
0x85: {  	_ =	shalt  }
0x86: {  	_ =	shalt  }
0x87: {  	_ =	shalt  }
.Lfunc_end0:
.L_simem_size_0:
called_computation_lowered:
.L_overlay_start_0:
0x88: {  	s2 =	sld [smem:$0x3FD9]  }
0x89: {  	s3 =	sld [smem:$0x3FFE];
	_ =	sdelay $0x1  }
0x8a: {  	s1 =	srdreg.scid  }
0x8b: {  	s0 =	sand.u32 $0x1, s1  }
0x8c: {  	s16 =	sshll.u32 s0, $0xA;
	s2 =	sadd.s32 s3, s2  }
0x8d: {  	s2 =	sadd.s32 s2, s16  }
0x8e: {  	[smem:$0x3FC6] =	sst s2  }
0x8f: {  	_ = 	snop  }
0x90: {  	(tm) =	ssettm $0x1  }
0x91: {  	s17 =	sld [smem:$0x3FFB];
	_ =	sdelay $0x3  }
0x92: {  	_ =	strace s17  }
0x93: {  	s2 =	sld [smem:$0x3FFC];
	_ =	sdelay $0x3  }
0x94: {  	_ =	strace s2  }
0x95: {  	s2 =	sld [smem:$0x3FFD];
	_ =	sdelay $0x3  }
0x96: {  	_ =	strace s2  }
0x97: {  	_ =	strace $0x8FFFFFFF  }
0x98: {  	s18 =	sld [smem:$0x3FDB];
	_ =	sdelay $0x1  }
0x99: {  	s19 =	simm.s32 $_scs_section_size  }
0x9a: {  	s4 =	simm.s32 $_size__tile_overlayer_lowered;
	s5 =	simm.s32 $_tile_overlayer_lowered  }
0x9b: {  	s22 =	simm.s32 $0x1BFF;
	s21 =	sshll.u32 s5, $0x1;
	s2 =	sadd.s32 s19, s18  }
0x9c: {  	s6 =	simm.s32 $0x0;
	s20 =	sshll.u32 s4, $0x1;
	s4 =	sadd.s32 s21, s2  }
0x9d: {  	[timem:s6], [sflag:s22] =	dma.local [hbm:s4], s20  }
0x9e: {  	_ =	swait.ge [sflag:s22], s20  }
0x9f: {  	s3 =	ssub.s32 $0x0, s20;
	[sflag:s22] =	ssyncset.done $0x0  }
0xa0: {  	[sflag:s22] =	ssyncadd.s32 s3;
	_ =	sdelay $0x1  }
0xa1: {  	s23 =	simm.s32 $0x1B8B  }
0xa2: {  	_ =	swait.ge [sflag:s23], $0x1  }
0xa3: {  	[sflag:s23] =	ssyncset.done $0x0  }
0xa4: {  	s25 =	simm.s32 $0x1B8E;
	s24 =	sld [smem:$0x3FFE];
	[sflag:s23] =	ssyncadd.s32 $0xFFFFFFFF  }
0xa5: {  	s26 =	simm.s32 $execute0_lowered;
	[smem:$0x3FD2] =	sst s25  }
0xa6: {  	s4 =	sshll.u32 s26, $0x1;
	_ =	strace $0x80000046;
	[dreg:$0x1] =	wrdreg $0xFFFFFFFF  }
0xa7: {  	s28 =	simm.s32 $_size_execute0_lowered;
	s2 =	sadd.s32 s2, s4;
	[dreg:$0x0] =	wrdreg $0x0  }
0xa8: {  	s4 =	sshll.u32 s28, $0x1;
	[dreg:$0x2] =	wrdreg s2  }
0xa9: {  	[dreg:$0x3] =	wrdreg s4  }
0xaa: {  	[dreg:$0x4] =	wrdreg $0xC0  }
0xab: {  	_ =	task [dreg:s6], $0x5FFFF  }
0xac: {  	[dreg:$0x1] =	wrdreg $0xFFFFFFFF  }
0xad: {  	[dreg:$0x0] =	wrdreg $0x60  }
0xae: {  	[dreg:$0x2] =	wrdreg s24  }
0xaf: {  	[dreg:$0x3] =	wrdreg $0x9  }
0xb0: {  	_ =	task.clear_ibuf [dreg:s6], $0x4FFFF;
	_ =	strace $0x90000046  }
0xb1: {  	s29 =	simm.s32 $0x9;
	_ =	strace $0x80000048  }
0xb2: {  	_ =	swait.ge [sflag:s29], $0x1  }
0xb3: {  	[sflag:s29] =	ssyncadd.s32 $0xFFFFFFFF  }
0xb4: {  	_ =	strace $0x90000048  }
0xb5: {  	_ =	sfence  }
0xb6: {  	s30 =	sld [smem:$0x0];
	_ =	sdelay $0x2  }
0xb7: {  	s31 =	sshll.u32 s1, $0xD;
	s1 =	sshrl.u32 s1, $0x2  }
0xb8: {  	s3 =	sand.u32 $0x4000, s31;
	s1 =	sadd.s32 s1, s30  }
0xb9: {  	s0 =	sor.u32 s3, s0;
	s1 =	sshll.u32 s1, $0x11  }
0xba: {  	s0 =	sor.u32 s1, s0  }
0xbb: {  	s0 =	sadd.s32 $0x8F2B, s0  }
0xbc: {  	[sflag:s0] =	ssyncadd.remote.s32 $0x1  }
0xbd: {  	_ =	sfence.sel $0xFFFF  }
0xbe: {  	[dreg:$0x0] =	wrdreg $0xFFFFFFFF;
	(pc) =	sbr.abs _section_cstart, $3  }
0xbf: {  	[dreg:$0x1] =	wrdreg $0xFFFFFFFF  }
0xc0: {  	_ =	task.clear_ibuf [dreg:s6], $0x2FFFF;
	_ =	strace $0x9FFFFFFF  }
0xc1: {  	(tm) =	ssettm $0x7FFFFFFF  }
tec
execute0_lowered:
.L_overlay_start_1:
0x0: {  	(tag) =	ssettag $0x1  }
0x1: {  	s1 =	srdreg.scid;
	s0 =	stileid.u32  }
0x2: {  	s1 =	sand.u32 $0x1, s1;
	s2 =	sshll.u32 s0, $0x1  }
0x3: {  	s4 =	rddreg [dreg:$0x0];
	s6 =	sshll.u32 s0, $0xE;
	s3 =	sor.u32 s1, s2  }
0x4: {  	s2 =	simm.s32 $0x0;
	s5 =	sshll.u32 s3, $0xD;
	s3 =	sshll.u32 s3, $0x8  }
0x5: {  	s6 =	sand.u32 $0x30000, s6;
	s5 =	sand.u32 $0xE000, s5;
	s3 =	sadd.s32 s3, s4  }
0x6: {  	[smem:$0x7FF] =	sst s2;
	s5 =	sor.u32 s6, s5;
	s3 =	sadd.s32 $0x4400, s3  }
0x7: {  	_ =	strace $0x80000047;
	s31 =	sadd.s32 s5, s4;
	[dreg:$0x2] =	wrdreg s3  }
0x8: {  	s15 =	sadd.s32 $0x6400, s31;
	s25 =	rddreg [dreg:$0x2]  }
0x9: {  	s16 =	sadd.s32 $0x6600, s31;
	[dreg:$0x3] =	wrdreg s15  }
0xa: {  	s17 =	sadd.s32 $0x6800, s31;
	[dreg:$0x4] =	wrdreg s16  }
0xb: {  	s18 =	sadd.s32 $0x6A00, s31;
	[dreg:$0x5] =	wrdreg s17  }
0xc: {  	s19 =	sadd.s32 $0x6C00, s31;
	[dreg:$0x6] =	wrdreg s18  }
0xd: {  	s20 =	sadd.s32 $0x6E00, s31;
	[dreg:$0x7] =	wrdreg s19  }
0xe: {  	s21 =	sadd.s32 $0x7000, s31;
	[dreg:$0x8] =	wrdreg s20  }
0xf: {  	s22 =	sadd.s32 $0x7200, s31;
	[dreg:$0x9] =	wrdreg s21  }
0x10: {  	s23 =	sadd.s32 $0x7400, s31;
	[dreg:$0xa] =	wrdreg s22  }
0x11: {  	s24 =	sadd.s32 $0x7600, s31;
	[dreg:$0xb] =	wrdreg s23  }
0x12: {  	s26 =	sadd.s32 $0x7800, s31;
	[dreg:$0xc] =	wrdreg s24  }
0x13: {  	s3 =	simm.s32 $0x5;
	[dreg:$0xd] =	wrdreg s26  }
0x14: {  	[tilespmem:s2], [sflag:$0x5] =	stream.linear.gather [hbm4b:s25+s2], $0x800, $0x38;
	[tilespmem:$0x2800] =	vst v63  }
0x15: {  	_ =	swait.ge [sflag:s3], $0x800  }
0x16: {  	s6 =	simm.s32 $0x800;
	[sflag:s3] =	ssyncset.done $0x0  }
0x17: {  	s4 =	sadd.s32 $0x400, s4;
	s5 =	simm.s32 $0x80;
	[sflag:s3] =	ssyncadd.s32 $0xFFFFF800  }
0x18: {  	[tilespmem:s6], [sflag:$0x1] =	stream.indirect.gather [hbm4b:s4+s5], $0x20, s2, s5, $0xb8;
	[tilespmem:$0x2800] =	vst v63  }
0x19: {  	s7 =	simm.s32 $0x1800;
	s8 =	simm.s32 $0x1  }
0x1a: {  	[tilespmem:s7], [sflag:$0x2] =	stream.indirect.gather [hbm4b:s4+s5], $0x20, s5, s5, $0xb8;
	[tilespmem:$0x2800] =	vst v63  }
0x1b: {  	_ =	swait.ge [sflag:s8], $0x1000  }
0x1c: {  	[sflag:s8] =	ssyncset.done $0x0  }
0x1d: {  	s9 =	simm.s32 $0x3;
	s10 =	rddreg [dreg:$0x3];
	[sflag:s8] =	ssyncadd.s32 $0xFFFFF000  }
0x1e: {  	[hbm4b:s10+s2] =	stream.linear.scatter [tilespmem:s6], [sflag:$0x3], $0x1000, $0x38;
	[tilespmem:$0x2800] =	vst v63  }
0x1f: {  	_ =	swait.ge [sflag:s9], $0x1000  }
0x20: {  	[sflag:s9] =	ssyncset.done $0x0  }
0x21: {  	s11 =	simm.s32 $0x2;
	s10 =	simm.s32 $0x100;
	[sflag:s9] =	ssyncadd.s32 $0xFFFFF000  }
0x22: {  	[tilespmem:s6], [sflag:$0x1] =	stream.indirect.gather [hbm4b:s4+s5], $0x20, s10, s5, $0xb8;
	[tilespmem:$0x2800] =	vst v63  }
0x23: {  	_ =	swait.ge [sflag:s11], $0x1000  }
0x24: {  	[sflag:s11] =	ssyncset.done $0x0  }
0x25: {  	s12 =	simm.s32 $0x4;
	s13 =	rddreg [dreg:$0x4];
	[sflag:s11] =	ssyncadd.s32 $0xFFFFF000  }
0x26: {  	[hbm4b:s13+s2] =	stream.linear.scatter [tilespmem:s7], [sflag:$0x4], $0x1000, $0x38;
	[tilespmem:$0x2800] =	vst v63  }
0x27: {  	_ =	swait.ge [sflag:s12], $0x1000  }
0x28: {  	[sflag:s12] =	ssyncset.done $0x0  }
0x29: {  	s13 =	simm.s32 $0x180;
	[sflag:s12] =	ssyncadd.s32 $0xFFFFF000  }
0x2a: {  	[tilespmem:s7], [sflag:$0x2] =	stream.indirect.gather [hbm4b:s4+s5], $0x20, s13, s5, $0xb8;
	[tilespmem:$0x2800] =	vst v63  }
0x2b: {  	_ =	swait.ge [sflag:s8], $0x1000  }
0x2c: {  	[sflag:s8] =	ssyncset.done $0x0  }
0x2d: {  	s14 =	rddreg [dreg:$0x5];
	[sflag:s8] =	ssyncadd.s32 $0xFFFFF000  }
0x2e: {  	[hbm4b:s14+s2] =	stream.linear.scatter [tilespmem:s6], [sflag:$0x3], $0x1000, $0x38;
	[tilespmem:$0x2800] =	vst v63  }
0x2f: {  	_ =	swait.ge [sflag:s9], $0x1000  }
0x30: {  	[sflag:s9] =	ssyncset.done $0x0  }
0x31: {  	s14 =	simm.s32 $0x200;
	[sflag:s9] =	ssyncadd.s32 $0xFFFFF000  }
0x32: {  	[tilespmem:s6], [sflag:$0x1] =	stream.indirect.gather [hbm4b:s4+s5], $0x20, s14, s5, $0xb8;
	[tilespmem:$0x2800] =	vst v63  }
0x33: {  	_ =	swait.ge [sflag:s11], $0x1000  }
0x34: {  	[sflag:s11] =	ssyncset.done $0x0  }
0x35: {  	s15 =	rddreg [dreg:$0x6];
	[sflag:s11] =	ssyncadd.s32 $0xFFFFF000  }
0x36: {  	[hbm4b:s15+s2] =	stream.linear.scatter [tilespmem:s7], [sflag:$0x4], $0x1000, $0x38;
	[tilespmem:$0x2800] =	vst v63  }
0x37: {  	_ =	swait.ge [sflag:s12], $0x1000  }
0x38: {  	[sflag:s12] =	ssyncset.done $0x0  }
0x39: {  	s15 =	simm.s32 $0x280;
	[sflag:s12] =	ssyncadd.s32 $0xFFFFF000  }
0x3a: {  	[tilespmem:s7], [sflag:$0x2] =	stream.indirect.gather [hbm4b:s4+s5], $0x20, s15, s5, $0xb8;
	[tilespmem:$0x2800] =	vst v63  }
0x3b: {  	_ =	swait.ge [sflag:s8], $0x1000  }
0x3c: {  	[sflag:s8] =	ssyncset.done $0x0  }
0x3d: {  	s16 =	rddreg [dreg:$0x7];
	[sflag:s8] =	ssyncadd.s32 $0xFFFFF000  }
0x3e: {  	[hbm4b:s16+s2] =	stream.linear.scatter [tilespmem:s6], [sflag:$0x3], $0x1000, $0x38;
	[tilespmem:$0x2800] =	vst v63  }
0x3f: {  	_ =	swait.ge [sflag:s9], $0x1000  }
0x40: {  	[sflag:s9] =	ssyncset.done $0x0  }
0x41: {  	s16 =	simm.s32 $0x300;
	[sflag:s9] =	ssyncadd.s32 $0xFFFFF000  }
0x42: {  	[tilespmem:s6], [sflag:$0x1] =	stream.indirect.gather [hbm4b:s4+s5], $0x20, s16, s5, $0xb8;
	[tilespmem:$0x2800] =	vst v63  }
0x43: {  	_ =	swait.ge [sflag:s11], $0x1000  }
0x44: {  	[sflag:s11] =	ssyncset.done $0x0  }
0x45: {  	s17 =	rddreg [dreg:$0x8];
	[sflag:s11] =	ssyncadd.s32 $0xFFFFF000  }
0x46: {  	[hbm4b:s17+s2] =	stream.linear.scatter [tilespmem:s7], [sflag:$0x4], $0x1000, $0x38;
	[tilespmem:$0x2800] =	vst v63  }
0x47: {  	_ =	swait.ge [sflag:s12], $0x1000  }
0x48: {  	[sflag:s12] =	ssyncset.done $0x0  }
0x49: {  	s17 =	simm.s32 $0x380;
	[sflag:s12] =	ssyncadd.s32 $0xFFFFF000  }
0x4a: {  	[tilespmem:s7], [sflag:$0x2] =	stream.indirect.gather [hbm4b:s4+s5], $0x20, s17, s5, $0xb8;
	[tilespmem:$0x2800] =	vst v63  }
0x4b: {  	_ =	swait.ge [sflag:s8], $0x1000  }
0x4c: {  	[sflag:s8] =	ssyncset.done $0x0  }
0x4d: {  	s18 =	rddreg [dreg:$0x9];
	[sflag:s8] =	ssyncadd.s32 $0xFFFFF000  }
0x4e: {  	[hbm4b:s18+s2] =	stream.linear.scatter [tilespmem:s6], [sflag:$0x3], $0x1000, $0x38;
	[tilespmem:$0x2800] =	vst v63  }
0x4f: {  	_ =	swait.ge [sflag:s9], $0x1000  }
0x50: {  	[sflag:s9] =	ssyncset.done $0x0  }
0x51: {  	s18 =	simm.s32 $0x400;
	[sflag:s9] =	ssyncadd.s32 $0xFFFFF000  }
0x52: {  	[tilespmem:s6], [sflag:$0x1] =	stream.indirect.gather [hbm4b:s4+s5], $0x20, s18, s5, $0xb8;
	[tilespmem:$0x2800] =	vst v63  }
0x53: {  	_ =	swait.ge [sflag:s11], $0x1000  }
0x54: {  	[sflag:s11] =	ssyncset.done $0x0  }
0x55: {  	s19 =	rddreg [dreg:$0xa];
	[sflag:s11] =	ssyncadd.s32 $0xFFFFF000  }
0x56: {  	[hbm4b:s19+s2] =	stream.linear.scatter [tilespmem:s7], [sflag:$0x4], $0x1000, $0x38;
	[tilespmem:$0x2800] =	vst v63  }
0x57: {  	_ =	swait.ge [sflag:s12], $0x1000  }
0x58: {  	[sflag:s12] =	ssyncset.done $0x0  }
0x59: {  	s19 =	simm.s32 $0x480;
	[sflag:s12] =	ssyncadd.s32 $0xFFFFF000  }
0x5a: {  	[tilespmem:s7], [sflag:$0x2] =	stream.indirect.gather [hbm4b:s4+s5], $0x20, s19, s5, $0xb8;
	[tilespmem:$0x2800] =	vst v63  }
0x5b: {  	_ =	swait.ge [sflag:s8], $0x1000  }
0x5c: {  	[sflag:s8] =	ssyncset.done $0x0  }
0x5d: {  	s20 =	rddreg [dreg:$0xb];
	[sflag:s8] =	ssyncadd.s32 $0xFFFFF000  }
0x5e: {  	[hbm4b:s20+s2] =	stream.linear.scatter [tilespmem:s6], [sflag:$0x3], $0x1000, $0x38;
	[tilespmem:$0x2800] =	vst v63  }
0x5f: {  	_ =	swait.ge [sflag:s9], $0x1000  }
0x60: {  	[sflag:s9] =	ssyncset.done $0x0  }
0x61: {  	s20 =	simm.s32 $0x500;
	[sflag:s9] =	ssyncadd.s32 $0xFFFFF000  }
0x62: {  	[tilespmem:s6], [sflag:$0x1] =	stream.indirect.gather [hbm4b:s4+s5], $0x20, s20, s5, $0xb8;
	[tilespmem:$0x2800] =	vst v63  }
0x63: {  	_ =	swait.ge [sflag:s11], $0x1000  }
0x64: {  	[sflag:s11] =	ssyncset.done $0x0  }
0x65: {  	s21 =	rddreg [dreg:$0xc];
	[sflag:s11] =	ssyncadd.s32 $0xFFFFF000  }
0x66: {  	[hbm4b:s21+s2] =	stream.linear.scatter [tilespmem:s7], [sflag:$0x4], $0x1000, $0x38;
	[tilespmem:$0x2800] =	vst v63  }
0x67: {  	_ =	swait.ge [sflag:s12], $0x1000  }
0x68: {  	[sflag:s12] =	ssyncset.done $0x0  }
0x69: {  	s21 =	simm.s32 $0x580;
	[sflag:s12] =	ssyncadd.s32 $0xFFFFF000  }
0x6a: {  	[tilespmem:s7], [sflag:$0x2] =	stream.indirect.gather [hbm4b:s4+s5], $0x20, s21, s5, $0xb8;
	[tilespmem:$0x2800] =	vst v63  }
0x6b: {  	_ =	swait.ge [sflag:s8], $0x1000  }
0x6c: {  	[sflag:s8] =	ssyncset.done $0x0  }
0x6d: {  	s22 =	rddreg [dreg:$0xd];
	[sflag:s8] =	ssyncadd.s32 $0xFFFFF000  }
0x6e: {  	[hbm4b:s22+s2] =	stream.linear.scatter [tilespmem:s6], [sflag:$0x3], $0x1000, $0x38;
	[tilespmem:$0x2800] =	vst v63  }
0x6f: {  	_ =	swait.ge [sflag:s9], $0x1000  }
0x70: {  	[sflag:s9] =	ssyncset.done $0x0  }
0x71: {  	s22 =	simm.s32 $0x600;
	[sflag:s9] =	ssyncadd.s32 $0xFFFFF000  }
0x72: {  	[tilespmem:s6], [sflag:$0x1] =	stream.indirect.gather [hbm4b:s4+s5], $0x20, s22, s5, $0xb8;
	[tilespmem:$0x2800] =	vst v63  }
0x73: {  	_ =	swait.ge [sflag:s11], $0x1000  }
0x74: {  	[sflag:s11] =	ssyncset.done $0x0  }
0x75: {  	s23 =	sadd.s32 $0x7A00, s31;
	[sflag:s11] =	ssyncadd.s32 $0xFFFFF000  }
0x76: {  	[hbm4b:s23+s2] =	stream.linear.scatter [tilespmem:s7], [sflag:$0x4], $0x1000, $0x38;
	[tilespmem:$0x2800] =	vst v63  }
0x77: {  	_ =	swait.ge [sflag:s12], $0x1000  }
0x78: {  	[sflag:s12] =	ssyncset.done $0x0  }
0x79: {  	s24 =	simm.s32 $0x680;
	[sflag:s12] =	ssyncadd.s32 $0xFFFFF000  }
0x7a: {  	[tilespmem:s7], [sflag:$0x2] =	stream.indirect.gather [hbm4b:s4+s5], $0x20, s24, s5, $0xb8;
	[tilespmem:$0x2800] =	vst v63  }
0x7b: {  	_ =	swait.ge [sflag:s8], $0x1000  }
0x7c: {  	[sflag:s8] =	ssyncset.done $0x0  }
0x7d: {  	s25 =	sadd.s32 $0x7C00, s31;
	[sflag:s8] =	ssyncadd.s32 $0xFFFFF000  }
0x7e: {  	[hbm4b:s25+s2] =	stream.linear.scatter [tilespmem:s6], [sflag:$0x3], $0x1000, $0x38;
	[tilespmem:$0x2800] =	vst v63  }
0x7f: {  	_ =	swait.ge [sflag:s9], $0x1000  }
0x80: {  	[sflag:s9] =	ssyncset.done $0x0  }
0x81: {  	s26 =	simm.s32 $0x700;
	[sflag:s9] =	ssyncadd.s32 $0xFFFFF000  }
0x82: {  	[tilespmem:s6], [sflag:$0x1] =	stream.indirect.gather [hbm4b:s4+s5], $0x20, s26, s5, $0xb8;
	[tilespmem:$0x2800] =	vst v63  }
0x83: {  	_ =	swait.ge [sflag:s11], $0x1000  }
0x84: {  	[sflag:s11] =	ssyncset.done $0x0  }
0x85: {  	s28 =	sadd.s32 $0x7E00, s31;
	[sflag:s11] =	ssyncadd.s32 $0xFFFFF000  }
0x86: {  	[hbm4b:s28+s2] =	stream.linear.scatter [tilespmem:s7], [sflag:$0x4], $0x1000, $0x38;
	[tilespmem:$0x2800] =	vst v63  }
0x87: {  	_ =	swait.ge [sflag:s12], $0x1000  }
0x88: {  	[sflag:s12] =	ssyncset.done $0x0  }
0x89: {  	s29 =	simm.s32 $0x780;
	[sflag:s12] =	ssyncadd.s32 $0xFFFFF000  }
0x8a: {  	[tilespmem:s7], [sflag:$0x2] =	stream.indirect.gather [hbm4b:s4+s5], $0x20, s29, s5, $0xb8;
	[tilespmem:$0x2800] =	vst v63  }
0x8b: {  	_ =	swait.ge [sflag:s8], $0x1000  }
0x8c: {  	s1 =	ssub.s32 $0x2, s1;
	[sflag:s8] =	ssyncset.done $0x0  }
0x8d: {  	s0 =	sshrl.u32 s1, $0x1;
	s30 =	sadd.s32 $0x8000, s31;
	[sflag:s8] =	ssyncadd.s32 $0xFFFFF000  }
0x8e: {  	[hbm4b:s30+s2] =	stream.linear.scatter [tilespmem:s6], [sflag:$0x3], $0x1000, $0x38;
	[tilespmem:$0x2800] =	vst v63  }
0x8f: {  	s0 =	ssub.s32 s1, s0;
	_ =	swait.ge [sflag:s11], $0x1000  }
0x90: {  	s0 =	smax.u32 s0, $0x1;
	[sflag:s11] =	ssyncset.done $0x0  }
0x91: {  	p0 =	sne.s32 s0, $0x1;
	s31 =	sadd.s32 $0x8200, s31;
	[sflag:s11] =	ssyncadd.s32 $0xFFFFF000  }
0x92: {  	[hbm4b:s31+s2] =	stream.linear.scatter [tilespmem:s7], [sflag:$0x4], $0x1000, $0x38;
	[tilespmem:$0x2800] =	vst v63  }
.Ltmp0:
0x93: {  	_ =	swait.ge [sflag:s9], $0x1000;
	(pc) =	sbr.rel @!p0 .LBB2_2-.Ltmp0, $4  }
0x94: {  	[sflag:s9] =	ssyncset.done $0x0  }
0x95: {  	[sflag:s9] =	ssyncadd.s32 $0xFFFFF000  }
0x96: {  	_ =	swait.ge [sflag:s12], $0x1000  }
0x97: {  	s1 =	sadd.s32 $0xFFFFFFFF, s0;
	[sflag:s12] =	ssyncset.done $0x0  }
.LBB2_1:
0x98: {  	s0 =	rddreg [dreg:$0x2];
	[sflag:s12] =	ssyncadd.s32 $0xFFFFF000  }
0x99: {  	[tilespmem:s2], [sflag:$0x5] =	stream.linear.gather [hbm4b:s0+s2], $0x800, $0x38;
	[tilespmem:$0x2800] =	vst v63  }
0x9a: {  	_ =	swait.ge [sflag:s3], $0x800  }
0x9b: {  	[sflag:s3] =	ssyncset.done $0x0  }
0x9c: {  	[sflag:s3] =	ssyncadd.s32 $0xFFFFF800  }
0x9d: {  	[tilespmem:s6], [sflag:$0x1] =	stream.indirect.gather [hbm4b:s4+s5], $0x20, s2, s5, $0xb8;
	[tilespmem:$0x2800] =	vst v63  }
0x9e: {  	_ = 	snop  }
0x9f: {  	[tilespmem:s7], [sflag:$0x2] =	stream.indirect.gather [hbm4b:s4+s5], $0x20, s5, s5, $0xb8;
	[tilespmem:$0x2800] =	vst v63  }
0xa0: {  	_ =	swait.ge [sflag:s8], $0x1000  }
0xa1: {  	[sflag:s8] =	ssyncset.done $0x0  }
0xa2: {  	s0 =	rddreg [dreg:$0x3];
	[sflag:s8] =	ssyncadd.s32 $0xFFFFF000  }
0xa3: {  	[hbm4b:s0+s2] =	stream.linear.scatter [tilespmem:s6], [sflag:$0x3], $0x1000, $0x38;
	[tilespmem:$0x2800] =	vst v63  }
0xa4: {  	_ =	swait.ge [sflag:s9], $0x1000  }
0xa5: {  	[sflag:s9] =	ssyncset.done $0x0  }
0xa6: {  	[sflag:s9] =	ssyncadd.s32 $0xFFFFF000  }
0xa7: {  	[tilespmem:s6], [sflag:$0x1] =	stream.indirect.gather [hbm4b:s4+s5], $0x20, s10, s5, $0xb8;
	[tilespmem:$0x2800] =	vst v63  }
0xa8: {  	_ =	swait.ge [sflag:s11], $0x1000  }
0xa9: {  	[sflag:s11] =	ssyncset.done $0x0  }
0xaa: {  	s0 =	rddreg [dreg:$0x4];
	[sflag:s11] =	ssyncadd.s32 $0xFFFFF000  }
0xab: {  	[hbm4b:s0+s2] =	stream.linear.scatter [tilespmem:s7], [sflag:$0x4], $0x1000, $0x38;
	[tilespmem:$0x2800] =	vst v63  }
0xac: {  	_ =	swait.ge [sflag:s12], $0x1000  }
0xad: {  	[sflag:s12] =	ssyncset.done $0x0  }
0xae: {  	[sflag:s12] =	ssyncadd.s32 $0xFFFFF000  }
0xaf: {  	[tilespmem:s7], [sflag:$0x2] =	stream.indirect.gather [hbm4b:s4+s5], $0x20, s13, s5, $0xb8;
	[tilespmem:$0x2800] =	vst v63  }
0xb0: {  	_ =	swait.ge [sflag:s8], $0x1000  }
0xb1: {  	[sflag:s8] =	ssyncset.done $0x0  }
0xb2: {  	s0 =	rddreg [dreg:$0x5];
	[sflag:s8] =	ssyncadd.s32 $0xFFFFF000  }
0xb3: {  	[hbm4b:s0+s2] =	stream.linear.scatter [tilespmem:s6], [sflag:$0x3], $0x1000, $0x38;
	[tilespmem:$0x2800] =	vst v63  }
0xb4: {  	_ =	swait.ge [sflag:s9], $0x1000  }
0xb5: {  	[sflag:s9] =	ssyncset.done $0x0  }
0xb6: {  	[sflag:s9] =	ssyncadd.s32 $0xFFFFF000  }
0xb7: {  	[tilespmem:s6], [sflag:$0x1] =	stream.indirect.gather [hbm4b:s4+s5], $0x20, s14, s5, $0xb8;
	[tilespmem:$0x2800] =	vst v63  }
0xb8: {  	_ =	swait.ge [sflag:s11], $0x1000  }
0xb9: {  	[sflag:s11] =	ssyncset.done $0x0  }
0xba: {  	s0 =	rddreg [dreg:$0x6];
	[sflag:s11] =	ssyncadd.s32 $0xFFFFF000  }
0xbb: {  	[hbm4b:s0+s2] =	stream.linear.scatter [tilespmem:s7], [sflag:$0x4], $0x1000, $0x38;
	[tilespmem:$0x2800] =	vst v63  }
0xbc: {  	_ =	swait.ge [sflag:s12], $0x1000  }
0xbd: {  	[sflag:s12] =	ssyncset.done $0x0  }
0xbe: {  	[sflag:s12] =	ssyncadd.s32 $0xFFFFF000  }
0xbf: {  	[tilespmem:s7], [sflag:$0x2] =	stream.indirect.gather [hbm4b:s4+s5], $0x20, s15, s5, $0xb8;
	[tilespmem:$0x2800] =	vst v63  }
0xc0: {  	_ =	swait.ge [sflag:s8], $0x1000  }
0xc1: {  	[sflag:s8] =	ssyncset.done $0x0  }
0xc2: {  	s0 =	rddreg [dreg:$0x7];
	[sflag:s8] =	ssyncadd.s32 $0xFFFFF000  }
0xc3: {  	[hbm4b:s0+s2] =	stream.linear.scatter [tilespmem:s6], [sflag:$0x3], $0x1000, $0x38;
	[tilespmem:$0x2800] =	vst v63  }
0xc4: {  	_ =	swait.ge [sflag:s9], $0x1000  }
0xc5: {  	[sflag:s9] =	ssyncset.done $0x0  }
0xc6: {  	[sflag:s9] =	ssyncadd.s32 $0xFFFFF000  }
0xc7: {  	[tilespmem:s6], [sflag:$0x1] =	stream.indirect.gather [hbm4b:s4+s5], $0x20, s16, s5, $0xb8;
	[tilespmem:$0x2800] =	vst v63  }
0xc8: {  	_ =	swait.ge [sflag:s11], $0x1000  }
0xc9: {  	[sflag:s11] =	ssyncset.done $0x0  }
0xca: {  	s0 =	rddreg [dreg:$0x8];
	[sflag:s11] =	ssyncadd.s32 $0xFFFFF000  }
0xcb: {  	[hbm4b:s0+s2] =	stream.linear.scatter [tilespmem:s7], [sflag:$0x4], $0x1000, $0x38;
	[tilespmem:$0x2800] =	vst v63  }
0xcc: {  	_ =	swait.ge [sflag:s12], $0x1000  }
0xcd: {  	[sflag:s12] =	ssyncset.done $0x0  }
0xce: {  	[sflag:s12] =	ssyncadd.s32 $0xFFFFF000  }
0xcf: {  	[tilespmem:s7], [sflag:$0x2] =	stream.indirect.gather [hbm4b:s4+s5], $0x20, s17, s5, $0xb8;
	[tilespmem:$0x2800] =	vst v63  }
0xd0: {  	_ =	swait.ge [sflag:s8], $0x1000  }
0xd1: {  	[sflag:s8] =	ssyncset.done $0x0  }
0xd2: {  	s0 =	rddreg [dreg:$0x9];
	[sflag:s8] =	ssyncadd.s32 $0xFFFFF000  }
0xd3: {  	[hbm4b:s0+s2] =	stream.linear.scatter [tilespmem:s6], [sflag:$0x3], $0x1000, $0x38;
	[tilespmem:$0x2800] =	vst v63  }
0xd4: {  	_ =	swait.ge [sflag:s9], $0x1000  }
0xd5: {  	[sflag:s9] =	ssyncset.done $0x0  }
0xd6: {  	[sflag:s9] =	ssyncadd.s32 $0xFFFFF000  }
0xd7: {  	[tilespmem:s6], [sflag:$0x1] =	stream.indirect.gather [hbm4b:s4+s5], $0x20, s18, s5, $0xb8;
	[tilespmem:$0x2800] =	vst v63  }
0xd8: {  	_ =	swait.ge [sflag:s11], $0x1000  }
0xd9: {  	[sflag:s11] =	ssyncset.done $0x0  }
0xda: {  	s0 =	rddreg [dreg:$0xa];
	[sflag:s11] =	ssyncadd.s32 $0xFFFFF000  }
0xdb: {  	[hbm4b:s0+s2] =	stream.linear.scatter [tilespmem:s7], [sflag:$0x4], $0x1000, $0x38;
	[tilespmem:$0x2800] =	vst v63  }
0xdc: {  	_ =	swait.ge [sflag:s12], $0x1000  }
0xdd: {  	[sflag:s12] =	ssyncset.done $0x0  }
0xde: {  	[sflag:s12] =	ssyncadd.s32 $0xFFFFF000  }
0xdf: {  	[tilespmem:s7], [sflag:$0x2] =	stream.indirect.gather [hbm4b:s4+s5], $0x20, s19, s5, $0xb8;
	[tilespmem:$0x2800] =	vst v63  }
0xe0: {  	_ =	swait.ge [sflag:s8], $0x1000  }
0xe1: {  	[sflag:s8] =	ssyncset.done $0x0  }
0xe2: {  	s0 =	rddreg [dreg:$0xb];
	[sflag:s8] =	ssyncadd.s32 $0xFFFFF000  }
0xe3: {  	[hbm4b:s0+s2] =	stream.linear.scatter [tilespmem:s6], [sflag:$0x3], $0x1000, $0x38;
	[tilespmem:$0x2800] =	vst v63  }
0xe4: {  	_ =	swait.ge [sflag:s9], $0x1000  }
0xe5: {  	[sflag:s9] =	ssyncset.done $0x0  }
0xe6: {  	[sflag:s9] =	ssyncadd.s32 $0xFFFFF000  }
0xe7: {  	[tilespmem:s6], [sflag:$0x1] =	stream.indirect.gather [hbm4b:s4+s5], $0x20, s20, s5, $0xb8;
	[tilespmem:$0x2800] =	vst v63  }
0xe8: {  	_ =	swait.ge [sflag:s11], $0x1000  }
0xe9: {  	[sflag:s11] =	ssyncset.done $0x0  }
0xea: {  	s0 =	rddreg [dreg:$0xc];
	[sflag:s11] =	ssyncadd.s32 $0xFFFFF000  }
0xeb: {  	[hbm4b:s0+s2] =	stream.linear.scatter [tilespmem:s7], [sflag:$0x4], $0x1000, $0x38;
	[tilespmem:$0x2800] =	vst v63  }
0xec: {  	_ =	swait.ge [sflag:s12], $0x1000  }
0xed: {  	[sflag:s12] =	ssyncset.done $0x0  }
0xee: {  	[sflag:s12] =	ssyncadd.s32 $0xFFFFF000  }
0xef: {  	[tilespmem:s7], [sflag:$0x2] =	stream.indirect.gather [hbm4b:s4+s5], $0x20, s21, s5, $0xb8;
	[tilespmem:$0x2800] =	vst v63  }
0xf0: {  	_ =	swait.ge [sflag:s8], $0x1000  }
0xf1: {  	[sflag:s8] =	ssyncset.done $0x0  }
0xf2: {  	s0 =	rddreg [dreg:$0xd];
	[sflag:s8] =	ssyncadd.s32 $0xFFFFF000  }
0xf3: {  	[hbm4b:s0+s2] =	stream.linear.scatter [tilespmem:s6], [sflag:$0x3], $0x1000, $0x38;
	[tilespmem:$0x2800] =	vst v63  }
0xf4: {  	_ =	swait.ge [sflag:s9], $0x1000  }
0xf5: {  	[sflag:s9] =	ssyncset.done $0x0  }
0xf6: {  	[sflag:s9] =	ssyncadd.s32 $0xFFFFF000  }
0xf7: {  	[tilespmem:s6], [sflag:$0x1] =	stream.indirect.gather [hbm4b:s4+s5], $0x20, s22, s5, $0xb8;
	[tilespmem:$0x2800] =	vst v63  }
0xf8: {  	_ =	swait.ge [sflag:s11], $0x1000  }
0xf9: {  	[sflag:s11] =	ssyncset.done $0x0  }
0xfa: {  	[sflag:s11] =	ssyncadd.s32 $0xFFFFF000  }
0xfb: {  	[hbm4b:s23+s2] =	stream.linear.scatter [tilespmem:s7], [sflag:$0x4], $0x1000, $0x38;
	[tilespmem:$0x2800] =	vst v63  }
0xfc: {  	_ =	swait.ge [sflag:s12], $0x1000  }
0xfd: {  	[sflag:s12] =	ssyncset.done $0x0  }
0xfe: {  	[sflag:s12] =	ssyncadd.s32 $0xFFFFF000  }
0xff: {  	[tilespmem:s7], [sflag:$0x2] =	stream.indirect.gather [hbm4b:s4+s5], $0x20, s24, s5, $0xb8;
	[tilespmem:$0x2800] =	vst v63  }
0x100: {  	_ =	swait.ge [sflag:s8], $0x1000  }
0x101: {  	[sflag:s8] =	ssyncset.done $0x0  }
0x102: {  	[sflag:s8] =	ssyncadd.s32 $0xFFFFF000  }
0x103: {  	[hbm4b:s25+s2] =	stream.linear.scatter [tilespmem:s6], [sflag:$0x3], $0x1000, $0x38;
	[tilespmem:$0x2800] =	vst v63  }
0x104: {  	_ =	swait.ge [sflag:s9], $0x1000  }
0x105: {  	[sflag:s9] =	ssyncset.done $0x0  }
0x106: {  	[sflag:s9] =	ssyncadd.s32 $0xFFFFF000  }
0x107: {  	[tilespmem:s6], [sflag:$0x1] =	stream.indirect.gather [hbm4b:s4+s5], $0x20, s26, s5, $0xb8;
	[tilespmem:$0x2800] =	vst v63  }
0x108: {  	_ =	swait.ge [sflag:s11], $0x1000  }
0x109: {  	[sflag:s11] =	ssyncset.done $0x0  }
0x10a: {  	[sflag:s11] =	ssyncadd.s32 $0xFFFFF000  }
0x10b: {  	[hbm4b:s28+s2] =	stream.linear.scatter [tilespmem:s7], [sflag:$0x4], $0x1000, $0x38;
	[tilespmem:$0x2800] =	vst v63  }
0x10c: {  	_ =	swait.ge [sflag:s12], $0x1000  }
0x10d: {  	[sflag:s12] =	ssyncset.done $0x0  }
0x10e: {  	[sflag:s12] =	ssyncadd.s32 $0xFFFFF000  }
0x10f: {  	[tilespmem:s7], [sflag:$0x2] =	stream.indirect.gather [hbm4b:s4+s5], $0x20, s29, s5, $0xb8;
	[tilespmem:$0x2800] =	vst v63  }
0x110: {  	_ =	swait.ge [sflag:s8], $0x1000  }
0x111: {  	[sflag:s8] =	ssyncset.done $0x0  }
0x112: {  	[sflag:s8] =	ssyncadd.s32 $0xFFFFF000  }
0x113: {  	[hbm4b:s30+s2] =	stream.linear.scatter [tilespmem:s6], [sflag:$0x3], $0x1000, $0x38;
	[tilespmem:$0x2800] =	vst v63  }
0x114: {  	_ =	swait.ge [sflag:s11], $0x1000  }
0x115: {  	[sflag:s11] =	ssyncset.done $0x0  }
0x116: {  	p0 =	sne.s32 s1, $0x1;
	[sflag:s11] =	ssyncadd.s32 $0xFFFFF000  }
0x117: {  	[hbm4b:s31+s2] =	stream.linear.scatter [tilespmem:s7], [sflag:$0x4], $0x1000, $0x38;
	[tilespmem:$0x2800] =	vst v63  }
.Ltmp1:
0x118: {  	_ =	swait.ge [sflag:s9], $0x1000;
	(pc) =	sbr.rel @p0 .LBB2_1-.Ltmp1, $4  }
0x119: {  	[sflag:s9] =	ssyncset.done $0x0  }
0x11a: {  	[sflag:s9] =	ssyncadd.s32 $0xFFFFF000  }
0x11b: {  	_ =	swait.ge [sflag:s12], $0x1000  }
0x11c: {  	s1 =	sadd.s32 $0xFFFFFFFF, s1;
	[sflag:s12] =	ssyncset.done $0x0  }
.LBB2_2:
0x11d: {  	[sflag:s12] =	ssyncadd.s32 $0xFFFFF000  }
0x11e: {  	_ =	sfence.sel $0x180000  }
0x11f: {  	[bflag:$0x0] =	sbarrier.arrive $0xFFFF  }
0x120: {  	_ =	strace $0x90000047  }
0x121: {  	s0 =	stileid.u32;
	[bflag:$0x2] =	sbarrier.arrive $0xFFFF  }
0x122: {  	p0 =	sne.s32 s0, $0x0;
	s0 =	rddreg [dreg:$0x1]  }
0x123: {  	s0 =	sadd.s32 @!p0 $0x100000, s0  }
0x124: {  	[sflag:s0] =	ssyncadd.tile.s32 @!p0 $0x1;
	_ =	shalt  }
.Lfunc_end2:
_tile_overlayer_lowered:
.L_overlay_start_2:
0x125: {  	(tag) =	ssettag $0x2  }
0x126: {  	s0 =	rddreg [dreg:$0x0];
	s2 =	stileid.u32  }
0x127: {  	s1 =	rddreg [dreg:$0x1];
	p0 =	sne.s32 s2, $0x0  }
0x128: {  	s3 =	rddreg [dreg:$0x2];
	[bflag:$0x3] =	sbarrier.arrive $0xFFFF;
	s2 =	simm.s32 @!p0 $0x1C05  }
0x129: {  	[timem:s3], [sflag:s2] =	dma.local @!p0 [hbm:s0], s1  }
0x12a: {  	s0 =	simm.s32 @!p0 $0x5  }
0x12b: {  	_ =	swait.ge @!p0 [sflag:s0], s1  }
0x12c: {  	s1 =	ssub.s32 @!p0 $0x0, s1;
	[sflag:s0] =	ssyncset.done @!p0 $0x0  }
0x12d: {  	[sflag:s0] =	ssyncadd.s32 @!p0 s1  }
0x12e: {  	[bflag:$0x3] =	sbarrier.arrive $0xFFFF  }
0x12f: {  	_ =	shalt  }

// kernel: kernel.9.cloned.1.call-start
scs
__scs_entry_jumppad:
0x0: {  	(pc) =	sbr.rel $0x88, $3  }
0x1: {  	(tag) =	ssettag $0x0;
	lr =	simm.s32 $0x1  }
0x2: {  	[smem:$0x3F9F] =	sst lr;
	_ =	strace $0xD0000000  }
0x3: {  	_ = 	snop  }
0x4: {  	_ = 	snop  }
0x5: {  	_ = 	snop  }
0x6: {  	_ = 	snop  }
0x7: {  	_ = 	snop  }
__scs_overlays_trampoline_lowered:
0x8: {  	[smem:$0x3FAE] =	sst s0  }
0x9: {  	[smem:$0x3FAF] =	sst s1  }
0xa: {  	[smem:$0x3FB0] =	sst s2  }
0xb: {  	[smem:$0x3FB1] =	sst s3  }
0xc: {  	[smem:$0x3FB2] =	sst s4  }
0xd: {  	[smem:$0x3FB3] =	sst s5  }
0xe: {  	[smem:$0x3FB4] =	sst s6  }
0xf: {  	[smem:$0x3FB5] =	sst s7  }
0x10: {  	[smem:$0x3FB6] =	sst s8  }
0x11: {  	[smem:$0x3FB7] =	sst s9;
	s0 =	simm.s32 @!p0 $0x0  }
0x12: {  	s1 =	sld [smem:$0x3F9D];
	s0 =	simm.s32 @p0 $0x1  }
0x13: {  	[smem:$0x3FB8] =	sst s0;
	s0 =	simm.s32 @!p1 $0x0  }
0x14: {  	s2 =	sld [smem:$0x3F9C];
	s0 =	simm.s32 @p1 $0x1  }
0x15: {  	[smem:$0x3FB9] =	sst s0;
	s0 =	simm.s32 @!p2 $0x0  }
0x16: {  	s3 =	sld [smem:$0x3FDB];
	s0 =	simm.s32 @p2 $0x1  }
0x17: {  	s4 =	simm.s32 $0x1BF5;
	[smem:$0x3FBB] =	sst s0  }
0x18: {  	s0 =	sld [smem:$0x3F9E];
	_ =	swait.ge [sflag:s4], $0x0  }
0x19: {  	s7 =	sld [smem:$0x3F9F]  }
0x1a: {  	s8 =	sadd.s32 $0xFFFFE003, lr  }
0x1b: {  	s9 =	sadd.s32 $0xFFFFFEF7, lr;
	s5 =	simm.s32 $0xFFFFFFFF;
	p2 =	slt.u32 s8, $0xFFFFF086  }
0x1c: {  	p1 =	slt.u32 s9, $0xF7A;
	s5 =	simm.s32 @!p2 $0x0  }
0x1d: {  	s5 =	simm.s32 @p1 $0x1;
	p0 =	seq.s32 s7, s2  }
0x1e: {  	s7 =	smul.u32 @!p0 $0xF7A, s2;
	p2 =	seq.s32 @!p0 s5, $0x0  }
0x1f: {  	s9 =	smul.u32 $0xF7A, s1;
	s8 =	simm.s32 @!p0 $0x1BF5;
	p2 =	por !p2, p0  }
0x20: {  	[sflag:s8] =	ssyncset.s32 @!p0 $0xFFFFF086;
	s6 =	sadd.s32 @!p0 s3, s7;
	s7 =	simm.s32 @!p0 $0x108  }
0x21: {  	s3 =	sadd.s32 s3, s9;
	s6 =	sadd.s32 @!p0 $0x88, s6;
	s7 =	simm.s32 @p2 $0x1082  }
0x22: {  	[simem:s7], [sflag:s8] =	dma.local @!p0 [hbm:s6], $0xF7A  }
0x23: {  	s9 =	sor.u32 $0xD0000000, s2;
	s6 =	simm.s32 $0x108;
	_ =	swait.ge @!p0 [sflag:s8], $0x0  }
0x24: {  	s3 =	sadd.s32 $0x88, s3;
	s6 =	simm.s32 @!p1 $0x1082;
	[sflag:s4] =	ssyncset.s32 $0xFFFFF086  }
0x25: {  	[simem:s6], [sflag:s4] =	dma.local [hbm:s3], $0xF7A  }
0x26: {  	[smem:$0x3F9F] =	sst s1;
	(tag) =	ssettag s2;
	_ =	strace s9  }
0x27: {  	s1 =	sld [smem:$0x3FAF]  }
0x28: {  	s2 =	sld [smem:$0x3FB0]  }
0x29: {  	s4 =	sld [smem:$0x3FB2]  }
0x2a: {  	p0 =	seq.s32 s5, $0x0;
	s5 =	sld [smem:$0x3FB3]  }
0x2b: {  	s6 =	sld [smem:$0x3FB4]  }
0x2c: {  	s7 =	sld [smem:$0x3FB5]  }
0x2d: {  	s3 =	simm.s32 $0x108;
	s8 =	sld [smem:$0x3FB6]  }
0x2e: {  	s3 =	simm.s32 @!p0 $0x1082;
	s9 =	sld [smem:$0x3FB7]  }
0x2f: {  	lr =	sadd.s32 s0, s3;
	s0 =	sld [smem:$0x3FAE]  }
0x30: {  	s3 =	sld [smem:$0x3FB1]  }
0x31: {  	[smem:$0x3FBA] =	sst s10  }
0x32: {  	s10 =	sld [smem:$0x3FB8];
	_ =	sdelay $0x3  }
0x33: {  	p0 =	seq.s32 s10, $0x1;
	s10 =	sld [smem:$0x3FBA];
	_ =	sdelay $0x3  }
0x34: {  	[smem:$0x3FBA] =	sst s10  }
0x35: {  	s10 =	sld [smem:$0x3FB9];
	_ =	sdelay $0x3  }
0x36: {  	p1 =	seq.s32 s10, $0x1;
	s10 =	sld [smem:$0x3FBA];
	_ =	sdelay $0x3  }
0x37: {  	[smem:$0x3FBA] =	sst s10  }
0x38: {  	s10 =	sld [smem:$0x3FBB]  }
0x39: {  	_ = 	snop;
	(pc) =	sbr.ind lr, $3  }
0x3a: {  	_ = 	snop  }
0x3b: {  	_ = 	snop  }
0x3c: {  	p2 =	seq.s32 s10, $0x1;
	s10 =	sld [smem:$0x3FBA]  }
0x3d: {  	_ =	shalt  }
0x3e: {  	_ =	shalt  }
0x3f: {  	_ =	shalt  }
0x40: {  	_ =	shalt  }
0x41: {  	_ =	shalt  }
0x42: {  	_ =	shalt  }
0x43: {  	_ =	shalt  }
0x44: {  	_ =	shalt  }
0x45: {  	_ =	shalt  }
0x46: {  	_ =	shalt  }
0x47: {  	_ =	shalt  }
0x48: {  	_ =	shalt  }
0x49: {  	_ =	shalt  }
0x4a: {  	_ =	shalt  }
0x4b: {  	_ =	shalt  }
0x4c: {  	_ =	shalt  }
0x4d: {  	_ =	shalt  }
0x4e: {  	_ =	shalt  }
0x4f: {  	_ =	shalt  }
0x50: {  	_ =	shalt  }
0x51: {  	_ =	shalt  }
0x52: {  	_ =	shalt  }
0x53: {  	_ =	shalt  }
0x54: {  	_ =	shalt  }
0x55: {  	_ =	shalt  }
0x56: {  	_ =	shalt  }
0x57: {  	_ =	shalt  }
0x58: {  	_ =	shalt  }
0x59: {  	_ =	shalt  }
0x5a: {  	_ =	shalt  }
0x5b: {  	_ =	shalt  }
0x5c: {  	_ =	shalt  }
0x5d: {  	_ =	shalt  }
0x5e: {  	_ =	shalt  }
0x5f: {  	_ =	shalt  }
0x60: {  	_ =	shalt  }
0x61: {  	_ =	shalt  }
0x62: {  	_ =	shalt  }
0x63: {  	_ =	shalt  }
0x64: {  	_ =	shalt  }
0x65: {  	_ =	shalt  }
0x66: {  	_ =	shalt  }
0x67: {  	_ =	shalt  }
0x68: {  	_ =	shalt  }
0x69: {  	_ =	shalt  }
0x6a: {  	_ =	shalt  }
0x6b: {  	_ =	shalt  }
0x6c: {  	_ =	shalt  }
0x6d: {  	_ =	shalt  }
0x6e: {  	_ =	shalt  }
0x6f: {  	_ =	shalt  }
0x70: {  	_ =	shalt  }
0x71: {  	_ =	shalt  }
0x72: {  	_ =	shalt  }
0x73: {  	_ =	shalt  }
0x74: {  	_ =	shalt  }
0x75: {  	_ =	shalt  }
0x76: {  	_ =	shalt  }
0x77: {  	_ =	shalt  }
0x78: {  	_ =	shalt  }
0x79: {  	_ =	shalt  }
0x7a: {  	_ =	shalt  }
0x7b: {  	_ =	shalt  }
0x7c: {  	_ =	shalt  }
0x7d: {  	_ =	shalt  }
0x7e: {  	_ =	shalt  }
0x7f: {  	_ =	shalt  }
0x80: {  	_ =	shalt  }
0x81: {  	_ =	shalt  }
0x82: {  	_ =	shalt  }
0x83: {  	_ =	shalt  }
0x84: {  	_ =	shalt  }
0x85: {  	_ =	shalt  }
0x86: {  	_ =	shalt  }
0x87: {  	_ =	shalt  }
.Lfunc_end0:
.L_simem_size_0:
called_computation.1_lowered:
.L_overlay_start_0:
0x88: {  	s2 =	sld [smem:$0x3FD9]  }
0x89: {  	s3 =	sld [smem:$0x3FFE];
	_ =	sdelay $0x1  }
0x8a: {  	s1 =	srdreg.scid  }
0x8b: {  	s0 =	sand.u32 $0x1, s1  }
0x8c: {  	s15 =	sshll.u32 s0, $0xA;
	s2 =	sadd.s32 s3, s2  }
0x8d: {  	s2 =	sadd.s32 s2, s15  }
0x8e: {  	[smem:$0x3FC6] =	sst s2  }
0x8f: {  	_ = 	snop  }
0x90: {  	s2 =	sld [smem:$0x3FD0];
	_ =	sdelay $0x2  }
0x91: {  	s16 =	simm.s32 $0xB;
	s4 =	simm.s32 $0x10  }
0x92: {  	[smem:s4], [sflag:s16] =	dma.local [hbm:s2], $0x1  }
0x93: {  	_ =	swait.eq [sflag:s16], $0x1  }
0x94: {  	[sflag:s16] =	ssyncset.done $0x0  }
0x95: {  	[sflag:s16] =	ssyncadd.s32 $0xFFFFFFFF  }
0x96: {  	s17 =	sld [smem:$0x10];
	(tm) =	ssettm $0x1  }
0x97: {  	s18 =	sld [smem:$0x3FFB];
	_ =	sdelay $0x3  }
0x98: {  	_ =	strace s18  }
0x99: {  	s2 =	sld [smem:$0x3FFC];
	_ =	sdelay $0x3  }
0x9a: {  	_ =	strace s2  }
0x9b: {  	s2 =	sld [smem:$0x3FFD];
	_ =	sdelay $0x3  }
0x9c: {  	_ =	strace s2  }
0x9d: {  	_ =	strace $0x8FFFFFFF  }
0x9e: {  	s19 =	sld [smem:$0x3FDB];
	_ =	sdelay $0x1  }
0x9f: {  	s20 =	simm.s32 $_scs_section_size  }
0xa0: {  	s5 =	simm.s32 $_size__tile_overlayer_lowered;
	s6 =	simm.s32 $_tile_overlayer_lowered  }
0xa1: {  	s7 =	simm.s32 $0x1BFF;
	s21 =	sshll.u32 s6, $0x1;
	s4 =	sadd.s32 s20, s19  }
0xa2: {  	s22 =	simm.s32 $0x0;
	s5 =	sshll.u32 s5, $0x1;
	s6 =	sadd.s32 s21, s4  }
0xa3: {  	[timem:s22], [sflag:s7] =	dma.local [hbm:s6], s5  }
0xa4: {  	_ =	swait.ge [sflag:s7], s5  }
0xa5: {  	s5 =	ssub.s32 $0x0, s5;
	[sflag:s7] =	ssyncset.done $0x0  }
0xa6: {  	[sflag:s7] =	ssyncadd.s32 s5;
	_ =	sdelay $0x1  }
0xa7: {  	s23 =	simm.s32 $0x1B8B  }
0xa8: {  	_ =	swait.ge [sflag:s23], $0x1  }
0xa9: {  	[sflag:s23] =	ssyncset.done $0x0  }
0xaa: {  	[sflag:s23] =	ssyncadd.s32 $0xFFFFFFFF  }
0xab: {  	s5 =	sld [smem:$0x0]  }
0xac: {  	s6 =	sand.u32 $0xFFFFFFFE, s1  }
0xad: {  	p0 =	sne.s32 s1, s6  }
0xae: {  	s6 =	sshll.u32 @p0 s6, $0xE  }
0xaf: {  	s6 =	sadd.s32 @p0 $0x11B8D, s6;
	s7 =	sshll.u32 @p0 s5, $0x11  }
0xb0: {  	s6 =	sor.u32 @p0 s7, s6  }
0xb1: {  	[sflag:s6] =	ssyncadd.remote.s32 @p0 $0x1;
	_ =	sdelay $0x1  }
0xb2: {  	s6 =	simm.s32 @p0 $0x1B8D  }
0xb3: {  	_ =	swait.eq @p0 [sflag:s6], $0x1  }
0xb4: {  	[sflag:s6] =	ssyncadd.s32 @p0 $0xFFFFFFFF  }
0xb5: {  	s7 =	sshll.u32 @!p0 s1, $0xE  }
0xb6: {  	s7 =	sor.u32 @!p0 $0x4000, s7;
	s6 =	simm.s32 @!p0 $0x1B8D  }
0xb7: {  	s5 =	sshll.u32 @!p0 s5, $0x11;
	s7 =	sadd.s32 @!p0 $0x11B8D, s7;
	_ =	swait.eq @!p0 [sflag:s6], $0x1  }
0xb8: {  	s5 =	sor.u32 @!p0 s5, s7;
	[sflag:s6] =	ssyncadd.s32 @!p0 $0xFFFFFFFF  }
0xb9: {  	s25 =	simm.s32 $0x1B8E;
	s24 =	sld [smem:$0x3FFE];
	[sflag:s5] =	ssyncadd.remote.s32 @!p0 $0x1  }
0xba: {  	s26 =	simm.s32 $execute0_lowered;
	[smem:$0x3FD2] =	sst s25  }
0xbb: {  	s6 =	sshll.u32 s26, $0x1;
	_ =	strace $0x80000049;
	[dreg:$0x1] =	wrdreg $0xFFFFFFFF  }
0xbc: {  	s28 =	simm.s32 $_size_execute0_lowered;
	s4 =	sadd.s32 s4, s6;
	[dreg:$0x0] =	wrdreg $0x0  }
0xbd: {  	s6 =	sshll.u32 s28, $0x1;
	[dreg:$0x2] =	wrdreg s4  }
0xbe: {  	[dreg:$0x3] =	wrdreg s6  }
0xbf: {  	[dreg:$0x4] =	wrdreg $0xC0  }
0xc0: {  	_ =	task [dreg:s22], $0x5FFFF  }
0xc1: {  	[dreg:$0x1] =	wrdreg $0xFFFFFFFF  }
0xc2: {  	[dreg:$0x0] =	wrdreg $0x60  }
0xc3: {  	[dreg:$0x2] =	wrdreg s24  }
0xc4: {  	[dreg:$0x3] =	wrdreg s17  }
0xc5: {  	[dreg:$0x4] =	wrdreg $0xA  }
0xc6: {  	_ =	task.clear_ibuf [dreg:s22], $0x5FFFF;
	_ =	strace $0x90000049  }
0xc7: {  	s29 =	simm.s32 $0xA;
	_ =	strace $0x8000004B  }
0xc8: {  	_ =	swait.ge [sflag:s29], $0x1  }
0xc9: {  	[sflag:s29] =	ssyncadd.s32 $0xFFFFFFFF  }
0xca: {  	_ =	strace $0x9000004B  }
0xcb: {  	_ =	sfence  }
0xcc: {  	s30 =	sld [smem:$0x0];
	_ =	sdelay $0x2  }
0xcd: {  	s31 =	sshll.u32 s1, $0xD;
	s1 =	sshrl.u32 s1, $0x2  }
0xce: {  	s4 =	sand.u32 $0x4000, s31;
	s1 =	sadd.s32 s1, s30  }
0xcf: {  	s0 =	sor.u32 s4, s0;
	s1 =	sshll.u32 s1, $0x11  }
0xd0: {  	s0 =	sor.u32 s1, s0  }
0xd1: {  	s0 =	sadd.s32 $0x8F2B, s0  }
0xd2: {  	[sflag:s0] =	ssyncadd.remote.s32 $0x1  }
0xd3: {  	_ =	sfence.sel $0xFFFF  }
0xd4: {  	[dreg:$0x0] =	wrdreg $0xFFFFFFFF;
	(pc) =	sbr.abs _section_cstart, $3  }
0xd5: {  	[dreg:$0x1] =	wrdreg $0xFFFFFFFF  }
0xd6: {  	_ =	task.clear_ibuf [dreg:s22], $0x2FFFF;
	_ =	strace $0x9FFFFFFF  }
0xd7: {  	(tm) =	ssettm $0x7FFFFFFF  }
tec
execute0_lowered:
.L_overlay_start_1:
0x0: {  	(tag) =	ssettag $0x1  }
0x1: {  	s1 =	srdreg.scid;
	s0 =	stileid.u32  }
0x2: {  	s5 =	rddreg [dreg:$0x0];
	s1 =	sand.u32 $0x1, s1;
	s2 =	sshll.u32 s0, $0x1  }
0x3: {  	s3 =	rddreg [dreg:$0x1];
	s7 =	sshll.u32 s0, $0xE;
	s4 =	sor.u32 s1, s2  }
0x4: {  	s2 =	simm.s32 $0x0;
	s6 =	sshll.u32 s4, $0xD;
	s4 =	sshll.u32 s4, $0x8  }
0x5: {  	s7 =	sand.u32 $0x30000, s7;
	s6 =	sand.u32 $0xE000, s6;
	s4 =	sadd.s32 s4, s5  }
0x6: {  	[smem:$0x7FF] =	sst s2;
	s6 =	sor.u32 s7, s6;
	s4 =	sadd.s32 $0x46400, s4  }
0x7: {  	_ =	strace $0x8000004A;
	s3 =	sadd.s32 s3, s6;
	[dreg:$0x3] =	wrdreg s4  }
0x8: {  	s15 =	sadd.s32 $0x200, s3;
	s25 =	rddreg [dreg:$0x3]  }
0x9: {  	s16 =	sadd.s32 $0x400, s3;
	[dreg:$0x4] =	wrdreg s15  }
0xa: {  	s17 =	sadd.s32 $0x600, s3;
	[dreg:$0x5] =	wrdreg s16  }
0xb: {  	s18 =	sadd.s32 $0x800, s3;
	[dreg:$0x6] =	wrdreg s17  }
0xc: {  	s19 =	sadd.s32 $0xA00, s3;
	[dreg:$0x7] =	wrdreg s18  }
0xd: {  	s20 =	sadd.s32 $0xC00, s3;
	[dreg:$0x8] =	wrdreg s19  }
0xe: {  	s21 =	sadd.s32 $0xE00, s3;
	[dreg:$0x9] =	wrdreg s20  }
0xf: {  	s22 =	sadd.s32 $0x1000, s3;
	[dreg:$0xa] =	wrdreg s21  }
0x10: {  	s23 =	sadd.s32 $0x1200, s3;
	[dreg:$0xb] =	wrdreg s22  }
0x11: {  	s24 =	sadd.s32 $0x1400, s3;
	[dreg:$0xc] =	wrdreg s23  }
0x12: {  	s26 =	sadd.s32 $0x1600, s3;
	[dreg:$0xd] =	wrdreg s24  }
0x13: {  	s4 =	simm.s32 $0x5;
	[dreg:$0xe] =	wrdreg s26  }
0x14: {  	[tilespmem:s2], [sflag:$0x5] =	stream.linear.gather [hbm4b:s25+s2], $0x800, $0x38;
	[tilespmem:$0x2800] =	vst v63  }
0x15: {  	_ =	swait.ge [sflag:s4], $0x800  }
0x16: {  	s5 =	sadd.s32 $0x400, s5;
	[sflag:s4] =	ssyncset.done $0x0  }
0x17: {  	s7 =	simm.s32 $0x800;
	s6 =	simm.s32 $0x80;
	[sflag:s4] =	ssyncadd.s32 $0xFFFFF800  }
0x18: {  	[tilespmem:s7], [sflag:$0x1] =	stream.indirect.gather [hbm4b:s5+s6], $0x20, s2, s6, $0xb8;
	[tilespmem:$0x2800] =	vst v63  }
0x19: {  	s8 =	simm.s32 $0x1800;
	s9 =	simm.s32 $0x1  }
0x1a: {  	[tilespmem:s8], [sflag:$0x2] =	stream.indirect.gather [hbm4b:s5+s6], $0x20, s6, s6, $0xb8;
	[tilespmem:$0x2800] =	vst v63  }
0x1b: {  	_ =	swait.ge [sflag:s9], $0x1000  }
0x1c: {  	[sflag:s9] =	ssyncset.done $0x0  }
0x1d: {  	s10 =	simm.s32 $0x3;
	[sflag:s9] =	ssyncadd.s32 $0xFFFFF000  }
0x1e: {  	[hbm4b:s3+s2] =	stream.linear.scatter [tilespmem:s7], [sflag:$0x3], $0x1000, $0x38;
	[tilespmem:$0x2800] =	vst v63  }
0x1f: {  	_ =	swait.ge [sflag:s10], $0x1000  }
0x20: {  	[sflag:s10] =	ssyncset.done $0x0  }
0x21: {  	s11 =	simm.s32 $0x100;
	s12 =	simm.s32 $0x2;
	[sflag:s10] =	ssyncadd.s32 $0xFFFFF000  }
0x22: {  	[tilespmem:s7], [sflag:$0x1] =	stream.indirect.gather [hbm4b:s5+s6], $0x20, s11, s6, $0xb8;
	[tilespmem:$0x2800] =	vst v63  }
0x23: {  	_ =	swait.ge [sflag:s12], $0x1000  }
0x24: {  	[sflag:s12] =	ssyncset.done $0x0  }
0x25: {  	s13 =	simm.s32 $0x4;
	s14 =	rddreg [dreg:$0x4];
	[sflag:s12] =	ssyncadd.s32 $0xFFFFF000  }
0x26: {  	[hbm4b:s14+s2] =	stream.linear.scatter [tilespmem:s8], [sflag:$0x4], $0x1000, $0x38;
	[tilespmem:$0x2800] =	vst v63  }
0x27: {  	_ =	swait.ge [sflag:s13], $0x1000  }
0x28: {  	[sflag:s13] =	ssyncset.done $0x0  }
0x29: {  	s14 =	simm.s32 $0x180;
	[sflag:s13] =	ssyncadd.s32 $0xFFFFF000  }
0x2a: {  	[tilespmem:s8], [sflag:$0x2] =	stream.indirect.gather [hbm4b:s5+s6], $0x20, s14, s6, $0xb8;
	[tilespmem:$0x2800] =	vst v63  }
0x2b: {  	_ =	swait.ge [sflag:s9], $0x1000  }
0x2c: {  	[sflag:s9] =	ssyncset.done $0x0  }
0x2d: {  	s15 =	rddreg [dreg:$0x5];
	[sflag:s9] =	ssyncadd.s32 $0xFFFFF000  }
0x2e: {  	[hbm4b:s15+s2] =	stream.linear.scatter [tilespmem:s7], [sflag:$0x3], $0x1000, $0x38;
	[tilespmem:$0x2800] =	vst v63  }
0x2f: {  	_ =	swait.ge [sflag:s10], $0x1000  }
0x30: {  	[sflag:s10] =	ssyncset.done $0x0  }
0x31: {  	s15 =	simm.s32 $0x200;
	[sflag:s10] =	ssyncadd.s32 $0xFFFFF000  }
0x32: {  	[tilespmem:s7], [sflag:$0x1] =	stream.indirect.gather [hbm4b:s5+s6], $0x20, s15, s6, $0xb8;
	[tilespmem:$0x2800] =	vst v63  }
0x33: {  	_ =	swait.ge [sflag:s12], $0x1000  }
0x34: {  	[sflag:s12] =	ssyncset.done $0x0  }
0x35: {  	s16 =	rddreg [dreg:$0x6];
	[sflag:s12] =	ssyncadd.s32 $0xFFFFF000  }
0x36: {  	[hbm4b:s16+s2] =	stream.linear.scatter [tilespmem:s8], [sflag:$0x4], $0x1000, $0x38;
	[tilespmem:$0x2800] =	vst v63  }
0x37: {  	_ =	swait.ge [sflag:s13], $0x1000  }
0x38: {  	[sflag:s13] =	ssyncset.done $0x0  }
0x39: {  	s16 =	simm.s32 $0x280;
	[sflag:s13] =	ssyncadd.s32 $0xFFFFF000  }
0x3a: {  	[tilespmem:s8], [sflag:$0x2] =	stream.indirect.gather [hbm4b:s5+s6], $0x20, s16, s6, $0xb8;
	[tilespmem:$0x2800] =	vst v63  }
0x3b: {  	_ =	swait.ge [sflag:s9], $0x1000  }
0x3c: {  	[sflag:s9] =	ssyncset.done $0x0  }
0x3d: {  	s17 =	rddreg [dreg:$0x7];
	[sflag:s9] =	ssyncadd.s32 $0xFFFFF000  }
0x3e: {  	[hbm4b:s17+s2] =	stream.linear.scatter [tilespmem:s7], [sflag:$0x3], $0x1000, $0x38;
	[tilespmem:$0x2800] =	vst v63  }
0x3f: {  	_ =	swait.ge [sflag:s10], $0x1000  }
0x40: {  	[sflag:s10] =	ssyncset.done $0x0  }
0x41: {  	s17 =	simm.s32 $0x300;
	[sflag:s10] =	ssyncadd.s32 $0xFFFFF000  }
0x42: {  	[tilespmem:s7], [sflag:$0x1] =	stream.indirect.gather [hbm4b:s5+s6], $0x20, s17, s6, $0xb8;
	[tilespmem:$0x2800] =	vst v63  }
0x43: {  	_ =	swait.ge [sflag:s12], $0x1000  }
0x44: {  	[sflag:s12] =	ssyncset.done $0x0  }
0x45: {  	s18 =	rddreg [dreg:$0x8];
	[sflag:s12] =	ssyncadd.s32 $0xFFFFF000  }
0x46: {  	[hbm4b:s18+s2] =	stream.linear.scatter [tilespmem:s8], [sflag:$0x4], $0x1000, $0x38;
	[tilespmem:$0x2800] =	vst v63  }
0x47: {  	_ =	swait.ge [sflag:s13], $0x1000  }
0x48: {  	[sflag:s13] =	ssyncset.done $0x0  }
0x49: {  	s18 =	simm.s32 $0x380;
	[sflag:s13] =	ssyncadd.s32 $0xFFFFF000  }
0x4a: {  	[tilespmem:s8], [sflag:$0x2] =	stream.indirect.gather [hbm4b:s5+s6], $0x20, s18, s6, $0xb8;
	[tilespmem:$0x2800] =	vst v63  }
0x4b: {  	_ =	swait.ge [sflag:s9], $0x1000  }
0x4c: {  	[sflag:s9] =	ssyncset.done $0x0  }
0x4d: {  	s19 =	rddreg [dreg:$0x9];
	[sflag:s9] =	ssyncadd.s32 $0xFFFFF000  }
0x4e: {  	[hbm4b:s19+s2] =	stream.linear.scatter [tilespmem:s7], [sflag:$0x3], $0x1000, $0x38;
	[tilespmem:$0x2800] =	vst v63  }
0x4f: {  	_ =	swait.ge [sflag:s10], $0x1000  }
0x50: {  	[sflag:s10] =	ssyncset.done $0x0  }
0x51: {  	s19 =	simm.s32 $0x400;
	[sflag:s10] =	ssyncadd.s32 $0xFFFFF000  }
0x52: {  	[tilespmem:s7], [sflag:$0x1] =	stream.indirect.gather [hbm4b:s5+s6], $0x20, s19, s6, $0xb8;
	[tilespmem:$0x2800] =	vst v63  }
0x53: {  	_ =	swait.ge [sflag:s12], $0x1000  }
0x54: {  	[sflag:s12] =	ssyncset.done $0x0  }
0x55: {  	s20 =	rddreg [dreg:$0xa];
	[sflag:s12] =	ssyncadd.s32 $0xFFFFF000  }
0x56: {  	[hbm4b:s20+s2] =	stream.linear.scatter [tilespmem:s8], [sflag:$0x4], $0x1000, $0x38;
	[tilespmem:$0x2800] =	vst v63  }
0x57: {  	_ =	swait.ge [sflag:s13], $0x1000  }
0x58: {  	[sflag:s13] =	ssyncset.done $0x0  }
0x59: {  	s20 =	simm.s32 $0x480;
	[sflag:s13] =	ssyncadd.s32 $0xFFFFF000  }
0x5a: {  	[tilespmem:s8], [sflag:$0x2] =	stream.indirect.gather [hbm4b:s5+s6], $0x20, s20, s6, $0xb8;
	[tilespmem:$0x2800] =	vst v63  }
0x5b: {  	_ =	swait.ge [sflag:s9], $0x1000  }
0x5c: {  	[sflag:s9] =	ssyncset.done $0x0  }
0x5d: {  	s21 =	rddreg [dreg:$0xb];
	[sflag:s9] =	ssyncadd.s32 $0xFFFFF000  }
0x5e: {  	[hbm4b:s21+s2] =	stream.linear.scatter [tilespmem:s7], [sflag:$0x3], $0x1000, $0x38;
	[tilespmem:$0x2800] =	vst v63  }
0x5f: {  	_ =	swait.ge [sflag:s10], $0x1000  }
0x60: {  	[sflag:s10] =	ssyncset.done $0x0  }
0x61: {  	s21 =	simm.s32 $0x500;
	[sflag:s10] =	ssyncadd.s32 $0xFFFFF000  }
0x62: {  	[tilespmem:s7], [sflag:$0x1] =	stream.indirect.gather [hbm4b:s5+s6], $0x20, s21, s6, $0xb8;
	[tilespmem:$0x2800] =	vst v63  }
0x63: {  	_ =	swait.ge [sflag:s12], $0x1000  }
0x64: {  	[sflag:s12] =	ssyncset.done $0x0  }
0x65: {  	s22 =	rddreg [dreg:$0xc];
	[sflag:s12] =	ssyncadd.s32 $0xFFFFF000  }
0x66: {  	[hbm4b:s22+s2] =	stream.linear.scatter [tilespmem:s8], [sflag:$0x4], $0x1000, $0x38;
	[tilespmem:$0x2800] =	vst v63  }
0x67: {  	_ =	swait.ge [sflag:s13], $0x1000  }
0x68: {  	[sflag:s13] =	ssyncset.done $0x0  }
0x69: {  	s22 =	simm.s32 $0x580;
	[sflag:s13] =	ssyncadd.s32 $0xFFFFF000  }
0x6a: {  	[tilespmem:s8], [sflag:$0x2] =	stream.indirect.gather [hbm4b:s5+s6], $0x20, s22, s6, $0xb8;
	[tilespmem:$0x2800] =	vst v63  }
0x6b: {  	_ =	swait.ge [sflag:s9], $0x1000  }
0x6c: {  	[sflag:s9] =	ssyncset.done $0x0  }
0x6d: {  	s23 =	rddreg [dreg:$0xd];
	[sflag:s9] =	ssyncadd.s32 $0xFFFFF000  }
0x6e: {  	[hbm4b:s23+s2] =	stream.linear.scatter [tilespmem:s7], [sflag:$0x3], $0x1000, $0x38;
	[tilespmem:$0x2800] =	vst v63  }
0x6f: {  	_ =	swait.ge [sflag:s10], $0x1000  }
0x70: {  	[sflag:s10] =	ssyncset.done $0x0  }
0x71: {  	s23 =	simm.s32 $0x600;
	[sflag:s10] =	ssyncadd.s32 $0xFFFFF000  }
0x72: {  	[tilespmem:s7], [sflag:$0x1] =	stream.indirect.gather [hbm4b:s5+s6], $0x20, s23, s6, $0xb8;
	[tilespmem:$0x2800] =	vst v63  }
0x73: {  	_ =	swait.ge [sflag:s12], $0x1000  }
0x74: {  	[sflag:s12] =	ssyncset.done $0x0  }
0x75: {  	s24 =	rddreg [dreg:$0xe];
	[sflag:s12] =	ssyncadd.s32 $0xFFFFF000  }
0x76: {  	[hbm4b:s24+s2] =	stream.linear.scatter [tilespmem:s8], [sflag:$0x4], $0x1000, $0x38;
	[tilespmem:$0x2800] =	vst v63  }
0x77: {  	_ =	swait.ge [sflag:s13], $0x1000  }
0x78: {  	[sflag:s13] =	ssyncset.done $0x0  }
0x79: {  	s24 =	simm.s32 $0x680;
	[sflag:s13] =	ssyncadd.s32 $0xFFFFF000  }
0x7a: {  	[tilespmem:s8], [sflag:$0x2] =	stream.indirect.gather [hbm4b:s5+s6], $0x20, s24, s6, $0xb8;
	[tilespmem:$0x2800] =	vst v63  }
0x7b: {  	_ =	swait.ge [sflag:s9], $0x1000  }
0x7c: {  	[sflag:s9] =	ssyncset.done $0x0  }
0x7d: {  	s25 =	sadd.s32 $0x1800, s3;
	[sflag:s9] =	ssyncadd.s32 $0xFFFFF000  }
0x7e: {  	[hbm4b:s25+s2] =	stream.linear.scatter [tilespmem:s7], [sflag:$0x3], $0x1000, $0x38;
	[tilespmem:$0x2800] =	vst v63  }
0x7f: {  	_ =	swait.ge [sflag:s10], $0x1000  }
0x80: {  	[sflag:s10] =	ssyncset.done $0x0  }
0x81: {  	s26 =	simm.s32 $0x700;
	[sflag:s10] =	ssyncadd.s32 $0xFFFFF000  }
0x82: {  	[tilespmem:s7], [sflag:$0x1] =	stream.indirect.gather [hbm4b:s5+s6], $0x20, s26, s6, $0xb8;
	[tilespmem:$0x2800] =	vst v63  }
0x83: {  	_ =	swait.ge [sflag:s12], $0x1000  }
0x84: {  	[sflag:s12] =	ssyncset.done $0x0  }
0x85: {  	s28 =	sadd.s32 $0x1A00, s3;
	[sflag:s12] =	ssyncadd.s32 $0xFFFFF000  }
0x86: {  	[hbm4b:s28+s2] =	stream.linear.scatter [tilespmem:s8], [sflag:$0x4], $0x1000, $0x38;
	[tilespmem:$0x2800] =	vst v63  }
0x87: {  	_ =	swait.ge [sflag:s13], $0x1000  }
0x88: {  	[sflag:s13] =	ssyncset.done $0x0  }
0x89: {  	s29 =	simm.s32 $0x780;
	[sflag:s13] =	ssyncadd.s32 $0xFFFFF000  }
0x8a: {  	[tilespmem:s8], [sflag:$0x2] =	stream.indirect.gather [hbm4b:s5+s6], $0x20, s29, s6, $0xb8;
	[tilespmem:$0x2800] =	vst v63  }
0x8b: {  	_ =	swait.ge [sflag:s9], $0x1000  }
0x8c: {  	s1 =	ssub.s32 $0x2, s1;
	[sflag:s9] =	ssyncset.done $0x0  }
0x8d: {  	s0 =	sshrl.u32 s1, $0x1;
	s30 =	sadd.s32 $0x1C00, s3;
	[sflag:s9] =	ssyncadd.s32 $0xFFFFF000  }
0x8e: {  	[hbm4b:s30+s2] =	stream.linear.scatter [tilespmem:s7], [sflag:$0x3], $0x1000, $0x38;
	[tilespmem:$0x2800] =	vst v63  }
0x8f: {  	s0 =	ssub.s32 s1, s0;
	_ =	swait.ge [sflag:s12], $0x1000  }
0x90: {  	s0 =	smax.u32 s0, $0x1;
	[sflag:s12] =	ssyncset.done $0x0  }
0x91: {  	p0 =	sne.s32 s0, $0x1;
	s31 =	sadd.s32 $0x1E00, s3;
	[sflag:s12] =	ssyncadd.s32 $0xFFFFF000  }
0x92: {  	[hbm4b:s31+s2] =	stream.linear.scatter [tilespmem:s8], [sflag:$0x4], $0x1000, $0x38;
	[tilespmem:$0x2800] =	vst v63  }
.Ltmp0:
0x93: {  	_ =	swait.ge [sflag:s10], $0x1000;
	(pc) =	sbr.rel @!p0 .LBB2_2-.Ltmp0, $4  }
0x94: {  	[sflag:s10] =	ssyncset.done $0x0  }
0x95: {  	[sflag:s10] =	ssyncadd.s32 $0xFFFFF000  }
0x96: {  	_ =	swait.ge [sflag:s13], $0x1000  }
0x97: {  	s1 =	sadd.s32 $0xFFFFFFFF, s0;
	[sflag:s13] =	ssyncset.done $0x0  }
.LBB2_1:
0x98: {  	s0 =	rddreg [dreg:$0x3];
	[sflag:s13] =	ssyncadd.s32 $0xFFFFF000  }
0x99: {  	[tilespmem:s2], [sflag:$0x5] =	stream.linear.gather [hbm4b:s0+s2], $0x800, $0x38;
	[tilespmem:$0x2800] =	vst v63  }
0x9a: {  	_ =	swait.ge [sflag:s4], $0x800  }
0x9b: {  	[sflag:s4] =	ssyncset.done $0x0  }
0x9c: {  	[sflag:s4] =	ssyncadd.s32 $0xFFFFF800  }
0x9d: {  	[tilespmem:s7], [sflag:$0x1] =	stream.indirect.gather [hbm4b:s5+s6], $0x20, s2, s6, $0xb8;
	[tilespmem:$0x2800] =	vst v63  }
0x9e: {  	_ = 	snop  }
0x9f: {  	[tilespmem:s8], [sflag:$0x2] =	stream.indirect.gather [hbm4b:s5+s6], $0x20, s6, s6, $0xb8;
	[tilespmem:$0x2800] =	vst v63  }
0xa0: {  	_ =	swait.ge [sflag:s9], $0x1000  }
0xa1: {  	[sflag:s9] =	ssyncset.done $0x0  }
0xa2: {  	[sflag:s9] =	ssyncadd.s32 $0xFFFFF000  }
0xa3: {  	[hbm4b:s3+s2] =	stream.linear.scatter [tilespmem:s7], [sflag:$0x3], $0x1000, $0x38;
	[tilespmem:$0x2800] =	vst v63  }
0xa4: {  	_ =	swait.ge [sflag:s10], $0x1000  }
0xa5: {  	[sflag:s10] =	ssyncset.done $0x0  }
0xa6: {  	[sflag:s10] =	ssyncadd.s32 $0xFFFFF000  }
0xa7: {  	[tilespmem:s7], [sflag:$0x1] =	stream.indirect.gather [hbm4b:s5+s6], $0x20, s11, s6, $0xb8;
	[tilespmem:$0x2800] =	vst v63  }
0xa8: {  	_ =	swait.ge [sflag:s12], $0x1000  }
0xa9: {  	[sflag:s12] =	ssyncset.done $0x0  }
0xaa: {  	s0 =	rddreg [dreg:$0x4];
	[sflag:s12] =	ssyncadd.s32 $0xFFFFF000  }
0xab: {  	[hbm4b:s0+s2] =	stream.linear.scatter [tilespmem:s8], [sflag:$0x4], $0x1000, $0x38;
	[tilespmem:$0x2800] =	vst v63  }
0xac: {  	_ =	swait.ge [sflag:s13], $0x1000  }
0xad: {  	[sflag:s13] =	ssyncset.done $0x0  }
0xae: {  	[sflag:s13] =	ssyncadd.s32 $0xFFFFF000  }
0xaf: {  	[tilespmem:s8], [sflag:$0x2] =	stream.indirect.gather [hbm4b:s5+s6], $0x20, s14, s6, $0xb8;
	[tilespmem:$0x2800] =	vst v63  }
0xb0: {  	_ =	swait.ge [sflag:s9], $0x1000  }
0xb1: {  	[sflag:s9] =	ssyncset.done $0x0  }
0xb2: {  	s0 =	rddreg [dreg:$0x5];
	[sflag:s9] =	ssyncadd.s32 $0xFFFFF000  }
0xb3: {  	[hbm4b:s0+s2] =	stream.linear.scatter [tilespmem:s7], [sflag:$0x3], $0x1000, $0x38;
	[tilespmem:$0x2800] =	vst v63  }
0xb4: {  	_ =	swait.ge [sflag:s10], $0x1000  }
0xb5: {  	[sflag:s10] =	ssyncset.done $0x0  }
0xb6: {  	[sflag:s10] =	ssyncadd.s32 $0xFFFFF000  }
0xb7: {  	[tilespmem:s7], [sflag:$0x1] =	stream.indirect.gather [hbm4b:s5+s6], $0x20, s15, s6, $0xb8;
	[tilespmem:$0x2800] =	vst v63  }
0xb8: {  	_ =	swait.ge [sflag:s12], $0x1000  }
0xb9: {  	[sflag:s12] =	ssyncset.done $0x0  }
0xba: {  	s0 =	rddreg [dreg:$0x6];
	[sflag:s12] =	ssyncadd.s32 $0xFFFFF000  }
0xbb: {  	[hbm4b:s0+s2] =	stream.linear.scatter [tilespmem:s8], [sflag:$0x4], $0x1000, $0x38;
	[tilespmem:$0x2800] =	vst v63  }
0xbc: {  	_ =	swait.ge [sflag:s13], $0x1000  }
0xbd: {  	[sflag:s13] =	ssyncset.done $0x0  }
0xbe: {  	[sflag:s13] =	ssyncadd.s32 $0xFFFFF000  }
0xbf: {  	[tilespmem:s8], [sflag:$0x2] =	stream.indirect.gather [hbm4b:s5+s6], $0x20, s16, s6, $0xb8;
	[tilespmem:$0x2800] =	vst v63  }
0xc0: {  	_ =	swait.ge [sflag:s9], $0x1000  }
0xc1: {  	[sflag:s9] =	ssyncset.done $0x0  }
0xc2: {  	s0 =	rddreg [dreg:$0x7];
	[sflag:s9] =	ssyncadd.s32 $0xFFFFF000  }
0xc3: {  	[hbm4b:s0+s2] =	stream.linear.scatter [tilespmem:s7], [sflag:$0x3], $0x1000, $0x38;
	[tilespmem:$0x2800] =	vst v63  }
0xc4: {  	_ =	swait.ge [sflag:s10], $0x1000  }
0xc5: {  	[sflag:s10] =	ssyncset.done $0x0  }
0xc6: {  	[sflag:s10] =	ssyncadd.s32 $0xFFFFF000  }
0xc7: {  	[tilespmem:s7], [sflag:$0x1] =	stream.indirect.gather [hbm4b:s5+s6], $0x20, s17, s6, $0xb8;
	[tilespmem:$0x2800] =	vst v63  }
0xc8: {  	_ =	swait.ge [sflag:s12], $0x1000  }
0xc9: {  	[sflag:s12] =	ssyncset.done $0x0  }
0xca: {  	s0 =	rddreg [dreg:$0x8];
	[sflag:s12] =	ssyncadd.s32 $0xFFFFF000  }
0xcb: {  	[hbm4b:s0+s2] =	stream.linear.scatter [tilespmem:s8], [sflag:$0x4], $0x1000, $0x38;
	[tilespmem:$0x2800] =	vst v63  }
0xcc: {  	_ =	swait.ge [sflag:s13], $0x1000  }
0xcd: {  	[sflag:s13] =	ssyncset.done $0x0  }
0xce: {  	[sflag:s13] =	ssyncadd.s32 $0xFFFFF000  }
0xcf: {  	[tilespmem:s8], [sflag:$0x2] =	stream.indirect.gather [hbm4b:s5+s6], $0x20, s18, s6, $0xb8;
	[tilespmem:$0x2800] =	vst v63  }
0xd0: {  	_ =	swait.ge [sflag:s9], $0x1000  }
0xd1: {  	[sflag:s9] =	ssyncset.done $0x0  }
0xd2: {  	s0 =	rddreg [dreg:$0x9];
	[sflag:s9] =	ssyncadd.s32 $0xFFFFF000  }
0xd3: {  	[hbm4b:s0+s2] =	stream.linear.scatter [tilespmem:s7], [sflag:$0x3], $0x1000, $0x38;
	[tilespmem:$0x2800] =	vst v63  }
0xd4: {  	_ =	swait.ge [sflag:s10], $0x1000  }
0xd5: {  	[sflag:s10] =	ssyncset.done $0x0  }
0xd6: {  	[sflag:s10] =	ssyncadd.s32 $0xFFFFF000  }
0xd7: {  	[tilespmem:s7], [sflag:$0x1] =	stream.indirect.gather [hbm4b:s5+s6], $0x20, s19, s6, $0xb8;
	[tilespmem:$0x2800] =	vst v63  }
0xd8: {  	_ =	swait.ge [sflag:s12], $0x1000  }
0xd9: {  	[sflag:s12] =	ssyncset.done $0x0  }
0xda: {  	s0 =	rddreg [dreg:$0xa];
	[sflag:s12] =	ssyncadd.s32 $0xFFFFF000  }
0xdb: {  	[hbm4b:s0+s2] =	stream.linear.scatter [tilespmem:s8], [sflag:$0x4], $0x1000, $0x38;
	[tilespmem:$0x2800] =	vst v63  }
0xdc: {  	_ =	swait.ge [sflag:s13], $0x1000  }
0xdd: {  	[sflag:s13] =	ssyncset.done $0x0  }
0xde: {  	[sflag:s13] =	ssyncadd.s32 $0xFFFFF000  }
0xdf: {  	[tilespmem:s8], [sflag:$0x2] =	stream.indirect.gather [hbm4b:s5+s6], $0x20, s20, s6, $0xb8;
	[tilespmem:$0x2800] =	vst v63  }
0xe0: {  	_ =	swait.ge [sflag:s9], $0x1000  }
0xe1: {  	[sflag:s9] =	ssyncset.done $0x0  }
0xe2: {  	s0 =	rddreg [dreg:$0xb];
	[sflag:s9] =	ssyncadd.s32 $0xFFFFF000  }
0xe3: {  	[hbm4b:s0+s2] =	stream.linear.scatter [tilespmem:s7], [sflag:$0x3], $0x1000, $0x38;
	[tilespmem:$0x2800] =	vst v63  }
0xe4: {  	_ =	swait.ge [sflag:s10], $0x1000  }
0xe5: {  	[sflag:s10] =	ssyncset.done $0x0  }
0xe6: {  	[sflag:s10] =	ssyncadd.s32 $0xFFFFF000  }
0xe7: {  	[tilespmem:s7], [sflag:$0x1] =	stream.indirect.gather [hbm4b:s5+s6], $0x20, s21, s6, $0xb8;
	[tilespmem:$0x2800] =	vst v63  }
0xe8: {  	_ =	swait.ge [sflag:s12], $0x1000  }
0xe9: {  	[sflag:s12] =	ssyncset.done $0x0  }
0xea: {  	s0 =	rddreg [dreg:$0xc];
	[sflag:s12] =	ssyncadd.s32 $0xFFFFF000  }
0xeb: {  	[hbm4b:s0+s2] =	stream.linear.scatter [tilespmem:s8], [sflag:$0x4], $0x1000, $0x38;
	[tilespmem:$0x2800] =	vst v63  }
0xec: {  	_ =	swait.ge [sflag:s13], $0x1000  }
0xed: {  	[sflag:s13] =	ssyncset.done $0x0  }
0xee: {  	[sflag:s13] =	ssyncadd.s32 $0xFFFFF000  }
0xef: {  	[tilespmem:s8], [sflag:$0x2] =	stream.indirect.gather [hbm4b:s5+s6], $0x20, s22, s6, $0xb8;
	[tilespmem:$0x2800] =	vst v63  }
0xf0: {  	_ =	swait.ge [sflag:s9], $0x1000  }
0xf1: {  	[sflag:s9] =	ssyncset.done $0x0  }
0xf2: {  	s0 =	rddreg [dreg:$0xd];
	[sflag:s9] =	ssyncadd.s32 $0xFFFFF000  }
0xf3: {  	[hbm4b:s0+s2] =	stream.linear.scatter [tilespmem:s7], [sflag:$0x3], $0x1000, $0x38;
	[tilespmem:$0x2800] =	vst v63  }
0xf4: {  	_ =	swait.ge [sflag:s10], $0x1000  }
0xf5: {  	[sflag:s10] =	ssyncset.done $0x0  }
0xf6: {  	[sflag:s10] =	ssyncadd.s32 $0xFFFFF000  }
0xf7: {  	[tilespmem:s7], [sflag:$0x1] =	stream.indirect.gather [hbm4b:s5+s6], $0x20, s23, s6, $0xb8;
	[tilespmem:$0x2800] =	vst v63  }
0xf8: {  	_ =	swait.ge [sflag:s12], $0x1000  }
0xf9: {  	[sflag:s12] =	ssyncset.done $0x0  }
0xfa: {  	s0 =	rddreg [dreg:$0xe];
	[sflag:s12] =	ssyncadd.s32 $0xFFFFF000  }
0xfb: {  	[hbm4b:s0+s2] =	stream.linear.scatter [tilespmem:s8], [sflag:$0x4], $0x1000, $0x38;
	[tilespmem:$0x2800] =	vst v63  }
0xfc: {  	_ =	swait.ge [sflag:s13], $0x1000  }
0xfd: {  	[sflag:s13] =	ssyncset.done $0x0  }
0xfe: {  	[sflag:s13] =	ssyncadd.s32 $0xFFFFF000  }
0xff: {  	[tilespmem:s8], [sflag:$0x2] =	stream.indirect.gather [hbm4b:s5+s6], $0x20, s24, s6, $0xb8;
	[tilespmem:$0x2800] =	vst v63  }
0x100: {  	_ =	swait.ge [sflag:s9], $0x1000  }
0x101: {  	[sflag:s9] =	ssyncset.done $0x0  }
0x102: {  	[sflag:s9] =	ssyncadd.s32 $0xFFFFF000  }
0x103: {  	[hbm4b:s25+s2] =	stream.linear.scatter [tilespmem:s7], [sflag:$0x3], $0x1000, $0x38;
	[tilespmem:$0x2800] =	vst v63  }
0x104: {  	_ =	swait.ge [sflag:s10], $0x1000  }
0x105: {  	[sflag:s10] =	ssyncset.done $0x0  }
0x106: {  	[sflag:s10] =	ssyncadd.s32 $0xFFFFF000  }
0x107: {  	[tilespmem:s7], [sflag:$0x1] =	stream.indirect.gather [hbm4b:s5+s6], $0x20, s26, s6, $0xb8;
	[tilespmem:$0x2800] =	vst v63  }
0x108: {  	_ =	swait.ge [sflag:s12], $0x1000  }
0x109: {  	[sflag:s12] =	ssyncset.done $0x0  }
0x10a: {  	[sflag:s12] =	ssyncadd.s32 $0xFFFFF000  }
0x10b: {  	[hbm4b:s28+s2] =	stream.linear.scatter [tilespmem:s8], [sflag:$0x4], $0x1000, $0x38;
	[tilespmem:$0x2800] =	vst v63  }
0x10c: {  	_ =	swait.ge [sflag:s13], $0x1000  }
0x10d: {  	[sflag:s13] =	ssyncset.done $0x0  }
0x10e: {  	[sflag:s13] =	ssyncadd.s32 $0xFFFFF000  }
0x10f: {  	[tilespmem:s8], [sflag:$0x2] =	stream.indirect.gather [hbm4b:s5+s6], $0x20, s29, s6, $0xb8;
	[tilespmem:$0x2800] =	vst v63  }
0x110: {  	_ =	swait.ge [sflag:s9], $0x1000  }
0x111: {  	[sflag:s9] =	ssyncset.done $0x0  }
0x112: {  	[sflag:s9] =	ssyncadd.s32 $0xFFFFF000  }
0x113: {  	[hbm4b:s30+s2] =	stream.linear.scatter [tilespmem:s7], [sflag:$0x3], $0x1000, $0x38;
	[tilespmem:$0x2800] =	vst v63  }
0x114: {  	_ =	swait.ge [sflag:s12], $0x1000  }
0x115: {  	[sflag:s12] =	ssyncset.done $0x0  }
0x116: {  	p0 =	sne.s32 s1, $0x1;
	[sflag:s12] =	ssyncadd.s32 $0xFFFFF000  }
0x117: {  	[hbm4b:s31+s2] =	stream.linear.scatter [tilespmem:s8], [sflag:$0x4], $0x1000, $0x38;
	[tilespmem:$0x2800] =	vst v63  }
.Ltmp1:
0x118: {  	_ =	swait.ge [sflag:s10], $0x1000;
	(pc) =	sbr.rel @p0 .LBB2_1-.Ltmp1, $4  }
0x119: {  	[sflag:s10] =	ssyncset.done $0x0  }
0x11a: {  	[sflag:s10] =	ssyncadd.s32 $0xFFFFF000  }
0x11b: {  	_ =	swait.ge [sflag:s13], $0x1000  }
0x11c: {  	s1 =	sadd.s32 $0xFFFFFFFF, s1;
	[sflag:s13] =	ssyncset.done $0x0  }
.LBB2_2:
0x11d: {  	[sflag:s13] =	ssyncadd.s32 $0xFFFFF000  }
0x11e: {  	_ =	sfence.sel $0x180000  }
0x11f: {  	[bflag:$0x0] =	sbarrier.arrive $0xFFFF  }
0x120: {  	_ =	strace $0x9000004A  }
0x121: {  	s0 =	stileid.u32;
	[bflag:$0x2] =	sbarrier.arrive $0xFFFF  }
0x122: {  	p0 =	sne.s32 s0, $0x0;
	s0 =	rddreg [dreg:$0x2]  }
0x123: {  	s0 =	sadd.s32 @!p0 $0x100000, s0  }
0x124: {  	[sflag:s0] =	ssyncadd.tile.s32 @!p0 $0x1;
	_ =	shalt  }
.Lfunc_end2:
_tile_overlayer_lowered:
.L_overlay_start_2:
0x125: {  	(tag) =	ssettag $0x2  }
0x126: {  	s0 =	rddreg [dreg:$0x0];
	s2 =	stileid.u32  }
0x127: {  	s1 =	rddreg [dreg:$0x1];
	p0 =	sne.s32 s2, $0x0  }
0x128: {  	s3 =	rddreg [dreg:$0x2];
	[bflag:$0x3] =	sbarrier.arrive $0xFFFF;
	s2 =	simm.s32 @!p0 $0x1C05  }
0x129: {  	[timem:s3], [sflag:s2] =	dma.local @!p0 [hbm:s0], s1  }
0x12a: {  	s0 =	simm.s32 @!p0 $0x5  }
0x12b: {  	_ =	swait.ge @!p0 [sflag:s0], s1  }
0x12c: {  	s1 =	ssub.s32 @!p0 $0x0, s1;
	[sflag:s0] =	ssyncset.done @!p0 $0x0  }
0x12d: {  	[sflag:s0] =	ssyncadd.s32 @!p0 s1  }
0x12e: {  	[bflag:$0x3] =	sbarrier.arrive $0xFFFF  }
0x12f: {  	_ =	shalt  }

</sc_bundles>
